<compile_context>
chip_gen: v7x
topology: tpu7x:2x2x1
jax: 0.10.2.dev20260603
libtpu: 0.0.44.dev20260713+nightly
codegen_flags: <defaults>
</compile_context>

<pallas_src>
import functools

import jax
import jax.numpy as jnp
from jax import lax
from jax.experimental import pallas as pl
from jax.experimental.pallas import tpu as pltpu
from jax.experimental.pallas import tpu_sc as plsc

_N = 10000
_E = 320000
_D = 128
_B = 16
_DOUT = 64

_NC = 2
_NS = 16
_NW = _NC * _NS
_K = 80
_NCH = 128
_NB = 4
_EPW = _NCH * _K
_EPAD = _EPW * _NW
_NP = 10240
_RPS = _NP // _NS


def _sc_aggregate(h, eidx):
    mesh = plsc.VectorSubcoreMesh(core_axis_name="c", subcore_axis_name="s")

    @functools.partial(
        pl.kernel,
        mesh=mesh,
        out_type=jax.ShapeDtypeStruct((_NC, _NP, _D), jnp.float32),
        scratch_types=(
            [pltpu.VMEM((2, _K), jnp.int32) for _ in range(_NB)]
            + [pltpu.VMEM((_K, _D), jnp.float32) for _ in range(_NB)]
            + [pltpu.VMEM_SHARED((_NP, _D), jnp.float32)]
            + [pltpu.SemaphoreType.DMA for _ in range(_NB)]
        ),
    )
    def agg_kernel(h_hbm, eidx_hbm, out_hbm, *scratch):
        idx = scratch[:_NB]
        rows = scratch[_NB:2 * _NB]
        agg_sh = scratch[2 * _NB]
        sem = scratch[2 * _NB + 1:]
        c = lax.axis_index("c")
        s = lax.axis_index("s")

        for b in range(2):
            @pl.loop(0, _K)
            def _(r):
                for j in range(_D // 16):
                    rows[b][r, pl.ds(j * 16, 16)] = jnp.zeros((16,), jnp.float32)

        @pl.loop(0, _RPS // (2 * _K))
        def _(k):
            pltpu.sync_copy(rows[0], agg_sh.at[pl.ds(s * _RPS + 2 * k * _K, _K)])
            pltpu.sync_copy(rows[1],
                            agg_sh.at[pl.ds(s * _RPS + (2 * k + 1) * _K, _K)])


        plsc.subcore_barrier()

        for b in range(_NB):
            pltpu.sync_copy(eidx_hbm.at[c, s, b], idx[b])
        for b in range(_NB - 1):
            pltpu.async_copy(h_hbm.at[idx[b].at[0]], rows[b], sem[b])

        @pl.loop(0, _NCH)
        def _(j):
            for b in range(_NB):
                @pl.when(j % _NB == b)
                def _(b=b):
                    pltpu.make_async_copy(h_hbm.at[idx[b].at[0]], rows[b],
                                          sem[b]).wait()
                    pltpu.sync_copy(rows[b], agg_sh.at[idx[b].at[1]], add=True)

                    @pl.when(j + _NB < _NCH)
                    def _():
                        pltpu.sync_copy(eidx_hbm.at[c, s, j + _NB], idx[b])

                    nb = (b + _NB - 1) % _NB
                    @pl.when(j + _NB - 1 < _NCH)
                    def _():
                        pltpu.async_copy(h_hbm.at[idx[nb].at[0]], rows[nb],
                                         sem[nb])

        plsc.subcore_barrier()

        pltpu.sync_copy(agg_sh.at[pl.ds(s * _RPS, _RPS)],
                        out_hbm.at[c, pl.ds(s * _RPS, _RPS)])

    return agg_kernel(h, eidx)[:, :_N]


_R = 1000
_G = _N // _R


def _tc_layer(h, p, W1, b1, W2, b2, g, bb):

    def body(h_ref, p0_ref, p1_ref, W1_ref, b1_ref, W2_ref, b2_ref,
             g_ref, bb_ref, out_ref):
        z = h_ref[...] + p0_ref[...] + p1_ref[...]
        a = jnp.maximum(
            jnp.dot(z, W1_ref[...], preferred_element_type=jnp.float32)
            + b1_ref[...], 0.0)
        pre = (jnp.dot(a, W2_ref[...], preferred_element_type=jnp.float32)
               + b2_ref[...])
        r = jnp.maximum(pre, 0.0)
        mu = jnp.mean(r, axis=1, keepdims=True)
        var = jnp.mean((r - mu) ** 2, axis=1, keepdims=True)
        out_ref[...] = (r - mu) * lax.rsqrt(var + 1e-5) * g_ref[...] + bb_ref[...]

    row = pl.BlockSpec((_R, _D), lambda i: (i, 0))
    full = pl.BlockSpec((_D, _D), lambda i: (0, 0))
    vec = pl.BlockSpec((1, _D), lambda i: (0, 0))
    return pl.pallas_call(
        body,
        grid=(_G,),
        in_specs=[row, row, row, full, vec, full, vec, vec, vec],
        out_specs=row,
        out_shape=jax.ShapeDtypeStruct((_N, _D), jnp.float32),
    )(h, p[0], p[1], W1, b1.reshape(1, _D), W2, b2.reshape(1, _D),
      g.reshape(1, _D), bb.reshape(1, _D))


def _tc_final(h, p, W1, b1, W2, b2, batchf, pW1, pb1, pW2p, pb2p):

    def body(h_ref, p0_ref, p1_ref, W1_ref, b1_ref, W2_ref, b2_ref,
             bf_ref, pW1_ref, pb1_ref, pW2_ref, pb2_ref,
             emb_ref, logp_ref, sums_ref, cnts_ref):
        i = pl.program_id(0)

        @pl.when(i == 0)
        def _():
            sums_ref[...] = jnp.zeros_like(sums_ref)
            cnts_ref[...] = jnp.zeros_like(cnts_ref)

        z = h_ref[...] + p0_ref[...] + p1_ref[...]
        a = jnp.maximum(
            jnp.dot(z, W1_ref[...], preferred_element_type=jnp.float32)
            + b1_ref[...], 0.0)
        emb = (jnp.dot(a, W2_ref[...], preferred_element_type=jnp.float32)
               + b2_ref[...])
        emb_ref[...] = emb
        r = jnp.maximum(emb, 0.0)

        col = lax.broadcasted_iota(jnp.int32, (_R, _D), 1).astype(jnp.float32)
        oh = jnp.where(bf_ref[...] == col, 1.0, 0.0)
        sums_ref[...] += lax.dot_general(
            oh, r, (((0,), (0,)), ((), ())),
            preferred_element_type=jnp.float32)
        cnts_ref[...] += lax.dot_general(
            oh, jnp.ones((_R, _D), jnp.float32), (((0,), (0,)), ((), ())),
            preferred_element_type=jnp.float32)

        @pl.when(i == _G - 1)
        def _():
            pooled = sums_ref[...] / jnp.maximum(cnts_ref[...], 1.0)
            o1 = (jnp.dot(pooled, pW1_ref[...],
                          preferred_element_type=jnp.float32) + pb1_ref[...])
            logits = (jnp.dot(o1, pW2_ref[...],
                              preferred_element_type=jnp.float32) + pb2_ref[...])
            cmask = lax.broadcasted_iota(jnp.int32, (_D, _D), 1) < _DOUT
            neg = jnp.float32(-1e30)
            masked = jnp.where(cmask, logits, neg)
            m = jnp.max(masked, axis=1, keepdims=True)
            e = jnp.where(cmask, jnp.exp(logits - m), 0.0)
            lse = jnp.log(jnp.sum(e, axis=1, keepdims=True))
            logp = logits - m - lse
            logp_ref[...] = lax.slice(logp, (0, 0), (_B, _D))

    row = pl.BlockSpec((_R, _D), lambda i: (i, 0))
    full = pl.BlockSpec((_D, _D), lambda i: (0, 0))
    vec = pl.BlockSpec((1, _D), lambda i: (0, 0))
    logp_spec = pl.BlockSpec((_B, _D), lambda i: (0, 0))
    return pl.pallas_call(
        body,
        grid=(_G,),
        in_specs=[row, row, row, full, vec, full, vec, row, full, vec, full,
                  vec],
        out_specs=(row, logp_spec),
        out_shape=(jax.ShapeDtypeStruct((_N, _D), jnp.float32),
                   jax.ShapeDtypeStruct((_B, _D), jnp.float32)),
        scratch_shapes=[pltpu.VMEM((_D, _D), jnp.float32),
                        pltpu.VMEM((_D, _D), jnp.float32)],
    )(h, p[0], p[1], W1, b1.reshape(1, _D), W2, b2.reshape(1, _D), batchf,
      pW1, pb1.reshape(1, _D), pW2p, pb2p)


def kernel(x, edge_index, batch,
           conv0_W1, conv0_b1, conv0_W2, conv0_b2,
           conv1_W1, conv1_b1, conv1_W2, conv1_b2,
           conv2_W1, conv2_b1, conv2_W2, conv2_b2,
           ln0_g, ln0_b, ln1_g, ln1_b,
           post_W1, post_b1, post_W2, post_b2):
    npad = _EPAD - _E
    src_p = jnp.concatenate(
        [edge_index[0], jnp.zeros((npad,), jnp.int32)])
    dst_p = jnp.concatenate(
        [edge_index[1], jnp.full((npad,), _NP - 1, jnp.int32)])
    eidx = jnp.stack([src_p.reshape(_NC, _NS, _NCH, _K),
                      dst_p.reshape(_NC, _NS, _NCH, _K)], axis=3)
    batchf = jnp.broadcast_to(
        batch.astype(jnp.float32)[:, None], (_N, _D))

    h = x
    p = _sc_aggregate(h, eidx)
    h = _tc_layer(h, p, conv0_W1, conv0_b1, conv0_W2, conv0_b2, ln0_g, ln0_b)
    p = _sc_aggregate(h, eidx)
    h = _tc_layer(h, p, conv1_W1, conv1_b1, conv1_W2, conv1_b2, ln1_g, ln1_b)
    p = _sc_aggregate(h, eidx)

    pW2p = jnp.zeros((_D, _D), jnp.float32).at[:, :_DOUT].set(post_W2)
    pb2p = jnp.zeros((1, _D), jnp.float32).at[:, :_DOUT].set(post_b2)
    emb, logp_pad = _tc_final(h, p, conv2_W1, conv2_b1, conv2_W2, conv2_b2,
                              batchf, post_W1, post_b1, pW2p, pb2p)
    return (emb, logp_pad[:, :_DOUT])

# --- scband reference (transcript-rebuilt; emitter-appended) ---
"""Pipeline reference for scband-gnnstack-65678639890511 (READ-ONLY COPY).

The authoritative reference and input builder live on the scoring server;
editing this copy changes nothing except your own understanding.
"""

import jax, jax.numpy as jnp
import numpy as np

N = 10000
E = 320000
D_IN = 128
D_H = 128
D_OUT = 64
B = 16


def setup_inputs(seed: int = 0) -> dict:
    key = jax.random.key(seed)
    ks = jax.random.split(key, 16)
    inp = {}
    inp["x"] = jax.random.normal(ks[0], (N, D_IN), dtype=jnp.float32)
    inp["edge_index"] = jax.random.randint(ks[1], (2, E), 0, N, dtype=jnp.int32)
    inp["batch"] = jnp.sort(jax.random.randint(ks[2], (N,), 0, B, dtype=jnp.int32))
    dims = [(D_IN, D_H), (D_H, D_H), (D_H, D_H)]
    for i, (di, dh) in enumerate(dims):
        inp[f"conv{i}_W1"] = 0.02 * jax.random.normal(ks[3 + 2 * i], (di, dh), dtype=jnp.float32)
        inp[f"conv{i}_b1"] = jnp.zeros((dh,), dtype=jnp.float32)
        inp[f"conv{i}_W2"] = 0.02 * jax.random.normal(ks[4 + 2 * i], (dh, dh), dtype=jnp.float32)
        inp[f"conv{i}_b2"] = jnp.zeros((dh,), dtype=jnp.float32)
    inp["ln0_g"] = jnp.ones((D_H,), dtype=jnp.float32)
    inp["ln0_b"] = jnp.zeros((D_H,), dtype=jnp.float32)
    inp["ln1_g"] = jnp.ones((D_H,), dtype=jnp.float32)
    inp["ln1_b"] = jnp.zeros((D_H,), dtype=jnp.float32)
    inp["post_W1"] = 0.02 * jax.random.normal(ks[9], (D_H, D_H), dtype=jnp.float32)
    inp["post_b1"] = jnp.zeros((D_H,), dtype=jnp.float32)
    inp["post_W2"] = 0.02 * jax.random.normal(ks[10], (D_H, D_OUT), dtype=jnp.float32)
    inp["post_b2"] = jnp.zeros((D_OUT,), dtype=jnp.float32)
    return inp


def _gin_conv(x, src, dst, W1, b1, W2, b2):
    # GINConv, eps=0: out = MLP(x + sum_{j in N(i)} x_j)
    agg = jnp.zeros_like(x).at[dst].add(x[src])
    h = x + agg
    h = jax.nn.relu(h @ W1 + b1)
    return h @ W2 + b2


def _layer_norm(x, g, b):
    mu = jnp.mean(x, axis=-1, keepdims=True)
    var = jnp.var(x, axis=-1, keepdims=True)
    return (x - mu) * jax.lax.rsqrt(var + 1e-5) * g + b


def reference(x, edge_index, batch, conv0_W1, conv0_b1, conv0_W2, conv0_b2, conv1_W1, conv1_b1, conv1_W2, conv1_b2, conv2_W1, conv2_b1, conv2_W2, conv2_b2, ln0_g, ln0_b, ln1_g, ln1_b, post_W1, post_b1, post_W2, post_b2):
    src, dst = edge_index[0], edge_index[1]
    convs = [(conv0_W1, conv0_b1, conv0_W2, conv0_b2),
             (conv1_W1, conv1_b1, conv1_W2, conv1_b2),
             (conv2_W1, conv2_b1, conv2_W2, conv2_b2)]
    lns = [(ln0_g, ln0_b), (ln1_g, ln1_b)]
    h = x
    emb = None
    for i in range(3):
        W1, b1, W2, b2 = convs[i]
        h = _gin_conv(h, src, dst, W1, b1, W2, b2)
        emb = h
        h = jax.nn.relu(h)
        # dropout p=0.25 is identity in eval mode
        if i != 2:
            g, bb = lns[i]
            h = _layer_norm(h, g, bb)
    # global_mean_pool over batch ids
    sums = jax.ops.segment_sum(h, batch, num_segments=B)
    counts = jax.ops.segment_sum(jnp.ones((h.shape[0],), dtype=h.dtype), batch, num_segments=B)
    pooled = sums / jnp.maximum(counts, 1.0)[:, None]
    out = pooled @ post_W1 + post_b1
    out = out @ post_W2 + post_b2
    logp = jax.nn.log_softmax(out, axis=1)
    return (emb, logp)

if __name__ == "__main__":
    import jax
    _d = setup_inputs()
    print(jax.jit(kernel)(*tuple(_d.values())))

</pallas_src>

<mosaic_0001>
#map = affine_map<(d0, d1) -> (0, 0)>
#map1 = affine_map<(d0, d1) -> (0, 0, 0, 0, 0)>
#map2 = affine_map<(d0, d1) -> (0, 0, 0)>
module attributes {stable_mosaic.version = 14 : i64} {
  func.func @agg_kernel(%arg0: i32, %arg1: i32, %arg2: memref<10000x128xf32, #tpu.memory_space<hbm>>, %arg3: memref<2x16x128x2x80xi32, #tpu.memory_space<hbm>>, %arg4: memref<2x10240x128xf32, #tpu.memory_space<hbm>>, %arg5: memref<2x80xi32, #tpu.memory_space<vmem>>, %arg6: memref<2x80xi32, #tpu.memory_space<vmem>>, %arg7: memref<2x80xi32, #tpu.memory_space<vmem>>, %arg8: memref<2x80xi32, #tpu.memory_space<vmem>>, %arg9: memref<80x128xf32, #tpu.memory_space<vmem>>, %arg10: memref<80x128xf32, #tpu.memory_space<vmem>>, %arg11: memref<80x128xf32, #tpu.memory_space<vmem>>, %arg12: memref<80x128xf32, #tpu.memory_space<vmem>>, %arg13: memref<10240x128xf32, #tpu.memory_space<vmem_shared>>, %arg14: memref<!tpu.dma_semaphore, #tpu.memory_space<semaphore_mem>>, %arg15: memref<!tpu.dma_semaphore, #tpu.memory_space<semaphore_mem>>, %arg16: memref<!tpu.dma_semaphore, #tpu.memory_space<semaphore_mem>>, %arg17: memref<!tpu.dma_semaphore, #tpu.memory_space<semaphore_mem>>) attributes {dimension_semantics = [#tpu.dimension_semantics<core_parallel>, #tpu.dimension_semantics<subcore_parallel>], iteration_bounds = array<i64: 2, 16>, scalar_prefetch = 0 : i64, scratch_operands = 13 : i64, tpu.core_type = #tpu.core_type<sc_vector_subcore>, window_params = [{transform_indices = #map}, {transform_indices = #map1}, {transform_indices = #map2}]} {
    %scan3A = arith.constant 0 : i32
    %scan3A_0 = arith.constant 80 : i32
    %scan3A_1 = arith.addi %scan3A, %scan3A_0 : i32
    %scan3A_2 = arith.constant 1 : i32
    scf.for %scan3A_46 = %scan3A to %scan3A_1 step %scan3A_2  : i32 {
      %mul3A_47 = arith.constant 1 : i32
      %mul3A_48 = arith.muli %scan3A_46, %mul3A_47 : i32
      %add3A = arith.constant 0 : i32
      %add3A_49 = arith.addi %add3A, %mul3A_48 : i32
      %broadcast_in_dim3A = arith.constant 0.000000e+00 : f32
      %broadcast_in_dim3A_50 = vector.broadcast %broadcast_in_dim3A : f32 to vector<16xf32>
      %swap3A = arith.index_cast %add3A_49 : i32 to index
      %swap3A_51 = arith.constant 0 : index
      %swap3A_52 = tpu.vector_load %arg9[%swap3A, %swap3A_51] {strides = array<i32>} : memref<80x128xf32, #tpu.memory_space<vmem>>, vector<1x16xf32>,
      %swap3A_53 = vector.shape_cast %swap3A_52 : vector<1x16xf32> to vector<16xf32>
      %swap3A_54 = vector.shape_cast %broadcast_in_dim3A_50 : vector<16xf32> to vector<1x16xf32>
      tpu.vector_store %arg9[%swap3A, %swap3A_51], %swap3A_54 {strides = array<i32>} : memref<80x128xf32, #tpu.memory_space<vmem>>, vector<1x16xf32>,
      %broadcast_in_dim3A_55 = arith.constant 0.000000e+00 : f32
      %broadcast_in_dim3A_56 = vector.broadcast %broadcast_in_dim3A_55 : f32 to vector<16xf32>
      %swap3A_57 = arith.index_cast %add3A_49 : i32 to index
      %swap3A_58 = arith.constant 16 : index
      %swap3A_59 = tpu.vector_load %arg9[%swap3A_57, %swap3A_58] {strides = array<i32>} : memref<80x128xf32, #tpu.memory_space<vmem>>, vector<1x16xf32>,
      %swap3A_60 = vector.shape_cast %swap3A_59 : vector<1x16xf32> to vector<16xf32>
      %swap3A_61 = vector.shape_cast %broadcast_in_dim3A_56 : vector<16xf32> to vector<1x16xf32>
      tpu.vector_store %arg9[%swap3A_57, %swap3A_58], %swap3A_61 {strides = array<i32>} : memref<80x128xf32, #tpu.memory_space<vmem>>, vector<1x16xf32>,
      %broadcast_in_dim3A_62 = arith.constant 0.000000e+00 : f32
      %broadcast_in_dim3A_63 = vector.broadcast %broadcast_in_dim3A_62 : f32 to vector<16xf32>
      %swap3A_64 = arith.index_cast %add3A_49 : i32 to index
      %swap3A_65 = arith.constant 32 : index
      %swap3A_66 = tpu.vector_load %arg9[%swap3A_64, %swap3A_65] {strides = array<i32>} : memref<80x128xf32, #tpu.memory_space<vmem>>, vector<1x16xf32>,
      %swap3A_67 = vector.shape_cast %swap3A_66 : vector<1x16xf32> to vector<16xf32>
      %swap3A_68 = vector.shape_cast %broadcast_in_dim3A_63 : vector<16xf32> to vector<1x16xf32>
      tpu.vector_store %arg9[%swap3A_64, %swap3A_65], %swap3A_68 {strides = array<i32>} : memref<80x128xf32, #tpu.memory_space<vmem>>, vector<1x16xf32>,
      %broadcast_in_dim3A_69 = arith.constant 0.000000e+00 : f32
      %broadcast_in_dim3A_70 = vector.broadcast %broadcast_in_dim3A_69 : f32 to vector<16xf32>
      %swap3A_71 = arith.index_cast %add3A_49 : i32 to index
      %swap3A_72 = arith.constant 48 : index
      %swap3A_73 = tpu.vector_load %arg9[%swap3A_71, %swap3A_72] {strides = array<i32>} : memref<80x128xf32, #tpu.memory_space<vmem>>, vector<1x16xf32>,
      %swap3A_74 = vector.shape_cast %swap3A_73 : vector<1x16xf32> to vector<16xf32>
      %swap3A_75 = vector.shape_cast %broadcast_in_dim3A_70 : vector<16xf32> to vector<1x16xf32>
      tpu.vector_store %arg9[%swap3A_71, %swap3A_72], %swap3A_75 {strides = array<i32>} : memref<80x128xf32, #tpu.memory_space<vmem>>, vector<1x16xf32>,
      %broadcast_in_dim3A_76 = arith.constant 0.000000e+00 : f32
      %broadcast_in_dim3A_77 = vector.broadcast %broadcast_in_dim3A_76 : f32 to vector<16xf32>
      %swap3A_78 = arith.index_cast %add3A_49 : i32 to index
      %swap3A_79 = arith.constant 64 : index
      %swap3A_80 = tpu.vector_load %arg9[%swap3A_78, %swap3A_79] {strides = array<i32>} : memref<80x128xf32, #tpu.memory_space<vmem>>, vector<1x16xf32>,
      %swap3A_81 = vector.shape_cast %swap3A_80 : vector<1x16xf32> to vector<16xf32>
      %swap3A_82 = vector.shape_cast %broadcast_in_dim3A_77 : vector<16xf32> to vector<1x16xf32>
      tpu.vector_store %arg9[%swap3A_78, %swap3A_79], %swap3A_82 {strides = array<i32>} : memref<80x128xf32, #tpu.memory_space<vmem>>, vector<1x16xf32>,
      %broadcast_in_dim3A_83 = arith.constant 0.000000e+00 : f32
      %broadcast_in_dim3A_84 = vector.broadcast %broadcast_in_dim3A_83 : f32 to vector<16xf32>
      %swap3A_85 = arith.index_cast %add3A_49 : i32 to index
      %swap3A_86 = arith.constant 80 : index
      %swap3A_87 = tpu.vector_load %arg9[%swap3A_85, %swap3A_86] {strides = array<i32>} : memref<80x128xf32, #tpu.memory_space<vmem>>, vector<1x16xf32>,
      %swap3A_88 = vector.shape_cast %swap3A_87 : vector<1x16xf32> to vector<16xf32>
      %swap3A_89 = vector.shape_cast %broadcast_in_dim3A_84 : vector<16xf32> to vector<1x16xf32>
      tpu.vector_store %arg9[%swap3A_85, %swap3A_86], %swap3A_89 {strides = array<i32>} : memref<80x128xf32, #tpu.memory_space<vmem>>, vector<1x16xf32>,
      %broadcast_in_dim3A_90 = arith.constant 0.000000e+00 : f32
      %broadcast_in_dim3A_91 = vector.broadcast %broadcast_in_dim3A_90 : f32 to vector<16xf32>
      %swap3A_92 = arith.index_cast %add3A_49 : i32 to index
      %swap3A_93 = arith.constant 96 : index
      %swap3A_94 = tpu.vector_load %arg9[%swap3A_92, %swap3A_93] {strides = array<i32>} : memref<80x128xf32, #tpu.memory_space<vmem>>, vector<1x16xf32>,
      %swap3A_95 = vector.shape_cast %swap3A_94 : vector<1x16xf32> to vector<16xf32>
      %swap3A_96 = vector.shape_cast %broadcast_in_dim3A_91 : vector<16xf32> to vector<1x16xf32>
      tpu.vector_store %arg9[%swap3A_92, %swap3A_93], %swap3A_96 {strides = array<i32>} : memref<80x128xf32, #tpu.memory_space<vmem>>, vector<1x16xf32>,
      %broadcast_in_dim3A_97 = arith.constant 0.000000e+00 : f32
      %broadcast_in_dim3A_98 = vector.broadcast %broadcast_in_dim3A_97 : f32 to vector<16xf32>
      %swap3A_99 = arith.index_cast %add3A_49 : i32 to index
      %swap3A_100 = arith.constant 112 : index
      %swap3A_101 = tpu.vector_load %arg9[%swap3A_99, %swap3A_100] {strides = array<i32>} : memref<80x128xf32, #tpu.memory_space<vmem>>, vector<1x16xf32>,
      %swap3A_102 = vector.shape_cast %swap3A_101 : vector<1x16xf32> to vector<16xf32>
      %swap3A_103 = vector.shape_cast %broadcast_in_dim3A_98 : vector<16xf32> to vector<1x16xf32>
      tpu.vector_store %arg9[%swap3A_99, %swap3A_100], %swap3A_103 {strides = array<i32>} : memref<80x128xf32, #tpu.memory_space<vmem>>, vector<1x16xf32>,
    }
    %scan3A_3 = arith.constant 80 : i32
    %scan3A_4 = arith.constant 0 : i32
    %scan3A_5 = arith.constant 80 : i32
    %scan3A_6 = arith.addi %scan3A_4, %scan3A_5 : i32
    %scan3A_7 = arith.constant 1 : i32
    scf.for %scan3A_46 = %scan3A_4 to %scan3A_6 step %scan3A_7  : i32 {
      %mul3A_47 = arith.constant 1 : i32
      %mul3A_48 = arith.muli %scan3A_46, %mul3A_47 : i32
      %add3A = arith.constant 0 : i32
      %add3A_49 = arith.addi %add3A, %mul3A_48 : i32
      %broadcast_in_dim3A = arith.constant 0.000000e+00 : f32
      %broadcast_in_dim3A_50 = vector.broadcast %broadcast_in_dim3A : f32 to vector<16xf32>
      %swap3A = arith.index_cast %add3A_49 : i32 to index
      %swap3A_51 = arith.constant 0 : index
      %swap3A_52 = tpu.vector_load %arg10[%swap3A, %swap3A_51] {strides = array<i32>} : memref<80x128xf32, #tpu.memory_space<vmem>>, vector<1x16xf32>,
      %swap3A_53 = vector.shape_cast %swap3A_52 : vector<1x16xf32> to vector<16xf32>
      %swap3A_54 = vector.shape_cast %broadcast_in_dim3A_50 : vector<16xf32> to vector<1x16xf32>
      tpu.vector_store %arg10[%swap3A, %swap3A_51], %swap3A_54 {strides = array<i32>} : memref<80x128xf32, #tpu.memory_space<vmem>>, vector<1x16xf32>,
      %broadcast_in_dim3A_55 = arith.constant 0.000000e+00 : f32
      %broadcast_in_dim3A_56 = vector.broadcast %broadcast_in_dim3A_55 : f32 to vector<16xf32>
      %swap3A_57 = arith.index_cast %add3A_49 : i32 to index
      %swap3A_58 = arith.constant 16 : index
      %swap3A_59 = tpu.vector_load %arg10[%swap3A_57, %swap3A_58] {strides = array<i32>} : memref<80x128xf32, #tpu.memory_space<vmem>>, vector<1x16xf32>,
      %swap3A_60 = vector.shape_cast %swap3A_59 : vector<1x16xf32> to vector<16xf32>
      %swap3A_61 = vector.shape_cast %broadcast_in_dim3A_56 : vector<16xf32> to vector<1x16xf32>
      tpu.vector_store %arg10[%swap3A_57, %swap3A_58], %swap3A_61 {strides = array<i32>} : memref<80x128xf32, #tpu.memory_space<vmem>>, vector<1x16xf32>,
      %broadcast_in_dim3A_62 = arith.constant 0.000000e+00 : f32
      %broadcast_in_dim3A_63 = vector.broadcast %broadcast_in_dim3A_62 : f32 to vector<16xf32>
      %swap3A_64 = arith.index_cast %add3A_49 : i32 to index
      %swap3A_65 = arith.constant 32 : index
      %swap3A_66 = tpu.vector_load %arg10[%swap3A_64, %swap3A_65] {strides = array<i32>} : memref<80x128xf32, #tpu.memory_space<vmem>>, vector<1x16xf32>,
      %swap3A_67 = vector.shape_cast %swap3A_66 : vector<1x16xf32> to vector<16xf32>
      %swap3A_68 = vector.shape_cast %broadcast_in_dim3A_63 : vector<16xf32> to vector<1x16xf32>
      tpu.vector_store %arg10[%swap3A_64, %swap3A_65], %swap3A_68 {strides = array<i32>} : memref<80x128xf32, #tpu.memory_space<vmem>>, vector<1x16xf32>,
      %broadcast_in_dim3A_69 = arith.constant 0.000000e+00 : f32
      %broadcast_in_dim3A_70 = vector.broadcast %broadcast_in_dim3A_69 : f32 to vector<16xf32>
      %swap3A_71 = arith.index_cast %add3A_49 : i32 to index
      %swap3A_72 = arith.constant 48 : index
      %swap3A_73 = tpu.vector_load %arg10[%swap3A_71, %swap3A_72] {strides = array<i32>} : memref<80x128xf32, #tpu.memory_space<vmem>>, vector<1x16xf32>,
      %swap3A_74 = vector.shape_cast %swap3A_73 : vector<1x16xf32> to vector<16xf32>
      %swap3A_75 = vector.shape_cast %broadcast_in_dim3A_70 : vector<16xf32> to vector<1x16xf32>
      tpu.vector_store %arg10[%swap3A_71, %swap3A_72], %swap3A_75 {strides = array<i32>} : memref<80x128xf32, #tpu.memory_space<vmem>>, vector<1x16xf32>,
      %broadcast_in_dim3A_76 = arith.constant 0.000000e+00 : f32
      %broadcast_in_dim3A_77 = vector.broadcast %broadcast_in_dim3A_76 : f32 to vector<16xf32>
      %swap3A_78 = arith.index_cast %add3A_49 : i32 to index
      %swap3A_79 = arith.constant 64 : index
      %swap3A_80 = tpu.vector_load %arg10[%swap3A_78, %swap3A_79] {strides = array<i32>} : memref<80x128xf32, #tpu.memory_space<vmem>>, vector<1x16xf32>,
      %swap3A_81 = vector.shape_cast %swap3A_80 : vector<1x16xf32> to vector<16xf32>
      %swap3A_82 = vector.shape_cast %broadcast_in_dim3A_77 : vector<16xf32> to vector<1x16xf32>
      tpu.vector_store %arg10[%swap3A_78, %swap3A_79], %swap3A_82 {strides = array<i32>} : memref<80x128xf32, #tpu.memory_space<vmem>>, vector<1x16xf32>,
      %broadcast_in_dim3A_83 = arith.constant 0.000000e+00 : f32
      %broadcast_in_dim3A_84 = vector.broadcast %broadcast_in_dim3A_83 : f32 to vector<16xf32>
      %swap3A_85 = arith.index_cast %add3A_49 : i32 to index
      %swap3A_86 = arith.constant 80 : index
      %swap3A_87 = tpu.vector_load %arg10[%swap3A_85, %swap3A_86] {strides = array<i32>} : memref<80x128xf32, #tpu.memory_space<vmem>>, vector<1x16xf32>,
      %swap3A_88 = vector.shape_cast %swap3A_87 : vector<1x16xf32> to vector<16xf32>
      %swap3A_89 = vector.shape_cast %broadcast_in_dim3A_84 : vector<16xf32> to vector<1x16xf32>
      tpu.vector_store %arg10[%swap3A_85, %swap3A_86], %swap3A_89 {strides = array<i32>} : memref<80x128xf32, #tpu.memory_space<vmem>>, vector<1x16xf32>,
      %broadcast_in_dim3A_90 = arith.constant 0.000000e+00 : f32
      %broadcast_in_dim3A_91 = vector.broadcast %broadcast_in_dim3A_90 : f32 to vector<16xf32>
      %swap3A_92 = arith.index_cast %add3A_49 : i32 to index
      %swap3A_93 = arith.constant 96 : index
      %swap3A_94 = tpu.vector_load %arg10[%swap3A_92, %swap3A_93] {strides = array<i32>} : memref<80x128xf32, #tpu.memory_space<vmem>>, vector<1x16xf32>,
      %swap3A_95 = vector.shape_cast %swap3A_94 : vector<1x16xf32> to vector<16xf32>
      %swap3A_96 = vector.shape_cast %broadcast_in_dim3A_91 : vector<16xf32> to vector<1x16xf32>
      tpu.vector_store %arg10[%swap3A_92, %swap3A_93], %swap3A_96 {strides = array<i32>} : memref<80x128xf32, #tpu.memory_space<vmem>>, vector<1x16xf32>,
      %broadcast_in_dim3A_97 = arith.constant 0.000000e+00 : f32
      %broadcast_in_dim3A_98 = vector.broadcast %broadcast_in_dim3A_97 : f32 to vector<16xf32>
      %swap3A_99 = arith.index_cast %add3A_49 : i32 to index
      %swap3A_100 = arith.constant 112 : index
      %swap3A_101 = tpu.vector_load %arg10[%swap3A_99, %swap3A_100] {strides = array<i32>} : memref<80x128xf32, #tpu.memory_space<vmem>>, vector<1x16xf32>,
      %swap3A_102 = vector.shape_cast %swap3A_101 : vector<1x16xf32> to vector<16xf32>
      %swap3A_103 = vector.shape_cast %broadcast_in_dim3A_98 : vector<16xf32> to vector<1x16xf32>
      tpu.vector_store %arg10[%swap3A_99, %swap3A_100], %swap3A_103 {strides = array<i32>} : memref<80x128xf32, #tpu.memory_space<vmem>>, vector<1x16xf32>,
    }
    %scan3A_8 = arith.constant 80 : i32
    %scan3A_9 = arith.constant 0 : i32
    %scan3A_10 = arith.constant 4 : i32
    %scan3A_11 = arith.addi %scan3A_9, %scan3A_10 : i32
    %scan3A_12 = arith.constant 1 : i32
    scf.for %scan3A_46 = %scan3A_9 to %scan3A_11 step %scan3A_12  : i32 {
      %mul3A_47 = arith.constant 1 : i32
      %mul3A_48 = arith.muli %scan3A_46, %mul3A_47 : i32
      %add3A = arith.constant 0 : i32
      %add3A_49 = arith.addi %add3A, %mul3A_48 : i32
      %mul3A_50 = arith.constant 640 : i32
      %mul3A_51 = arith.muli %arg1, %mul3A_50 : i32
      %mul3A_52 = arith.constant 2 : i32
      %mul3A_53 = arith.muli %mul3A_52, %add3A_49 : i32
      %mul3A_54 = arith.constant 80 : i32
      %mul3A_55 = arith.muli %mul3A_53, %mul3A_54 : i32
      %add3A_56 = arith.addi %mul3A_51, %mul3A_55 : i32
      "tpu.region"() ({
        %run_scoped3A_66 = tpu.sem_alloc : memref<!tpu.dma_semaphore, #tpu.memory_space<semaphore_mem>>
        %dma_start3A_67 = arith.constant 0 : i32
        %dma_start3A_68 = tpu.memref_slice %arg13[%add3A_56, %dma_start3A_67] : memref<10240x128xf32, #tpu.memory_space<vmem_shared>> -> memref<80x128xf32, #tpu.memory_space<vmem_shared>>
        %dma_start3A_69 = arith.constant 0 : i32
        %dma_start3A_70 = tpu.memref_slice %arg13[%add3A_56, %dma_start3A_69] : memref<10240x128xf32, #tpu.memory_space<vmem_shared>> -> memref<80x128xf32, #tpu.memory_space<vmem_shared>>
        tpu.enqueue_dma source(%arg9 : memref<80x128xf32, #tpu.memory_space<vmem>>) target(%dma_start3A_70 : memref<80x128xf32, #tpu.memory_space<vmem_shared>>) target_semaphore(%run_scoped3A_66 : memref<!tpu.dma_semaphore, #tpu.memory_space<semaphore_mem>>)
        %dma_wait3A = arith.constant 0 : i32
        %dma_wait3A_71 = tpu.memref_slice %arg13[%add3A_56, %dma_wait3A] : memref<10240x128xf32, #tpu.memory_space<vmem_shared>> -> memref<80x128xf32, #tpu.memory_space<vmem_shared>>
        %dma_wait3A_72 = arith.constant 0 : i32
        %dma_wait3A_73 = tpu.memref_slice %arg13[%add3A_56, %dma_wait3A_72] : memref<10240x128xf32, #tpu.memory_space<vmem_shared>> -> memref<80x128xf32, #tpu.memory_space<vmem_shared>>
        tpu.wait_dma2 semaphore(%run_scoped3A_66 : memref<!tpu.dma_semaphore, #tpu.memory_space<semaphore_mem>>) src(%arg9 : memref<80x128xf32, #tpu.memory_space<vmem>>) dst(%dma_wait3A_73 : memref<80x128xf32, #tpu.memory_space<vmem_shared>>)
        tpu.yield
      }) : () -> ()
      %mul3A_57 = arith.constant 640 : i32
      %mul3A_58 = arith.muli %arg1, %mul3A_57 : i32
      %mul3A_59 = arith.constant 2 : i32
      %mul3A_60 = arith.muli %mul3A_59, %add3A_49 : i32
      %add3A_61 = arith.constant 1 : i32
      %add3A_62 = arith.addi %mul3A_60, %add3A_61 : i32
      %mul3A_63 = arith.constant 80 : i32
      %mul3A_64 = arith.muli %add3A_62, %mul3A_63 : i32
      %add3A_65 = arith.addi %mul3A_58, %mul3A_64 : i32
      "tpu.region"() ({
        %run_scoped3A_66 = tpu.sem_alloc : memref<!tpu.dma_semaphore, #tpu.memory_space<semaphore_mem>>
        %dma_start3A_67 = arith.constant 0 : i32
        %dma_start3A_68 = tpu.memref_slice %arg13[%add3A_65, %dma_start3A_67] : memref<10240x128xf32, #tpu.memory_space<vmem_shared>> -> memref<80x128xf32, #tpu.memory_space<vmem_shared>>
        %dma_start3A_69 = arith.constant 0 : i32
        %dma_start3A_70 = tpu.memref_slice %arg13[%add3A_65, %dma_start3A_69] : memref<10240x128xf32, #tpu.memory_space<vmem_shared>> -> memref<80x128xf32, #tpu.memory_space<vmem_shared>>
        tpu.enqueue_dma source(%arg10 : memref<80x128xf32, #tpu.memory_space<vmem>>) target(%dma_start3A_70 : memref<80x128xf32, #tpu.memory_space<vmem_shared>>) target_semaphore(%run_scoped3A_66 : memref<!tpu.dma_semaphore, #tpu.memory_space<semaphore_mem>>)
        %dma_wait3A = arith.constant 0 : i32
        %dma_wait3A_71 = tpu.memref_slice %arg13[%add3A_65, %dma_wait3A] : memref<10240x128xf32, #tpu.memory_space<vmem_shared>> -> memref<80x128xf32, #tpu.memory_space<vmem_shared>>
        %dma_wait3A_72 = arith.constant 0 : i32
        %dma_wait3A_73 = tpu.memref_slice %arg13[%add3A_65, %dma_wait3A_72] : memref<10240x128xf32, #tpu.memory_space<vmem_shared>> -> memref<80x128xf32, #tpu.memory_space<vmem_shared>>
        tpu.wait_dma2 semaphore(%run_scoped3A_66 : memref<!tpu.dma_semaphore, #tpu.memory_space<semaphore_mem>>) src(%arg10 : memref<80x128xf32, #tpu.memory_space<vmem>>) dst(%dma_wait3A_73 : memref<80x128xf32, #tpu.memory_space<vmem_shared>>)
        tpu.yield
      }) : () -> ()
    }
    %scan3A_13 = arith.constant 4 : i32
    %barrier3A = arith.constant 0 : index
    tpu.barrier barrier_id(%barrier3A)
    %run_scoped3A = arith.constant 0 : i32
    "tpu.region"() ({
      %run_scoped3A_46 = tpu.sem_alloc : memref<!tpu.dma_semaphore, #tpu.memory_space<semaphore_mem>>
      %dma_start3A_47 = arith.constant 0 : i32
      %dma_start3A_48 = arith.constant 0 : i32
      %dma_start3A_49 = tpu.memref_slice %arg3[%arg0, %arg1, %run_scoped3A, %dma_start3A_47, %dma_start3A_48] : memref<2x16x128x2x80xi32, #tpu.memory_space<hbm>> -> memref<1x1x1x2x80xi32, #tpu.memory_space<hbm>>
      %dma_start3A_50 = tpu.memref_squeeze %dma_start3A_49 : memref<1x1x1x2x80xi32, #tpu.memory_space<hbm>> -> memref<2x80xi32, #tpu.memory_space<hbm>>
      %dma_start3A_51 = arith.constant 0 : i32
      %dma_start3A_52 = arith.constant 0 : i32
      %dma_start3A_53 = tpu.memref_slice %arg3[%arg0, %arg1, %run_scoped3A, %dma_start3A_51, %dma_start3A_52] : memref<2x16x128x2x80xi32, #tpu.memory_space<hbm>> -> memref<1x1x1x2x80xi32, #tpu.memory_space<hbm>>
      %dma_start3A_54 = tpu.memref_squeeze %dma_start3A_53 : memref<1x1x1x2x80xi32, #tpu.memory_space<hbm>> -> memref<2x80xi32, #tpu.memory_space<hbm>>
      tpu.enqueue_dma source(%dma_start3A_54 : memref<2x80xi32, #tpu.memory_space<hbm>>) target(%arg5 : memref<2x80xi32, #tpu.memory_space<vmem>>) target_semaphore(%run_scoped3A_46 : memref<!tpu.dma_semaphore, #tpu.memory_space<semaphore_mem>>)
      %dma_wait3A = arith.constant 0 : i32
      %dma_wait3A_55 = arith.constant 0 : i32
      %dma_wait3A_56 = tpu.memref_slice %arg3[%arg0, %arg1, %run_scoped3A, %dma_wait3A, %dma_wait3A_55] : memref<2x16x128x2x80xi32, #tpu.memory_space<hbm>> -> memref<1x1x1x2x80xi32, #tpu.memory_space<hbm>>
      %dma_wait3A_57 = tpu.memref_squeeze %dma_wait3A_56 : memref<1x1x1x2x80xi32, #tpu.memory_space<hbm>> -> memref<2x80xi32, #tpu.memory_space<hbm>>
      %dma_wait3A_58 = arith.constant 0 : i32
      %dma_wait3A_59 = arith.constant 0 : i32
      %dma_wait3A_60 = tpu.memref_slice %arg3[%arg0, %arg1, %run_scoped3A, %dma_wait3A_58, %dma_wait3A_59] : memref<2x16x128x2x80xi32, #tpu.memory_space<hbm>> -> memref<1x1x1x2x80xi32, #tpu.memory_space<hbm>>
      %dma_wait3A_61 = tpu.memref_squeeze %dma_wait3A_60 : memref<1x1x1x2x80xi32, #tpu.memory_space<hbm>> -> memref<2x80xi32, #tpu.memory_space<hbm>>
      tpu.wait_dma2 semaphore(%run_scoped3A_46 : memref<!tpu.dma_semaphore, #tpu.memory_space<semaphore_mem>>) src(%dma_wait3A_61 : memref<2x80xi32, #tpu.memory_space<hbm>>) dst(%arg5 : memref<2x80xi32, #tpu.memory_space<vmem>>)
      tpu.yield
    }) : () -> ()
    %run_scoped3A_14 = arith.constant 1 : i32
    "tpu.region"() ({
      %run_scoped3A_46 = tpu.sem_alloc : memref<!tpu.dma_semaphore, #tpu.memory_space<semaphore_mem>>
      %dma_start3A_47 = arith.constant 0 : i32
      %dma_start3A_48 = arith.constant 0 : i32
      %dma_start3A_49 = tpu.memref_slice %arg3[%arg0, %arg1, %run_scoped3A_14, %dma_start3A_47, %dma_start3A_48] : memref<2x16x128x2x80xi32, #tpu.memory_space<hbm>> -> memref<1x1x1x2x80xi32, #tpu.memory_space<hbm>>
      %dma_start3A_50 = tpu.memref_squeeze %dma_start3A_49 : memref<1x1x1x2x80xi32, #tpu.memory_space<hbm>> -> memref<2x80xi32, #tpu.memory_space<hbm>>
      %dma_start3A_51 = arith.constant 0 : i32
      %dma_start3A_52 = arith.constant 0 : i32
      %dma_start3A_53 = tpu.memref_slice %arg3[%arg0, %arg1, %run_scoped3A_14, %dma_start3A_51, %dma_start3A_52] : memref<2x16x128x2x80xi32, #tpu.memory_space<hbm>> -> memref<1x1x1x2x80xi32, #tpu.memory_space<hbm>>
      %dma_start3A_54 = tpu.memref_squeeze %dma_start3A_53 : memref<1x1x1x2x80xi32, #tpu.memory_space<hbm>> -> memref<2x80xi32, #tpu.memory_space<hbm>>
      tpu.enqueue_dma source(%dma_start3A_54 : memref<2x80xi32, #tpu.memory_space<hbm>>) target(%arg6 : memref<2x80xi32, #tpu.memory_space<vmem>>) target_semaphore(%run_scoped3A_46 : memref<!tpu.dma_semaphore, #tpu.memory_space<semaphore_mem>>)
      %dma_wait3A = arith.constant 0 : i32
      %dma_wait3A_55 = arith.constant 0 : i32
      %dma_wait3A_56 = tpu.memref_slice %arg3[%arg0, %arg1, %run_scoped3A_14, %dma_wait3A, %dma_wait3A_55] : memref<2x16x128x2x80xi32, #tpu.memory_space<hbm>> -> memref<1x1x1x2x80xi32, #tpu.memory_space<hbm>>
      %dma_wait3A_57 = tpu.memref_squeeze %dma_wait3A_56 : memref<1x1x1x2x80xi32, #tpu.memory_space<hbm>> -> memref<2x80xi32, #tpu.memory_space<hbm>>
      %dma_wait3A_58 = arith.constant 0 : i32
      %dma_wait3A_59 = arith.constant 0 : i32
      %dma_wait3A_60 = tpu.memref_slice %arg3[%arg0, %arg1, %run_scoped3A_14, %dma_wait3A_58, %dma_wait3A_59] : memref<2x16x128x2x80xi32, #tpu.memory_space<hbm>> -> memref<1x1x1x2x80xi32, #tpu.memory_space<hbm>>
      %dma_wait3A_61 = tpu.memref_squeeze %dma_wait3A_60 : memref<1x1x1x2x80xi32, #tpu.memory_space<hbm>> -> memref<2x80xi32, #tpu.memory_space<hbm>>
      tpu.wait_dma2 semaphore(%run_scoped3A_46 : memref<!tpu.dma_semaphore, #tpu.memory_space<semaphore_mem>>) src(%dma_wait3A_61 : memref<2x80xi32, #tpu.memory_space<hbm>>) dst(%arg6 : memref<2x80xi32, #tpu.memory_space<vmem>>)
      tpu.yield
    }) : () -> ()
    %run_scoped3A_15 = arith.constant 2 : i32
    "tpu.region"() ({
      %run_scoped3A_46 = tpu.sem_alloc : memref<!tpu.dma_semaphore, #tpu.memory_space<semaphore_mem>>
      %dma_start3A_47 = arith.constant 0 : i32
      %dma_start3A_48 = arith.constant 0 : i32
      %dma_start3A_49 = tpu.memref_slice %arg3[%arg0, %arg1, %run_scoped3A_15, %dma_start3A_47, %dma_start3A_48] : memref<2x16x128x2x80xi32, #tpu.memory_space<hbm>> -> memref<1x1x1x2x80xi32, #tpu.memory_space<hbm>>
      %dma_start3A_50 = tpu.memref_squeeze %dma_start3A_49 : memref<1x1x1x2x80xi32, #tpu.memory_space<hbm>> -> memref<2x80xi32, #tpu.memory_space<hbm>>
      %dma_start3A_51 = arith.constant 0 : i32
      %dma_start3A_52 = arith.constant 0 : i32
      %dma_start3A_53 = tpu.memref_slice %arg3[%arg0, %arg1, %run_scoped3A_15, %dma_start3A_51, %dma_start3A_52] : memref<2x16x128x2x80xi32, #tpu.memory_space<hbm>> -> memref<1x1x1x2x80xi32, #tpu.memory_space<hbm>>
      %dma_start3A_54 = tpu.memref_squeeze %dma_start3A_53 : memref<1x1x1x2x80xi32, #tpu.memory_space<hbm>> -> memref<2x80xi32, #tpu.memory_space<hbm>>
      tpu.enqueue_dma source(%dma_start3A_54 : memref<2x80xi32, #tpu.memory_space<hbm>>) target(%arg7 : memref<2x80xi32, #tpu.memory_space<vmem>>) target_semaphore(%run_scoped3A_46 : memref<!tpu.dma_semaphore, #tpu.memory_space<semaphore_mem>>)
      %dma_wait3A = arith.constant 0 : i32
      %dma_wait3A_55 = arith.constant 0 : i32
      %dma_wait3A_56 = tpu.memref_slice %arg3[%arg0, %arg1, %run_scoped3A_15, %dma_wait3A, %dma_wait3A_55] : memref<2x16x128x2x80xi32, #tpu.memory_space<hbm>> -> memref<1x1x1x2x80xi32, #tpu.memory_space<hbm>>
      %dma_wait3A_57 = tpu.memref_squeeze %dma_wait3A_56 : memref<1x1x1x2x80xi32, #tpu.memory_space<hbm>> -> memref<2x80xi32, #tpu.memory_space<hbm>>
      %dma_wait3A_58 = arith.constant 0 : i32
      %dma_wait3A_59 = arith.constant 0 : i32
      %dma_wait3A_60 = tpu.memref_slice %arg3[%arg0, %arg1, %run_scoped3A_15, %dma_wait3A_58, %dma_wait3A_59] : memref<2x16x128x2x80xi32, #tpu.memory_space<hbm>> -> memref<1x1x1x2x80xi32, #tpu.memory_space<hbm>>
      %dma_wait3A_61 = tpu.memref_squeeze %dma_wait3A_60 : memref<1x1x1x2x80xi32, #tpu.memory_space<hbm>> -> memref<2x80xi32, #tpu.memory_space<hbm>>
      tpu.wait_dma2 semaphore(%run_scoped3A_46 : memref<!tpu.dma_semaphore, #tpu.memory_space<semaphore_mem>>) src(%dma_wait3A_61 : memref<2x80xi32, #tpu.memory_space<hbm>>) dst(%arg7 : memref<2x80xi32, #tpu.memory_space<vmem>>)
      tpu.yield
    }) : () -> ()
    %run_scoped3A_16 = arith.constant 3 : i32
    "tpu.region"() ({
      %run_scoped3A_46 = tpu.sem_alloc : memref<!tpu.dma_semaphore, #tpu.memory_space<semaphore_mem>>
      %dma_start3A_47 = arith.constant 0 : i32
      %dma_start3A_48 = arith.constant 0 : i32
      %dma_start3A_49 = tpu.memref_slice %arg3[%arg0, %arg1, %run_scoped3A_16, %dma_start3A_47, %dma_start3A_48] : memref<2x16x128x2x80xi32, #tpu.memory_space<hbm>> -> memref<1x1x1x2x80xi32, #tpu.memory_space<hbm>>
      %dma_start3A_50 = tpu.memref_squeeze %dma_start3A_49 : memref<1x1x1x2x80xi32, #tpu.memory_space<hbm>> -> memref<2x80xi32, #tpu.memory_space<hbm>>
      %dma_start3A_51 = arith.constant 0 : i32
      %dma_start3A_52 = arith.constant 0 : i32
      %dma_start3A_53 = tpu.memref_slice %arg3[%arg0, %arg1, %run_scoped3A_16, %dma_start3A_51, %dma_start3A_52] : memref<2x16x128x2x80xi32, #tpu.memory_space<hbm>> -> memref<1x1x1x2x80xi32, #tpu.memory_space<hbm>>
      %dma_start3A_54 = tpu.memref_squeeze %dma_start3A_53 : memref<1x1x1x2x80xi32, #tpu.memory_space<hbm>> -> memref<2x80xi32, #tpu.memory_space<hbm>>
      tpu.enqueue_dma source(%dma_start3A_54 : memref<2x80xi32, #tpu.memory_space<hbm>>) target(%arg8 : memref<2x80xi32, #tpu.memory_space<vmem>>) target_semaphore(%run_scoped3A_46 : memref<!tpu.dma_semaphore, #tpu.memory_space<semaphore_mem>>)
      %dma_wait3A = arith.constant 0 : i32
      %dma_wait3A_55 = arith.constant 0 : i32
      %dma_wait3A_56 = tpu.memref_slice %arg3[%arg0, %arg1, %run_scoped3A_16, %dma_wait3A, %dma_wait3A_55] : memref<2x16x128x2x80xi32, #tpu.memory_space<hbm>> -> memref<1x1x1x2x80xi32, #tpu.memory_space<hbm>>
      %dma_wait3A_57 = tpu.memref_squeeze %dma_wait3A_56 : memref<1x1x1x2x80xi32, #tpu.memory_space<hbm>> -> memref<2x80xi32, #tpu.memory_space<hbm>>
      %dma_wait3A_58 = arith.constant 0 : i32
      %dma_wait3A_59 = arith.constant 0 : i32
      %dma_wait3A_60 = tpu.memref_slice %arg3[%arg0, %arg1, %run_scoped3A_16, %dma_wait3A_58, %dma_wait3A_59] : memref<2x16x128x2x80xi32, #tpu.memory_space<hbm>> -> memref<1x1x1x2x80xi32, #tpu.memory_space<hbm>>
      %dma_wait3A_61 = tpu.memref_squeeze %dma_wait3A_60 : memref<1x1x1x2x80xi32, #tpu.memory_space<hbm>> -> memref<2x80xi32, #tpu.memory_space<hbm>>
      tpu.wait_dma2 semaphore(%run_scoped3A_46 : memref<!tpu.dma_semaphore, #tpu.memory_space<semaphore_mem>>) src(%dma_wait3A_61 : memref<2x80xi32, #tpu.memory_space<hbm>>) dst(%arg8 : memref<2x80xi32, #tpu.memory_space<vmem>>)
      tpu.yield
    }) : () -> ()
    %dma_start3A = arith.constant 0 : i32
    %dma_start3A_17 = arith.constant 0 : i32
    %dma_start3A_18 = tpu.memref_slice %arg5[%dma_start3A, %dma_start3A_17] : memref<2x80xi32, #tpu.memory_space<vmem>> -> memref<1x80xi32, #tpu.memory_space<vmem>>
    %dma_start3A_19 = tpu.memref_squeeze %dma_start3A_18 : memref<1x80xi32, #tpu.memory_space<vmem>> -> memref<80xi32, #tpu.memory_space<vmem>>
    %dma_start3A_20 = arith.constant 0 : i32
    %dma_start3A_21 = arith.constant 0 : i32
    %dma_start3A_22 = tpu.memref_slice %arg2[%dma_start3A_20, %dma_start3A_21] : memref<10000x128xf32, #tpu.memory_space<hbm>> -> memref<10000x128xf32, #tpu.memory_space<hbm>>
    tpu.enqueue_indirect_dma source(%dma_start3A_22 : memref<10000x128xf32, #tpu.memory_space<hbm>>) target(%arg9 : memref<80x128xf32, #tpu.memory_space<vmem>>) offsets(%dma_start3A_19 : memref<80xi32, #tpu.memory_space<vmem>>) semaphore(%arg14 : memref<!tpu.dma_semaphore, #tpu.memory_space<semaphore_mem>>)
    %dma_start3A_23 = arith.constant 0 : i32
    %dma_start3A_24 = arith.constant 0 : i32
    %dma_start3A_25 = tpu.memref_slice %arg6[%dma_start3A_23, %dma_start3A_24] : memref<2x80xi32, #tpu.memory_space<vmem>> -> memref<1x80xi32, #tpu.memory_space<vmem>>
    %dma_start3A_26 = tpu.memref_squeeze %dma_start3A_25 : memref<1x80xi32, #tpu.memory_space<vmem>> -> memref<80xi32, #tpu.memory_space<vmem>>
    %dma_start3A_27 = arith.constant 0 : i32
    %dma_start3A_28 = arith.constant 0 : i32
    %dma_start3A_29 = tpu.memref_slice %arg2[%dma_start3A_27, %dma_start3A_28] : memref<10000x128xf32, #tpu.memory_space<hbm>> -> memref<10000x128xf32, #tpu.memory_space<hbm>>
    tpu.enqueue_indirect_dma source(%dma_start3A_29 : memref<10000x128xf32, #tpu.memory_space<hbm>>) target(%arg10 : memref<80x128xf32, #tpu.memory_space<vmem>>) offsets(%dma_start3A_26 : memref<80xi32, #tpu.memory_space<vmem>>) semaphore(%arg15 : memref<!tpu.dma_semaphore, #tpu.memory_space<semaphore_mem>>)
    %dma_start3A_30 = arith.constant 0 : i32
    %dma_start3A_31 = arith.constant 0 : i32
    %dma_start3A_32 = tpu.memref_slice %arg7[%dma_start3A_30, %dma_start3A_31] : memref<2x80xi32, #tpu.memory_space<vmem>> -> memref<1x80xi32, #tpu.memory_space<vmem>>
    %dma_start3A_33 = tpu.memref_squeeze %dma_start3A_32 : memref<1x80xi32, #tpu.memory_space<vmem>> -> memref<80xi32, #tpu.memory_space<vmem>>
    %dma_start3A_34 = arith.constant 0 : i32
    %dma_start3A_35 = arith.constant 0 : i32
    %dma_start3A_36 = tpu.memref_slice %arg2[%dma_start3A_34, %dma_start3A_35] : memref<10000x128xf32, #tpu.memory_space<hbm>> -> memref<10000x128xf32, #tpu.memory_space<hbm>>
    tpu.enqueue_indirect_dma source(%dma_start3A_36 : memref<10000x128xf32, #tpu.memory_space<hbm>>) target(%arg11 : memref<80x128xf32, #tpu.memory_space<vmem>>) offsets(%dma_start3A_33 : memref<80xi32, #tpu.memory_space<vmem>>) semaphore(%arg16 : memref<!tpu.dma_semaphore, #tpu.memory_space<semaphore_mem>>)
    %scan3A_37 = arith.constant 0 : i32
    %scan3A_38 = arith.constant 128 : i32
    %scan3A_39 = arith.addi %scan3A_37, %scan3A_38 : i32
    %scan3A_40 = arith.constant 1 : i32
    scf.for %scan3A_46 = %scan3A_37 to %scan3A_39 step %scan3A_40  : i32 {
      %mul3A_47 = arith.constant 1 : i32
      %mul3A_48 = arith.muli %scan3A_46, %mul3A_47 : i32
      %add3A = arith.constant 0 : i32
      %add3A_49 = arith.addi %add3A, %mul3A_48 : i32
      %jit3A = arith.constant 4 : i32
      %eq3A = arith.constant 0 : i32
      %eq3A_50 = arith.cmpi eq, %jit3A, %eq3A : i32
      %jit3A_51 = arith.constant 1 : i32
      %select_n3A = arith.select %eq3A_50, %jit3A_51, %jit3A : i32
      %rem3A = arith.remsi %add3A_49, %select_n3A : i32
      %ne3A = arith.constant 0 : i32
      %ne3A_52 = arith.cmpi ne, %rem3A, %ne3A : i32
      %lt3A = arith.constant 0 : i32
      %lt3A_53 = arith.cmpi slt, %rem3A, %lt3A : i32
      %lt3A_54 = arith.constant 0 : i32
      %lt3A_55 = arith.cmpi slt, %select_n3A, %lt3A_54 : i32
      %ne3A_56 = arith.xori %lt3A_53, %lt3A_55 : i1
      %and3A = arith.andi %ne3A_56, %ne3A_52 : i1
      %add3A_57 = arith.addi %rem3A, %select_n3A : i32
      %select_n3A_58 = arith.select %and3A, %add3A_57, %rem3A : i32
      %eq3A_59 = arith.constant 0 : i32
      %eq3A_60 = arith.cmpi eq, %select_n3A_58, %eq3A_59 : i32
      %convert_element_type3A = arith.extui %eq3A_60 : i1 to i32
      %cond3A = arith.constant 0 : i32
      %cond3A_61 = arith.cmpi ne, %convert_element_type3A, %cond3A : i32
      scf.if %cond3A_61 {
        %dma_wait3A = arith.constant 0 : i32
        %dma_wait3A_125 = arith.constant 0 : i32
        %dma_wait3A_126 = tpu.memref_slice %arg5[%dma_wait3A, %dma_wait3A_125] : memref<2x80xi32, #tpu.memory_space<vmem>> -> memref<1x80xi32, #tpu.memory_space<vmem>>
        %dma_wait3A_127 = tpu.memref_squeeze %dma_wait3A_126 : memref<1x80xi32, #tpu.memory_space<vmem>> -> memref<80xi32, #tpu.memory_space<vmem>>
        %dma_wait3A_128 = arith.constant 0 : i32
        %dma_wait3A_129 = arith.constant 0 : i32
        %dma_wait3A_130 = tpu.memref_slice %arg2[%dma_wait3A_128, %dma_wait3A_129] : memref<10000x128xf32, #tpu.memory_space<hbm>> -> memref<10000x128xf32, #tpu.memory_space<hbm>>
        tpu.wait_indirect_dma semaphore(%arg14 : memref<!tpu.dma_semaphore, #tpu.memory_space<semaphore_mem>>) src(%dma_wait3A_130 : memref<10000x128xf32, #tpu.memory_space<hbm>>) dst(%arg9 : memref<80x128xf32, #tpu.memory_space<vmem>>)
        %run_scoped3A_131 = arith.constant 1 : i32
        "tpu.region"() ({
          %run_scoped3A_147 = tpu.sem_alloc : memref<!tpu.dma_semaphore, #tpu.memory_space<semaphore_mem>>
          %dma_start3A_148 = arith.constant 0 : i32
          %dma_start3A_149 = tpu.memref_slice %arg5[%run_scoped3A_131, %dma_start3A_148] : memref<2x80xi32, #tpu.memory_space<vmem>> -> memref<1x80xi32, #tpu.memory_space<vmem>>
          %dma_start3A_150 = tpu.memref_squeeze %dma_start3A_149 : memref<1x80xi32, #tpu.memory_space<vmem>> -> memref<80xi32, #tpu.memory_space<vmem>>
          %dma_start3A_151 = arith.constant 0 : i32
          %dma_start3A_152 = arith.constant 0 : i32
          %dma_start3A_153 = tpu.memref_slice %arg13[%dma_start3A_151, %dma_start3A_152] : memref<10240x128xf32, #tpu.memory_space<vmem_shared>> -> memref<10240x128xf32, #tpu.memory_space<vmem_shared>>
          tpu.enqueue_indirect_dma source(%arg9 : memref<80x128xf32, #tpu.memory_space<vmem>>) target(%dma_start3A_153 : memref<10240x128xf32, #tpu.memory_space<vmem_shared>>) offsets(%dma_start3A_150 : memref<80xi32, #tpu.memory_space<vmem>>) semaphore(%run_scoped3A_147 : memref<!tpu.dma_semaphore, #tpu.memory_space<semaphore_mem>>) {add = true}
          %dma_wait3A_154 = arith.constant 0 : i32
          %dma_wait3A_155 = tpu.memref_slice %arg5[%run_scoped3A_131, %dma_wait3A_154] : memref<2x80xi32, #tpu.memory_space<vmem>> -> memref<1x80xi32, #tpu.memory_space<vmem>>
          %dma_wait3A_156 = tpu.memref_squeeze %dma_wait3A_155 : memref<1x80xi32, #tpu.memory_space<vmem>> -> memref<80xi32, #tpu.memory_space<vmem>>
          %dma_wait3A_157 = arith.constant 0 : i32
          %dma_wait3A_158 = arith.constant 0 : i32
          %dma_wait3A_159 = tpu.memref_slice %arg13[%dma_wait3A_157, %dma_wait3A_158] : memref<10240x128xf32, #tpu.memory_space<vmem_shared>> -> memref<10240x128xf32, #tpu.memory_space<vmem_shared>>
          tpu.wait_indirect_dma semaphore(%run_scoped3A_147 : memref<!tpu.dma_semaphore, #tpu.memory_space<semaphore_mem>>) src(%arg9 : memref<80x128xf32, #tpu.memory_space<vmem>>) dst(%dma_wait3A_159 : memref<10240x128xf32, #tpu.memory_space<vmem_shared>>)
          tpu.yield
        }) : () -> ()
        %add3A_132 = arith.constant 4 : i32
        %add3A_133 = arith.addi %add3A_49, %add3A_132 : i32
        %lt3A_134 = arith.constant 128 : i32
        %lt3A_135 = arith.cmpi slt, %add3A_133, %lt3A_134 : i32
        %convert_element_type3A_136 = arith.extui %lt3A_135 : i1 to i32
        %cond3A_137 = arith.constant 0 : i32
        %cond3A_138 = arith.cmpi ne, %convert_element_type3A_136, %cond3A_137 : i32
        scf.if %cond3A_138 {
          %add3A_147 = arith.constant 4 : i32
          %add3A_148 = arith.addi %add3A_49, %add3A_147 : i32
          "tpu.region"() ({
            %run_scoped3A_149 = tpu.sem_alloc : memref<!tpu.dma_semaphore, #tpu.memory_space<semaphore_mem>>
            %dma_start3A_150 = arith.constant 0 : i32
            %dma_start3A_151 = arith.constant 0 : i32
            %dma_start3A_152 = tpu.memref_slice %arg3[%arg0, %arg1, %add3A_148, %dma_start3A_150, %dma_start3A_151] : memref<2x16x128x2x80xi32, #tpu.memory_space<hbm>> -> memref<1x1x1x2x80xi32, #tpu.memory_space<hbm>>
            %dma_start3A_153 = tpu.memref_squeeze %dma_start3A_152 : memref<1x1x1x2x80xi32, #tpu.memory_space<hbm>> -> memref<2x80xi32, #tpu.memory_space<hbm>>
            %dma_start3A_154 = arith.constant 0 : i32
            %dma_start3A_155 = arith.constant 0 : i32
            %dma_start3A_156 = tpu.memref_slice %arg3[%arg0, %arg1, %add3A_148, %dma_start3A_154, %dma_start3A_155] : memref<2x16x128x2x80xi32, #tpu.memory_space<hbm>> -> memref<1x1x1x2x80xi32, #tpu.memory_space<hbm>>
            %dma_start3A_157 = tpu.memref_squeeze %dma_start3A_156 : memref<1x1x1x2x80xi32, #tpu.memory_space<hbm>> -> memref<2x80xi32, #tpu.memory_space<hbm>>
            tpu.enqueue_dma source(%dma_start3A_157 : memref<2x80xi32, #tpu.memory_space<hbm>>) target(%arg5 : memref<2x80xi32, #tpu.memory_space<vmem>>) target_semaphore(%run_scoped3A_149 : memref<!tpu.dma_semaphore, #tpu.memory_space<semaphore_mem>>)
            %dma_wait3A_158 = arith.constant 0 : i32
            %dma_wait3A_159 = arith.constant 0 : i32
            %dma_wait3A_160 = tpu.memref_slice %arg3[%arg0, %arg1, %add3A_148, %dma_wait3A_158, %dma_wait3A_159] : memref<2x16x128x2x80xi32, #tpu.memory_space<hbm>> -> memref<1x1x1x2x80xi32, #tpu.memory_space<hbm>>
            %dma_wait3A_161 = tpu.memref_squeeze %dma_wait3A_160 : memref<1x1x1x2x80xi32, #tpu.memory_space<hbm>> -> memref<2x80xi32, #tpu.memory_space<hbm>>
            %dma_wait3A_162 = arith.constant 0 : i32
            %dma_wait3A_163 = arith.constant 0 : i32
            %dma_wait3A_164 = tpu.memref_slice %arg3[%arg0, %arg1, %add3A_148, %dma_wait3A_162, %dma_wait3A_163] : memref<2x16x128x2x80xi32, #tpu.memory_space<hbm>> -> memref<1x1x1x2x80xi32, #tpu.memory_space<hbm>>
            %dma_wait3A_165 = tpu.memref_squeeze %dma_wait3A_164 : memref<1x1x1x2x80xi32, #tpu.memory_space<hbm>> -> memref<2x80xi32, #tpu.memory_space<hbm>>
            tpu.wait_dma2 semaphore(%run_scoped3A_149 : memref<!tpu.dma_semaphore, #tpu.memory_space<semaphore_mem>>) src(%dma_wait3A_165 : memref<2x80xi32, #tpu.memory_space<hbm>>) dst(%arg5 : memref<2x80xi32, #tpu.memory_space<vmem>>)
            tpu.yield
          }) : () -> ()
        } else {
        }
        %add3A_139 = arith.constant 4 : i32
        %add3A_140 = arith.addi %add3A_49, %add3A_139 : i32
        %sub3A = arith.constant 1 : i32
        %sub3A_141 = arith.subi %add3A_140, %sub3A : i32
        %lt3A_142 = arith.constant 128 : i32
        %lt3A_143 = arith.cmpi slt, %sub3A_141, %lt3A_142 : i32
        %convert_element_type3A_144 = arith.extui %lt3A_143 : i1 to i32
        %cond3A_145 = arith.constant 0 : i32
        %cond3A_146 = arith.cmpi ne, %convert_element_type3A_144, %cond3A_145 : i32
        scf.if %cond3A_146 {
          %dma_start3A_147 = arith.constant 0 : i32
          %dma_start3A_148 = arith.constant 0 : i32
          %dma_start3A_149 = tpu.memref_slice %arg8[%dma_start3A_147, %dma_start3A_148] : memref<2x80xi32, #tpu.memory_space<vmem>> -> memref<1x80xi32, #tpu.memory_space<vmem>>
          %dma_start3A_150 = tpu.memref_squeeze %dma_start3A_149 : memref<1x80xi32, #tpu.memory_space<vmem>> -> memref<80xi32, #tpu.memory_space<vmem>>
          %dma_start3A_151 = arith.constant 0 : i32
          %dma_start3A_152 = arith.constant 0 : i32
          %dma_start3A_153 = tpu.memref_slice %arg2[%dma_start3A_151, %dma_start3A_152] : memref<10000x128xf32, #tpu.memory_space<hbm>> -> memref<10000x128xf32, #tpu.memory_space<hbm>>
          tpu.enqueue_indirect_dma source(%dma_start3A_153 : memref<10000x128xf32, #tpu.memory_space<hbm>>) target(%arg12 : memref<80x128xf32, #tpu.memory_space<vmem>>) offsets(%dma_start3A_150 : memref<80xi32, #tpu.memory_space<vmem>>) semaphore(%arg17 : memref<!tpu.dma_semaphore, #tpu.memory_space<semaphore_mem>>)
        } else {
        }
      } else {
      }
      %jit3A_62 = arith.constant 4 : i32
      %eq3A_63 = arith.constant 0 : i32
      %eq3A_64 = arith.cmpi eq, %jit3A_62, %eq3A_63 : i32
      %jit3A_65 = arith.constant 1 : i32
      %select_n3A_66 = arith.select %eq3A_64, %jit3A_65, %jit3A_62 : i32
      %rem3A_67 = arith.remsi %add3A_49, %select_n3A_66 : i32
      %ne3A_68 = arith.constant 0 : i32
      %ne3A_69 = arith.cmpi ne, %rem3A_67, %ne3A_68 : i32
      %lt3A_70 = arith.constant 0 : i32
      %lt3A_71 = arith.cmpi slt, %rem3A_67, %lt3A_70 : i32
      %lt3A_72 = arith.constant 0 : i32
      %lt3A_73 = arith.cmpi slt, %select_n3A_66, %lt3A_72 : i32
      %ne3A_74 = arith.xori %lt3A_71, %lt3A_73 : i1
      %and3A_75 = arith.andi %ne3A_74, %ne3A_69 : i1
      %add3A_76 = arith.addi %rem3A_67, %select_n3A_66 : i32
      %select_n3A_77 = arith.select %and3A_75, %add3A_76, %rem3A_67 : i32
      %eq3A_78 = arith.constant 1 : i32
      %eq3A_79 = arith.cmpi eq, %select_n3A_77, %eq3A_78 : i32
      %convert_element_type3A_80 = arith.extui %eq3A_79 : i1 to i32
      %cond3A_81 = arith.constant 0 : i32
      %cond3A_82 = arith.cmpi ne, %convert_element_type3A_80, %cond3A_81 : i32
      scf.if %cond3A_82 {
        %dma_wait3A = arith.constant 0 : i32
        %dma_wait3A_125 = arith.constant 0 : i32
        %dma_wait3A_126 = tpu.memref_slice %arg6[%dma_wait3A, %dma_wait3A_125] : memref<2x80xi32, #tpu.memory_space<vmem>> -> memref<1x80xi32, #tpu.memory_space<vmem>>
        %dma_wait3A_127 = tpu.memref_squeeze %dma_wait3A_126 : memref<1x80xi32, #tpu.memory_space<vmem>> -> memref<80xi32, #tpu.memory_space<vmem>>
        %dma_wait3A_128 = arith.constant 0 : i32
        %dma_wait3A_129 = arith.constant 0 : i32
        %dma_wait3A_130 = tpu.memref_slice %arg2[%dma_wait3A_128, %dma_wait3A_129] : memref<10000x128xf32, #tpu.memory_space<hbm>> -> memref<10000x128xf32, #tpu.memory_space<hbm>>
        tpu.wait_indirect_dma semaphore(%arg15 : memref<!tpu.dma_semaphore, #tpu.memory_space<semaphore_mem>>) src(%dma_wait3A_130 : memref<10000x128xf32, #tpu.memory_space<hbm>>) dst(%arg10 : memref<80x128xf32, #tpu.memory_space<vmem>>)
        %run_scoped3A_131 = arith.constant 1 : i32
        "tpu.region"() ({
          %run_scoped3A_147 = tpu.sem_alloc : memref<!tpu.dma_semaphore, #tpu.memory_space<semaphore_mem>>
          %dma_start3A_148 = arith.constant 0 : i32
          %dma_start3A_149 = tpu.memref_slice %arg6[%run_scoped3A_131, %dma_start3A_148] : memref<2x80xi32, #tpu.memory_space<vmem>> -> memref<1x80xi32, #tpu.memory_space<vmem>>
          %dma_start3A_150 = tpu.memref_squeeze %dma_start3A_149 : memref<1x80xi32, #tpu.memory_space<vmem>> -> memref<80xi32, #tpu.memory_space<vmem>>
          %dma_start3A_151 = arith.constant 0 : i32
          %dma_start3A_152 = arith.constant 0 : i32
          %dma_start3A_153 = tpu.memref_slice %arg13[%dma_start3A_151, %dma_start3A_152] : memref<10240x128xf32, #tpu.memory_space<vmem_shared>> -> memref<10240x128xf32, #tpu.memory_space<vmem_shared>>
          tpu.enqueue_indirect_dma source(%arg10 : memref<80x128xf32, #tpu.memory_space<vmem>>) target(%dma_start3A_153 : memref<10240x128xf32, #tpu.memory_space<vmem_shared>>) offsets(%dma_start3A_150 : memref<80xi32, #tpu.memory_space<vmem>>) semaphore(%run_scoped3A_147 : memref<!tpu.dma_semaphore, #tpu.memory_space<semaphore_mem>>) {add = true}
          %dma_wait3A_154 = arith.constant 0 : i32
          %dma_wait3A_155 = tpu.memref_slice %arg6[%run_scoped3A_131, %dma_wait3A_154] : memref<2x80xi32, #tpu.memory_space<vmem>> -> memref<1x80xi32, #tpu.memory_space<vmem>>
          %dma_wait3A_156 = tpu.memref_squeeze %dma_wait3A_155 : memref<1x80xi32, #tpu.memory_space<vmem>> -> memref<80xi32, #tpu.memory_space<vmem>>
          %dma_wait3A_157 = arith.constant 0 : i32
          %dma_wait3A_158 = arith.constant 0 : i32
          %dma_wait3A_159 = tpu.memref_slice %arg13[%dma_wait3A_157, %dma_wait3A_158] : memref<10240x128xf32, #tpu.memory_space<vmem_shared>> -> memref<10240x128xf32, #tpu.memory_space<vmem_shared>>
          tpu.wait_indirect_dma semaphore(%run_scoped3A_147 : memref<!tpu.dma_semaphore, #tpu.memory_space<semaphore_mem>>) src(%arg10 : memref<80x128xf32, #tpu.memory_space<vmem>>) dst(%dma_wait3A_159 : memref<10240x128xf32, #tpu.memory_space<vmem_shared>>)
          tpu.yield
        }) : () -> ()
        %add3A_132 = arith.constant 4 : i32
        %add3A_133 = arith.addi %add3A_49, %add3A_132 : i32
        %lt3A_134 = arith.constant 128 : i32
        %lt3A_135 = arith.cmpi slt, %add3A_133, %lt3A_134 : i32
        %convert_element_type3A_136 = arith.extui %lt3A_135 : i1 to i32
        %cond3A_137 = arith.constant 0 : i32
        %cond3A_138 = arith.cmpi ne, %convert_element_type3A_136, %cond3A_137 : i32
        scf.if %cond3A_138 {
          %add3A_147 = arith.constant 4 : i32
          %add3A_148 = arith.addi %add3A_49, %add3A_147 : i32
          "tpu.region"() ({
            %run_scoped3A_149 = tpu.sem_alloc : memref<!tpu.dma_semaphore, #tpu.memory_space<semaphore_mem>>
            %dma_start3A_150 = arith.constant 0 : i32
            %dma_start3A_151 = arith.constant 0 : i32
            %dma_start3A_152 = tpu.memref_slice %arg3[%arg0, %arg1, %add3A_148, %dma_start3A_150, %dma_start3A_151] : memref<2x16x128x2x80xi32, #tpu.memory_space<hbm>> -> memref<1x1x1x2x80xi32, #tpu.memory_space<hbm>>
            %dma_start3A_153 = tpu.memref_squeeze %dma_start3A_152 : memref<1x1x1x2x80xi32, #tpu.memory_space<hbm>> -> memref<2x80xi32, #tpu.memory_space<hbm>>
            %dma_start3A_154 = arith.constant 0 : i32
            %dma_start3A_155 = arith.constant 0 : i32
            %dma_start3A_156 = tpu.memref_slice %arg3[%arg0, %arg1, %add3A_148, %dma_start3A_154, %dma_start3A_155] : memref<2x16x128x2x80xi32, #tpu.memory_space<hbm>> -> memref<1x1x1x2x80xi32, #tpu.memory_space<hbm>>
            %dma_start3A_157 = tpu.memref_squeeze %dma_start3A_156 : memref<1x1x1x2x80xi32, #tpu.memory_space<hbm>> -> memref<2x80xi32, #tpu.memory_space<hbm>>
            tpu.enqueue_dma source(%dma_start3A_157 : memref<2x80xi32, #tpu.memory_space<hbm>>) target(%arg6 : memref<2x80xi32, #tpu.memory_space<vmem>>) target_semaphore(%run_scoped3A_149 : memref<!tpu.dma_semaphore, #tpu.memory_space<semaphore_mem>>)
            %dma_wait3A_158 = arith.constant 0 : i32
            %dma_wait3A_159 = arith.constant 0 : i32
            %dma_wait3A_160 = tpu.memref_slice %arg3[%arg0, %arg1, %add3A_148, %dma_wait3A_158, %dma_wait3A_159] : memref<2x16x128x2x80xi32, #tpu.memory_space<hbm>> -> memref<1x1x1x2x80xi32, #tpu.memory_space<hbm>>
            %dma_wait3A_161 = tpu.memref_squeeze %dma_wait3A_160 : memref<1x1x1x2x80xi32, #tpu.memory_space<hbm>> -> memref<2x80xi32, #tpu.memory_space<hbm>>
            %dma_wait3A_162 = arith.constant 0 : i32
            %dma_wait3A_163 = arith.constant 0 : i32
            %dma_wait3A_164 = tpu.memref_slice %arg3[%arg0, %arg1, %add3A_148, %dma_wait3A_162, %dma_wait3A_163] : memref<2x16x128x2x80xi32, #tpu.memory_space<hbm>> -> memref<1x1x1x2x80xi32, #tpu.memory_space<hbm>>
            %dma_wait3A_165 = tpu.memref_squeeze %dma_wait3A_164 : memref<1x1x1x2x80xi32, #tpu.memory_space<hbm>> -> memref<2x80xi32, #tpu.memory_space<hbm>>
            tpu.wait_dma2 semaphore(%run_scoped3A_149 : memref<!tpu.dma_semaphore, #tpu.memory_space<semaphore_mem>>) src(%dma_wait3A_165 : memref<2x80xi32, #tpu.memory_space<hbm>>) dst(%arg6 : memref<2x80xi32, #tpu.memory_space<vmem>>)
            tpu.yield
          }) : () -> ()
        } else {
        }
        %add3A_139 = arith.constant 4 : i32
        %add3A_140 = arith.addi %add3A_49, %add3A_139 : i32
        %sub3A = arith.constant 1 : i32
        %sub3A_141 = arith.subi %add3A_140, %sub3A : i32
        %lt3A_142 = arith.constant 128 : i32
        %lt3A_143 = arith.cmpi slt, %sub3A_141, %lt3A_142 : i32
        %convert_element_type3A_144 = arith.extui %lt3A_143 : i1 to i32
        %cond3A_145 = arith.constant 0 : i32
        %cond3A_146 = arith.cmpi ne, %convert_element_type3A_144, %cond3A_145 : i32
        scf.if %cond3A_146 {
          %dma_start3A_147 = arith.constant 0 : i32
          %dma_start3A_148 = arith.constant 0 : i32
          %dma_start3A_149 = tpu.memref_slice %arg5[%dma_start3A_147, %dma_start3A_148] : memref<2x80xi32, #tpu.memory_space<vmem>> -> memref<1x80xi32, #tpu.memory_space<vmem>>
          %dma_start3A_150 = tpu.memref_squeeze %dma_start3A_149 : memref<1x80xi32, #tpu.memory_space<vmem>> -> memref<80xi32, #tpu.memory_space<vmem>>
          %dma_start3A_151 = arith.constant 0 : i32
          %dma_start3A_152 = arith.constant 0 : i32
          %dma_start3A_153 = tpu.memref_slice %arg2[%dma_start3A_151, %dma_start3A_152] : memref<10000x128xf32, #tpu.memory_space<hbm>> -> memref<10000x128xf32, #tpu.memory_space<hbm>>
          tpu.enqueue_indirect_dma source(%dma_start3A_153 : memref<10000x128xf32, #tpu.memory_space<hbm>>) target(%arg9 : memref<80x128xf32, #tpu.memory_space<vmem>>) offsets(%dma_start3A_150 : memref<80xi32, #tpu.memory_space<vmem>>) semaphore(%arg14 : memref<!tpu.dma_semaphore, #tpu.memory_space<semaphore_mem>>)
        } else {
        }
      } else {
      }
      %jit3A_83 = arith.constant 4 : i32
      %eq3A_84 = arith.constant 0 : i32
      %eq3A_85 = arith.cmpi eq, %jit3A_83, %eq3A_84 : i32
      %jit3A_86 = arith.constant 1 : i32
      %select_n3A_87 = arith.select %eq3A_85, %jit3A_86, %jit3A_83 : i32
      %rem3A_88 = arith.remsi %add3A_49, %select_n3A_87 : i32
      %ne3A_89 = arith.constant 0 : i32
      %ne3A_90 = arith.cmpi ne, %rem3A_88, %ne3A_89 : i32
      %lt3A_91 = arith.constant 0 : i32
      %lt3A_92 = arith.cmpi slt, %rem3A_88, %lt3A_91 : i32
      %lt3A_93 = arith.constant 0 : i32
      %lt3A_94 = arith.cmpi slt, %select_n3A_87, %lt3A_93 : i32
      %ne3A_95 = arith.xori %lt3A_92, %lt3A_94 : i1
      %and3A_96 = arith.andi %ne3A_95, %ne3A_90 : i1
      %add3A_97 = arith.addi %rem3A_88, %select_n3A_87 : i32
      %select_n3A_98 = arith.select %and3A_96, %add3A_97, %rem3A_88 : i32
      %eq3A_99 = arith.constant 2 : i32
      %eq3A_100 = arith.cmpi eq, %select_n3A_98, %eq3A_99 : i32
      %convert_element_type3A_101 = arith.extui %eq3A_100 : i1 to i32
      %cond3A_102 = arith.constant 0 : i32
      %cond3A_103 = arith.cmpi ne, %convert_element_type3A_101, %cond3A_102 : i32
      scf.if %cond3A_103 {
        %dma_wait3A = arith.constant 0 : i32
        %dma_wait3A_125 = arith.constant 0 : i32
        %dma_wait3A_126 = tpu.memref_slice %arg7[%dma_wait3A, %dma_wait3A_125] : memref<2x80xi32, #tpu.memory_space<vmem>> -> memref<1x80xi32, #tpu.memory_space<vmem>>
        %dma_wait3A_127 = tpu.memref_squeeze %dma_wait3A_126 : memref<1x80xi32, #tpu.memory_space<vmem>> -> memref<80xi32, #tpu.memory_space<vmem>>
        %dma_wait3A_128 = arith.constant 0 : i32
        %dma_wait3A_129 = arith.constant 0 : i32
        %dma_wait3A_130 = tpu.memref_slice %arg2[%dma_wait3A_128, %dma_wait3A_129] : memref<10000x128xf32, #tpu.memory_space<hbm>> -> memref<10000x128xf32, #tpu.memory_space<hbm>>
        tpu.wait_indirect_dma semaphore(%arg16 : memref<!tpu.dma_semaphore, #tpu.memory_space<semaphore_mem>>) src(%dma_wait3A_130 : memref<10000x128xf32, #tpu.memory_space<hbm>>) dst(%arg11 : memref<80x128xf32, #tpu.memory_space<vmem>>)
        %run_scoped3A_131 = arith.constant 1 : i32
        "tpu.region"() ({
          %run_scoped3A_147 = tpu.sem_alloc : memref<!tpu.dma_semaphore, #tpu.memory_space<semaphore_mem>>
          %dma_start3A_148 = arith.constant 0 : i32
          %dma_start3A_149 = tpu.memref_slice %arg7[%run_scoped3A_131, %dma_start3A_148] : memref<2x80xi32, #tpu.memory_space<vmem>> -> memref<1x80xi32, #tpu.memory_space<vmem>>
          %dma_start3A_150 = tpu.memref_squeeze %dma_start3A_149 : memref<1x80xi32, #tpu.memory_space<vmem>> -> memref<80xi32, #tpu.memory_space<vmem>>
          %dma_start3A_151 = arith.constant 0 : i32
          %dma_start3A_152 = arith.constant 0 : i32
          %dma_start3A_153 = tpu.memref_slice %arg13[%dma_start3A_151, %dma_start3A_152] : memref<10240x128xf32, #tpu.memory_space<vmem_shared>> -> memref<10240x128xf32, #tpu.memory_space<vmem_shared>>
          tpu.enqueue_indirect_dma source(%arg11 : memref<80x128xf32, #tpu.memory_space<vmem>>) target(%dma_start3A_153 : memref<10240x128xf32, #tpu.memory_space<vmem_shared>>) offsets(%dma_start3A_150 : memref<80xi32, #tpu.memory_space<vmem>>) semaphore(%run_scoped3A_147 : memref<!tpu.dma_semaphore, #tpu.memory_space<semaphore_mem>>) {add = true}
          %dma_wait3A_154 = arith.constant 0 : i32
          %dma_wait3A_155 = tpu.memref_slice %arg7[%run_scoped3A_131, %dma_wait3A_154] : memref<2x80xi32, #tpu.memory_space<vmem>> -> memref<1x80xi32, #tpu.memory_space<vmem>>
          %dma_wait3A_156 = tpu.memref_squeeze %dma_wait3A_155 : memref<1x80xi32, #tpu.memory_space<vmem>> -> memref<80xi32, #tpu.memory_space<vmem>>
          %dma_wait3A_157 = arith.constant 0 : i32
          %dma_wait3A_158 = arith.constant 0 : i32
          %dma_wait3A_159 = tpu.memref_slice %arg13[%dma_wait3A_157, %dma_wait3A_158] : memref<10240x128xf32, #tpu.memory_space<vmem_shared>> -> memref<10240x128xf32, #tpu.memory_space<vmem_shared>>
          tpu.wait_indirect_dma semaphore(%run_scoped3A_147 : memref<!tpu.dma_semaphore, #tpu.memory_space<semaphore_mem>>) src(%arg11 : memref<80x128xf32, #tpu.memory_space<vmem>>) dst(%dma_wait3A_159 : memref<10240x128xf32, #tpu.memory_space<vmem_shared>>)
          tpu.yield
        }) : () -> ()
        %add3A_132 = arith.constant 4 : i32
        %add3A_133 = arith.addi %add3A_49, %add3A_132 : i32
        %lt3A_134 = arith.constant 128 : i32
        %lt3A_135 = arith.cmpi slt, %add3A_133, %lt3A_134 : i32
        %convert_element_type3A_136 = arith.extui %lt3A_135 : i1 to i32
        %cond3A_137 = arith.constant 0 : i32
        %cond3A_138 = arith.cmpi ne, %convert_element_type3A_136, %cond3A_137 : i32
        scf.if %cond3A_138 {
          %add3A_147 = arith.constant 4 : i32
          %add3A_148 = arith.addi %add3A_49, %add3A_147 : i32
          "tpu.region"() ({
            %run_scoped3A_149 = tpu.sem_alloc : memref<!tpu.dma_semaphore, #tpu.memory_space<semaphore_mem>>
            %dma_start3A_150 = arith.constant 0 : i32
            %dma_start3A_151 = arith.constant 0 : i32
            %dma_start3A_152 = tpu.memref_slice %arg3[%arg0, %arg1, %add3A_148, %dma_start3A_150, %dma_start3A_151] : memref<2x16x128x2x80xi32, #tpu.memory_space<hbm>> -> memref<1x1x1x2x80xi32, #tpu.memory_space<hbm>>
            %dma_start3A_153 = tpu.memref_squeeze %dma_start3A_152 : memref<1x1x1x2x80xi32, #tpu.memory_space<hbm>> -> memref<2x80xi32, #tpu.memory_space<hbm>>
            %dma_start3A_154 = arith.constant 0 : i32
            %dma_start3A_155 = arith.constant 0 : i32
            %dma_start3A_156 = tpu.memref_slice %arg3[%arg0, %arg1, %add3A_148, %dma_start3A_154, %dma_start3A_155] : memref<2x16x128x2x80xi32, #tpu.memory_space<hbm>> -> memref<1x1x1x2x80xi32, #tpu.memory_space<hbm>>
            %dma_start3A_157 = tpu.memref_squeeze %dma_start3A_156 : memref<1x1x1x2x80xi32, #tpu.memory_space<hbm>> -> memref<2x80xi32, #tpu.memory_space<hbm>>
            tpu.enqueue_dma source(%dma_start3A_157 : memref<2x80xi32, #tpu.memory_space<hbm>>) target(%arg7 : memref<2x80xi32, #tpu.memory_space<vmem>>) target_semaphore(%run_scoped3A_149 : memref<!tpu.dma_semaphore, #tpu.memory_space<semaphore_mem>>)
            %dma_wait3A_158 = arith.constant 0 : i32
            %dma_wait3A_159 = arith.constant 0 : i32
            %dma_wait3A_160 = tpu.memref_slice %arg3[%arg0, %arg1, %add3A_148, %dma_wait3A_158, %dma_wait3A_159] : memref<2x16x128x2x80xi32, #tpu.memory_space<hbm>> -> memref<1x1x1x2x80xi32, #tpu.memory_space<hbm>>
            %dma_wait3A_161 = tpu.memref_squeeze %dma_wait3A_160 : memref<1x1x1x2x80xi32, #tpu.memory_space<hbm>> -> memref<2x80xi32, #tpu.memory_space<hbm>>
            %dma_wait3A_162 = arith.constant 0 : i32
            %dma_wait3A_163 = arith.constant 0 : i32
            %dma_wait3A_164 = tpu.memref_slice %arg3[%arg0, %arg1, %add3A_148, %dma_wait3A_162, %dma_wait3A_163] : memref<2x16x128x2x80xi32, #tpu.memory_space<hbm>> -> memref<1x1x1x2x80xi32, #tpu.memory_space<hbm>>
            %dma_wait3A_165 = tpu.memref_squeeze %dma_wait3A_164 : memref<1x1x1x2x80xi32, #tpu.memory_space<hbm>> -> memref<2x80xi32, #tpu.memory_space<hbm>>
            tpu.wait_dma2 semaphore(%run_scoped3A_149 : memref<!tpu.dma_semaphore, #tpu.memory_space<semaphore_mem>>) src(%dma_wait3A_165 : memref<2x80xi32, #tpu.memory_space<hbm>>) dst(%arg7 : memref<2x80xi32, #tpu.memory_space<vmem>>)
            tpu.yield
          }) : () -> ()
        } else {
        }
        %add3A_139 = arith.constant 4 : i32
        %add3A_140 = arith.addi %add3A_49, %add3A_139 : i32
        %sub3A = arith.constant 1 : i32
        %sub3A_141 = arith.subi %add3A_140, %sub3A : i32
        %lt3A_142 = arith.constant 128 : i32
        %lt3A_143 = arith.cmpi slt, %sub3A_141, %lt3A_142 : i32
        %convert_element_type3A_144 = arith.extui %lt3A_143 : i1 to i32
        %cond3A_145 = arith.constant 0 : i32
        %cond3A_146 = arith.cmpi ne, %convert_element_type3A_144, %cond3A_145 : i32
        scf.if %cond3A_146 {
          %dma_start3A_147 = arith.constant 0 : i32
          %dma_start3A_148 = arith.constant 0 : i32
          %dma_start3A_149 = tpu.memref_slice %arg6[%dma_start3A_147, %dma_start3A_148] : memref<2x80xi32, #tpu.memory_space<vmem>> -> memref<1x80xi32, #tpu.memory_space<vmem>>
          %dma_start3A_150 = tpu.memref_squeeze %dma_start3A_149 : memref<1x80xi32, #tpu.memory_space<vmem>> -> memref<80xi32, #tpu.memory_space<vmem>>
          %dma_start3A_151 = arith.constant 0 : i32
          %dma_start3A_152 = arith.constant 0 : i32
          %dma_start3A_153 = tpu.memref_slice %arg2[%dma_start3A_151, %dma_start3A_152] : memref<10000x128xf32, #tpu.memory_space<hbm>> -> memref<10000x128xf32, #tpu.memory_space<hbm>>
          tpu.enqueue_indirect_dma source(%dma_start3A_153 : memref<10000x128xf32, #tpu.memory_space<hbm>>) target(%arg10 : memref<80x128xf32, #tpu.memory_space<vmem>>) offsets(%dma_start3A_150 : memref<80xi32, #tpu.memory_space<vmem>>) semaphore(%arg15 : memref<!tpu.dma_semaphore, #tpu.memory_space<semaphore_mem>>)
        } else {
        }
      } else {
      }
      %jit3A_104 = arith.constant 4 : i32
      %eq3A_105 = arith.constant 0 : i32
      %eq3A_106 = arith.cmpi eq, %jit3A_104, %eq3A_105 : i32
      %jit3A_107 = arith.constant 1 : i32
      %select_n3A_108 = arith.select %eq3A_106, %jit3A_107, %jit3A_104 : i32
      %rem3A_109 = arith.remsi %add3A_49, %select_n3A_108 : i32
      %ne3A_110 = arith.constant 0 : i32
      %ne3A_111 = arith.cmpi ne, %rem3A_109, %ne3A_110 : i32
      %lt3A_112 = arith.constant 0 : i32
      %lt3A_113 = arith.cmpi slt, %rem3A_109, %lt3A_112 : i32
      %lt3A_114 = arith.constant 0 : i32
      %lt3A_115 = arith.cmpi slt, %select_n3A_108, %lt3A_114 : i32
      %ne3A_116 = arith.xori %lt3A_113, %lt3A_115 : i1
      %and3A_117 = arith.andi %ne3A_116, %ne3A_111 : i1
      %add3A_118 = arith.addi %rem3A_109, %select_n3A_108 : i32
      %select_n3A_119 = arith.select %and3A_117, %add3A_118, %rem3A_109 : i32
      %eq3A_120 = arith.constant 3 : i32
      %eq3A_121 = arith.cmpi eq, %select_n3A_119, %eq3A_120 : i32
      %convert_element_type3A_122 = arith.extui %eq3A_121 : i1 to i32
      %cond3A_123 = arith.constant 0 : i32
      %cond3A_124 = arith.cmpi ne, %convert_element_type3A_122, %cond3A_123 : i32
      scf.if %cond3A_124 {
        %dma_wait3A = arith.constant 0 : i32
        %dma_wait3A_125 = arith.constant 0 : i32
        %dma_wait3A_126 = tpu.memref_slice %arg8[%dma_wait3A, %dma_wait3A_125] : memref<2x80xi32, #tpu.memory_space<vmem>> -> memref<1x80xi32, #tpu.memory_space<vmem>>
        %dma_wait3A_127 = tpu.memref_squeeze %dma_wait3A_126 : memref<1x80xi32, #tpu.memory_space<vmem>> -> memref<80xi32, #tpu.memory_space<vmem>>
        %dma_wait3A_128 = arith.constant 0 : i32
        %dma_wait3A_129 = arith.constant 0 : i32
        %dma_wait3A_130 = tpu.memref_slice %arg2[%dma_wait3A_128, %dma_wait3A_129] : memref<10000x128xf32, #tpu.memory_space<hbm>> -> memref<10000x128xf32, #tpu.memory_space<hbm>>
        tpu.wait_indirect_dma semaphore(%arg17 : memref<!tpu.dma_semaphore, #tpu.memory_space<semaphore_mem>>) src(%dma_wait3A_130 : memref<10000x128xf32, #tpu.memory_space<hbm>>) dst(%arg12 : memref<80x128xf32, #tpu.memory_space<vmem>>)
        %run_scoped3A_131 = arith.constant 1 : i32
        "tpu.region"() ({
          %run_scoped3A_147 = tpu.sem_alloc : memref<!tpu.dma_semaphore, #tpu.memory_space<semaphore_mem>>
          %dma_start3A_148 = arith.constant 0 : i32
          %dma_start3A_149 = tpu.memref_slice %arg8[%run_scoped3A_131, %dma_start3A_148] : memref<2x80xi32, #tpu.memory_space<vmem>> -> memref<1x80xi32, #tpu.memory_space<vmem>>
          %dma_start3A_150 = tpu.memref_squeeze %dma_start3A_149 : memref<1x80xi32, #tpu.memory_space<vmem>> -> memref<80xi32, #tpu.memory_space<vmem>>
          %dma_start3A_151 = arith.constant 0 : i32
          %dma_start3A_152 = arith.constant 0 : i32
          %dma_start3A_153 = tpu.memref_slice %arg13[%dma_start3A_151, %dma_start3A_152] : memref<10240x128xf32, #tpu.memory_space<vmem_shared>> -> memref<10240x128xf32, #tpu.memory_space<vmem_shared>>
          tpu.enqueue_indirect_dma source(%arg12 : memref<80x128xf32, #tpu.memory_space<vmem>>) target(%dma_start3A_153 : memref<10240x128xf32, #tpu.memory_space<vmem_shared>>) offsets(%dma_start3A_150 : memref<80xi32, #tpu.memory_space<vmem>>) semaphore(%run_scoped3A_147 : memref<!tpu.dma_semaphore, #tpu.memory_space<semaphore_mem>>) {add = true}
          %dma_wait3A_154 = arith.constant 0 : i32
          %dma_wait3A_155 = tpu.memref_slice %arg8[%run_scoped3A_131, %dma_wait3A_154] : memref<2x80xi32, #tpu.memory_space<vmem>> -> memref<1x80xi32, #tpu.memory_space<vmem>>
          %dma_wait3A_156 = tpu.memref_squeeze %dma_wait3A_155 : memref<1x80xi32, #tpu.memory_space<vmem>> -> memref<80xi32, #tpu.memory_space<vmem>>
          %dma_wait3A_157 = arith.constant 0 : i32
          %dma_wait3A_158 = arith.constant 0 : i32
          %dma_wait3A_159 = tpu.memref_slice %arg13[%dma_wait3A_157, %dma_wait3A_158] : memref<10240x128xf32, #tpu.memory_space<vmem_shared>> -> memref<10240x128xf32, #tpu.memory_space<vmem_shared>>
          tpu.wait_indirect_dma semaphore(%run_scoped3A_147 : memref<!tpu.dma_semaphore, #tpu.memory_space<semaphore_mem>>) src(%arg12 : memref<80x128xf32, #tpu.memory_space<vmem>>) dst(%dma_wait3A_159 : memref<10240x128xf32, #tpu.memory_space<vmem_shared>>)
          tpu.yield
        }) : () -> ()
        %add3A_132 = arith.constant 4 : i32
        %add3A_133 = arith.addi %add3A_49, %add3A_132 : i32
        %lt3A_134 = arith.constant 128 : i32
        %lt3A_135 = arith.cmpi slt, %add3A_133, %lt3A_134 : i32
        %convert_element_type3A_136 = arith.extui %lt3A_135 : i1 to i32
        %cond3A_137 = arith.constant 0 : i32
        %cond3A_138 = arith.cmpi ne, %convert_element_type3A_136, %cond3A_137 : i32
        scf.if %cond3A_138 {
          %add3A_147 = arith.constant 4 : i32
          %add3A_148 = arith.addi %add3A_49, %add3A_147 : i32
          "tpu.region"() ({
            %run_scoped3A_149 = tpu.sem_alloc : memref<!tpu.dma_semaphore, #tpu.memory_space<semaphore_mem>>
            %dma_start3A_150 = arith.constant 0 : i32
            %dma_start3A_151 = arith.constant 0 : i32
            %dma_start3A_152 = tpu.memref_slice %arg3[%arg0, %arg1, %add3A_148, %dma_start3A_150, %dma_start3A_151] : memref<2x16x128x2x80xi32, #tpu.memory_space<hbm>> -> memref<1x1x1x2x80xi32, #tpu.memory_space<hbm>>
            %dma_start3A_153 = tpu.memref_squeeze %dma_start3A_152 : memref<1x1x1x2x80xi32, #tpu.memory_space<hbm>> -> memref<2x80xi32, #tpu.memory_space<hbm>>
            %dma_start3A_154 = arith.constant 0 : i32
            %dma_start3A_155 = arith.constant 0 : i32
            %dma_start3A_156 = tpu.memref_slice %arg3[%arg0, %arg1, %add3A_148, %dma_start3A_154, %dma_start3A_155] : memref<2x16x128x2x80xi32, #tpu.memory_space<hbm>> -> memref<1x1x1x2x80xi32, #tpu.memory_space<hbm>>
            %dma_start3A_157 = tpu.memref_squeeze %dma_start3A_156 : memref<1x1x1x2x80xi32, #tpu.memory_space<hbm>> -> memref<2x80xi32, #tpu.memory_space<hbm>>
            tpu.enqueue_dma source(%dma_start3A_157 : memref<2x80xi32, #tpu.memory_space<hbm>>) target(%arg8 : memref<2x80xi32, #tpu.memory_space<vmem>>) target_semaphore(%run_scoped3A_149 : memref<!tpu.dma_semaphore, #tpu.memory_space<semaphore_mem>>)
            %dma_wait3A_158 = arith.constant 0 : i32
            %dma_wait3A_159 = arith.constant 0 : i32
            %dma_wait3A_160 = tpu.memref_slice %arg3[%arg0, %arg1, %add3A_148, %dma_wait3A_158, %dma_wait3A_159] : memref<2x16x128x2x80xi32, #tpu.memory_space<hbm>> -> memref<1x1x1x2x80xi32, #tpu.memory_space<hbm>>
            %dma_wait3A_161 = tpu.memref_squeeze %dma_wait3A_160 : memref<1x1x1x2x80xi32, #tpu.memory_space<hbm>> -> memref<2x80xi32, #tpu.memory_space<hbm>>
            %dma_wait3A_162 = arith.constant 0 : i32
            %dma_wait3A_163 = arith.constant 0 : i32
            %dma_wait3A_164 = tpu.memref_slice %arg3[%arg0, %arg1, %add3A_148, %dma_wait3A_162, %dma_wait3A_163] : memref<2x16x128x2x80xi32, #tpu.memory_space<hbm>> -> memref<1x1x1x2x80xi32, #tpu.memory_space<hbm>>
            %dma_wait3A_165 = tpu.memref_squeeze %dma_wait3A_164 : memref<1x1x1x2x80xi32, #tpu.memory_space<hbm>> -> memref<2x80xi32, #tpu.memory_space<hbm>>
            tpu.wait_dma2 semaphore(%run_scoped3A_149 : memref<!tpu.dma_semaphore, #tpu.memory_space<semaphore_mem>>) src(%dma_wait3A_165 : memref<2x80xi32, #tpu.memory_space<hbm>>) dst(%arg8 : memref<2x80xi32, #tpu.memory_space<vmem>>)
            tpu.yield
          }) : () -> ()
        } else {
        }
        %add3A_139 = arith.constant 4 : i32
        %add3A_140 = arith.addi %add3A_49, %add3A_139 : i32
        %sub3A = arith.constant 1 : i32
        %sub3A_141 = arith.subi %add3A_140, %sub3A : i32
        %lt3A_142 = arith.constant 128 : i32
        %lt3A_143 = arith.cmpi slt, %sub3A_141, %lt3A_142 : i32
        %convert_element_type3A_144 = arith.extui %lt3A_143 : i1 to i32
        %cond3A_145 = arith.constant 0 : i32
        %cond3A_146 = arith.cmpi ne, %convert_element_type3A_144, %cond3A_145 : i32
        scf.if %cond3A_146 {
          %dma_start3A_147 = arith.constant 0 : i32
          %dma_start3A_148 = arith.constant 0 : i32
          %dma_start3A_149 = tpu.memref_slice %arg7[%dma_start3A_147, %dma_start3A_148] : memref<2x80xi32, #tpu.memory_space<vmem>> -> memref<1x80xi32, #tpu.memory_space<vmem>>
          %dma_start3A_150 = tpu.memref_squeeze %dma_start3A_149 : memref<1x80xi32, #tpu.memory_space<vmem>> -> memref<80xi32, #tpu.memory_space<vmem>>
          %dma_start3A_151 = arith.constant 0 : i32
          %dma_start3A_152 = arith.constant 0 : i32
          %dma_start3A_153 = tpu.memref_slice %arg2[%dma_start3A_151, %dma_start3A_152] : memref<10000x128xf32, #tpu.memory_space<hbm>> -> memref<10000x128xf32, #tpu.memory_space<hbm>>
          tpu.enqueue_indirect_dma source(%dma_start3A_153 : memref<10000x128xf32, #tpu.memory_space<hbm>>) target(%arg11 : memref<80x128xf32, #tpu.memory_space<vmem>>) offsets(%dma_start3A_150 : memref<80xi32, #tpu.memory_space<vmem>>) semaphore(%arg16 : memref<!tpu.dma_semaphore, #tpu.memory_space<semaphore_mem>>)
        } else {
        }
      } else {
      }
    }
    %scan3A_41 = arith.constant 128 : i32
    %barrier3A_42 = arith.constant 0 : index
    tpu.barrier barrier_id(%barrier3A_42)
    %mul3A = arith.constant 640 : i32
    %mul3A_43 = arith.muli %arg1, %mul3A : i32
    %mul3A_44 = arith.constant 640 : i32
    %mul3A_45 = arith.muli %arg1, %mul3A_44 : i32
    "tpu.region"() ({
      %run_scoped3A_46 = tpu.sem_alloc : memref<!tpu.dma_semaphore, #tpu.memory_space<semaphore_mem>>
      %dma_start3A_47 = arith.constant 0 : i32
      %dma_start3A_48 = tpu.memref_slice %arg4[%arg0, %mul3A_45, %dma_start3A_47] : memref<2x10240x128xf32, #tpu.memory_space<hbm>> -> memref<1x640x128xf32, #tpu.memory_space<hbm>>
      %dma_start3A_49 = tpu.memref_squeeze %dma_start3A_48 : memref<1x640x128xf32, #tpu.memory_space<hbm>> -> memref<640x128xf32, #tpu.memory_space<hbm>>
      %dma_start3A_50 = arith.constant 0 : i32
      %dma_start3A_51 = tpu.memref_slice %arg13[%mul3A_43, %dma_start3A_50] : memref<10240x128xf32, #tpu.memory_space<vmem_shared>> -> memref<640x128xf32, #tpu.memory_space<vmem_shared>>
      tpu.enqueue_dma source(%dma_start3A_51 : memref<640x128xf32, #tpu.memory_space<vmem_shared>>) target(%dma_start3A_49 : memref<640x128xf32, #tpu.memory_space<hbm>>) target_semaphore(%run_scoped3A_46 : memref<!tpu.dma_semaphore, #tpu.memory_space<semaphore_mem>>)
      %dma_wait3A = arith.constant 0 : i32
      %dma_wait3A_52 = tpu.memref_slice %arg4[%arg0, %mul3A_45, %dma_wait3A] : memref<2x10240x128xf32, #tpu.memory_space<hbm>> -> memref<1x640x128xf32, #tpu.memory_space<hbm>>
      %dma_wait3A_53 = tpu.memref_squeeze %dma_wait3A_52 : memref<1x640x128xf32, #tpu.memory_space<hbm>> -> memref<640x128xf32, #tpu.memory_space<hbm>>
      %dma_wait3A_54 = arith.constant 0 : i32
      %dma_wait3A_55 = tpu.memref_slice %arg13[%mul3A_43, %dma_wait3A_54] : memref<10240x128xf32, #tpu.memory_space<vmem_shared>> -> memref<640x128xf32, #tpu.memory_space<vmem_shared>>
      tpu.wait_dma2 semaphore(%run_scoped3A_46 : memref<!tpu.dma_semaphore, #tpu.memory_space<semaphore_mem>>) src(%dma_wait3A_55 : memref<640x128xf32, #tpu.memory_space<vmem_shared>>) dst(%dma_wait3A_53 : memref<640x128xf32, #tpu.memory_space<hbm>>)
      tpu.yield
    }) : () -> ()
    return
  }
}

#map = affine_map<(d0, d1) -> (0, 0)>
#map1 = affine_map<(d0, d1) -> (0, 0, 0, 0, 0)>
#map2 = affine_map<(d0, d1) -> (0, 0, 0)>
module attributes {stable_mosaic.version = 14 : i64} {
  func.func @agg_kernel(%arg0: i32, %arg1: i32, %arg2: memref<10000x128xf32, #tpu.memory_space<hbm>>, %arg3: memref<2x16x128x2x80xi32, #tpu.memory_space<hbm>>, %arg4: memref<2x10240x128xf32, #tpu.memory_space<hbm>>, %arg5: memref<2x80xi32, #tpu.memory_space<vmem>>, %arg6: memref<2x80xi32, #tpu.memory_space<vmem>>, %arg7: memref<2x80xi32, #tpu.memory_space<vmem>>, %arg8: memref<2x80xi32, #tpu.memory_space<vmem>>, %arg9: memref<80x128xf32, #tpu.memory_space<vmem>>, %arg10: memref<80x128xf32, #tpu.memory_space<vmem>>, %arg11: memref<80x128xf32, #tpu.memory_space<vmem>>, %arg12: memref<80x128xf32, #tpu.memory_space<vmem>>, %arg13: memref<10240x128xf32, #tpu.memory_space<vmem_shared>>, %arg14: memref<!tpu.dma_semaphore, #tpu.memory_space<semaphore_mem>>, %arg15: memref<!tpu.dma_semaphore, #tpu.memory_space<semaphore_mem>>, %arg16: memref<!tpu.dma_semaphore, #tpu.memory_space<semaphore_mem>>, %arg17: memref<!tpu.dma_semaphore, #tpu.memory_space<semaphore_mem>>) attributes {dimension_semantics = [#tpu.dimension_semantics<core_parallel>, #tpu.dimension_semantics<subcore_parallel>], iteration_bounds = array<i64: 2, 16>, scalar_prefetch = 0 : i64, scratch_operands = 13 : i64, tpu.core_type = #tpu.core_type<sc_vector_subcore>, window_params = [{transform_indices = #map}, {transform_indices = #map1}, {transform_indices = #map2}]} {
    %scan3A = arith.constant 0 : i32
    %scan3A_0 = arith.constant 80 : i32
    %scan3A_1 = arith.addi %scan3A, %scan3A_0 : i32
    %scan3A_2 = arith.constant 1 : i32
    scf.for %scan3A_46 = %scan3A to %scan3A_1 step %scan3A_2  : i32 {
      %mul3A_47 = arith.constant 1 : i32
      %mul3A_48 = arith.muli %scan3A_46, %mul3A_47 : i32
      %add3A = arith.constant 0 : i32
      %add3A_49 = arith.addi %add3A, %mul3A_48 : i32
      %broadcast_in_dim3A = arith.constant 0.000000e+00 : f32
      %broadcast_in_dim3A_50 = vector.broadcast %broadcast_in_dim3A : f32 to vector<16xf32>
      %swap3A = arith.index_cast %add3A_49 : i32 to index
      %swap3A_51 = arith.constant 0 : index
      %swap3A_52 = tpu.vector_load %arg9[%swap3A, %swap3A_51] {strides = array<i32>} : memref<80x128xf32, #tpu.memory_space<vmem>>, vector<1x16xf32>,
      %swap3A_53 = vector.shape_cast %swap3A_52 : vector<1x16xf32> to vector<16xf32>
      %swap3A_54 = vector.shape_cast %broadcast_in_dim3A_50 : vector<16xf32> to vector<1x16xf32>
      tpu.vector_store %arg9[%swap3A, %swap3A_51], %swap3A_54 {strides = array<i32>} : memref<80x128xf32, #tpu.memory_space<vmem>>, vector<1x16xf32>,
      %broadcast_in_dim3A_55 = arith.constant 0.000000e+00 : f32
      %broadcast_in_dim3A_56 = vector.broadcast %broadcast_in_dim3A_55 : f32 to vector<16xf32>
      %swap3A_57 = arith.index_cast %add3A_49 : i32 to index
      %swap3A_58 = arith.constant 16 : index
      %swap3A_59 = tpu.vector_load %arg9[%swap3A_57, %swap3A_58] {strides = array<i32>} : memref<80x128xf32, #tpu.memory_space<vmem>>, vector<1x16xf32>,
      %swap3A_60 = vector.shape_cast %swap3A_59 : vector<1x16xf32> to vector<16xf32>
      %swap3A_61 = vector.shape_cast %broadcast_in_dim3A_56 : vector<16xf32> to vector<1x16xf32>
      tpu.vector_store %arg9[%swap3A_57, %swap3A_58], %swap3A_61 {strides = array<i32>} : memref<80x128xf32, #tpu.memory_space<vmem>>, vector<1x16xf32>,
      %broadcast_in_dim3A_62 = arith.constant 0.000000e+00 : f32
      %broadcast_in_dim3A_63 = vector.broadcast %broadcast_in_dim3A_62 : f32 to vector<16xf32>
      %swap3A_64 = arith.index_cast %add3A_49 : i32 to index
      %swap3A_65 = arith.constant 32 : index
      %swap3A_66 = tpu.vector_load %arg9[%swap3A_64, %swap3A_65] {strides = array<i32>} : memref<80x128xf32, #tpu.memory_space<vmem>>, vector<1x16xf32>,
      %swap3A_67 = vector.shape_cast %swap3A_66 : vector<1x16xf32> to vector<16xf32>
      %swap3A_68 = vector.shape_cast %broadcast_in_dim3A_63 : vector<16xf32> to vector<1x16xf32>
      tpu.vector_store %arg9[%swap3A_64, %swap3A_65], %swap3A_68 {strides = array<i32>} : memref<80x128xf32, #tpu.memory_space<vmem>>, vector<1x16xf32>,
      %broadcast_in_dim3A_69 = arith.constant 0.000000e+00 : f32
      %broadcast_in_dim3A_70 = vector.broadcast %broadcast_in_dim3A_69 : f32 to vector<16xf32>
      %swap3A_71 = arith.index_cast %add3A_49 : i32 to index
      %swap3A_72 = arith.constant 48 : index
      %swap3A_73 = tpu.vector_load %arg9[%swap3A_71, %swap3A_72] {strides = array<i32>} : memref<80x128xf32, #tpu.memory_space<vmem>>, vector<1x16xf32>,
      %swap3A_74 = vector.shape_cast %swap3A_73 : vector<1x16xf32> to vector<16xf32>
      %swap3A_75 = vector.shape_cast %broadcast_in_dim3A_70 : vector<16xf32> to vector<1x16xf32>
      tpu.vector_store %arg9[%swap3A_71, %swap3A_72], %swap3A_75 {strides = array<i32>} : memref<80x128xf32, #tpu.memory_space<vmem>>, vector<1x16xf32>,
      %broadcast_in_dim3A_76 = arith.constant 0.000000e+00 : f32
      %broadcast_in_dim3A_77 = vector.broadcast %broadcast_in_dim3A_76 : f32 to vector<16xf32>
      %swap3A_78 = arith.index_cast %add3A_49 : i32 to index
      %swap3A_79 = arith.constant 64 : index
      %swap3A_80 = tpu.vector_load %arg9[%swap3A_78, %swap3A_79] {strides = array<i32>} : memref<80x128xf32, #tpu.memory_space<vmem>>, vector<1x16xf32>,
      %swap3A_81 = vector.shape_cast %swap3A_80 : vector<1x16xf32> to vector<16xf32>
      %swap3A_82 = vector.shape_cast %broadcast_in_dim3A_77 : vector<16xf32> to vector<1x16xf32>
      tpu.vector_store %arg9[%swap3A_78, %swap3A_79], %swap3A_82 {strides = array<i32>} : memref<80x128xf32, #tpu.memory_space<vmem>>, vector<1x16xf32>,
      %broadcast_in_dim3A_83 = arith.constant 0.000000e+00 : f32
      %broadcast_in_dim3A_84 = vector.broadcast %broadcast_in_dim3A_83 : f32 to vector<16xf32>
      %swap3A_85 = arith.index_cast %add3A_49 : i32 to index
      %swap3A_86 = arith.constant 80 : index
      %swap3A_87 = tpu.vector_load %arg9[%swap3A_85, %swap3A_86] {strides = array<i32>} : memref<80x128xf32, #tpu.memory_space<vmem>>, vector<1x16xf32>,
      %swap3A_88 = vector.shape_cast %swap3A_87 : vector<1x16xf32> to vector<16xf32>
      %swap3A_89 = vector.shape_cast %broadcast_in_dim3A_84 : vector<16xf32> to vector<1x16xf32>
      tpu.vector_store %arg9[%swap3A_85, %swap3A_86], %swap3A_89 {strides = array<i32>} : memref<80x128xf32, #tpu.memory_space<vmem>>, vector<1x16xf32>,
      %broadcast_in_dim3A_90 = arith.constant 0.000000e+00 : f32
      %broadcast_in_dim3A_91 = vector.broadcast %broadcast_in_dim3A_90 : f32 to vector<16xf32>
      %swap3A_92 = arith.index_cast %add3A_49 : i32 to index
      %swap3A_93 = arith.constant 96 : index
      %swap3A_94 = tpu.vector_load %arg9[%swap3A_92, %swap3A_93] {strides = array<i32>} : memref<80x128xf32, #tpu.memory_space<vmem>>, vector<1x16xf32>,
      %swap3A_95 = vector.shape_cast %swap3A_94 : vector<1x16xf32> to vector<16xf32>
      %swap3A_96 = vector.shape_cast %broadcast_in_dim3A_91 : vector<16xf32> to vector<1x16xf32>
      tpu.vector_store %arg9[%swap3A_92, %swap3A_93], %swap3A_96 {strides = array<i32>} : memref<80x128xf32, #tpu.memory_space<vmem>>, vector<1x16xf32>,
      %broadcast_in_dim3A_97 = arith.constant 0.000000e+00 : f32
      %broadcast_in_dim3A_98 = vector.broadcast %broadcast_in_dim3A_97 : f32 to vector<16xf32>
      %swap3A_99 = arith.index_cast %add3A_49 : i32 to index
      %swap3A_100 = arith.constant 112 : index
      %swap3A_101 = tpu.vector_load %arg9[%swap3A_99, %swap3A_100] {strides = array<i32>} : memref<80x128xf32, #tpu.memory_space<vmem>>, vector<1x16xf32>,
      %swap3A_102 = vector.shape_cast %swap3A_101 : vector<1x16xf32> to vector<16xf32>
      %swap3A_103 = vector.shape_cast %broadcast_in_dim3A_98 : vector<16xf32> to vector<1x16xf32>
      tpu.vector_store %arg9[%swap3A_99, %swap3A_100], %swap3A_103 {strides = array<i32>} : memref<80x128xf32, #tpu.memory_space<vmem>>, vector<1x16xf32>,
    }
    %scan3A_3 = arith.constant 80 : i32
    %scan3A_4 = arith.constant 0 : i32
    %scan3A_5 = arith.constant 80 : i32
    %scan3A_6 = arith.addi %scan3A_4, %scan3A_5 : i32
    %scan3A_7 = arith.constant 1 : i32
    scf.for %scan3A_46 = %scan3A_4 to %scan3A_6 step %scan3A_7  : i32 {
      %mul3A_47 = arith.constant 1 : i32
      %mul3A_48 = arith.muli %scan3A_46, %mul3A_47 : i32
      %add3A = arith.constant 0 : i32
      %add3A_49 = arith.addi %add3A, %mul3A_48 : i32
      %broadcast_in_dim3A = arith.constant 0.000000e+00 : f32
      %broadcast_in_dim3A_50 = vector.broadcast %broadcast_in_dim3A : f32 to vector<16xf32>
      %swap3A = arith.index_cast %add3A_49 : i32 to index
      %swap3A_51 = arith.constant 0 : index
      %swap3A_52 = tpu.vector_load %arg10[%swap3A, %swap3A_51] {strides = array<i32>} : memref<80x128xf32, #tpu.memory_space<vmem>>, vector<1x16xf32>,
      %swap3A_53 = vector.shape_cast %swap3A_52 : vector<1x16xf32> to vector<16xf32>
      %swap3A_54 = vector.shape_cast %broadcast_in_dim3A_50 : vector<16xf32> to vector<1x16xf32>
      tpu.vector_store %arg10[%swap3A, %swap3A_51], %swap3A_54 {strides = array<i32>} : memref<80x128xf32, #tpu.memory_space<vmem>>, vector<1x16xf32>,
      %broadcast_in_dim3A_55 = arith.constant 0.000000e+00 : f32
      %broadcast_in_dim3A_56 = vector.broadcast %broadcast_in_dim3A_55 : f32 to vector<16xf32>
      %swap3A_57 = arith.index_cast %add3A_49 : i32 to index
      %swap3A_58 = arith.constant 16 : index
      %swap3A_59 = tpu.vector_load %arg10[%swap3A_57, %swap3A_58] {strides = array<i32>} : memref<80x128xf32, #tpu.memory_space<vmem>>, vector<1x16xf32>,
      %swap3A_60 = vector.shape_cast %swap3A_59 : vector<1x16xf32> to vector<16xf32>
      %swap3A_61 = vector.shape_cast %broadcast_in_dim3A_56 : vector<16xf32> to vector<1x16xf32>
      tpu.vector_store %arg10[%swap3A_57, %swap3A_58], %swap3A_61 {strides = array<i32>} : memref<80x128xf32, #tpu.memory_space<vmem>>, vector<1x16xf32>,
      %broadcast_in_dim3A_62 = arith.constant 0.000000e+00 : f32
      %broadcast_in_dim3A_63 = vector.broadcast %broadcast_in_dim3A_62 : f32 to vector<16xf32>
      %swap3A_64 = arith.index_cast %add3A_49 : i32 to index
      %swap3A_65 = arith.constant 32 : index
      %swap3A_66 = tpu.vector_load %arg10[%swap3A_64, %swap3A_65] {strides = array<i32>} : memref<80x128xf32, #tpu.memory_space<vmem>>, vector<1x16xf32>,
      %swap3A_67 = vector.shape_cast %swap3A_66 : vector<1x16xf32> to vector<16xf32>
      %swap3A_68 = vector.shape_cast %broadcast_in_dim3A_63 : vector<16xf32> to vector<1x16xf32>
      tpu.vector_store %arg10[%swap3A_64, %swap3A_65], %swap3A_68 {strides = array<i32>} : memref<80x128xf32, #tpu.memory_space<vmem>>, vector<1x16xf32>,
      %broadcast_in_dim3A_69 = arith.constant 0.000000e+00 : f32
      %broadcast_in_dim3A_70 = vector.broadcast %broadcast_in_dim3A_69 : f32 to vector<16xf32>
      %swap3A_71 = arith.index_cast %add3A_49 : i32 to index
      %swap3A_72 = arith.constant 48 : index
      %swap3A_73 = tpu.vector_load %arg10[%swap3A_71, %swap3A_72] {strides = array<i32>} : memref<80x128xf32, #tpu.memory_space<vmem>>, vector<1x16xf32>,
      %swap3A_74 = vector.shape_cast %swap3A_73 : vector<1x16xf32> to vector<16xf32>
      %swap3A_75 = vector.shape_cast %broadcast_in_dim3A_70 : vector<16xf32> to vector<1x16xf32>
      tpu.vector_store %arg10[%swap3A_71, %swap3A_72], %swap3A_75 {strides = array<i32>} : memref<80x128xf32, #tpu.memory_space<vmem>>, vector<1x16xf32>,
      %broadcast_in_dim3A_76 = arith.constant 0.000000e+00 : f32
      %broadcast_in_dim3A_77 = vector.broadcast %broadcast_in_dim3A_76 : f32 to vector<16xf32>
      %swap3A_78 = arith.index_cast %add3A_49 : i32 to index
      %swap3A_79 = arith.constant 64 : index
      %swap3A_80 = tpu.vector_load %arg10[%swap3A_78, %swap3A_79] {strides = array<i32>} : memref<80x128xf32, #tpu.memory_space<vmem>>, vector<1x16xf32>,
      %swap3A_81 = vector.shape_cast %swap3A_80 : vector<1x16xf32> to vector<16xf32>
      %swap3A_82 = vector.shape_cast %broadcast_in_dim3A_77 : vector<16xf32> to vector<1x16xf32>
      tpu.vector_store %arg10[%swap3A_78, %swap3A_79], %swap3A_82 {strides = array<i32>} : memref<80x128xf32, #tpu.memory_space<vmem>>, vector<1x16xf32>,
      %broadcast_in_dim3A_83 = arith.constant 0.000000e+00 : f32
      %broadcast_in_dim3A_84 = vector.broadcast %broadcast_in_dim3A_83 : f32 to vector<16xf32>
      %swap3A_85 = arith.index_cast %add3A_49 : i32 to index
      %swap3A_86 = arith.constant 80 : index
      %swap3A_87 = tpu.vector_load %arg10[%swap3A_85, %swap3A_86] {strides = array<i32>} : memref<80x128xf32, #tpu.memory_space<vmem>>, vector<1x16xf32>,
      %swap3A_88 = vector.shape_cast %swap3A_87 : vector<1x16xf32> to vector<16xf32>
      %swap3A_89 = vector.shape_cast %broadcast_in_dim3A_84 : vector<16xf32> to vector<1x16xf32>
      tpu.vector_store %arg10[%swap3A_85, %swap3A_86], %swap3A_89 {strides = array<i32>} : memref<80x128xf32, #tpu.memory_space<vmem>>, vector<1x16xf32>,
      %broadcast_in_dim3A_90 = arith.constant 0.000000e+00 : f32
      %broadcast_in_dim3A_91 = vector.broadcast %broadcast_in_dim3A_90 : f32 to vector<16xf32>
      %swap3A_92 = arith.index_cast %add3A_49 : i32 to index
      %swap3A_93 = arith.constant 96 : index
      %swap3A_94 = tpu.vector_load %arg10[%swap3A_92, %swap3A_93] {strides = array<i32>} : memref<80x128xf32, #tpu.memory_space<vmem>>, vector<1x16xf32>,
      %swap3A_95 = vector.shape_cast %swap3A_94 : vector<1x16xf32> to vector<16xf32>
      %swap3A_96 = vector.shape_cast %broadcast_in_dim3A_91 : vector<16xf32> to vector<1x16xf32>
      tpu.vector_store %arg10[%swap3A_92, %swap3A_93], %swap3A_96 {strides = array<i32>} : memref<80x128xf32, #tpu.memory_space<vmem>>, vector<1x16xf32>,
      %broadcast_in_dim3A_97 = arith.constant 0.000000e+00 : f32
      %broadcast_in_dim3A_98 = vector.broadcast %broadcast_in_dim3A_97 : f32 to vector<16xf32>
      %swap3A_99 = arith.index_cast %add3A_49 : i32 to index
      %swap3A_100 = arith.constant 112 : index
      %swap3A_101 = tpu.vector_load %arg10[%swap3A_99, %swap3A_100] {strides = array<i32>} : memref<80x128xf32, #tpu.memory_space<vmem>>, vector<1x16xf32>,
      %swap3A_102 = vector.shape_cast %swap3A_101 : vector<1x16xf32> to vector<16xf32>
      %swap3A_103 = vector.shape_cast %broadcast_in_dim3A_98 : vector<16xf32> to vector<1x16xf32>
      tpu.vector_store %arg10[%swap3A_99, %swap3A_100], %swap3A_103 {strides = array<i32>} : memref<80x128xf32, #tpu.memory_space<vmem>>, vector<1x16xf32>,
    }
    %scan3A_8 = arith.constant 80 : i32
    %scan3A_9 = arith.constant 0 : i32
    %scan3A_10 = arith.constant 4 : i32
    %scan3A_11 = arith.addi %scan3A_9, %scan3A_10 : i32
    %scan3A_12 = arith.constant 1 : i32
    scf.for %scan3A_46 = %scan3A_9 to %scan3A_11 step %scan3A_12  : i32 {
      %mul3A_47 = arith.constant 1 : i32
      %mul3A_48 = arith.muli %scan3A_46, %mul3A_47 : i32
      %add3A = arith.constant 0 : i32
      %add3A_49 = arith.addi %add3A, %mul3A_48 : i32
      %mul3A_50 = arith.constant 640 : i32
      %mul3A_51 = arith.muli %arg1, %mul3A_50 : i32
      %mul3A_52 = arith.constant 2 : i32
      %mul3A_53 = arith.muli %mul3A_52, %add3A_49 : i32
      %mul3A_54 = arith.constant 80 : i32
      %mul3A_55 = arith.muli %mul3A_53, %mul3A_54 : i32
      %add3A_56 = arith.addi %mul3A_51, %mul3A_55 : i32
      "tpu.region"() ({
        %run_scoped3A_66 = tpu.sem_alloc : memref<!tpu.dma_semaphore, #tpu.memory_space<semaphore_mem>>
        %dma_start3A_67 = arith.constant 0 : i32
        %dma_start3A_68 = tpu.memref_slice %arg13[%add3A_56, %dma_start3A_67] : memref<10240x128xf32, #tpu.memory_space<vmem_shared>> -> memref<80x128xf32, #tpu.memory_space<vmem_shared>>
        %dma_start3A_69 = arith.constant 0 : i32
        %dma_start3A_70 = tpu.memref_slice %arg13[%add3A_56, %dma_start3A_69] : memref<10240x128xf32, #tpu.memory_space<vmem_shared>> -> memref<80x128xf32, #tpu.memory_space<vmem_shared>>
        tpu.enqueue_dma source(%arg9 : memref<80x128xf32, #tpu.memory_space<vmem>>) target(%dma_start3A_70 : memref<80x128xf32, #tpu.memory_space<vmem_shared>>) target_semaphore(%run_scoped3A_66 : memref<!tpu.dma_semaphore, #tpu.memory_space<semaphore_mem>>)
        %dma_wait3A = arith.constant 0 : i32
        %dma_wait3A_71 = tpu.memref_slice %arg13[%add3A_56, %dma_wait3A] : memref<10240x128xf32, #tpu.memory_space<vmem_shared>> -> memref<80x128xf32, #tpu.memory_space<vmem_shared>>
        %dma_wait3A_72 = arith.constant 0 : i32
        %dma_wait3A_73 = tpu.memref_slice %arg13[%add3A_56, %dma_wait3A_72] : memref<10240x128xf32, #tpu.memory_space<vmem_shared>> -> memref<80x128xf32, #tpu.memory_space<vmem_shared>>
        tpu.wait_dma2 semaphore(%run_scoped3A_66 : memref<!tpu.dma_semaphore, #tpu.memory_space<semaphore_mem>>) src(%arg9 : memref<80x128xf32, #tpu.memory_space<vmem>>) dst(%dma_wait3A_73 : memref<80x128xf32, #tpu.memory_space<vmem_shared>>)
        tpu.yield
      }) : () -> ()
      %mul3A_57 = arith.constant 640 : i32
      %mul3A_58 = arith.muli %arg1, %mul3A_57 : i32
      %mul3A_59 = arith.constant 2 : i32
      %mul3A_60 = arith.muli %mul3A_59, %add3A_49 : i32
      %add3A_61 = arith.constant 1 : i32
      %add3A_62 = arith.addi %mul3A_60, %add3A_61 : i32
      %mul3A_63 = arith.constant 80 : i32
      %mul3A_64 = arith.muli %add3A_62, %mul3A_63 : i32
      %add3A_65 = arith.addi %mul3A_58, %mul3A_64 : i32
      "tpu.region"() ({
        %run_scoped3A_66 = tpu.sem_alloc : memref<!tpu.dma_semaphore, #tpu.memory_space<semaphore_mem>>
        %dma_start3A_67 = arith.constant 0 : i32
        %dma_start3A_68 = tpu.memref_slice %arg13[%add3A_65, %dma_start3A_67] : memref<10240x128xf32, #tpu.memory_space<vmem_shared>> -> memref<80x128xf32, #tpu.memory_space<vmem_shared>>
        %dma_start3A_69 = arith.constant 0 : i32
        %dma_start3A_70 = tpu.memref_slice %arg13[%add3A_65, %dma_start3A_69] : memref<10240x128xf32, #tpu.memory_space<vmem_shared>> -> memref<80x128xf32, #tpu.memory_space<vmem_shared>>
        tpu.enqueue_dma source(%arg10 : memref<80x128xf32, #tpu.memory_space<vmem>>) target(%dma_start3A_70 : memref<80x128xf32, #tpu.memory_space<vmem_shared>>) target_semaphore(%run_scoped3A_66 : memref<!tpu.dma_semaphore, #tpu.memory_space<semaphore_mem>>)
        %dma_wait3A = arith.constant 0 : i32
        %dma_wait3A_71 = tpu.memref_slice %arg13[%add3A_65, %dma_wait3A] : memref<10240x128xf32, #tpu.memory_space<vmem_shared>> -> memref<80x128xf32, #tpu.memory_space<vmem_shared>>
        %dma_wait3A_72 = arith.constant 0 : i32
        %dma_wait3A_73 = tpu.memref_slice %arg13[%add3A_65, %dma_wait3A_72] : memref<10240x128xf32, #tpu.memory_space<vmem_shared>> -> memref<80x128xf32, #tpu.memory_space<vmem_shared>>
        tpu.wait_dma2 semaphore(%run_scoped3A_66 : memref<!tpu.dma_semaphore, #tpu.memory_space<semaphore_mem>>) src(%arg10 : memref<80x128xf32, #tpu.memory_space<vmem>>) dst(%dma_wait3A_73 : memref<80x128xf32, #tpu.memory_space<vmem_shared>>)
        tpu.yield
      }) : () -> ()
    }
    %scan3A_13 = arith.constant 4 : i32
    %barrier3A = arith.constant 0 : index
    tpu.barrier barrier_id(%barrier3A)
    %run_scoped3A = arith.constant 0 : i32
    "tpu.region"() ({
      %run_scoped3A_46 = tpu.sem_alloc : memref<!tpu.dma_semaphore, #tpu.memory_space<semaphore_mem>>
      %dma_start3A_47 = arith.constant 0 : i32
      %dma_start3A_48 = arith.constant 0 : i32
      %dma_start3A_49 = tpu.memref_slice %arg3[%arg0, %arg1, %run_scoped3A, %dma_start3A_47, %dma_start3A_48] : memref<2x16x128x2x80xi32, #tpu.memory_space<hbm>> -> memref<1x1x1x2x80xi32, #tpu.memory_space<hbm>>
      %dma_start3A_50 = tpu.memref_squeeze %dma_start3A_49 : memref<1x1x1x2x80xi32, #tpu.memory_space<hbm>> -> memref<2x80xi32, #tpu.memory_space<hbm>>
      %dma_start3A_51 = arith.constant 0 : i32
      %dma_start3A_52 = arith.constant 0 : i32
      %dma_start3A_53 = tpu.memref_slice %arg3[%arg0, %arg1, %run_scoped3A, %dma_start3A_51, %dma_start3A_52] : memref<2x16x128x2x80xi32, #tpu.memory_space<hbm>> -> memref<1x1x1x2x80xi32, #tpu.memory_space<hbm>>
      %dma_start3A_54 = tpu.memref_squeeze %dma_start3A_53 : memref<1x1x1x2x80xi32, #tpu.memory_space<hbm>> -> memref<2x80xi32, #tpu.memory_space<hbm>>
      tpu.enqueue_dma source(%dma_start3A_54 : memref<2x80xi32, #tpu.memory_space<hbm>>) target(%arg5 : memref<2x80xi32, #tpu.memory_space<vmem>>) target_semaphore(%run_scoped3A_46 : memref<!tpu.dma_semaphore, #tpu.memory_space<semaphore_mem>>)
      %dma_wait3A = arith.constant 0 : i32
      %dma_wait3A_55 = arith.constant 0 : i32
      %dma_wait3A_56 = tpu.memref_slice %arg3[%arg0, %arg1, %run_scoped3A, %dma_wait3A, %dma_wait3A_55] : memref<2x16x128x2x80xi32, #tpu.memory_space<hbm>> -> memref<1x1x1x2x80xi32, #tpu.memory_space<hbm>>
      %dma_wait3A_57 = tpu.memref_squeeze %dma_wait3A_56 : memref<1x1x1x2x80xi32, #tpu.memory_space<hbm>> -> memref<2x80xi32, #tpu.memory_space<hbm>>
      %dma_wait3A_58 = arith.constant 0 : i32
      %dma_wait3A_59 = arith.constant 0 : i32
      %dma_wait3A_60 = tpu.memref_slice %arg3[%arg0, %arg1, %run_scoped3A, %dma_wait3A_58, %dma_wait3A_59] : memref<2x16x128x2x80xi32, #tpu.memory_space<hbm>> -> memref<1x1x1x2x80xi32, #tpu.memory_space<hbm>>
      %dma_wait3A_61 = tpu.memref_squeeze %dma_wait3A_60 : memref<1x1x1x2x80xi32, #tpu.memory_space<hbm>> -> memref<2x80xi32, #tpu.memory_space<hbm>>
      tpu.wait_dma2 semaphore(%run_scoped3A_46 : memref<!tpu.dma_semaphore, #tpu.memory_space<semaphore_mem>>) src(%dma_wait3A_61 : memref<2x80xi32, #tpu.memory_space<hbm>>) dst(%arg5 : memref<2x80xi32, #tpu.memory_space<vmem>>)
      tpu.yield
    }) : () -> ()
    %run_scoped3A_14 = arith.constant 1 : i32
    "tpu.region"() ({
      %run_scoped3A_46 = tpu.sem_alloc : memref<!tpu.dma_semaphore, #tpu.memory_space<semaphore_mem>>
      %dma_start3A_47 = arith.constant 0 : i32
      %dma_start3A_48 = arith.constant 0 : i32
      %dma_start3A_49 = tpu.memref_slice %arg3[%arg0, %arg1, %run_scoped3A_14, %dma_start3A_47, %dma_start3A_48] : memref<2x16x128x2x80xi32, #tpu.memory_space<hbm>> -> memref<1x1x1x2x80xi32, #tpu.memory_space<hbm>>
      %dma_start3A_50 = tpu.memref_squeeze %dma_start3A_49 : memref<1x1x1x2x80xi32, #tpu.memory_space<hbm>> -> memref<2x80xi32, #tpu.memory_space<hbm>>
      %dma_start3A_51 = arith.constant 0 : i32
      %dma_start3A_52 = arith.constant 0 : i32
      %dma_start3A_53 = tpu.memref_slice %arg3[%arg0, %arg1, %run_scoped3A_14, %dma_start3A_51, %dma_start3A_52] : memref<2x16x128x2x80xi32, #tpu.memory_space<hbm>> -> memref<1x1x1x2x80xi32, #tpu.memory_space<hbm>>
      %dma_start3A_54 = tpu.memref_squeeze %dma_start3A_53 : memref<1x1x1x2x80xi32, #tpu.memory_space<hbm>> -> memref<2x80xi32, #tpu.memory_space<hbm>>
      tpu.enqueue_dma source(%dma_start3A_54 : memref<2x80xi32, #tpu.memory_space<hbm>>) target(%arg6 : memref<2x80xi32, #tpu.memory_space<vmem>>) target_semaphore(%run_scoped3A_46 : memref<!tpu.dma_semaphore, #tpu.memory_space<semaphore_mem>>)
      %dma_wait3A = arith.constant 0 : i32
      %dma_wait3A_55 = arith.constant 0 : i32
      %dma_wait3A_56 = tpu.memref_slice %arg3[%arg0, %arg1, %run_scoped3A_14, %dma_wait3A, %dma_wait3A_55] : memref<2x16x128x2x80xi32, #tpu.memory_space<hbm>> -> memref<1x1x1x2x80xi32, #tpu.memory_space<hbm>>
      %dma_wait3A_57 = tpu.memref_squeeze %dma_wait3A_56 : memref<1x1x1x2x80xi32, #tpu.memory_space<hbm>> -> memref<2x80xi32, #tpu.memory_space<hbm>>
      %dma_wait3A_58 = arith.constant 0 : i32
      %dma_wait3A_59 = arith.constant 0 : i32
      %dma_wait3A_60 = tpu.memref_slice %arg3[%arg0, %arg1, %run_scoped3A_14, %dma_wait3A_58, %dma_wait3A_59] : memref<2x16x128x2x80xi32, #tpu.memory_space<hbm>> -> memref<1x1x1x2x80xi32, #tpu.memory_space<hbm>>
      %dma_wait3A_61 = tpu.memref_squeeze %dma_wait3A_60 : memref<1x1x1x2x80xi32, #tpu.memory_space<hbm>> -> memref<2x80xi32, #tpu.memory_space<hbm>>
      tpu.wait_dma2 semaphore(%run_scoped3A_46 : memref<!tpu.dma_semaphore, #tpu.memory_space<semaphore_mem>>) src(%dma_wait3A_61 : memref<2x80xi32, #tpu.memory_space<hbm>>) dst(%arg6 : memref<2x80xi32, #tpu.memory_space<vmem>>)
      tpu.yield
    }) : () -> ()
    %run_scoped3A_15 = arith.constant 2 : i32
    "tpu.region"() ({
      %run_scoped3A_46 = tpu.sem_alloc : memref<!tpu.dma_semaphore, #tpu.memory_space<semaphore_mem>>
      %dma_start3A_47 = arith.constant 0 : i32
      %dma_start3A_48 = arith.constant 0 : i32
      %dma_start3A_49 = tpu.memref_slice %arg3[%arg0, %arg1, %run_scoped3A_15, %dma_start3A_47, %dma_start3A_48] : memref<2x16x128x2x80xi32, #tpu.memory_space<hbm>> -> memref<1x1x1x2x80xi32, #tpu.memory_space<hbm>>
      %dma_start3A_50 = tpu.memref_squeeze %dma_start3A_49 : memref<1x1x1x2x80xi32, #tpu.memory_space<hbm>> -> memref<2x80xi32, #tpu.memory_space<hbm>>
      %dma_start3A_51 = arith.constant 0 : i32
      %dma_start3A_52 = arith.constant 0 : i32
      %dma_start3A_53 = tpu.memref_slice %arg3[%arg0, %arg1, %run_scoped3A_15, %dma_start3A_51, %dma_start3A_52] : memref<2x16x128x2x80xi32, #tpu.memory_space<hbm>> -> memref<1x1x1x2x80xi32, #tpu.memory_space<hbm>>
      %dma_start3A_54 = tpu.memref_squeeze %dma_start3A_53 : memref<1x1x1x2x80xi32, #tpu.memory_space<hbm>> -> memref<2x80xi32, #tpu.memory_space<hbm>>
      tpu.enqueue_dma source(%dma_start3A_54 : memref<2x80xi32, #tpu.memory_space<hbm>>) target(%arg7 : memref<2x80xi32, #tpu.memory_space<vmem>>) target_semaphore(%run_scoped3A_46 : memref<!tpu.dma_semaphore, #tpu.memory_space<semaphore_mem>>)
      %dma_wait3A = arith.constant 0 : i32
      %dma_wait3A_55 = arith.constant 0 : i32
      %dma_wait3A_56 = tpu.memref_slice %arg3[%arg0, %arg1, %run_scoped3A_15, %dma_wait3A, %dma_wait3A_55] : memref<2x16x128x2x80xi32, #tpu.memory_space<hbm>> -> memref<1x1x1x2x80xi32, #tpu.memory_space<hbm>>
      %dma_wait3A_57 = tpu.memref_squeeze %dma_wait3A_56 : memref<1x1x1x2x80xi32, #tpu.memory_space<hbm>> -> memref<2x80xi32, #tpu.memory_space<hbm>>
      %dma_wait3A_58 = arith.constant 0 : i32
      %dma_wait3A_59 = arith.constant 0 : i32
      %dma_wait3A_60 = tpu.memref_slice %arg3[%arg0, %arg1, %run_scoped3A_15, %dma_wait3A_58, %dma_wait3A_59] : memref<2x16x128x2x80xi32, #tpu.memory_space<hbm>> -> memref<1x1x1x2x80xi32, #tpu.memory_space<hbm>>
      %dma_wait3A_61 = tpu.memref_squeeze %dma_wait3A_60 : memref<1x1x1x2x80xi32, #tpu.memory_space<hbm>> -> memref<2x80xi32, #tpu.memory_space<hbm>>
      tpu.wait_dma2 semaphore(%run_scoped3A_46 : memref<!tpu.dma_semaphore, #tpu.memory_space<semaphore_mem>>) src(%dma_wait3A_61 : memref<2x80xi32, #tpu.memory_space<hbm>>) dst(%arg7 : memref<2x80xi32, #tpu.memory_space<vmem>>)
      tpu.yield
    }) : () -> ()
    %run_scoped3A_16 = arith.constant 3 : i32
    "tpu.region"() ({
      %run_scoped3A_46 = tpu.sem_alloc : memref<!tpu.dma_semaphore, #tpu.memory_space<semaphore_mem>>
      %dma_start3A_47 = arith.constant 0 : i32
      %dma_start3A_48 = arith.constant 0 : i32
      %dma_start3A_49 = tpu.memref_slice %arg3[%arg0, %arg1, %run_scoped3A_16, %dma_start3A_47, %dma_start3A_48] : memref<2x16x128x2x80xi32, #tpu.memory_space<hbm>> -> memref<1x1x1x2x80xi32, #tpu.memory_space<hbm>>
      %dma_start3A_50 = tpu.memref_squeeze %dma_start3A_49 : memref<1x1x1x2x80xi32, #tpu.memory_space<hbm>> -> memref<2x80xi32, #tpu.memory_space<hbm>>
      %dma_start3A_51 = arith.constant 0 : i32
      %dma_start3A_52 = arith.constant 0 : i32
      %dma_start3A_53 = tpu.memref_slice %arg3[%arg0, %arg1, %run_scoped3A_16, %dma_start3A_51, %dma_start3A_52] : memref<2x16x128x2x80xi32, #tpu.memory_space<hbm>> -> memref<1x1x1x2x80xi32, #tpu.memory_space<hbm>>
      %dma_start3A_54 = tpu.memref_squeeze %dma_start3A_53 : memref<1x1x1x2x80xi32, #tpu.memory_space<hbm>> -> memref<2x80xi32, #tpu.memory_space<hbm>>
      tpu.enqueue_dma source(%dma_start3A_54 : memref<2x80xi32, #tpu.memory_space<hbm>>) target(%arg8 : memref<2x80xi32, #tpu.memory_space<vmem>>) target_semaphore(%run_scoped3A_46 : memref<!tpu.dma_semaphore, #tpu.memory_space<semaphore_mem>>)
      %dma_wait3A = arith.constant 0 : i32
      %dma_wait3A_55 = arith.constant 0 : i32
      %dma_wait3A_56 = tpu.memref_slice %arg3[%arg0, %arg1, %run_scoped3A_16, %dma_wait3A, %dma_wait3A_55] : memref<2x16x128x2x80xi32, #tpu.memory_space<hbm>> -> memref<1x1x1x2x80xi32, #tpu.memory_space<hbm>>
      %dma_wait3A_57 = tpu.memref_squeeze %dma_wait3A_56 : memref<1x1x1x2x80xi32, #tpu.memory_space<hbm>> -> memref<2x80xi32, #tpu.memory_space<hbm>>
      %dma_wait3A_58 = arith.constant 0 : i32
      %dma_wait3A_59 = arith.constant 0 : i32
      %dma_wait3A_60 = tpu.memref_slice %arg3[%arg0, %arg1, %run_scoped3A_16, %dma_wait3A_58, %dma_wait3A_59] : memref<2x16x128x2x80xi32, #tpu.memory_space<hbm>> -> memref<1x1x1x2x80xi32, #tpu.memory_space<hbm>>
      %dma_wait3A_61 = tpu.memref_squeeze %dma_wait3A_60 : memref<1x1x1x2x80xi32, #tpu.memory_space<hbm>> -> memref<2x80xi32, #tpu.memory_space<hbm>>
      tpu.wait_dma2 semaphore(%run_scoped3A_46 : memref<!tpu.dma_semaphore, #tpu.memory_space<semaphore_mem>>) src(%dma_wait3A_61 : memref<2x80xi32, #tpu.memory_space<hbm>>) dst(%arg8 : memref<2x80xi32, #tpu.memory_space<vmem>>)
      tpu.yield
    }) : () -> ()
    %dma_start3A = arith.constant 0 : i32
    %dma_start3A_17 = arith.constant 0 : i32
    %dma_start3A_18 = tpu.memref_slice %arg5[%dma_start3A, %dma_start3A_17] : memref<2x80xi32, #tpu.memory_space<vmem>> -> memref<1x80xi32, #tpu.memory_space<vmem>>
    %dma_start3A_19 = tpu.memref_squeeze %dma_start3A_18 : memref<1x80xi32, #tpu.memory_space<vmem>> -> memref<80xi32, #tpu.memory_space<vmem>>
    %dma_start3A_20 = arith.constant 0 : i32
    %dma_start3A_21 = arith.constant 0 : i32
    %dma_start3A_22 = tpu.memref_slice %arg2[%dma_start3A_20, %dma_start3A_21] : memref<10000x128xf32, #tpu.memory_space<hbm>> -> memref<10000x128xf32, #tpu.memory_space<hbm>>
    tpu.enqueue_indirect_dma source(%dma_start3A_22 : memref<10000x128xf32, #tpu.memory_space<hbm>>) target(%arg9 : memref<80x128xf32, #tpu.memory_space<vmem>>) offsets(%dma_start3A_19 : memref<80xi32, #tpu.memory_space<vmem>>) semaphore(%arg14 : memref<!tpu.dma_semaphore, #tpu.memory_space<semaphore_mem>>)
    %dma_start3A_23 = arith.constant 0 : i32
    %dma_start3A_24 = arith.constant 0 : i32
    %dma_start3A_25 = tpu.memref_slice %arg6[%dma_start3A_23, %dma_start3A_24] : memref<2x80xi32, #tpu.memory_space<vmem>> -> memref<1x80xi32, #tpu.memory_space<vmem>>
    %dma_start3A_26 = tpu.memref_squeeze %dma_start3A_25 : memref<1x80xi32, #tpu.memory_space<vmem>> -> memref<80xi32, #tpu.memory_space<vmem>>
    %dma_start3A_27 = arith.constant 0 : i32
    %dma_start3A_28 = arith.constant 0 : i32
    %dma_start3A_29 = tpu.memref_slice %arg2[%dma_start3A_27, %dma_start3A_28] : memref<10000x128xf32, #tpu.memory_space<hbm>> -> memref<10000x128xf32, #tpu.memory_space<hbm>>
    tpu.enqueue_indirect_dma source(%dma_start3A_29 : memref<10000x128xf32, #tpu.memory_space<hbm>>) target(%arg10 : memref<80x128xf32, #tpu.memory_space<vmem>>) offsets(%dma_start3A_26 : memref<80xi32, #tpu.memory_space<vmem>>) semaphore(%arg15 : memref<!tpu.dma_semaphore, #tpu.memory_space<semaphore_mem>>)
    %dma_start3A_30 = arith.constant 0 : i32
    %dma_start3A_31 = arith.constant 0 : i32
    %dma_start3A_32 = tpu.memref_slice %arg7[%dma_start3A_30, %dma_start3A_31] : memref<2x80xi32, #tpu.memory_space<vmem>> -> memref<1x80xi32, #tpu.memory_space<vmem>>
    %dma_start3A_33 = tpu.memref_squeeze %dma_start3A_32 : memref<1x80xi32, #tpu.memory_space<vmem>> -> memref<80xi32, #tpu.memory_space<vmem>>
    %dma_start3A_34 = arith.constant 0 : i32
    %dma_start3A_35 = arith.constant 0 : i32
    %dma_start3A_36 = tpu.memref_slice %arg2[%dma_start3A_34, %dma_start3A_35] : memref<10000x128xf32, #tpu.memory_space<hbm>> -> memref<10000x128xf32, #tpu.memory_space<hbm>>
    tpu.enqueue_indirect_dma source(%dma_start3A_36 : memref<10000x128xf32, #tpu.memory_space<hbm>>) target(%arg11 : memref<80x128xf32, #tpu.memory_space<vmem>>) offsets(%dma_start3A_33 : memref<80xi32, #tpu.memory_space<vmem>>) semaphore(%arg16 : memref<!tpu.dma_semaphore, #tpu.memory_space<semaphore_mem>>)
    %scan3A_37 = arith.constant 0 : i32
    %scan3A_38 = arith.constant 128 : i32
    %scan3A_39 = arith.addi %scan3A_37, %scan3A_38 : i32
    %scan3A_40 = arith.constant 1 : i32
    scf.for %scan3A_46 = %scan3A_37 to %scan3A_39 step %scan3A_40  : i32 {
      %mul3A_47 = arith.constant 1 : i32
      %mul3A_48 = arith.muli %scan3A_46, %mul3A_47 : i32
      %add3A = arith.constant 0 : i32
      %add3A_49 = arith.addi %add3A, %mul3A_48 : i32
      %jit3A = arith.constant 4 : i32
      %eq3A = arith.constant 0 : i32
      %eq3A_50 = arith.cmpi eq, %jit3A, %eq3A : i32
      %jit3A_51 = arith.constant 1 : i32
      %select_n3A = arith.select %eq3A_50, %jit3A_51, %jit3A : i32
      %rem3A = arith.remsi %add3A_49, %select_n3A : i32
      %ne3A = arith.constant 0 : i32
      %ne3A_52 = arith.cmpi ne, %rem3A, %ne3A : i32
      %lt3A = arith.constant 0 : i32
      %lt3A_53 = arith.cmpi slt, %rem3A, %lt3A : i32
      %lt3A_54 = arith.constant 0 : i32
      %lt3A_55 = arith.cmpi slt, %select_n3A, %lt3A_54 : i32
      %ne3A_56 = arith.xori %lt3A_53, %lt3A_55 : i1
      %and3A = arith.andi %ne3A_56, %ne3A_52 : i1
      %add3A_57 = arith.addi %rem3A, %select_n3A : i32
      %select_n3A_58 = arith.select %and3A, %add3A_57, %rem3A : i32
      %eq3A_59 = arith.constant 0 : i32
      %eq3A_60 = arith.cmpi eq, %select_n3A_58, %eq3A_59 : i32
      %convert_element_type3A = arith.extui %eq3A_60 : i1 to i32
      %cond3A = arith.constant 0 : i32
      %cond3A_61 = arith.cmpi ne, %convert_element_type3A, %cond3A : i32
      scf.if %cond3A_61 {
        %dma_wait3A = arith.constant 0 : i32
        %dma_wait3A_125 = arith.constant 0 : i32
        %dma_wait3A_126 = tpu.memref_slice %arg5[%dma_wait3A, %dma_wait3A_125] : memref<2x80xi32, #tpu.memory_space<vmem>> -> memref<1x80xi32, #tpu.memory_space<vmem>>
        %dma_wait3A_127 = tpu.memref_squeeze %dma_wait3A_126 : memref<1x80xi32, #tpu.memory_space<vmem>> -> memref<80xi32, #tpu.memory_space<vmem>>
        %dma_wait3A_128 = arith.constant 0 : i32
        %dma_wait3A_129 = arith.constant 0 : i32
        %dma_wait3A_130 = tpu.memref_slice %arg2[%dma_wait3A_128, %dma_wait3A_129] : memref<10000x128xf32, #tpu.memory_space<hbm>> -> memref<10000x128xf32, #tpu.memory_space<hbm>>
        tpu.wait_indirect_dma semaphore(%arg14 : memref<!tpu.dma_semaphore, #tpu.memory_space<semaphore_mem>>) src(%dma_wait3A_130 : memref<10000x128xf32, #tpu.memory_space<hbm>>) dst(%arg9 : memref<80x128xf32, #tpu.memory_space<vmem>>)
        %run_scoped3A_131 = arith.constant 1 : i32
        "tpu.region"() ({
          %run_scoped3A_147 = tpu.sem_alloc : memref<!tpu.dma_semaphore, #tpu.memory_space<semaphore_mem>>
          %dma_start3A_148 = arith.constant 0 : i32
          %dma_start3A_149 = tpu.memref_slice %arg5[%run_scoped3A_131, %dma_start3A_148] : memref<2x80xi32, #tpu.memory_space<vmem>> -> memref<1x80xi32, #tpu.memory_space<vmem>>
          %dma_start3A_150 = tpu.memref_squeeze %dma_start3A_149 : memref<1x80xi32, #tpu.memory_space<vmem>> -> memref<80xi32, #tpu.memory_space<vmem>>
          %dma_start3A_151 = arith.constant 0 : i32
          %dma_start3A_152 = arith.constant 0 : i32
          %dma_start3A_153 = tpu.memref_slice %arg13[%dma_start3A_151, %dma_start3A_152] : memref<10240x128xf32, #tpu.memory_space<vmem_shared>> -> memref<10240x128xf32, #tpu.memory_space<vmem_shared>>
          tpu.enqueue_indirect_dma source(%arg9 : memref<80x128xf32, #tpu.memory_space<vmem>>) target(%dma_start3A_153 : memref<10240x128xf32, #tpu.memory_space<vmem_shared>>) offsets(%dma_start3A_150 : memref<80xi32, #tpu.memory_space<vmem>>) semaphore(%run_scoped3A_147 : memref<!tpu.dma_semaphore, #tpu.memory_space<semaphore_mem>>) {add = true}
          %dma_wait3A_154 = arith.constant 0 : i32
          %dma_wait3A_155 = tpu.memref_slice %arg5[%run_scoped3A_131, %dma_wait3A_154] : memref<2x80xi32, #tpu.memory_space<vmem>> -> memref<1x80xi32, #tpu.memory_space<vmem>>
          %dma_wait3A_156 = tpu.memref_squeeze %dma_wait3A_155 : memref<1x80xi32, #tpu.memory_space<vmem>> -> memref<80xi32, #tpu.memory_space<vmem>>
          %dma_wait3A_157 = arith.constant 0 : i32
          %dma_wait3A_158 = arith.constant 0 : i32
          %dma_wait3A_159 = tpu.memref_slice %arg13[%dma_wait3A_157, %dma_wait3A_158] : memref<10240x128xf32, #tpu.memory_space<vmem_shared>> -> memref<10240x128xf32, #tpu.memory_space<vmem_shared>>
          tpu.wait_indirect_dma semaphore(%run_scoped3A_147 : memref<!tpu.dma_semaphore, #tpu.memory_space<semaphore_mem>>) src(%arg9 : memref<80x128xf32, #tpu.memory_space<vmem>>) dst(%dma_wait3A_159 : memref<10240x128xf32, #tpu.memory_space<vmem_shared>>)
          tpu.yield
        }) : () -> ()
        %add3A_132 = arith.constant 4 : i32
        %add3A_133 = arith.addi %add3A_49, %add3A_132 : i32
        %lt3A_134 = arith.constant 128 : i32
        %lt3A_135 = arith.cmpi slt, %add3A_133, %lt3A_134 : i32
        %convert_element_type3A_136 = arith.extui %lt3A_135 : i1 to i32
        %cond3A_137 = arith.constant 0 : i32
        %cond3A_138 = arith.cmpi ne, %convert_element_type3A_136, %cond3A_137 : i32
        scf.if %cond3A_138 {
          %add3A_147 = arith.constant 4 : i32
          %add3A_148 = arith.addi %add3A_49, %add3A_147 : i32
          "tpu.region"() ({
            %run_scoped3A_149 = tpu.sem_alloc : memref<!tpu.dma_semaphore, #tpu.memory_space<semaphore_mem>>
            %dma_start3A_150 = arith.constant 0 : i32
            %dma_start3A_151 = arith.constant 0 : i32
            %dma_start3A_152 = tpu.memref_slice %arg3[%arg0, %arg1, %add3A_148, %dma_start3A_150, %dma_start3A_151] : memref<2x16x128x2x80xi32, #tpu.memory_space<hbm>> -> memref<1x1x1x2x80xi32, #tpu.memory_space<hbm>>
            %dma_start3A_153 = tpu.memref_squeeze %dma_start3A_152 : memref<1x1x1x2x80xi32, #tpu.memory_space<hbm>> -> memref<2x80xi32, #tpu.memory_space<hbm>>
            %dma_start3A_154 = arith.constant 0 : i32
            %dma_start3A_155 = arith.constant 0 : i32
            %dma_start3A_156 = tpu.memref_slice %arg3[%arg0, %arg1, %add3A_148, %dma_start3A_154, %dma_start3A_155] : memref<2x16x128x2x80xi32, #tpu.memory_space<hbm>> -> memref<1x1x1x2x80xi32, #tpu.memory_space<hbm>>
            %dma_start3A_157 = tpu.memref_squeeze %dma_start3A_156 : memref<1x1x1x2x80xi32, #tpu.memory_space<hbm>> -> memref<2x80xi32, #tpu.memory_space<hbm>>
            tpu.enqueue_dma source(%dma_start3A_157 : memref<2x80xi32, #tpu.memory_space<hbm>>) target(%arg5 : memref<2x80xi32, #tpu.memory_space<vmem>>) target_semaphore(%run_scoped3A_149 : memref<!tpu.dma_semaphore, #tpu.memory_space<semaphore_mem>>)
            %dma_wait3A_158 = arith.constant 0 : i32
            %dma_wait3A_159 = arith.constant 0 : i32
            %dma_wait3A_160 = tpu.memref_slice %arg3[%arg0, %arg1, %add3A_148, %dma_wait3A_158, %dma_wait3A_159] : memref<2x16x128x2x80xi32, #tpu.memory_space<hbm>> -> memref<1x1x1x2x80xi32, #tpu.memory_space<hbm>>
            %dma_wait3A_161 = tpu.memref_squeeze %dma_wait3A_160 : memref<1x1x1x2x80xi32, #tpu.memory_space<hbm>> -> memref<2x80xi32, #tpu.memory_space<hbm>>
            %dma_wait3A_162 = arith.constant 0 : i32
            %dma_wait3A_163 = arith.constant 0 : i32
            %dma_wait3A_164 = tpu.memref_slice %arg3[%arg0, %arg1, %add3A_148, %dma_wait3A_162, %dma_wait3A_163] : memref<2x16x128x2x80xi32, #tpu.memory_space<hbm>> -> memref<1x1x1x2x80xi32, #tpu.memory_space<hbm>>
            %dma_wait3A_165 = tpu.memref_squeeze %dma_wait3A_164 : memref<1x1x1x2x80xi32, #tpu.memory_space<hbm>> -> memref<2x80xi32, #tpu.memory_space<hbm>>
            tpu.wait_dma2 semaphore(%run_scoped3A_149 : memref<!tpu.dma_semaphore, #tpu.memory_space<semaphore_mem>>) src(%dma_wait3A_165 : memref<2x80xi32, #tpu.memory_space<hbm>>) dst(%arg5 : memref<2x80xi32, #tpu.memory_space<vmem>>)
            tpu.yield
          }) : () -> ()
        } else {
        }
        %add3A_139 = arith.constant 4 : i32
        %add3A_140 = arith.addi %add3A_49, %add3A_139 : i32
        %sub3A = arith.constant 1 : i32
        %sub3A_141 = arith.subi %add3A_140, %sub3A : i32
        %lt3A_142 = arith.constant 128 : i32
        %lt3A_143 = arith.cmpi slt, %sub3A_141, %lt3A_142 : i32
        %convert_element_type3A_144 = arith.extui %lt3A_143 : i1 to i32
        %cond3A_145 = arith.constant 0 : i32
        %cond3A_146 = arith.cmpi ne, %convert_element_type3A_144, %cond3A_145 : i32
        scf.if %cond3A_146 {
          %dma_start3A_147 = arith.constant 0 : i32
          %dma_start3A_148 = arith.constant 0 : i32
          %dma_start3A_149 = tpu.memref_slice %arg8[%dma_start3A_147, %dma_start3A_148] : memref<2x80xi32, #tpu.memory_space<vmem>> -> memref<1x80xi32, #tpu.memory_space<vmem>>
          %dma_start3A_150 = tpu.memref_squeeze %dma_start3A_149 : memref<1x80xi32, #tpu.memory_space<vmem>> -> memref<80xi32, #tpu.memory_space<vmem>>
          %dma_start3A_151 = arith.constant 0 : i32
          %dma_start3A_152 = arith.constant 0 : i32
          %dma_start3A_153 = tpu.memref_slice %arg2[%dma_start3A_151, %dma_start3A_152] : memref<10000x128xf32, #tpu.memory_space<hbm>> -> memref<10000x128xf32, #tpu.memory_space<hbm>>
          tpu.enqueue_indirect_dma source(%dma_start3A_153 : memref<10000x128xf32, #tpu.memory_space<hbm>>) target(%arg12 : memref<80x128xf32, #tpu.memory_space<vmem>>) offsets(%dma_start3A_150 : memref<80xi32, #tpu.memory_space<vmem>>) semaphore(%arg17 : memref<!tpu.dma_semaphore, #tpu.memory_space<semaphore_mem>>)
        } else {
        }
      } else {
      }
      %jit3A_62 = arith.constant 4 : i32
      %eq3A_63 = arith.constant 0 : i32
      %eq3A_64 = arith.cmpi eq, %jit3A_62, %eq3A_63 : i32
      %jit3A_65 = arith.constant 1 : i32
      %select_n3A_66 = arith.select %eq3A_64, %jit3A_65, %jit3A_62 : i32
      %rem3A_67 = arith.remsi %add3A_49, %select_n3A_66 : i32
      %ne3A_68 = arith.constant 0 : i32
      %ne3A_69 = arith.cmpi ne, %rem3A_67, %ne3A_68 : i32
      %lt3A_70 = arith.constant 0 : i32
      %lt3A_71 = arith.cmpi slt, %rem3A_67, %lt3A_70 : i32
      %lt3A_72 = arith.constant 0 : i32
      %lt3A_73 = arith.cmpi slt, %select_n3A_66, %lt3A_72 : i32
      %ne3A_74 = arith.xori %lt3A_71, %lt3A_73 : i1
      %and3A_75 = arith.andi %ne3A_74, %ne3A_69 : i1
      %add3A_76 = arith.addi %rem3A_67, %select_n3A_66 : i32
      %select_n3A_77 = arith.select %and3A_75, %add3A_76, %rem3A_67 : i32
      %eq3A_78 = arith.constant 1 : i32
      %eq3A_79 = arith.cmpi eq, %select_n3A_77, %eq3A_78 : i32
      %convert_element_type3A_80 = arith.extui %eq3A_79 : i1 to i32
      %cond3A_81 = arith.constant 0 : i32
      %cond3A_82 = arith.cmpi ne, %convert_element_type3A_80, %cond3A_81 : i32
      scf.if %cond3A_82 {
        %dma_wait3A = arith.constant 0 : i32
        %dma_wait3A_125 = arith.constant 0 : i32
        %dma_wait3A_126 = tpu.memref_slice %arg6[%dma_wait3A, %dma_wait3A_125] : memref<2x80xi32, #tpu.memory_space<vmem>> -> memref<1x80xi32, #tpu.memory_space<vmem>>
        %dma_wait3A_127 = tpu.memref_squeeze %dma_wait3A_126 : memref<1x80xi32, #tpu.memory_space<vmem>> -> memref<80xi32, #tpu.memory_space<vmem>>
        %dma_wait3A_128 = arith.constant 0 : i32
        %dma_wait3A_129 = arith.constant 0 : i32
        %dma_wait3A_130 = tpu.memref_slice %arg2[%dma_wait3A_128, %dma_wait3A_129] : memref<10000x128xf32, #tpu.memory_space<hbm>> -> memref<10000x128xf32, #tpu.memory_space<hbm>>
        tpu.wait_indirect_dma semaphore(%arg15 : memref<!tpu.dma_semaphore, #tpu.memory_space<semaphore_mem>>) src(%dma_wait3A_130 : memref<10000x128xf32, #tpu.memory_space<hbm>>) dst(%arg10 : memref<80x128xf32, #tpu.memory_space<vmem>>)
        %run_scoped3A_131 = arith.constant 1 : i32
        "tpu.region"() ({
          %run_scoped3A_147 = tpu.sem_alloc : memref<!tpu.dma_semaphore, #tpu.memory_space<semaphore_mem>>
          %dma_start3A_148 = arith.constant 0 : i32
          %dma_start3A_149 = tpu.memref_slice %arg6[%run_scoped3A_131, %dma_start3A_148] : memref<2x80xi32, #tpu.memory_space<vmem>> -> memref<1x80xi32, #tpu.memory_space<vmem>>
          %dma_start3A_150 = tpu.memref_squeeze %dma_start3A_149 : memref<1x80xi32, #tpu.memory_space<vmem>> -> memref<80xi32, #tpu.memory_space<vmem>>
          %dma_start3A_151 = arith.constant 0 : i32
          %dma_start3A_152 = arith.constant 0 : i32
          %dma_start3A_153 = tpu.memref_slice %arg13[%dma_start3A_151, %dma_start3A_152] : memref<10240x128xf32, #tpu.memory_space<vmem_shared>> -> memref<10240x128xf32, #tpu.memory_space<vmem_shared>>
          tpu.enqueue_indirect_dma source(%arg10 : memref<80x128xf32, #tpu.memory_space<vmem>>) target(%dma_start3A_153 : memref<10240x128xf32, #tpu.memory_space<vmem_shared>>) offsets(%dma_start3A_150 : memref<80xi32, #tpu.memory_space<vmem>>) semaphore(%run_scoped3A_147 : memref<!tpu.dma_semaphore, #tpu.memory_space<semaphore_mem>>) {add = true}
          %dma_wait3A_154 = arith.constant 0 : i32
          %dma_wait3A_155 = tpu.memref_slice %arg6[%run_scoped3A_131, %dma_wait3A_154] : memref<2x80xi32, #tpu.memory_space<vmem>> -> memref<1x80xi32, #tpu.memory_space<vmem>>
          %dma_wait3A_156 = tpu.memref_squeeze %dma_wait3A_155 : memref<1x80xi32, #tpu.memory_space<vmem>> -> memref<80xi32, #tpu.memory_space<vmem>>
          %dma_wait3A_157 = arith.constant 0 : i32
          %dma_wait3A_158 = arith.constant 0 : i32
          %dma_wait3A_159 = tpu.memref_slice %arg13[%dma_wait3A_157, %dma_wait3A_158] : memref<10240x128xf32, #tpu.memory_space<vmem_shared>> -> memref<10240x128xf32, #tpu.memory_space<vmem_shared>>
          tpu.wait_indirect_dma semaphore(%run_scoped3A_147 : memref<!tpu.dma_semaphore, #tpu.memory_space<semaphore_mem>>) src(%arg10 : memref<80x128xf32, #tpu.memory_space<vmem>>) dst(%dma_wait3A_159 : memref<10240x128xf32, #tpu.memory_space<vmem_shared>>)
          tpu.yield
        }) : () -> ()
        %add3A_132 = arith.constant 4 : i32
        %add3A_133 = arith.addi %add3A_49, %add3A_132 : i32
        %lt3A_134 = arith.constant 128 : i32
        %lt3A_135 = arith.cmpi slt, %add3A_133, %lt3A_134 : i32
        %convert_element_type3A_136 = arith.extui %lt3A_135 : i1 to i32
        %cond3A_137 = arith.constant 0 : i32
        %cond3A_138 = arith.cmpi ne, %convert_element_type3A_136, %cond3A_137 : i32
        scf.if %cond3A_138 {
          %add3A_147 = arith.constant 4 : i32
          %add3A_148 = arith.addi %add3A_49, %add3A_147 : i32
          "tpu.region"() ({
            %run_scoped3A_149 = tpu.sem_alloc : memref<!tpu.dma_semaphore, #tpu.memory_space<semaphore_mem>>
            %dma_start3A_150 = arith.constant 0 : i32
            %dma_start3A_151 = arith.constant 0 : i32
            %dma_start3A_152 = tpu.memref_slice %arg3[%arg0, %arg1, %add3A_148, %dma_start3A_150, %dma_start3A_151] : memref<2x16x128x2x80xi32, #tpu.memory_space<hbm>> -> memref<1x1x1x2x80xi32, #tpu.memory_space<hbm>>
            %dma_start3A_153 = tpu.memref_squeeze %dma_start3A_152 : memref<1x1x1x2x80xi32, #tpu.memory_space<hbm>> -> memref<2x80xi32, #tpu.memory_space<hbm>>
            %dma_start3A_154 = arith.constant 0 : i32
            %dma_start3A_155 = arith.constant 0 : i32
            %dma_start3A_156 = tpu.memref_slice %arg3[%arg0, %arg1, %add3A_148, %dma_start3A_154, %dma_start3A_155] : memref<2x16x128x2x80xi32, #tpu.memory_space<hbm>> -> memref<1x1x1x2x80xi32, #tpu.memory_space<hbm>>
            %dma_start3A_157 = tpu.memref_squeeze %dma_start3A_156 : memref<1x1x1x2x80xi32, #tpu.memory_space<hbm>> -> memref<2x80xi32, #tpu.memory_space<hbm>>
            tpu.enqueue_dma source(%dma_start3A_157 : memref<2x80xi32, #tpu.memory_space<hbm>>) target(%arg6 : memref<2x80xi32, #tpu.memory_space<vmem>>) target_semaphore(%run_scoped3A_149 : memref<!tpu.dma_semaphore, #tpu.memory_space<semaphore_mem>>)
            %dma_wait3A_158 = arith.constant 0 : i32
            %dma_wait3A_159 = arith.constant 0 : i32
            %dma_wait3A_160 = tpu.memref_slice %arg3[%arg0, %arg1, %add3A_148, %dma_wait3A_158, %dma_wait3A_159] : memref<2x16x128x2x80xi32, #tpu.memory_space<hbm>> -> memref<1x1x1x2x80xi32, #tpu.memory_space<hbm>>
            %dma_wait3A_161 = tpu.memref_squeeze %dma_wait3A_160 : memref<1x1x1x2x80xi32, #tpu.memory_space<hbm>> -> memref<2x80xi32, #tpu.memory_space<hbm>>
            %dma_wait3A_162 = arith.constant 0 : i32
            %dma_wait3A_163 = arith.constant 0 : i32
            %dma_wait3A_164 = tpu.memref_slice %arg3[%arg0, %arg1, %add3A_148, %dma_wait3A_162, %dma_wait3A_163] : memref<2x16x128x2x80xi32, #tpu.memory_space<hbm>> -> memref<1x1x1x2x80xi32, #tpu.memory_space<hbm>>
            %dma_wait3A_165 = tpu.memref_squeeze %dma_wait3A_164 : memref<1x1x1x2x80xi32, #tpu.memory_space<hbm>> -> memref<2x80xi32, #tpu.memory_space<hbm>>
            tpu.wait_dma2 semaphore(%run_scoped3A_149 : memref<!tpu.dma_semaphore, #tpu.memory_space<semaphore_mem>>) src(%dma_wait3A_165 : memref<2x80xi32, #tpu.memory_space<hbm>>) dst(%arg6 : memref<2x80xi32, #tpu.memory_space<vmem>>)
            tpu.yield
          }) : () -> ()
        } else {
        }
        %add3A_139 = arith.constant 4 : i32
        %add3A_140 = arith.addi %add3A_49, %add3A_139 : i32
        %sub3A = arith.constant 1 : i32
        %sub3A_141 = arith.subi %add3A_140, %sub3A : i32
        %lt3A_142 = arith.constant 128 : i32
        %lt3A_143 = arith.cmpi slt, %sub3A_141, %lt3A_142 : i32
        %convert_element_type3A_144 = arith.extui %lt3A_143 : i1 to i32
        %cond3A_145 = arith.constant 0 : i32
        %cond3A_146 = arith.cmpi ne, %convert_element_type3A_144, %cond3A_145 : i32
        scf.if %cond3A_146 {
          %dma_start3A_147 = arith.constant 0 : i32
          %dma_start3A_148 = arith.constant 0 : i32
          %dma_start3A_149 = tpu.memref_slice %arg5[%dma_start3A_147, %dma_start3A_148] : memref<2x80xi32, #tpu.memory_space<vmem>> -> memref<1x80xi32, #tpu.memory_space<vmem>>
          %dma_start3A_150 = tpu.memref_squeeze %dma_start3A_149 : memref<1x80xi32, #tpu.memory_space<vmem>> -> memref<80xi32, #tpu.memory_space<vmem>>
          %dma_start3A_151 = arith.constant 0 : i32
          %dma_start3A_152 = arith.constant 0 : i32
          %dma_start3A_153 = tpu.memref_slice %arg2[%dma_start3A_151, %dma_start3A_152] : memref<10000x128xf32, #tpu.memory_space<hbm>> -> memref<10000x128xf32, #tpu.memory_space<hbm>>
          tpu.enqueue_indirect_dma source(%dma_start3A_153 : memref<10000x128xf32, #tpu.memory_space<hbm>>) target(%arg9 : memref<80x128xf32, #tpu.memory_space<vmem>>) offsets(%dma_start3A_150 : memref<80xi32, #tpu.memory_space<vmem>>) semaphore(%arg14 : memref<!tpu.dma_semaphore, #tpu.memory_space<semaphore_mem>>)
        } else {
        }
      } else {
      }
      %jit3A_83 = arith.constant 4 : i32
      %eq3A_84 = arith.constant 0 : i32
      %eq3A_85 = arith.cmpi eq, %jit3A_83, %eq3A_84 : i32
      %jit3A_86 = arith.constant 1 : i32
      %select_n3A_87 = arith.select %eq3A_85, %jit3A_86, %jit3A_83 : i32
      %rem3A_88 = arith.remsi %add3A_49, %select_n3A_87 : i32
      %ne3A_89 = arith.constant 0 : i32
      %ne3A_90 = arith.cmpi ne, %rem3A_88, %ne3A_89 : i32
      %lt3A_91 = arith.constant 0 : i32
      %lt3A_92 = arith.cmpi slt, %rem3A_88, %lt3A_91 : i32
      %lt3A_93 = arith.constant 0 : i32
      %lt3A_94 = arith.cmpi slt, %select_n3A_87, %lt3A_93 : i32
      %ne3A_95 = arith.xori %lt3A_92, %lt3A_94 : i1
      %and3A_96 = arith.andi %ne3A_95, %ne3A_90 : i1
      %add3A_97 = arith.addi %rem3A_88, %select_n3A_87 : i32
      %select_n3A_98 = arith.select %and3A_96, %add3A_97, %rem3A_88 : i32
      %eq3A_99 = arith.constant 2 : i32
      %eq3A_100 = arith.cmpi eq, %select_n3A_98, %eq3A_99 : i32
      %convert_element_type3A_101 = arith.extui %eq3A_100 : i1 to i32
      %cond3A_102 = arith.constant 0 : i32
      %cond3A_103 = arith.cmpi ne, %convert_element_type3A_101, %cond3A_102 : i32
      scf.if %cond3A_103 {
        %dma_wait3A = arith.constant 0 : i32
        %dma_wait3A_125 = arith.constant 0 : i32
        %dma_wait3A_126 = tpu.memref_slice %arg7[%dma_wait3A, %dma_wait3A_125] : memref<2x80xi32, #tpu.memory_space<vmem>> -> memref<1x80xi32, #tpu.memory_space<vmem>>
        %dma_wait3A_127 = tpu.memref_squeeze %dma_wait3A_126 : memref<1x80xi32, #tpu.memory_space<vmem>> -> memref<80xi32, #tpu.memory_space<vmem>>
        %dma_wait3A_128 = arith.constant 0 : i32
        %dma_wait3A_129 = arith.constant 0 : i32
        %dma_wait3A_130 = tpu.memref_slice %arg2[%dma_wait3A_128, %dma_wait3A_129] : memref<10000x128xf32, #tpu.memory_space<hbm>> -> memref<10000x128xf32, #tpu.memory_space<hbm>>
        tpu.wait_indirect_dma semaphore(%arg16 : memref<!tpu.dma_semaphore, #tpu.memory_space<semaphore_mem>>) src(%dma_wait3A_130 : memref<10000x128xf32, #tpu.memory_space<hbm>>) dst(%arg11 : memref<80x128xf32, #tpu.memory_space<vmem>>)
        %run_scoped3A_131 = arith.constant 1 : i32
        "tpu.region"() ({
          %run_scoped3A_147 = tpu.sem_alloc : memref<!tpu.dma_semaphore, #tpu.memory_space<semaphore_mem>>
          %dma_start3A_148 = arith.constant 0 : i32
          %dma_start3A_149 = tpu.memref_slice %arg7[%run_scoped3A_131, %dma_start3A_148] : memref<2x80xi32, #tpu.memory_space<vmem>> -> memref<1x80xi32, #tpu.memory_space<vmem>>
          %dma_start3A_150 = tpu.memref_squeeze %dma_start3A_149 : memref<1x80xi32, #tpu.memory_space<vmem>> -> memref<80xi32, #tpu.memory_space<vmem>>
          %dma_start3A_151 = arith.constant 0 : i32
          %dma_start3A_152 = arith.constant 0 : i32
          %dma_start3A_153 = tpu.memref_slice %arg13[%dma_start3A_151, %dma_start3A_152] : memref<10240x128xf32, #tpu.memory_space<vmem_shared>> -> memref<10240x128xf32, #tpu.memory_space<vmem_shared>>
          tpu.enqueue_indirect_dma source(%arg11 : memref<80x128xf32, #tpu.memory_space<vmem>>) target(%dma_start3A_153 : memref<10240x128xf32, #tpu.memory_space<vmem_shared>>) offsets(%dma_start3A_150 : memref<80xi32, #tpu.memory_space<vmem>>) semaphore(%run_scoped3A_147 : memref<!tpu.dma_semaphore, #tpu.memory_space<semaphore_mem>>) {add = true}
          %dma_wait3A_154 = arith.constant 0 : i32
          %dma_wait3A_155 = tpu.memref_slice %arg7[%run_scoped3A_131, %dma_wait3A_154] : memref<2x80xi32, #tpu.memory_space<vmem>> -> memref<1x80xi32, #tpu.memory_space<vmem>>
          %dma_wait3A_156 = tpu.memref_squeeze %dma_wait3A_155 : memref<1x80xi32, #tpu.memory_space<vmem>> -> memref<80xi32, #tpu.memory_space<vmem>>
          %dma_wait3A_157 = arith.constant 0 : i32
          %dma_wait3A_158 = arith.constant 0 : i32
          %dma_wait3A_159 = tpu.memref_slice %arg13[%dma_wait3A_157, %dma_wait3A_158] : memref<10240x128xf32, #tpu.memory_space<vmem_shared>> -> memref<10240x128xf32, #tpu.memory_space<vmem_shared>>
          tpu.wait_indirect_dma semaphore(%run_scoped3A_147 : memref<!tpu.dma_semaphore, #tpu.memory_space<semaphore_mem>>) src(%arg11 : memref<80x128xf32, #tpu.memory_space<vmem>>) dst(%dma_wait3A_159 : memref<10240x128xf32, #tpu.memory_space<vmem_shared>>)
          tpu.yield
        }) : () -> ()
        %add3A_132 = arith.constant 4 : i32
        %add3A_133 = arith.addi %add3A_49, %add3A_132 : i32
        %lt3A_134 = arith.constant 128 : i32
        %lt3A_135 = arith.cmpi slt, %add3A_133, %lt3A_134 : i32
        %convert_element_type3A_136 = arith.extui %lt3A_135 : i1 to i32
        %cond3A_137 = arith.constant 0 : i32
        %cond3A_138 = arith.cmpi ne, %convert_element_type3A_136, %cond3A_137 : i32
        scf.if %cond3A_138 {
          %add3A_147 = arith.constant 4 : i32
          %add3A_148 = arith.addi %add3A_49, %add3A_147 : i32
          "tpu.region"() ({
            %run_scoped3A_149 = tpu.sem_alloc : memref<!tpu.dma_semaphore, #tpu.memory_space<semaphore_mem>>
            %dma_start3A_150 = arith.constant 0 : i32
            %dma_start3A_151 = arith.constant 0 : i32
            %dma_start3A_152 = tpu.memref_slice %arg3[%arg0, %arg1, %add3A_148, %dma_start3A_150, %dma_start3A_151] : memref<2x16x128x2x80xi32, #tpu.memory_space<hbm>> -> memref<1x1x1x2x80xi32, #tpu.memory_space<hbm>>
            %dma_start3A_153 = tpu.memref_squeeze %dma_start3A_152 : memref<1x1x1x2x80xi32, #tpu.memory_space<hbm>> -> memref<2x80xi32, #tpu.memory_space<hbm>>
            %dma_start3A_154 = arith.constant 0 : i32
            %dma_start3A_155 = arith.constant 0 : i32
            %dma_start3A_156 = tpu.memref_slice %arg3[%arg0, %arg1, %add3A_148, %dma_start3A_154, %dma_start3A_155] : memref<2x16x128x2x80xi32, #tpu.memory_space<hbm>> -> memref<1x1x1x2x80xi32, #tpu.memory_space<hbm>>
            %dma_start3A_157 = tpu.memref_squeeze %dma_start3A_156 : memref<1x1x1x2x80xi32, #tpu.memory_space<hbm>> -> memref<2x80xi32, #tpu.memory_space<hbm>>
            tpu.enqueue_dma source(%dma_start3A_157 : memref<2x80xi32, #tpu.memory_space<hbm>>) target(%arg7 : memref<2x80xi32, #tpu.memory_space<vmem>>) target_semaphore(%run_scoped3A_149 : memref<!tpu.dma_semaphore, #tpu.memory_space<semaphore_mem>>)
            %dma_wait3A_158 = arith.constant 0 : i32
            %dma_wait3A_159 = arith.constant 0 : i32
            %dma_wait3A_160 = tpu.memref_slice %arg3[%arg0, %arg1, %add3A_148, %dma_wait3A_158, %dma_wait3A_159] : memref<2x16x128x2x80xi32, #tpu.memory_space<hbm>> -> memref<1x1x1x2x80xi32, #tpu.memory_space<hbm>>
            %dma_wait3A_161 = tpu.memref_squeeze %dma_wait3A_160 : memref<1x1x1x2x80xi32, #tpu.memory_space<hbm>> -> memref<2x80xi32, #tpu.memory_space<hbm>>
            %dma_wait3A_162 = arith.constant 0 : i32
            %dma_wait3A_163 = arith.constant 0 : i32
            %dma_wait3A_164 = tpu.memref_slice %arg3[%arg0, %arg1, %add3A_148, %dma_wait3A_162, %dma_wait3A_163] : memref<2x16x128x2x80xi32, #tpu.memory_space<hbm>> -> memref<1x1x1x2x80xi32, #tpu.memory_space<hbm>>
            %dma_wait3A_165 = tpu.memref_squeeze %dma_wait3A_164 : memref<1x1x1x2x80xi32, #tpu.memory_space<hbm>> -> memref<2x80xi32, #tpu.memory_space<hbm>>
            tpu.wait_dma2 semaphore(%run_scoped3A_149 : memref<!tpu.dma_semaphore, #tpu.memory_space<semaphore_mem>>) src(%dma_wait3A_165 : memref<2x80xi32, #tpu.memory_space<hbm>>) dst(%arg7 : memref<2x80xi32, #tpu.memory_space<vmem>>)
            tpu.yield
          }) : () -> ()
        } else {
        }
        %add3A_139 = arith.constant 4 : i32
        %add3A_140 = arith.addi %add3A_49, %add3A_139 : i32
        %sub3A = arith.constant 1 : i32
        %sub3A_141 = arith.subi %add3A_140, %sub3A : i32
        %lt3A_142 = arith.constant 128 : i32
        %lt3A_143 = arith.cmpi slt, %sub3A_141, %lt3A_142 : i32
        %convert_element_type3A_144 = arith.extui %lt3A_143 : i1 to i32
        %cond3A_145 = arith.constant 0 : i32
        %cond3A_146 = arith.cmpi ne, %convert_element_type3A_144, %cond3A_145 : i32
        scf.if %cond3A_146 {
          %dma_start3A_147 = arith.constant 0 : i32
          %dma_start3A_148 = arith.constant 0 : i32
          %dma_start3A_149 = tpu.memref_slice %arg6[%dma_start3A_147, %dma_start3A_148] : memref<2x80xi32, #tpu.memory_space<vmem>> -> memref<1x80xi32, #tpu.memory_space<vmem>>
          %dma_start3A_150 = tpu.memref_squeeze %dma_start3A_149 : memref<1x80xi32, #tpu.memory_space<vmem>> -> memref<80xi32, #tpu.memory_space<vmem>>
          %dma_start3A_151 = arith.constant 0 : i32
          %dma_start3A_152 = arith.constant 0 : i32
          %dma_start3A_153 = tpu.memref_slice %arg2[%dma_start3A_151, %dma_start3A_152] : memref<10000x128xf32, #tpu.memory_space<hbm>> -> memref<10000x128xf32, #tpu.memory_space<hbm>>
          tpu.enqueue_indirect_dma source(%dma_start3A_153 : memref<10000x128xf32, #tpu.memory_space<hbm>>) target(%arg10 : memref<80x128xf32, #tpu.memory_space<vmem>>) offsets(%dma_start3A_150 : memref<80xi32, #tpu.memory_space<vmem>>) semaphore(%arg15 : memref<!tpu.dma_semaphore, #tpu.memory_space<semaphore_mem>>)
        } else {
        }
      } else {
      }
      %jit3A_104 = arith.constant 4 : i32
      %eq3A_105 = arith.constant 0 : i32
      %eq3A_106 = arith.cmpi eq, %jit3A_104, %eq3A_105 : i32
      %jit3A_107 = arith.constant 1 : i32
      %select_n3A_108 = arith.select %eq3A_106, %jit3A_107, %jit3A_104 : i32
      %rem3A_109 = arith.remsi %add3A_49, %select_n3A_108 : i32
      %ne3A_110 = arith.constant 0 : i32
      %ne3A_111 = arith.cmpi ne, %rem3A_109, %ne3A_110 : i32
      %lt3A_112 = arith.constant 0 : i32
      %lt3A_113 = arith.cmpi slt, %rem3A_109, %lt3A_112 : i32
      %lt3A_114 = arith.constant 0 : i32
      %lt3A_115 = arith.cmpi slt, %select_n3A_108, %lt3A_114 : i32
      %ne3A_116 = arith.xori %lt3A_113, %lt3A_115 : i1
      %and3A_117 = arith.andi %ne3A_116, %ne3A_111 : i1
      %add3A_118 = arith.addi %rem3A_109, %select_n3A_108 : i32
      %select_n3A_119 = arith.select %and3A_117, %add3A_118, %rem3A_109 : i32
      %eq3A_120 = arith.constant 3 : i32
      %eq3A_121 = arith.cmpi eq, %select_n3A_119, %eq3A_120 : i32
      %convert_element_type3A_122 = arith.extui %eq3A_121 : i1 to i32
      %cond3A_123 = arith.constant 0 : i32
      %cond3A_124 = arith.cmpi ne, %convert_element_type3A_122, %cond3A_123 : i32
      scf.if %cond3A_124 {
        %dma_wait3A = arith.constant 0 : i32
        %dma_wait3A_125 = arith.constant 0 : i32
        %dma_wait3A_126 = tpu.memref_slice %arg8[%dma_wait3A, %dma_wait3A_125] : memref<2x80xi32, #tpu.memory_space<vmem>> -> memref<1x80xi32, #tpu.memory_space<vmem>>
        %dma_wait3A_127 = tpu.memref_squeeze %dma_wait3A_126 : memref<1x80xi32, #tpu.memory_space<vmem>> -> memref<80xi32, #tpu.memory_space<vmem>>
        %dma_wait3A_128 = arith.constant 0 : i32
        %dma_wait3A_129 = arith.constant 0 : i32
        %dma_wait3A_130 = tpu.memref_slice %arg2[%dma_wait3A_128, %dma_wait3A_129] : memref<10000x128xf32, #tpu.memory_space<hbm>> -> memref<10000x128xf32, #tpu.memory_space<hbm>>
        tpu.wait_indirect_dma semaphore(%arg17 : memref<!tpu.dma_semaphore, #tpu.memory_space<semaphore_mem>>) src(%dma_wait3A_130 : memref<10000x128xf32, #tpu.memory_space<hbm>>) dst(%arg12 : memref<80x128xf32, #tpu.memory_space<vmem>>)
        %run_scoped3A_131 = arith.constant 1 : i32
        "tpu.region"() ({
          %run_scoped3A_147 = tpu.sem_alloc : memref<!tpu.dma_semaphore, #tpu.memory_space<semaphore_mem>>
          %dma_start3A_148 = arith.constant 0 : i32
          %dma_start3A_149 = tpu.memref_slice %arg8[%run_scoped3A_131, %dma_start3A_148] : memref<2x80xi32, #tpu.memory_space<vmem>> -> memref<1x80xi32, #tpu.memory_space<vmem>>
          %dma_start3A_150 = tpu.memref_squeeze %dma_start3A_149 : memref<1x80xi32, #tpu.memory_space<vmem>> -> memref<80xi32, #tpu.memory_space<vmem>>
          %dma_start3A_151 = arith.constant 0 : i32
          %dma_start3A_152 = arith.constant 0 : i32
          %dma_start3A_153 = tpu.memref_slice %arg13[%dma_start3A_151, %dma_start3A_152] : memref<10240x128xf32, #tpu.memory_space<vmem_shared>> -> memref<10240x128xf32, #tpu.memory_space<vmem_shared>>
          tpu.enqueue_indirect_dma source(%arg12 : memref<80x128xf32, #tpu.memory_space<vmem>>) target(%dma_start3A_153 : memref<10240x128xf32, #tpu.memory_space<vmem_shared>>) offsets(%dma_start3A_150 : memref<80xi32, #tpu.memory_space<vmem>>) semaphore(%run_scoped3A_147 : memref<!tpu.dma_semaphore, #tpu.memory_space<semaphore_mem>>) {add = true}
          %dma_wait3A_154 = arith.constant 0 : i32
          %dma_wait3A_155 = tpu.memref_slice %arg8[%run_scoped3A_131, %dma_wait3A_154] : memref<2x80xi32, #tpu.memory_space<vmem>> -> memref<1x80xi32, #tpu.memory_space<vmem>>
          %dma_wait3A_156 = tpu.memref_squeeze %dma_wait3A_155 : memref<1x80xi32, #tpu.memory_space<vmem>> -> memref<80xi32, #tpu.memory_space<vmem>>
          %dma_wait3A_157 = arith.constant 0 : i32
          %dma_wait3A_158 = arith.constant 0 : i32
          %dma_wait3A_159 = tpu.memref_slice %arg13[%dma_wait3A_157, %dma_wait3A_158] : memref<10240x128xf32, #tpu.memory_space<vmem_shared>> -> memref<10240x128xf32, #tpu.memory_space<vmem_shared>>
          tpu.wait_indirect_dma semaphore(%run_scoped3A_147 : memref<!tpu.dma_semaphore, #tpu.memory_space<semaphore_mem>>) src(%arg12 : memref<80x128xf32, #tpu.memory_space<vmem>>) dst(%dma_wait3A_159 : memref<10240x128xf32, #tpu.memory_space<vmem_shared>>)
          tpu.yield
        }) : () -> ()
        %add3A_132 = arith.constant 4 : i32
        %add3A_133 = arith.addi %add3A_49, %add3A_132 : i32
        %lt3A_134 = arith.constant 128 : i32
        %lt3A_135 = arith.cmpi slt, %add3A_133, %lt3A_134 : i32
        %convert_element_type3A_136 = arith.extui %lt3A_135 : i1 to i32
        %cond3A_137 = arith.constant 0 : i32
        %cond3A_138 = arith.cmpi ne, %convert_element_type3A_136, %cond3A_137 : i32
        scf.if %cond3A_138 {
          %add3A_147 = arith.constant 4 : i32
          %add3A_148 = arith.addi %add3A_49, %add3A_147 : i32
          "tpu.region"() ({
            %run_scoped3A_149 = tpu.sem_alloc : memref<!tpu.dma_semaphore, #tpu.memory_space<semaphore_mem>>
            %dma_start3A_150 = arith.constant 0 : i32
            %dma_start3A_151 = arith.constant 0 : i32
            %dma_start3A_152 = tpu.memref_slice %arg3[%arg0, %arg1, %add3A_148, %dma_start3A_150, %dma_start3A_151] : memref<2x16x128x2x80xi32, #tpu.memory_space<hbm>> -> memref<1x1x1x2x80xi32, #tpu.memory_space<hbm>>
            %dma_start3A_153 = tpu.memref_squeeze %dma_start3A_152 : memref<1x1x1x2x80xi32, #tpu.memory_space<hbm>> -> memref<2x80xi32, #tpu.memory_space<hbm>>
            %dma_start3A_154 = arith.constant 0 : i32
            %dma_start3A_155 = arith.constant 0 : i32
            %dma_start3A_156 = tpu.memref_slice %arg3[%arg0, %arg1, %add3A_148, %dma_start3A_154, %dma_start3A_155] : memref<2x16x128x2x80xi32, #tpu.memory_space<hbm>> -> memref<1x1x1x2x80xi32, #tpu.memory_space<hbm>>
            %dma_start3A_157 = tpu.memref_squeeze %dma_start3A_156 : memref<1x1x1x2x80xi32, #tpu.memory_space<hbm>> -> memref<2x80xi32, #tpu.memory_space<hbm>>
            tpu.enqueue_dma source(%dma_start3A_157 : memref<2x80xi32, #tpu.memory_space<hbm>>) target(%arg8 : memref<2x80xi32, #tpu.memory_space<vmem>>) target_semaphore(%run_scoped3A_149 : memref<!tpu.dma_semaphore, #tpu.memory_space<semaphore_mem>>)
            %dma_wait3A_158 = arith.constant 0 : i32
            %dma_wait3A_159 = arith.constant 0 : i32
            %dma_wait3A_160 = tpu.memref_slice %arg3[%arg0, %arg1, %add3A_148, %dma_wait3A_158, %dma_wait3A_159] : memref<2x16x128x2x80xi32, #tpu.memory_space<hbm>> -> memref<1x1x1x2x80xi32, #tpu.memory_space<hbm>>
            %dma_wait3A_161 = tpu.memref_squeeze %dma_wait3A_160 : memref<1x1x1x2x80xi32, #tpu.memory_space<hbm>> -> memref<2x80xi32, #tpu.memory_space<hbm>>
            %dma_wait3A_162 = arith.constant 0 : i32
            %dma_wait3A_163 = arith.constant 0 : i32
            %dma_wait3A_164 = tpu.memref_slice %arg3[%arg0, %arg1, %add3A_148, %dma_wait3A_162, %dma_wait3A_163] : memref<2x16x128x2x80xi32, #tpu.memory_space<hbm>> -> memref<1x1x1x2x80xi32, #tpu.memory_space<hbm>>
            %dma_wait3A_165 = tpu.memref_squeeze %dma_wait3A_164 : memref<1x1x1x2x80xi32, #tpu.memory_space<hbm>> -> memref<2x80xi32, #tpu.memory_space<hbm>>
            tpu.wait_dma2 semaphore(%run_scoped3A_149 : memref<!tpu.dma_semaphore, #tpu.memory_space<semaphore_mem>>) src(%dma_wait3A_165 : memref<2x80xi32, #tpu.memory_space<hbm>>) dst(%arg8 : memref<2x80xi32, #tpu.memory_space<vmem>>)
            tpu.yield
          }) : () -> ()
        } else {
        }
        %add3A_139 = arith.constant 4 : i32
        %add3A_140 = arith.addi %add3A_49, %add3A_139 : i32
        %sub3A = arith.constant 1 : i32
        %sub3A_141 = arith.subi %add3A_140, %sub3A : i32
        %lt3A_142 = arith.constant 128 : i32
        %lt3A_143 = arith.cmpi slt, %sub3A_141, %lt3A_142 : i32
        %convert_element_type3A_144 = arith.extui %lt3A_143 : i1 to i32
        %cond3A_145 = arith.constant 0 : i32
        %cond3A_146 = arith.cmpi ne, %convert_element_type3A_144, %cond3A_145 : i32
        scf.if %cond3A_146 {
          %dma_start3A_147 = arith.constant 0 : i32
          %dma_start3A_148 = arith.constant 0 : i32
          %dma_start3A_149 = tpu.memref_slice %arg7[%dma_start3A_147, %dma_start3A_148] : memref<2x80xi32, #tpu.memory_space<vmem>> -> memref<1x80xi32, #tpu.memory_space<vmem>>
          %dma_start3A_150 = tpu.memref_squeeze %dma_start3A_149 : memref<1x80xi32, #tpu.memory_space<vmem>> -> memref<80xi32, #tpu.memory_space<vmem>>
          %dma_start3A_151 = arith.constant 0 : i32
          %dma_start3A_152 = arith.constant 0 : i32
          %dma_start3A_153 = tpu.memref_slice %arg2[%dma_start3A_151, %dma_start3A_152] : memref<10000x128xf32, #tpu.memory_space<hbm>> -> memref<10000x128xf32, #tpu.memory_space<hbm>>
          tpu.enqueue_indirect_dma source(%dma_start3A_153 : memref<10000x128xf32, #tpu.memory_space<hbm>>) target(%arg11 : memref<80x128xf32, #tpu.memory_space<vmem>>) offsets(%dma_start3A_150 : memref<80xi32, #tpu.memory_space<vmem>>) semaphore(%arg16 : memref<!tpu.dma_semaphore, #tpu.memory_space<semaphore_mem>>)
        } else {
        }
      } else {
      }
    }
    %scan3A_41 = arith.constant 128 : i32
    %barrier3A_42 = arith.constant 0 : index
    tpu.barrier barrier_id(%barrier3A_42)
    %mul3A = arith.constant 640 : i32
    %mul3A_43 = arith.muli %arg1, %mul3A : i32
    %mul3A_44 = arith.constant 640 : i32
    %mul3A_45 = arith.muli %arg1, %mul3A_44 : i32
    "tpu.region"() ({
      %run_scoped3A_46 = tpu.sem_alloc : memref<!tpu.dma_semaphore, #tpu.memory_space<semaphore_mem>>
      %dma_start3A_47 = arith.constant 0 : i32
      %dma_start3A_48 = tpu.memref_slice %arg4[%arg0, %mul3A_45, %dma_start3A_47] : memref<2x10240x128xf32, #tpu.memory_space<hbm>> -> memref<1x640x128xf32, #tpu.memory_space<hbm>>
      %dma_start3A_49 = tpu.memref_squeeze %dma_start3A_48 : memref<1x640x128xf32, #tpu.memory_space<hbm>> -> memref<640x128xf32, #tpu.memory_space<hbm>>
      %dma_start3A_50 = arith.constant 0 : i32
      %dma_start3A_51 = tpu.memref_slice %arg13[%mul3A_43, %dma_start3A_50] : memref<10240x128xf32, #tpu.memory_space<vmem_shared>> -> memref<640x128xf32, #tpu.memory_space<vmem_shared>>
      tpu.enqueue_dma source(%dma_start3A_51 : memref<640x128xf32, #tpu.memory_space<vmem_shared>>) target(%dma_start3A_49 : memref<640x128xf32, #tpu.memory_space<hbm>>) target_semaphore(%run_scoped3A_46 : memref<!tpu.dma_semaphore, #tpu.memory_space<semaphore_mem>>)
      %dma_wait3A = arith.constant 0 : i32
      %dma_wait3A_52 = tpu.memref_slice %arg4[%arg0, %mul3A_45, %dma_wait3A] : memref<2x10240x128xf32, #tpu.memory_space<hbm>> -> memref<1x640x128xf32, #tpu.memory_space<hbm>>
      %dma_wait3A_53 = tpu.memref_squeeze %dma_wait3A_52 : memref<1x640x128xf32, #tpu.memory_space<hbm>> -> memref<640x128xf32, #tpu.memory_space<hbm>>
      %dma_wait3A_54 = arith.constant 0 : i32
      %dma_wait3A_55 = tpu.memref_slice %arg13[%mul3A_43, %dma_wait3A_54] : memref<10240x128xf32, #tpu.memory_space<vmem_shared>> -> memref<640x128xf32, #tpu.memory_space<vmem_shared>>
      tpu.wait_dma2 semaphore(%run_scoped3A_46 : memref<!tpu.dma_semaphore, #tpu.memory_space<semaphore_mem>>) src(%dma_wait3A_55 : memref<640x128xf32, #tpu.memory_space<vmem_shared>>) dst(%dma_wait3A_53 : memref<640x128xf32, #tpu.memory_space<hbm>>)
      tpu.yield
    }) : () -> ()
    return
  }
}

#map = affine_map<(d0, d1) -> (0, 0)>
#map1 = affine_map<(d0, d1) -> (0, 0, 0, 0, 0)>
#map2 = affine_map<(d0, d1) -> (0, 0, 0)>
module attributes {stable_mosaic.version = 14 : i64} {
  func.func @agg_kernel(%arg0: i32, %arg1: i32, %arg2: memref<10000x128xf32, #tpu.memory_space<hbm>>, %arg3: memref<2x16x128x2x80xi32, #tpu.memory_space<hbm>>, %arg4: memref<2x10240x128xf32, #tpu.memory_space<hbm>>, %arg5: memref<2x80xi32, #tpu.memory_space<vmem>>, %arg6: memref<2x80xi32, #tpu.memory_space<vmem>>, %arg7: memref<2x80xi32, #tpu.memory_space<vmem>>, %arg8: memref<2x80xi32, #tpu.memory_space<vmem>>, %arg9: memref<80x128xf32, #tpu.memory_space<vmem>>, %arg10: memref<80x128xf32, #tpu.memory_space<vmem>>, %arg11: memref<80x128xf32, #tpu.memory_space<vmem>>, %arg12: memref<80x128xf32, #tpu.memory_space<vmem>>, %arg13: memref<10240x128xf32, #tpu.memory_space<vmem_shared>>, %arg14: memref<!tpu.dma_semaphore, #tpu.memory_space<semaphore_mem>>, %arg15: memref<!tpu.dma_semaphore, #tpu.memory_space<semaphore_mem>>, %arg16: memref<!tpu.dma_semaphore, #tpu.memory_space<semaphore_mem>>, %arg17: memref<!tpu.dma_semaphore, #tpu.memory_space<semaphore_mem>>) attributes {dimension_semantics = [#tpu.dimension_semantics<core_parallel>, #tpu.dimension_semantics<subcore_parallel>], iteration_bounds = array<i64: 2, 16>, scalar_prefetch = 0 : i64, scratch_operands = 13 : i64, tpu.core_type = #tpu.core_type<sc_vector_subcore>, window_params = [{transform_indices = #map}, {transform_indices = #map1}, {transform_indices = #map2}]} {
    %scan3A = arith.constant 0 : i32
    %scan3A_0 = arith.constant 80 : i32
    %scan3A_1 = arith.addi %scan3A, %scan3A_0 : i32
    %scan3A_2 = arith.constant 1 : i32
    scf.for %scan3A_46 = %scan3A to %scan3A_1 step %scan3A_2  : i32 {
      %mul3A_47 = arith.constant 1 : i32
      %mul3A_48 = arith.muli %scan3A_46, %mul3A_47 : i32
      %add3A = arith.constant 0 : i32
      %add3A_49 = arith.addi %add3A, %mul3A_48 : i32
      %broadcast_in_dim3A = arith.constant 0.000000e+00 : f32
      %broadcast_in_dim3A_50 = vector.broadcast %broadcast_in_dim3A : f32 to vector<16xf32>
      %swap3A = arith.index_cast %add3A_49 : i32 to index
      %swap3A_51 = arith.constant 0 : index
      %swap3A_52 = tpu.vector_load %arg9[%swap3A, %swap3A_51] {strides = array<i32>} : memref<80x128xf32, #tpu.memory_space<vmem>>, vector<1x16xf32>,
      %swap3A_53 = vector.shape_cast %swap3A_52 : vector<1x16xf32> to vector<16xf32>
      %swap3A_54 = vector.shape_cast %broadcast_in_dim3A_50 : vector<16xf32> to vector<1x16xf32>
      tpu.vector_store %arg9[%swap3A, %swap3A_51], %swap3A_54 {strides = array<i32>} : memref<80x128xf32, #tpu.memory_space<vmem>>, vector<1x16xf32>,
      %broadcast_in_dim3A_55 = arith.constant 0.000000e+00 : f32
      %broadcast_in_dim3A_56 = vector.broadcast %broadcast_in_dim3A_55 : f32 to vector<16xf32>
      %swap3A_57 = arith.index_cast %add3A_49 : i32 to index
      %swap3A_58 = arith.constant 16 : index
      %swap3A_59 = tpu.vector_load %arg9[%swap3A_57, %swap3A_58] {strides = array<i32>} : memref<80x128xf32, #tpu.memory_space<vmem>>, vector<1x16xf32>,
      %swap3A_60 = vector.shape_cast %swap3A_59 : vector<1x16xf32> to vector<16xf32>
      %swap3A_61 = vector.shape_cast %broadcast_in_dim3A_56 : vector<16xf32> to vector<1x16xf32>
      tpu.vector_store %arg9[%swap3A_57, %swap3A_58], %swap3A_61 {strides = array<i32>} : memref<80x128xf32, #tpu.memory_space<vmem>>, vector<1x16xf32>,
      %broadcast_in_dim3A_62 = arith.constant 0.000000e+00 : f32
      %broadcast_in_dim3A_63 = vector.broadcast %broadcast_in_dim3A_62 : f32 to vector<16xf32>
      %swap3A_64 = arith.index_cast %add3A_49 : i32 to index
      %swap3A_65 = arith.constant 32 : index
      %swap3A_66 = tpu.vector_load %arg9[%swap3A_64, %swap3A_65] {strides = array<i32>} : memref<80x128xf32, #tpu.memory_space<vmem>>, vector<1x16xf32>,
      %swap3A_67 = vector.shape_cast %swap3A_66 : vector<1x16xf32> to vector<16xf32>
      %swap3A_68 = vector.shape_cast %broadcast_in_dim3A_63 : vector<16xf32> to vector<1x16xf32>
      tpu.vector_store %arg9[%swap3A_64, %swap3A_65], %swap3A_68 {strides = array<i32>} : memref<80x128xf32, #tpu.memory_space<vmem>>, vector<1x16xf32>,
      %broadcast_in_dim3A_69 = arith.constant 0.000000e+00 : f32
      %broadcast_in_dim3A_70 = vector.broadcast %broadcast_in_dim3A_69 : f32 to vector<16xf32>
      %swap3A_71 = arith.index_cast %add3A_49 : i32 to index
      %swap3A_72 = arith.constant 48 : index
      %swap3A_73 = tpu.vector_load %arg9[%swap3A_71, %swap3A_72] {strides = array<i32>} : memref<80x128xf32, #tpu.memory_space<vmem>>, vector<1x16xf32>,
      %swap3A_74 = vector.shape_cast %swap3A_73 : vector<1x16xf32> to vector<16xf32>
      %swap3A_75 = vector.shape_cast %broadcast_in_dim3A_70 : vector<16xf32> to vector<1x16xf32>
      tpu.vector_store %arg9[%swap3A_71, %swap3A_72], %swap3A_75 {strides = array<i32>} : memref<80x128xf32, #tpu.memory_space<vmem>>, vector<1x16xf32>,
      %broadcast_in_dim3A_76 = arith.constant 0.000000e+00 : f32
      %broadcast_in_dim3A_77 = vector.broadcast %broadcast_in_dim3A_76 : f32 to vector<16xf32>
      %swap3A_78 = arith.index_cast %add3A_49 : i32 to index
      %swap3A_79 = arith.constant 64 : index
      %swap3A_80 = tpu.vector_load %arg9[%swap3A_78, %swap3A_79] {strides = array<i32>} : memref<80x128xf32, #tpu.memory_space<vmem>>, vector<1x16xf32>,
      %swap3A_81 = vector.shape_cast %swap3A_80 : vector<1x16xf32> to vector<16xf32>
      %swap3A_82 = vector.shape_cast %broadcast_in_dim3A_77 : vector<16xf32> to vector<1x16xf32>
      tpu.vector_store %arg9[%swap3A_78, %swap3A_79], %swap3A_82 {strides = array<i32>} : memref<80x128xf32, #tpu.memory_space<vmem>>, vector<1x16xf32>,
      %broadcast_in_dim3A_83 = arith.constant 0.000000e+00 : f32
      %broadcast_in_dim3A_84 = vector.broadcast %broadcast_in_dim3A_83 : f32 to vector<16xf32>
      %swap3A_85 = arith.index_cast %add3A_49 : i32 to index
      %swap3A_86 = arith.constant 80 : index
      %swap3A_87 = tpu.vector_load %arg9[%swap3A_85, %swap3A_86] {strides = array<i32>} : memref<80x128xf32, #tpu.memory_space<vmem>>, vector<1x16xf32>,
      %swap3A_88 = vector.shape_cast %swap3A_87 : vector<1x16xf32> to vector<16xf32>
      %swap3A_89 = vector.shape_cast %broadcast_in_dim3A_84 : vector<16xf32> to vector<1x16xf32>
      tpu.vector_store %arg9[%swap3A_85, %swap3A_86], %swap3A_89 {strides = array<i32>} : memref<80x128xf32, #tpu.memory_space<vmem>>, vector<1x16xf32>,
      %broadcast_in_dim3A_90 = arith.constant 0.000000e+00 : f32
      %broadcast_in_dim3A_91 = vector.broadcast %broadcast_in_dim3A_90 : f32 to vector<16xf32>
      %swap3A_92 = arith.index_cast %add3A_49 : i32 to index
      %swap3A_93 = arith.constant 96 : index
      %swap3A_94 = tpu.vector_load %arg9[%swap3A_92, %swap3A_93] {strides = array<i32>} : memref<80x128xf32, #tpu.memory_space<vmem>>, vector<1x16xf32>,
      %swap3A_95 = vector.shape_cast %swap3A_94 : vector<1x16xf32> to vector<16xf32>
      %swap3A_96 = vector.shape_cast %broadcast_in_dim3A_91 : vector<16xf32> to vector<1x16xf32>
      tpu.vector_store %arg9[%swap3A_92, %swap3A_93], %swap3A_96 {strides = array<i32>} : memref<80x128xf32, #tpu.memory_space<vmem>>, vector<1x16xf32>,
      %broadcast_in_dim3A_97 = arith.constant 0.000000e+00 : f32
      %broadcast_in_dim3A_98 = vector.broadcast %broadcast_in_dim3A_97 : f32 to vector<16xf32>
      %swap3A_99 = arith.index_cast %add3A_49 : i32 to index
      %swap3A_100 = arith.constant 112 : index
      %swap3A_101 = tpu.vector_load %arg9[%swap3A_99, %swap3A_100] {strides = array<i32>} : memref<80x128xf32, #tpu.memory_space<vmem>>, vector<1x16xf32>,
      %swap3A_102 = vector.shape_cast %swap3A_101 : vector<1x16xf32> to vector<16xf32>
      %swap3A_103 = vector.shape_cast %broadcast_in_dim3A_98 : vector<16xf32> to vector<1x16xf32>
      tpu.vector_store %arg9[%swap3A_99, %swap3A_100], %swap3A_103 {strides = array<i32>} : memref<80x128xf32, #tpu.memory_space<vmem>>, vector<1x16xf32>,
    }
    %scan3A_3 = arith.constant 80 : i32
    %scan3A_4 = arith.constant 0 : i32
    %scan3A_5 = arith.constant 80 : i32
    %scan3A_6 = arith.addi %scan3A_4, %scan3A_5 : i32
    %scan3A_7 = arith.constant 1 : i32
    scf.for %scan3A_46 = %scan3A_4 to %scan3A_6 step %scan3A_7  : i32 {
      %mul3A_47 = arith.constant 1 : i32
      %mul3A_48 = arith.muli %scan3A_46, %mul3A_47 : i32
      %add3A = arith.constant 0 : i32
      %add3A_49 = arith.addi %add3A, %mul3A_48 : i32
      %broadcast_in_dim3A = arith.constant 0.000000e+00 : f32
      %broadcast_in_dim3A_50 = vector.broadcast %broadcast_in_dim3A : f32 to vector<16xf32>
      %swap3A = arith.index_cast %add3A_49 : i32 to index
      %swap3A_51 = arith.constant 0 : index
      %swap3A_52 = tpu.vector_load %arg10[%swap3A, %swap3A_51] {strides = array<i32>} : memref<80x128xf32, #tpu.memory_space<vmem>>, vector<1x16xf32>,
      %swap3A_53 = vector.shape_cast %swap3A_52 : vector<1x16xf32> to vector<16xf32>
      %swap3A_54 = vector.shape_cast %broadcast_in_dim3A_50 : vector<16xf32> to vector<1x16xf32>
      tpu.vector_store %arg10[%swap3A, %swap3A_51], %swap3A_54 {strides = array<i32>} : memref<80x128xf32, #tpu.memory_space<vmem>>, vector<1x16xf32>,
      %broadcast_in_dim3A_55 = arith.constant 0.000000e+00 : f32
      %broadcast_in_dim3A_56 = vector.broadcast %broadcast_in_dim3A_55 : f32 to vector<16xf32>
      %swap3A_57 = arith.index_cast %add3A_49 : i32 to index
      %swap3A_58 = arith.constant 16 : index
      %swap3A_59 = tpu.vector_load %arg10[%swap3A_57, %swap3A_58] {strides = array<i32>} : memref<80x128xf32, #tpu.memory_space<vmem>>, vector<1x16xf32>,
      %swap3A_60 = vector.shape_cast %swap3A_59 : vector<1x16xf32> to vector<16xf32>
      %swap3A_61 = vector.shape_cast %broadcast_in_dim3A_56 : vector<16xf32> to vector<1x16xf32>
      tpu.vector_store %arg10[%swap3A_57, %swap3A_58], %swap3A_61 {strides = array<i32>} : memref<80x128xf32, #tpu.memory_space<vmem>>, vector<1x16xf32>,
      %broadcast_in_dim3A_62 = arith.constant 0.000000e+00 : f32
      %broadcast_in_dim3A_63 = vector.broadcast %broadcast_in_dim3A_62 : f32 to vector<16xf32>
      %swap3A_64 = arith.index_cast %add3A_49 : i32 to index
      %swap3A_65 = arith.constant 32 : index
      %swap3A_66 = tpu.vector_load %arg10[%swap3A_64, %swap3A_65] {strides = array<i32>} : memref<80x128xf32, #tpu.memory_space<vmem>>, vector<1x16xf32>,
      %swap3A_67 = vector.shape_cast %swap3A_66 : vector<1x16xf32> to vector<16xf32>
      %swap3A_68 = vector.shape_cast %broadcast_in_dim3A_63 : vector<16xf32> to vector<1x16xf32>
      tpu.vector_store %arg10[%swap3A_64, %swap3A_65], %swap3A_68 {strides = array<i32>} : memref<80x128xf32, #tpu.memory_space<vmem>>, vector<1x16xf32>,
      %broadcast_in_dim3A_69 = arith.constant 0.000000e+00 : f32
      %broadcast_in_dim3A_70 = vector.broadcast %broadcast_in_dim3A_69 : f32 to vector<16xf32>
      %swap3A_71 = arith.index_cast %add3A_49 : i32 to index
      %swap3A_72 = arith.constant 48 : index
      %swap3A_73 = tpu.vector_load %arg10[%swap3A_71, %swap3A_72] {strides = array<i32>} : memref<80x128xf32, #tpu.memory_space<vmem>>, vector<1x16xf32>,
      %swap3A_74 = vector.shape_cast %swap3A_73 : vector<1x16xf32> to vector<16xf32>
      %swap3A_75 = vector.shape_cast %broadcast_in_dim3A_70 : vector<16xf32> to vector<1x16xf32>
      tpu.vector_store %arg10[%swap3A_71, %swap3A_72], %swap3A_75 {strides = array<i32>} : memref<80x128xf32, #tpu.memory_space<vmem>>, vector<1x16xf32>,
      %broadcast_in_dim3A_76 = arith.constant 0.000000e+00 : f32
      %broadcast_in_dim3A_77 = vector.broadcast %broadcast_in_dim3A_76 : f32 to vector<16xf32>
      %swap3A_78 = arith.index_cast %add3A_49 : i32 to index
      %swap3A_79 = arith.constant 64 : index
      %swap3A_80 = tpu.vector_load %arg10[%swap3A_78, %swap3A_79] {strides = array<i32>} : memref<80x128xf32, #tpu.memory_space<vmem>>, vector<1x16xf32>,
      %swap3A_81 = vector.shape_cast %swap3A_80 : vector<1x16xf32> to vector<16xf32>
      %swap3A_82 = vector.shape_cast %broadcast_in_dim3A_77 : vector<16xf32> to vector<1x16xf32>
      tpu.vector_store %arg10[%swap3A_78, %swap3A_79], %swap3A_82 {strides = array<i32>} : memref<80x128xf32, #tpu.memory_space<vmem>>, vector<1x16xf32>,
      %broadcast_in_dim3A_83 = arith.constant 0.000000e+00 : f32
      %broadcast_in_dim3A_84 = vector.broadcast %broadcast_in_dim3A_83 : f32 to vector<16xf32>
      %swap3A_85 = arith.index_cast %add3A_49 : i32 to index
      %swap3A_86 = arith.constant 80 : index
      %swap3A_87 = tpu.vector_load %arg10[%swap3A_85, %swap3A_86] {strides = array<i32>} : memref<80x128xf32, #tpu.memory_space<vmem>>, vector<1x16xf32>,
      %swap3A_88 = vector.shape_cast %swap3A_87 : vector<1x16xf32> to vector<16xf32>
      %swap3A_89 = vector.shape_cast %broadcast_in_dim3A_84 : vector<16xf32> to vector<1x16xf32>
      tpu.vector_store %arg10[%swap3A_85, %swap3A_86], %swap3A_89 {strides = array<i32>} : memref<80x128xf32, #tpu.memory_space<vmem>>, vector<1x16xf32>,
      %broadcast_in_dim3A_90 = arith.constant 0.000000e+00 : f32
      %broadcast_in_dim3A_91 = vector.broadcast %broadcast_in_dim3A_90 : f32 to vector<16xf32>
      %swap3A_92 = arith.index_cast %add3A_49 : i32 to index
      %swap3A_93 = arith.constant 96 : index
      %swap3A_94 = tpu.vector_load %arg10[%swap3A_92, %swap3A_93] {strides = array<i32>} : memref<80x128xf32, #tpu.memory_space<vmem>>, vector<1x16xf32>,
      %swap3A_95 = vector.shape_cast %swap3A_94 : vector<1x16xf32> to vector<16xf32>
      %swap3A_96 = vector.shape_cast %broadcast_in_dim3A_91 : vector<16xf32> to vector<1x16xf32>
      tpu.vector_store %arg10[%swap3A_92, %swap3A_93], %swap3A_96 {strides = array<i32>} : memref<80x128xf32, #tpu.memory_space<vmem>>, vector<1x16xf32>,
      %broadcast_in_dim3A_97 = arith.constant 0.000000e+00 : f32
      %broadcast_in_dim3A_98 = vector.broadcast %broadcast_in_dim3A_97 : f32 to vector<16xf32>
      %swap3A_99 = arith.index_cast %add3A_49 : i32 to index
      %swap3A_100 = arith.constant 112 : index
      %swap3A_101 = tpu.vector_load %arg10[%swap3A_99, %swap3A_100] {strides = array<i32>} : memref<80x128xf32, #tpu.memory_space<vmem>>, vector<1x16xf32>,
      %swap3A_102 = vector.shape_cast %swap3A_101 : vector<1x16xf32> to vector<16xf32>
      %swap3A_103 = vector.shape_cast %broadcast_in_dim3A_98 : vector<16xf32> to vector<1x16xf32>
      tpu.vector_store %arg10[%swap3A_99, %swap3A_100], %swap3A_103 {strides = array<i32>} : memref<80x128xf32, #tpu.memory_space<vmem>>, vector<1x16xf32>,
    }
    %scan3A_8 = arith.constant 80 : i32
    %scan3A_9 = arith.constant 0 : i32
    %scan3A_10 = arith.constant 4 : i32
    %scan3A_11 = arith.addi %scan3A_9, %scan3A_10 : i32
    %scan3A_12 = arith.constant 1 : i32
    scf.for %scan3A_46 = %scan3A_9 to %scan3A_11 step %scan3A_12  : i32 {
      %mul3A_47 = arith.constant 1 : i32
      %mul3A_48 = arith.muli %scan3A_46, %mul3A_47 : i32
      %add3A = arith.constant 0 : i32
      %add3A_49 = arith.addi %add3A, %mul3A_48 : i32
      %mul3A_50 = arith.constant 640 : i32
      %mul3A_51 = arith.muli %arg1, %mul3A_50 : i32
      %mul3A_52 = arith.constant 2 : i32
      %mul3A_53 = arith.muli %mul3A_52, %add3A_49 : i32
      %mul3A_54 = arith.constant 80 : i32
      %mul3A_55 = arith.muli %mul3A_53, %mul3A_54 : i32
      %add3A_56 = arith.addi %mul3A_51, %mul3A_55 : i32
      "tpu.region"() ({
        %run_scoped3A_66 = tpu.sem_alloc : memref<!tpu.dma_semaphore, #tpu.memory_space<semaphore_mem>>
        %dma_start3A_67 = arith.constant 0 : i32
        %dma_start3A_68 = tpu.memref_slice %arg13[%add3A_56, %dma_start3A_67] : memref<10240x128xf32, #tpu.memory_space<vmem_shared>> -> memref<80x128xf32, #tpu.memory_space<vmem_shared>>
        %dma_start3A_69 = arith.constant 0 : i32
        %dma_start3A_70 = tpu.memref_slice %arg13[%add3A_56, %dma_start3A_69] : memref<10240x128xf32, #tpu.memory_space<vmem_shared>> -> memref<80x128xf32, #tpu.memory_space<vmem_shared>>
        tpu.enqueue_dma source(%arg9 : memref<80x128xf32, #tpu.memory_space<vmem>>) target(%dma_start3A_70 : memref<80x128xf32, #tpu.memory_space<vmem_shared>>) target_semaphore(%run_scoped3A_66 : memref<!tpu.dma_semaphore, #tpu.memory_space<semaphore_mem>>)
        %dma_wait3A = arith.constant 0 : i32
        %dma_wait3A_71 = tpu.memref_slice %arg13[%add3A_56, %dma_wait3A] : memref<10240x128xf32, #tpu.memory_space<vmem_shared>> -> memref<80x128xf32, #tpu.memory_space<vmem_shared>>
        %dma_wait3A_72 = arith.constant 0 : i32
        %dma_wait3A_73 = tpu.memref_slice %arg13[%add3A_56, %dma_wait3A_72] : memref<10240x128xf32, #tpu.memory_space<vmem_shared>> -> memref<80x128xf32, #tpu.memory_space<vmem_shared>>
        tpu.wait_dma2 semaphore(%run_scoped3A_66 : memref<!tpu.dma_semaphore, #tpu.memory_space<semaphore_mem>>) src(%arg9 : memref<80x128xf32, #tpu.memory_space<vmem>>) dst(%dma_wait3A_73 : memref<80x128xf32, #tpu.memory_space<vmem_shared>>)
        tpu.yield
      }) : () -> ()
      %mul3A_57 = arith.constant 640 : i32
      %mul3A_58 = arith.muli %arg1, %mul3A_57 : i32
      %mul3A_59 = arith.constant 2 : i32
      %mul3A_60 = arith.muli %mul3A_59, %add3A_49 : i32
      %add3A_61 = arith.constant 1 : i32
      %add3A_62 = arith.addi %mul3A_60, %add3A_61 : i32
      %mul3A_63 = arith.constant 80 : i32
      %mul3A_64 = arith.muli %add3A_62, %mul3A_63 : i32
      %add3A_65 = arith.addi %mul3A_58, %mul3A_64 : i32
      "tpu.region"() ({
        %run_scoped3A_66 = tpu.sem_alloc : memref<!tpu.dma_semaphore, #tpu.memory_space<semaphore_mem>>
        %dma_start3A_67 = arith.constant 0 : i32
        %dma_start3A_68 = tpu.memref_slice %arg13[%add3A_65, %dma_start3A_67] : memref<10240x128xf32, #tpu.memory_space<vmem_shared>> -> memref<80x128xf32, #tpu.memory_space<vmem_shared>>
        %dma_start3A_69 = arith.constant 0 : i32
        %dma_start3A_70 = tpu.memref_slice %arg13[%add3A_65, %dma_start3A_69] : memref<10240x128xf32, #tpu.memory_space<vmem_shared>> -> memref<80x128xf32, #tpu.memory_space<vmem_shared>>
        tpu.enqueue_dma source(%arg10 : memref<80x128xf32, #tpu.memory_space<vmem>>) target(%dma_start3A_70 : memref<80x128xf32, #tpu.memory_space<vmem_shared>>) target_semaphore(%run_scoped3A_66 : memref<!tpu.dma_semaphore, #tpu.memory_space<semaphore_mem>>)
        %dma_wait3A = arith.constant 0 : i32
        %dma_wait3A_71 = tpu.memref_slice %arg13[%add3A_65, %dma_wait3A] : memref<10240x128xf32, #tpu.memory_space<vmem_shared>> -> memref<80x128xf32, #tpu.memory_space<vmem_shared>>
        %dma_wait3A_72 = arith.constant 0 : i32
        %dma_wait3A_73 = tpu.memref_slice %arg13[%add3A_65, %dma_wait3A_72] : memref<10240x128xf32, #tpu.memory_space<vmem_shared>> -> memref<80x128xf32, #tpu.memory_space<vmem_shared>>
        tpu.wait_dma2 semaphore(%run_scoped3A_66 : memref<!tpu.dma_semaphore, #tpu.memory_space<semaphore_mem>>) src(%arg10 : memref<80x128xf32, #tpu.memory_space<vmem>>) dst(%dma_wait3A_73 : memref<80x128xf32, #tpu.memory_space<vmem_shared>>)
        tpu.yield
      }) : () -> ()
    }
    %scan3A_13 = arith.constant 4 : i32
    %barrier3A = arith.constant 0 : index
    tpu.barrier barrier_id(%barrier3A)
    %run_scoped3A = arith.constant 0 : i32
    "tpu.region"() ({
      %run_scoped3A_46 = tpu.sem_alloc : memref<!tpu.dma_semaphore, #tpu.memory_space<semaphore_mem>>
      %dma_start3A_47 = arith.constant 0 : i32
      %dma_start3A_48 = arith.constant 0 : i32
      %dma_start3A_49 = tpu.memref_slice %arg3[%arg0, %arg1, %run_scoped3A, %dma_start3A_47, %dma_start3A_48] : memref<2x16x128x2x80xi32, #tpu.memory_space<hbm>> -> memref<1x1x1x2x80xi32, #tpu.memory_space<hbm>>
      %dma_start3A_50 = tpu.memref_squeeze %dma_start3A_49 : memref<1x1x1x2x80xi32, #tpu.memory_space<hbm>> -> memref<2x80xi32, #tpu.memory_space<hbm>>
      %dma_start3A_51 = arith.constant 0 : i32
      %dma_start3A_52 = arith.constant 0 : i32
      %dma_start3A_53 = tpu.memref_slice %arg3[%arg0, %arg1, %run_scoped3A, %dma_start3A_51, %dma_start3A_52] : memref<2x16x128x2x80xi32, #tpu.memory_space<hbm>> -> memref<1x1x1x2x80xi32, #tpu.memory_space<hbm>>
      %dma_start3A_54 = tpu.memref_squeeze %dma_start3A_53 : memref<1x1x1x2x80xi32, #tpu.memory_space<hbm>> -> memref<2x80xi32, #tpu.memory_space<hbm>>
      tpu.enqueue_dma source(%dma_start3A_54 : memref<2x80xi32, #tpu.memory_space<hbm>>) target(%arg5 : memref<2x80xi32, #tpu.memory_space<vmem>>) target_semaphore(%run_scoped3A_46 : memref<!tpu.dma_semaphore, #tpu.memory_space<semaphore_mem>>)
      %dma_wait3A = arith.constant 0 : i32
      %dma_wait3A_55 = arith.constant 0 : i32
      %dma_wait3A_56 = tpu.memref_slice %arg3[%arg0, %arg1, %run_scoped3A, %dma_wait3A, %dma_wait3A_55] : memref<2x16x128x2x80xi32, #tpu.memory_space<hbm>> -> memref<1x1x1x2x80xi32, #tpu.memory_space<hbm>>
      %dma_wait3A_57 = tpu.memref_squeeze %dma_wait3A_56 : memref<1x1x1x2x80xi32, #tpu.memory_space<hbm>> -> memref<2x80xi32, #tpu.memory_space<hbm>>
      %dma_wait3A_58 = arith.constant 0 : i32
      %dma_wait3A_59 = arith.constant 0 : i32
      %dma_wait3A_60 = tpu.memref_slice %arg3[%arg0, %arg1, %run_scoped3A, %dma_wait3A_58, %dma_wait3A_59] : memref<2x16x128x2x80xi32, #tpu.memory_space<hbm>> -> memref<1x1x1x2x80xi32, #tpu.memory_space<hbm>>
      %dma_wait3A_61 = tpu.memref_squeeze %dma_wait3A_60 : memref<1x1x1x2x80xi32, #tpu.memory_space<hbm>> -> memref<2x80xi32, #tpu.memory_space<hbm>>
      tpu.wait_dma2 semaphore(%run_scoped3A_46 : memref<!tpu.dma_semaphore, #tpu.memory_space<semaphore_mem>>) src(%dma_wait3A_61 : memref<2x80xi32, #tpu.memory_space<hbm>>) dst(%arg5 : memref<2x80xi32, #tpu.memory_space<vmem>>)
      tpu.yield
    }) : () -> ()
    %run_scoped3A_14 = arith.constant 1 : i32
    "tpu.region"() ({
      %run_scoped3A_46 = tpu.sem_alloc : memref<!tpu.dma_semaphore, #tpu.memory_space<semaphore_mem>>
      %dma_start3A_47 = arith.constant 0 : i32
      %dma_start3A_48 = arith.constant 0 : i32
      %dma_start3A_49 = tpu.memref_slice %arg3[%arg0, %arg1, %run_scoped3A_14, %dma_start3A_47, %dma_start3A_48] : memref<2x16x128x2x80xi32, #tpu.memory_space<hbm>> -> memref<1x1x1x2x80xi32, #tpu.memory_space<hbm>>
      %dma_start3A_50 = tpu.memref_squeeze %dma_start3A_49 : memref<1x1x1x2x80xi32, #tpu.memory_space<hbm>> -> memref<2x80xi32, #tpu.memory_space<hbm>>
      %dma_start3A_51 = arith.constant 0 : i32
      %dma_start3A_52 = arith.constant 0 : i32
      %dma_start3A_53 = tpu.memref_slice %arg3[%arg0, %arg1, %run_scoped3A_14, %dma_start3A_51, %dma_start3A_52] : memref<2x16x128x2x80xi32, #tpu.memory_space<hbm>> -> memref<1x1x1x2x80xi32, #tpu.memory_space<hbm>>
      %dma_start3A_54 = tpu.memref_squeeze %dma_start3A_53 : memref<1x1x1x2x80xi32, #tpu.memory_space<hbm>> -> memref<2x80xi32, #tpu.memory_space<hbm>>
      tpu.enqueue_dma source(%dma_start3A_54 : memref<2x80xi32, #tpu.memory_space<hbm>>) target(%arg6 : memref<2x80xi32, #tpu.memory_space<vmem>>) target_semaphore(%run_scoped3A_46 : memref<!tpu.dma_semaphore, #tpu.memory_space<semaphore_mem>>)
      %dma_wait3A = arith.constant 0 : i32
      %dma_wait3A_55 = arith.constant 0 : i32
      %dma_wait3A_56 = tpu.memref_slice %arg3[%arg0, %arg1, %run_scoped3A_14, %dma_wait3A, %dma_wait3A_55] : memref<2x16x128x2x80xi32, #tpu.memory_space<hbm>> -> memref<1x1x1x2x80xi32, #tpu.memory_space<hbm>>
      %dma_wait3A_57 = tpu.memref_squeeze %dma_wait3A_56 : memref<1x1x1x2x80xi32, #tpu.memory_space<hbm>> -> memref<2x80xi32, #tpu.memory_space<hbm>>
      %dma_wait3A_58 = arith.constant 0 : i32
      %dma_wait3A_59 = arith.constant 0 : i32
      %dma_wait3A_60 = tpu.memref_slice %arg3[%arg0, %arg1, %run_scoped3A_14, %dma_wait3A_58, %dma_wait3A_59] : memref<2x16x128x2x80xi32, #tpu.memory_space<hbm>> -> memref<1x1x1x2x80xi32, #tpu.memory_space<hbm>>
      %dma_wait3A_61 = tpu.memref_squeeze %dma_wait3A_60 : memref<1x1x1x2x80xi32, #tpu.memory_space<hbm>> -> memref<2x80xi32, #tpu.memory_space<hbm>>
      tpu.wait_dma2 semaphore(%run_scoped3A_46 : memref<!tpu.dma_semaphore, #tpu.memory_space<semaphore_mem>>) src(%dma_wait3A_61 : memref<2x80xi32, #tpu.memory_space<hbm>>) dst(%arg6 : memref<2x80xi32, #tpu.memory_space<vmem>>)
      tpu.yield
    }) : () -> ()
    %run_scoped3A_15 = arith.constant 2 : i32
    "tpu.region"() ({
      %run_scoped3A_46 = tpu.sem_alloc : memref<!tpu.dma_semaphore, #tpu.memory_space<semaphore_mem>>
      %dma_start3A_47 = arith.constant 0 : i32
      %dma_start3A_48 = arith.constant 0 : i32
      %dma_start3A_49 = tpu.memref_slice %arg3[%arg0, %arg1, %run_scoped3A_15, %dma_start3A_47, %dma_start3A_48] : memref<2x16x128x2x80xi32, #tpu.memory_space<hbm>> -> memref<1x1x1x2x80xi32, #tpu.memory_space<hbm>>
      %dma_start3A_50 = tpu.memref_squeeze %dma_start3A_49 : memref<1x1x1x2x80xi32, #tpu.memory_space<hbm>> -> memref<2x80xi32, #tpu.memory_space<hbm>>
      %dma_start3A_51 = arith.constant 0 : i32
      %dma_start3A_52 = arith.constant 0 : i32
      %dma_start3A_53 = tpu.memref_slice %arg3[%arg0, %arg1, %run_scoped3A_15, %dma_start3A_51, %dma_start3A_52] : memref<2x16x128x2x80xi32, #tpu.memory_space<hbm>> -> memref<1x1x1x2x80xi32, #tpu.memory_space<hbm>>
      %dma_start3A_54 = tpu.memref_squeeze %dma_start3A_53 : memref<1x1x1x2x80xi32, #tpu.memory_space<hbm>> -> memref<2x80xi32, #tpu.memory_space<hbm>>
      tpu.enqueue_dma source(%dma_start3A_54 : memref<2x80xi32, #tpu.memory_space<hbm>>) target(%arg7 : memref<2x80xi32, #tpu.memory_space<vmem>>) target_semaphore(%run_scoped3A_46 : memref<!tpu.dma_semaphore, #tpu.memory_space<semaphore_mem>>)
      %dma_wait3A = arith.constant 0 : i32
      %dma_wait3A_55 = arith.constant 0 : i32
      %dma_wait3A_56 = tpu.memref_slice %arg3[%arg0, %arg1, %run_scoped3A_15, %dma_wait3A, %dma_wait3A_55] : memref<2x16x128x2x80xi32, #tpu.memory_space<hbm>> -> memref<1x1x1x2x80xi32, #tpu.memory_space<hbm>>
      %dma_wait3A_57 = tpu.memref_squeeze %dma_wait3A_56 : memref<1x1x1x2x80xi32, #tpu.memory_space<hbm>> -> memref<2x80xi32, #tpu.memory_space<hbm>>
      %dma_wait3A_58 = arith.constant 0 : i32
      %dma_wait3A_59 = arith.constant 0 : i32
      %dma_wait3A_60 = tpu.memref_slice %arg3[%arg0, %arg1, %run_scoped3A_15, %dma_wait3A_58, %dma_wait3A_59] : memref<2x16x128x2x80xi32, #tpu.memory_space<hbm>> -> memref<1x1x1x2x80xi32, #tpu.memory_space<hbm>>
      %dma_wait3A_61 = tpu.memref_squeeze %dma_wait3A_60 : memref<1x1x1x2x80xi32, #tpu.memory_space<hbm>> -> memref<2x80xi32, #tpu.memory_space<hbm>>
      tpu.wait_dma2 semaphore(%run_scoped3A_46 : memref<!tpu.dma_semaphore, #tpu.memory_space<semaphore_mem>>) src(%dma_wait3A_61 : memref<2x80xi32, #tpu.memory_space<hbm>>) dst(%arg7 : memref<2x80xi32, #tpu.memory_space<vmem>>)
      tpu.yield
    }) : () -> ()
    %run_scoped3A_16 = arith.constant 3 : i32
    "tpu.region"() ({
      %run_scoped3A_46 = tpu.sem_alloc : memref<!tpu.dma_semaphore, #tpu.memory_space<semaphore_mem>>
      %dma_start3A_47 = arith.constant 0 : i32
      %dma_start3A_48 = arith.constant 0 : i32
      %dma_start3A_49 = tpu.memref_slice %arg3[%arg0, %arg1, %run_scoped3A_16, %dma_start3A_47, %dma_start3A_48] : memref<2x16x128x2x80xi32, #tpu.memory_space<hbm>> -> memref<1x1x1x2x80xi32, #tpu.memory_space<hbm>>
      %dma_start3A_50 = tpu.memref_squeeze %dma_start3A_49 : memref<1x1x1x2x80xi32, #tpu.memory_space<hbm>> -> memref<2x80xi32, #tpu.memory_space<hbm>>
      %dma_start3A_51 = arith.constant 0 : i32
      %dma_start3A_52 = arith.constant 0 : i32
      %dma_start3A_53 = tpu.memref_slice %arg3[%arg0, %arg1, %run_scoped3A_16, %dma_start3A_51, %dma_start3A_52] : memref<2x16x128x2x80xi32, #tpu.memory_space<hbm>> -> memref<1x1x1x2x80xi32, #tpu.memory_space<hbm>>
      %dma_start3A_54 = tpu.memref_squeeze %dma_start3A_53 : memref<1x1x1x2x80xi32, #tpu.memory_space<hbm>> -> memref<2x80xi32, #tpu.memory_space<hbm>>
      tpu.enqueue_dma source(%dma_start3A_54 : memref<2x80xi32, #tpu.memory_space<hbm>>) target(%arg8 : memref<2x80xi32, #tpu.memory_space<vmem>>) target_semaphore(%run_scoped3A_46 : memref<!tpu.dma_semaphore, #tpu.memory_space<semaphore_mem>>)
      %dma_wait3A = arith.constant 0 : i32
      %dma_wait3A_55 = arith.constant 0 : i32
      %dma_wait3A_56 = tpu.memref_slice %arg3[%arg0, %arg1, %run_scoped3A_16, %dma_wait3A, %dma_wait3A_55] : memref<2x16x128x2x80xi32, #tpu.memory_space<hbm>> -> memref<1x1x1x2x80xi32, #tpu.memory_space<hbm>>
      %dma_wait3A_57 = tpu.memref_squeeze %dma_wait3A_56 : memref<1x1x1x2x80xi32, #tpu.memory_space<hbm>> -> memref<2x80xi32, #tpu.memory_space<hbm>>
      %dma_wait3A_58 = arith.constant 0 : i32
      %dma_wait3A_59 = arith.constant 0 : i32
      %dma_wait3A_60 = tpu.memref_slice %arg3[%arg0, %arg1, %run_scoped3A_16, %dma_wait3A_58, %dma_wait3A_59] : memref<2x16x128x2x80xi32, #tpu.memory_space<hbm>> -> memref<1x1x1x2x80xi32, #tpu.memory_space<hbm>>
      %dma_wait3A_61 = tpu.memref_squeeze %dma_wait3A_60 : memref<1x1x1x2x80xi32, #tpu.memory_space<hbm>> -> memref<2x80xi32, #tpu.memory_space<hbm>>
      tpu.wait_dma2 semaphore(%run_scoped3A_46 : memref<!tpu.dma_semaphore, #tpu.memory_space<semaphore_mem>>) src(%dma_wait3A_61 : memref<2x80xi32, #tpu.memory_space<hbm>>) dst(%arg8 : memref<2x80xi32, #tpu.memory_space<vmem>>)
      tpu.yield
    }) : () -> ()
    %dma_start3A = arith.constant 0 : i32
    %dma_start3A_17 = arith.constant 0 : i32
    %dma_start3A_18 = tpu.memref_slice %arg5[%dma_start3A, %dma_start3A_17] : memref<2x80xi32, #tpu.memory_space<vmem>> -> memref<1x80xi32, #tpu.memory_space<vmem>>
    %dma_start3A_19 = tpu.memref_squeeze %dma_start3A_18 : memref<1x80xi32, #tpu.memory_space<vmem>> -> memref<80xi32, #tpu.memory_space<vmem>>
    %dma_start3A_20 = arith.constant 0 : i32
    %dma_start3A_21 = arith.constant 0 : i32
    %dma_start3A_22 = tpu.memref_slice %arg2[%dma_start3A_20, %dma_start3A_21] : memref<10000x128xf32, #tpu.memory_space<hbm>> -> memref<10000x128xf32, #tpu.memory_space<hbm>>
    tpu.enqueue_indirect_dma source(%dma_start3A_22 : memref<10000x128xf32, #tpu.memory_space<hbm>>) target(%arg9 : memref<80x128xf32, #tpu.memory_space<vmem>>) offsets(%dma_start3A_19 : memref<80xi32, #tpu.memory_space<vmem>>) semaphore(%arg14 : memref<!tpu.dma_semaphore, #tpu.memory_space<semaphore_mem>>)
    %dma_start3A_23 = arith.constant 0 : i32
    %dma_start3A_24 = arith.constant 0 : i32
    %dma_start3A_25 = tpu.memref_slice %arg6[%dma_start3A_23, %dma_start3A_24] : memref<2x80xi32, #tpu.memory_space<vmem>> -> memref<1x80xi32, #tpu.memory_space<vmem>>
    %dma_start3A_26 = tpu.memref_squeeze %dma_start3A_25 : memref<1x80xi32, #tpu.memory_space<vmem>> -> memref<80xi32, #tpu.memory_space<vmem>>
    %dma_start3A_27 = arith.constant 0 : i32
    %dma_start3A_28 = arith.constant 0 : i32
    %dma_start3A_29 = tpu.memref_slice %arg2[%dma_start3A_27, %dma_start3A_28] : memref<10000x128xf32, #tpu.memory_space<hbm>> -> memref<10000x128xf32, #tpu.memory_space<hbm>>
    tpu.enqueue_indirect_dma source(%dma_start3A_29 : memref<10000x128xf32, #tpu.memory_space<hbm>>) target(%arg10 : memref<80x128xf32, #tpu.memory_space<vmem>>) offsets(%dma_start3A_26 : memref<80xi32, #tpu.memory_space<vmem>>) semaphore(%arg15 : memref<!tpu.dma_semaphore, #tpu.memory_space<semaphore_mem>>)
    %dma_start3A_30 = arith.constant 0 : i32
    %dma_start3A_31 = arith.constant 0 : i32
    %dma_start3A_32 = tpu.memref_slice %arg7[%dma_start3A_30, %dma_start3A_31] : memref<2x80xi32, #tpu.memory_space<vmem>> -> memref<1x80xi32, #tpu.memory_space<vmem>>
    %dma_start3A_33 = tpu.memref_squeeze %dma_start3A_32 : memref<1x80xi32, #tpu.memory_space<vmem>> -> memref<80xi32, #tpu.memory_space<vmem>>
    %dma_start3A_34 = arith.constant 0 : i32
    %dma_start3A_35 = arith.constant 0 : i32
    %dma_start3A_36 = tpu.memref_slice %arg2[%dma_start3A_34, %dma_start3A_35] : memref<10000x128xf32, #tpu.memory_space<hbm>> -> memref<10000x128xf32, #tpu.memory_space<hbm>>
    tpu.enqueue_indirect_dma source(%dma_start3A_36 : memref<10000x128xf32, #tpu.memory_space<hbm>>) target(%arg11 : memref<80x128xf32, #tpu.memory_space<vmem>>) offsets(%dma_start3A_33 : memref<80xi32, #tpu.memory_space<vmem>>) semaphore(%arg16 : memref<!tpu.dma_semaphore, #tpu.memory_space<semaphore_mem>>)
    %scan3A_37 = arith.constant 0 : i32
    %scan3A_38 = arith.constant 128 : i32
    %scan3A_39 = arith.addi %scan3A_37, %scan3A_38 : i32
    %scan3A_40 = arith.constant 1 : i32
    scf.for %scan3A_46 = %scan3A_37 to %scan3A_39 step %scan3A_40  : i32 {
      %mul3A_47 = arith.constant 1 : i32
      %mul3A_48 = arith.muli %scan3A_46, %mul3A_47 : i32
      %add3A = arith.constant 0 : i32
      %add3A_49 = arith.addi %add3A, %mul3A_48 : i32
      %jit3A = arith.constant 4 : i32
      %eq3A = arith.constant 0 : i32
      %eq3A_50 = arith.cmpi eq, %jit3A, %eq3A : i32
      %jit3A_51 = arith.constant 1 : i32
      %select_n3A = arith.select %eq3A_50, %jit3A_51, %jit3A : i32
      %rem3A = arith.remsi %add3A_49, %select_n3A : i32
      %ne3A = arith.constant 0 : i32
      %ne3A_52 = arith.cmpi ne, %rem3A, %ne3A : i32
      %lt3A = arith.constant 0 : i32
      %lt3A_53 = arith.cmpi slt, %rem3A, %lt3A : i32
      %lt3A_54 = arith.constant 0 : i32
      %lt3A_55 = arith.cmpi slt, %select_n3A, %lt3A_54 : i32
      %ne3A_56 = arith.xori %lt3A_53, %lt3A_55 : i1
      %and3A = arith.andi %ne3A_56, %ne3A_52 : i1
      %add3A_57 = arith.addi %rem3A, %select_n3A : i32
      %select_n3A_58 = arith.select %and3A, %add3A_57, %rem3A : i32
      %eq3A_59 = arith.constant 0 : i32
      %eq3A_60 = arith.cmpi eq, %select_n3A_58, %eq3A_59 : i32
      %convert_element_type3A = arith.extui %eq3A_60 : i1 to i32
      %cond3A = arith.constant 0 : i32
      %cond3A_61 = arith.cmpi ne, %convert_element_type3A, %cond3A : i32
      scf.if %cond3A_61 {
        %dma_wait3A = arith.constant 0 : i32
        %dma_wait3A_125 = arith.constant 0 : i32
        %dma_wait3A_126 = tpu.memref_slice %arg5[%dma_wait3A, %dma_wait3A_125] : memref<2x80xi32, #tpu.memory_space<vmem>> -> memref<1x80xi32, #tpu.memory_space<vmem>>
        %dma_wait3A_127 = tpu.memref_squeeze %dma_wait3A_126 : memref<1x80xi32, #tpu.memory_space<vmem>> -> memref<80xi32, #tpu.memory_space<vmem>>
        %dma_wait3A_128 = arith.constant 0 : i32
        %dma_wait3A_129 = arith.constant 0 : i32
        %dma_wait3A_130 = tpu.memref_slice %arg2[%dma_wait3A_128, %dma_wait3A_129] : memref<10000x128xf32, #tpu.memory_space<hbm>> -> memref<10000x128xf32, #tpu.memory_space<hbm>>
        tpu.wait_indirect_dma semaphore(%arg14 : memref<!tpu.dma_semaphore, #tpu.memory_space<semaphore_mem>>) src(%dma_wait3A_130 : memref<10000x128xf32, #tpu.memory_space<hbm>>) dst(%arg9 : memref<80x128xf32, #tpu.memory_space<vmem>>)
        %run_scoped3A_131 = arith.constant 1 : i32
        "tpu.region"() ({
          %run_scoped3A_147 = tpu.sem_alloc : memref<!tpu.dma_semaphore, #tpu.memory_space<semaphore_mem>>
          %dma_start3A_148 = arith.constant 0 : i32
          %dma_start3A_149 = tpu.memref_slice %arg5[%run_scoped3A_131, %dma_start3A_148] : memref<2x80xi32, #tpu.memory_space<vmem>> -> memref<1x80xi32, #tpu.memory_space<vmem>>
          %dma_start3A_150 = tpu.memref_squeeze %dma_start3A_149 : memref<1x80xi32, #tpu.memory_space<vmem>> -> memref<80xi32, #tpu.memory_space<vmem>>
          %dma_start3A_151 = arith.constant 0 : i32
          %dma_start3A_152 = arith.constant 0 : i32
          %dma_start3A_153 = tpu.memref_slice %arg13[%dma_start3A_151, %dma_start3A_152] : memref<10240x128xf32, #tpu.memory_space<vmem_shared>> -> memref<10240x128xf32, #tpu.memory_space<vmem_shared>>
          tpu.enqueue_indirect_dma source(%arg9 : memref<80x128xf32, #tpu.memory_space<vmem>>) target(%dma_start3A_153 : memref<10240x128xf32, #tpu.memory_space<vmem_shared>>) offsets(%dma_start3A_150 : memref<80xi32, #tpu.memory_space<vmem>>) semaphore(%run_scoped3A_147 : memref<!tpu.dma_semaphore, #tpu.memory_space<semaphore_mem>>) {add = true}
          %dma_wait3A_154 = arith.constant 0 : i32
          %dma_wait3A_155 = tpu.memref_slice %arg5[%run_scoped3A_131, %dma_wait3A_154] : memref<2x80xi32, #tpu.memory_space<vmem>> -> memref<1x80xi32, #tpu.memory_space<vmem>>
          %dma_wait3A_156 = tpu.memref_squeeze %dma_wait3A_155 : memref<1x80xi32, #tpu.memory_space<vmem>> -> memref<80xi32, #tpu.memory_space<vmem>>
          %dma_wait3A_157 = arith.constant 0 : i32
          %dma_wait3A_158 = arith.constant 0 : i32
          %dma_wait3A_159 = tpu.memref_slice %arg13[%dma_wait3A_157, %dma_wait3A_158] : memref<10240x128xf32, #tpu.memory_space<vmem_shared>> -> memref<10240x128xf32, #tpu.memory_space<vmem_shared>>
          tpu.wait_indirect_dma semaphore(%run_scoped3A_147 : memref<!tpu.dma_semaphore, #tpu.memory_space<semaphore_mem>>) src(%arg9 : memref<80x128xf32, #tpu.memory_space<vmem>>) dst(%dma_wait3A_159 : memref<10240x128xf32, #tpu.memory_space<vmem_shared>>)
          tpu.yield
        }) : () -> ()
        %add3A_132 = arith.constant 4 : i32
        %add3A_133 = arith.addi %add3A_49, %add3A_132 : i32
        %lt3A_134 = arith.constant 128 : i32
        %lt3A_135 = arith.cmpi slt, %add3A_133, %lt3A_134 : i32
        %convert_element_type3A_136 = arith.extui %lt3A_135 : i1 to i32
        %cond3A_137 = arith.constant 0 : i32
        %cond3A_138 = arith.cmpi ne, %convert_element_type3A_136, %cond3A_137 : i32
        scf.if %cond3A_138 {
          %add3A_147 = arith.constant 4 : i32
          %add3A_148 = arith.addi %add3A_49, %add3A_147 : i32
          "tpu.region"() ({
            %run_scoped3A_149 = tpu.sem_alloc : memref<!tpu.dma_semaphore, #tpu.memory_space<semaphore_mem>>
            %dma_start3A_150 = arith.constant 0 : i32
            %dma_start3A_151 = arith.constant 0 : i32
            %dma_start3A_152 = tpu.memref_slice %arg3[%arg0, %arg1, %add3A_148, %dma_start3A_150, %dma_start3A_151] : memref<2x16x128x2x80xi32, #tpu.memory_space<hbm>> -> memref<1x1x1x2x80xi32, #tpu.memory_space<hbm>>
            %dma_start3A_153 = tpu.memref_squeeze %dma_start3A_152 : memref<1x1x1x2x80xi32, #tpu.memory_space<hbm>> -> memref<2x80xi32, #tpu.memory_space<hbm>>
            %dma_start3A_154 = arith.constant 0 : i32
            %dma_start3A_155 = arith.constant 0 : i32
            %dma_start3A_156 = tpu.memref_slice %arg3[%arg0, %arg1, %add3A_148, %dma_start3A_154, %dma_start3A_155] : memref<2x16x128x2x80xi32, #tpu.memory_space<hbm>> -> memref<1x1x1x2x80xi32, #tpu.memory_space<hbm>>
            %dma_start3A_157 = tpu.memref_squeeze %dma_start3A_156 : memref<1x1x1x2x80xi32, #tpu.memory_space<hbm>> -> memref<2x80xi32, #tpu.memory_space<hbm>>
            tpu.enqueue_dma source(%dma_start3A_157 : memref<2x80xi32, #tpu.memory_space<hbm>>) target(%arg5 : memref<2x80xi32, #tpu.memory_space<vmem>>) target_semaphore(%run_scoped3A_149 : memref<!tpu.dma_semaphore, #tpu.memory_space<semaphore_mem>>)
            %dma_wait3A_158 = arith.constant 0 : i32
            %dma_wait3A_159 = arith.constant 0 : i32
            %dma_wait3A_160 = tpu.memref_slice %arg3[%arg0, %arg1, %add3A_148, %dma_wait3A_158, %dma_wait3A_159] : memref<2x16x128x2x80xi32, #tpu.memory_space<hbm>> -> memref<1x1x1x2x80xi32, #tpu.memory_space<hbm>>
            %dma_wait3A_161 = tpu.memref_squeeze %dma_wait3A_160 : memref<1x1x1x2x80xi32, #tpu.memory_space<hbm>> -> memref<2x80xi32, #tpu.memory_space<hbm>>
            %dma_wait3A_162 = arith.constant 0 : i32
            %dma_wait3A_163 = arith.constant 0 : i32
            %dma_wait3A_164 = tpu.memref_slice %arg3[%arg0, %arg1, %add3A_148, %dma_wait3A_162, %dma_wait3A_163] : memref<2x16x128x2x80xi32, #tpu.memory_space<hbm>> -> memref<1x1x1x2x80xi32, #tpu.memory_space<hbm>>
            %dma_wait3A_165 = tpu.memref_squeeze %dma_wait3A_164 : memref<1x1x1x2x80xi32, #tpu.memory_space<hbm>> -> memref<2x80xi32, #tpu.memory_space<hbm>>
            tpu.wait_dma2 semaphore(%run_scoped3A_149 : memref<!tpu.dma_semaphore, #tpu.memory_space<semaphore_mem>>) src(%dma_wait3A_165 : memref<2x80xi32, #tpu.memory_space<hbm>>) dst(%arg5 : memref<2x80xi32, #tpu.memory_space<vmem>>)
            tpu.yield
          }) : () -> ()
        } else {
        }
        %add3A_139 = arith.constant 4 : i32
        %add3A_140 = arith.addi %add3A_49, %add3A_139 : i32
        %sub3A = arith.constant 1 : i32
        %sub3A_141 = arith.subi %add3A_140, %sub3A : i32
        %lt3A_142 = arith.constant 128 : i32
        %lt3A_143 = arith.cmpi slt, %sub3A_141, %lt3A_142 : i32
        %convert_element_type3A_144 = arith.extui %lt3A_143 : i1 to i32
        %cond3A_145 = arith.constant 0 : i32
        %cond3A_146 = arith.cmpi ne, %convert_element_type3A_144, %cond3A_145 : i32
        scf.if %cond3A_146 {
          %dma_start3A_147 = arith.constant 0 : i32
          %dma_start3A_148 = arith.constant 0 : i32
          %dma_start3A_149 = tpu.memref_slice %arg8[%dma_start3A_147, %dma_start3A_148] : memref<2x80xi32, #tpu.memory_space<vmem>> -> memref<1x80xi32, #tpu.memory_space<vmem>>
          %dma_start3A_150 = tpu.memref_squeeze %dma_start3A_149 : memref<1x80xi32, #tpu.memory_space<vmem>> -> memref<80xi32, #tpu.memory_space<vmem>>
          %dma_start3A_151 = arith.constant 0 : i32
          %dma_start3A_152 = arith.constant 0 : i32
          %dma_start3A_153 = tpu.memref_slice %arg2[%dma_start3A_151, %dma_start3A_152] : memref<10000x128xf32, #tpu.memory_space<hbm>> -> memref<10000x128xf32, #tpu.memory_space<hbm>>
          tpu.enqueue_indirect_dma source(%dma_start3A_153 : memref<10000x128xf32, #tpu.memory_space<hbm>>) target(%arg12 : memref<80x128xf32, #tpu.memory_space<vmem>>) offsets(%dma_start3A_150 : memref<80xi32, #tpu.memory_space<vmem>>) semaphore(%arg17 : memref<!tpu.dma_semaphore, #tpu.memory_space<semaphore_mem>>)
        } else {
        }
      } else {
      }
      %jit3A_62 = arith.constant 4 : i32
      %eq3A_63 = arith.constant 0 : i32
      %eq3A_64 = arith.cmpi eq, %jit3A_62, %eq3A_63 : i32
      %jit3A_65 = arith.constant 1 : i32
      %select_n3A_66 = arith.select %eq3A_64, %jit3A_65, %jit3A_62 : i32
      %rem3A_67 = arith.remsi %add3A_49, %select_n3A_66 : i32
      %ne3A_68 = arith.constant 0 : i32
      %ne3A_69 = arith.cmpi ne, %rem3A_67, %ne3A_68 : i32
      %lt3A_70 = arith.constant 0 : i32
      %lt3A_71 = arith.cmpi slt, %rem3A_67, %lt3A_70 : i32
      %lt3A_72 = arith.constant 0 : i32
      %lt3A_73 = arith.cmpi slt, %select_n3A_66, %lt3A_72 : i32
      %ne3A_74 = arith.xori %lt3A_71, %lt3A_73 : i1
      %and3A_75 = arith.andi %ne3A_74, %ne3A_69 : i1
      %add3A_76 = arith.addi %rem3A_67, %select_n3A_66 : i32
      %select_n3A_77 = arith.select %and3A_75, %add3A_76, %rem3A_67 : i32
      %eq3A_78 = arith.constant 1 : i32
      %eq3A_79 = arith.cmpi eq, %select_n3A_77, %eq3A_78 : i32
      %convert_element_type3A_80 = arith.extui %eq3A_79 : i1 to i32
      %cond3A_81 = arith.constant 0 : i32
      %cond3A_82 = arith.cmpi ne, %convert_element_type3A_80, %cond3A_81 : i32
      scf.if %cond3A_82 {
        %dma_wait3A = arith.constant 0 : i32
        %dma_wait3A_125 = arith.constant 0 : i32
        %dma_wait3A_126 = tpu.memref_slice %arg6[%dma_wait3A, %dma_wait3A_125] : memref<2x80xi32, #tpu.memory_space<vmem>> -> memref<1x80xi32, #tpu.memory_space<vmem>>
        %dma_wait3A_127 = tpu.memref_squeeze %dma_wait3A_126 : memref<1x80xi32, #tpu.memory_space<vmem>> -> memref<80xi32, #tpu.memory_space<vmem>>
        %dma_wait3A_128 = arith.constant 0 : i32
        %dma_wait3A_129 = arith.constant 0 : i32
        %dma_wait3A_130 = tpu.memref_slice %arg2[%dma_wait3A_128, %dma_wait3A_129] : memref<10000x128xf32, #tpu.memory_space<hbm>> -> memref<10000x128xf32, #tpu.memory_space<hbm>>
        tpu.wait_indirect_dma semaphore(%arg15 : memref<!tpu.dma_semaphore, #tpu.memory_space<semaphore_mem>>) src(%dma_wait3A_130 : memref<10000x128xf32, #tpu.memory_space<hbm>>) dst(%arg10 : memref<80x128xf32, #tpu.memory_space<vmem>>)
        %run_scoped3A_131 = arith.constant 1 : i32
        "tpu.region"() ({
          %run_scoped3A_147 = tpu.sem_alloc : memref<!tpu.dma_semaphore, #tpu.memory_space<semaphore_mem>>
          %dma_start3A_148 = arith.constant 0 : i32
          %dma_start3A_149 = tpu.memref_slice %arg6[%run_scoped3A_131, %dma_start3A_148] : memref<2x80xi32, #tpu.memory_space<vmem>> -> memref<1x80xi32, #tpu.memory_space<vmem>>
          %dma_start3A_150 = tpu.memref_squeeze %dma_start3A_149 : memref<1x80xi32, #tpu.memory_space<vmem>> -> memref<80xi32, #tpu.memory_space<vmem>>
          %dma_start3A_151 = arith.constant 0 : i32
          %dma_start3A_152 = arith.constant 0 : i32
          %dma_start3A_153 = tpu.memref_slice %arg13[%dma_start3A_151, %dma_start3A_152] : memref<10240x128xf32, #tpu.memory_space<vmem_shared>> -> memref<10240x128xf32, #tpu.memory_space<vmem_shared>>
          tpu.enqueue_indirect_dma source(%arg10 : memref<80x128xf32, #tpu.memory_space<vmem>>) target(%dma_start3A_153 : memref<10240x128xf32, #tpu.memory_space<vmem_shared>>) offsets(%dma_start3A_150 : memref<80xi32, #tpu.memory_space<vmem>>) semaphore(%run_scoped3A_147 : memref<!tpu.dma_semaphore, #tpu.memory_space<semaphore_mem>>) {add = true}
          %dma_wait3A_154 = arith.constant 0 : i32
          %dma_wait3A_155 = tpu.memref_slice %arg6[%run_scoped3A_131, %dma_wait3A_154] : memref<2x80xi32, #tpu.memory_space<vmem>> -> memref<1x80xi32, #tpu.memory_space<vmem>>
          %dma_wait3A_156 = tpu.memref_squeeze %dma_wait3A_155 : memref<1x80xi32, #tpu.memory_space<vmem>> -> memref<80xi32, #tpu.memory_space<vmem>>
          %dma_wait3A_157 = arith.constant 0 : i32
          %dma_wait3A_158 = arith.constant 0 : i32
          %dma_wait3A_159 = tpu.memref_slice %arg13[%dma_wait3A_157, %dma_wait3A_158] : memref<10240x128xf32, #tpu.memory_space<vmem_shared>> -> memref<10240x128xf32, #tpu.memory_space<vmem_shared>>
          tpu.wait_indirect_dma semaphore(%run_scoped3A_147 : memref<!tpu.dma_semaphore, #tpu.memory_space<semaphore_mem>>) src(%arg10 : memref<80x128xf32, #tpu.memory_space<vmem>>) dst(%dma_wait3A_159 : memref<10240x128xf32, #tpu.memory_space<vmem_shared>>)
          tpu.yield
        }) : () -> ()
        %add3A_132 = arith.constant 4 : i32
        %add3A_133 = arith.addi %add3A_49, %add3A_132 : i32
        %lt3A_134 = arith.constant 128 : i32
        %lt3A_135 = arith.cmpi slt, %add3A_133, %lt3A_134 : i32
        %convert_element_type3A_136 = arith.extui %lt3A_135 : i1 to i32
        %cond3A_137 = arith.constant 0 : i32
        %cond3A_138 = arith.cmpi ne, %convert_element_type3A_136, %cond3A_137 : i32
        scf.if %cond3A_138 {
          %add3A_147 = arith.constant 4 : i32
          %add3A_148 = arith.addi %add3A_49, %add3A_147 : i32
          "tpu.region"() ({
            %run_scoped3A_149 = tpu.sem_alloc : memref<!tpu.dma_semaphore, #tpu.memory_space<semaphore_mem>>
            %dma_start3A_150 = arith.constant 0 : i32
            %dma_start3A_151 = arith.constant 0 : i32
            %dma_start3A_152 = tpu.memref_slice %arg3[%arg0, %arg1, %add3A_148, %dma_start3A_150, %dma_start3A_151] : memref<2x16x128x2x80xi32, #tpu.memory_space<hbm>> -> memref<1x1x1x2x80xi32, #tpu.memory_space<hbm>>
            %dma_start3A_153 = tpu.memref_squeeze %dma_start3A_152 : memref<1x1x1x2x80xi32, #tpu.memory_space<hbm>> -> memref<2x80xi32, #tpu.memory_space<hbm>>
            %dma_start3A_154 = arith.constant 0 : i32
            %dma_start3A_155 = arith.constant 0 : i32
            %dma_start3A_156 = tpu.memref_slice %arg3[%arg0, %arg1, %add3A_148, %dma_start3A_154, %dma_start3A_155] : memref<2x16x128x2x80xi32, #tpu.memory_space<hbm>> -> memref<1x1x1x2x80xi32, #tpu.memory_space<hbm>>
            %dma_start3A_157 = tpu.memref_squeeze %dma_start3A_156 : memref<1x1x1x2x80xi32, #tpu.memory_space<hbm>> -> memref<2x80xi32, #tpu.memory_space<hbm>>
            tpu.enqueue_dma source(%dma_start3A_157 : memref<2x80xi32, #tpu.memory_space<hbm>>) target(%arg6 : memref<2x80xi32, #tpu.memory_space<vmem>>) target_semaphore(%run_scoped3A_149 : memref<!tpu.dma_semaphore, #tpu.memory_space<semaphore_mem>>)
            %dma_wait3A_158 = arith.constant 0 : i32
            %dma_wait3A_159 = arith.constant 0 : i32
            %dma_wait3A_160 = tpu.memref_slice %arg3[%arg0, %arg1, %add3A_148, %dma_wait3A_158, %dma_wait3A_159] : memref<2x16x128x2x80xi32, #tpu.memory_space<hbm>> -> memref<1x1x1x2x80xi32, #tpu.memory_space<hbm>>
            %dma_wait3A_161 = tpu.memref_squeeze %dma_wait3A_160 : memref<1x1x1x2x80xi32, #tpu.memory_space<hbm>> -> memref<2x80xi32, #tpu.memory_space<hbm>>
            %dma_wait3A_162 = arith.constant 0 : i32
            %dma_wait3A_163 = arith.constant 0 : i32
            %dma_wait3A_164 = tpu.memref_slice %arg3[%arg0, %arg1, %add3A_148, %dma_wait3A_162, %dma_wait3A_163] : memref<2x16x128x2x80xi32, #tpu.memory_space<hbm>> -> memref<1x1x1x2x80xi32, #tpu.memory_space<hbm>>
            %dma_wait3A_165 = tpu.memref_squeeze %dma_wait3A_164 : memref<1x1x1x2x80xi32, #tpu.memory_space<hbm>> -> memref<2x80xi32, #tpu.memory_space<hbm>>
            tpu.wait_dma2 semaphore(%run_scoped3A_149 : memref<!tpu.dma_semaphore, #tpu.memory_space<semaphore_mem>>) src(%dma_wait3A_165 : memref<2x80xi32, #tpu.memory_space<hbm>>) dst(%arg6 : memref<2x80xi32, #tpu.memory_space<vmem>>)
            tpu.yield
          }) : () -> ()
        } else {
        }
        %add3A_139 = arith.constant 4 : i32
        %add3A_140 = arith.addi %add3A_49, %add3A_139 : i32
        %sub3A = arith.constant 1 : i32
        %sub3A_141 = arith.subi %add3A_140, %sub3A : i32
        %lt3A_142 = arith.constant 128 : i32
        %lt3A_143 = arith.cmpi slt, %sub3A_141, %lt3A_142 : i32
        %convert_element_type3A_144 = arith.extui %lt3A_143 : i1 to i32
        %cond3A_145 = arith.constant 0 : i32
        %cond3A_146 = arith.cmpi ne, %convert_element_type3A_144, %cond3A_145 : i32
        scf.if %cond3A_146 {
          %dma_start3A_147 = arith.constant 0 : i32
          %dma_start3A_148 = arith.constant 0 : i32
          %dma_start3A_149 = tpu.memref_slice %arg5[%dma_start3A_147, %dma_start3A_148] : memref<2x80xi32, #tpu.memory_space<vmem>> -> memref<1x80xi32, #tpu.memory_space<vmem>>
          %dma_start3A_150 = tpu.memref_squeeze %dma_start3A_149 : memref<1x80xi32, #tpu.memory_space<vmem>> -> memref<80xi32, #tpu.memory_space<vmem>>
          %dma_start3A_151 = arith.constant 0 : i32
          %dma_start3A_152 = arith.constant 0 : i32
          %dma_start3A_153 = tpu.memref_slice %arg2[%dma_start3A_151, %dma_start3A_152] : memref<10000x128xf32, #tpu.memory_space<hbm>> -> memref<10000x128xf32, #tpu.memory_space<hbm>>
          tpu.enqueue_indirect_dma source(%dma_start3A_153 : memref<10000x128xf32, #tpu.memory_space<hbm>>) target(%arg9 : memref<80x128xf32, #tpu.memory_space<vmem>>) offsets(%dma_start3A_150 : memref<80xi32, #tpu.memory_space<vmem>>) semaphore(%arg14 : memref<!tpu.dma_semaphore, #tpu.memory_space<semaphore_mem>>)
        } else {
        }
      } else {
      }
      %jit3A_83 = arith.constant 4 : i32
      %eq3A_84 = arith.constant 0 : i32
      %eq3A_85 = arith.cmpi eq, %jit3A_83, %eq3A_84 : i32
      %jit3A_86 = arith.constant 1 : i32
      %select_n3A_87 = arith.select %eq3A_85, %jit3A_86, %jit3A_83 : i32
      %rem3A_88 = arith.remsi %add3A_49, %select_n3A_87 : i32
      %ne3A_89 = arith.constant 0 : i32
      %ne3A_90 = arith.cmpi ne, %rem3A_88, %ne3A_89 : i32
      %lt3A_91 = arith.constant 0 : i32
      %lt3A_92 = arith.cmpi slt, %rem3A_88, %lt3A_91 : i32
      %lt3A_93 = arith.constant 0 : i32
      %lt3A_94 = arith.cmpi slt, %select_n3A_87, %lt3A_93 : i32
      %ne3A_95 = arith.xori %lt3A_92, %lt3A_94 : i1
      %and3A_96 = arith.andi %ne3A_95, %ne3A_90 : i1
      %add3A_97 = arith.addi %rem3A_88, %select_n3A_87 : i32
      %select_n3A_98 = arith.select %and3A_96, %add3A_97, %rem3A_88 : i32
      %eq3A_99 = arith.constant 2 : i32
      %eq3A_100 = arith.cmpi eq, %select_n3A_98, %eq3A_99 : i32
      %convert_element_type3A_101 = arith.extui %eq3A_100 : i1 to i32
      %cond3A_102 = arith.constant 0 : i32
      %cond3A_103 = arith.cmpi ne, %convert_element_type3A_101, %cond3A_102 : i32
      scf.if %cond3A_103 {
        %dma_wait3A = arith.constant 0 : i32
        %dma_wait3A_125 = arith.constant 0 : i32
        %dma_wait3A_126 = tpu.memref_slice %arg7[%dma_wait3A, %dma_wait3A_125] : memref<2x80xi32, #tpu.memory_space<vmem>> -> memref<1x80xi32, #tpu.memory_space<vmem>>
        %dma_wait3A_127 = tpu.memref_squeeze %dma_wait3A_126 : memref<1x80xi32, #tpu.memory_space<vmem>> -> memref<80xi32, #tpu.memory_space<vmem>>
        %dma_wait3A_128 = arith.constant 0 : i32
        %dma_wait3A_129 = arith.constant 0 : i32
        %dma_wait3A_130 = tpu.memref_slice %arg2[%dma_wait3A_128, %dma_wait3A_129] : memref<10000x128xf32, #tpu.memory_space<hbm>> -> memref<10000x128xf32, #tpu.memory_space<hbm>>
        tpu.wait_indirect_dma semaphore(%arg16 : memref<!tpu.dma_semaphore, #tpu.memory_space<semaphore_mem>>) src(%dma_wait3A_130 : memref<10000x128xf32, #tpu.memory_space<hbm>>) dst(%arg11 : memref<80x128xf32, #tpu.memory_space<vmem>>)
        %run_scoped3A_131 = arith.constant 1 : i32
        "tpu.region"() ({
          %run_scoped3A_147 = tpu.sem_alloc : memref<!tpu.dma_semaphore, #tpu.memory_space<semaphore_mem>>
          %dma_start3A_148 = arith.constant 0 : i32
          %dma_start3A_149 = tpu.memref_slice %arg7[%run_scoped3A_131, %dma_start3A_148] : memref<2x80xi32, #tpu.memory_space<vmem>> -> memref<1x80xi32, #tpu.memory_space<vmem>>
          %dma_start3A_150 = tpu.memref_squeeze %dma_start3A_149 : memref<1x80xi32, #tpu.memory_space<vmem>> -> memref<80xi32, #tpu.memory_space<vmem>>
          %dma_start3A_151 = arith.constant 0 : i32
          %dma_start3A_152 = arith.constant 0 : i32
          %dma_start3A_153 = tpu.memref_slice %arg13[%dma_start3A_151, %dma_start3A_152] : memref<10240x128xf32, #tpu.memory_space<vmem_shared>> -> memref<10240x128xf32, #tpu.memory_space<vmem_shared>>
          tpu.enqueue_indirect_dma source(%arg11 : memref<80x128xf32, #tpu.memory_space<vmem>>) target(%dma_start3A_153 : memref<10240x128xf32, #tpu.memory_space<vmem_shared>>) offsets(%dma_start3A_150 : memref<80xi32, #tpu.memory_space<vmem>>) semaphore(%run_scoped3A_147 : memref<!tpu.dma_semaphore, #tpu.memory_space<semaphore_mem>>) {add = true}
          %dma_wait3A_154 = arith.constant 0 : i32
          %dma_wait3A_155 = tpu.memref_slice %arg7[%run_scoped3A_131, %dma_wait3A_154] : memref<2x80xi32, #tpu.memory_space<vmem>> -> memref<1x80xi32, #tpu.memory_space<vmem>>
          %dma_wait3A_156 = tpu.memref_squeeze %dma_wait3A_155 : memref<1x80xi32, #tpu.memory_space<vmem>> -> memref<80xi32, #tpu.memory_space<vmem>>
          %dma_wait3A_157 = arith.constant 0 : i32
          %dma_wait3A_158 = arith.constant 0 : i32
          %dma_wait3A_159 = tpu.memref_slice %arg13[%dma_wait3A_157, %dma_wait3A_158] : memref<10240x128xf32, #tpu.memory_space<vmem_shared>> -> memref<10240x128xf32, #tpu.memory_space<vmem_shared>>
          tpu.wait_indirect_dma semaphore(%run_scoped3A_147 : memref<!tpu.dma_semaphore, #tpu.memory_space<semaphore_mem>>) src(%arg11 : memref<80x128xf32, #tpu.memory_space<vmem>>) dst(%dma_wait3A_159 : memref<10240x128xf32, #tpu.memory_space<vmem_shared>>)
          tpu.yield
        }) : () -> ()
        %add3A_132 = arith.constant 4 : i32
        %add3A_133 = arith.addi %add3A_49, %add3A_132 : i32
        %lt3A_134 = arith.constant 128 : i32
        %lt3A_135 = arith.cmpi slt, %add3A_133, %lt3A_134 : i32
        %convert_element_type3A_136 = arith.extui %lt3A_135 : i1 to i32
        %cond3A_137 = arith.constant 0 : i32
        %cond3A_138 = arith.cmpi ne, %convert_element_type3A_136, %cond3A_137 : i32
        scf.if %cond3A_138 {
          %add3A_147 = arith.constant 4 : i32
          %add3A_148 = arith.addi %add3A_49, %add3A_147 : i32
          "tpu.region"() ({
            %run_scoped3A_149 = tpu.sem_alloc : memref<!tpu.dma_semaphore, #tpu.memory_space<semaphore_mem>>
            %dma_start3A_150 = arith.constant 0 : i32
            %dma_start3A_151 = arith.constant 0 : i32
            %dma_start3A_152 = tpu.memref_slice %arg3[%arg0, %arg1, %add3A_148, %dma_start3A_150, %dma_start3A_151] : memref<2x16x128x2x80xi32, #tpu.memory_space<hbm>> -> memref<1x1x1x2x80xi32, #tpu.memory_space<hbm>>
            %dma_start3A_153 = tpu.memref_squeeze %dma_start3A_152 : memref<1x1x1x2x80xi32, #tpu.memory_space<hbm>> -> memref<2x80xi32, #tpu.memory_space<hbm>>
            %dma_start3A_154 = arith.constant 0 : i32
            %dma_start3A_155 = arith.constant 0 : i32
            %dma_start3A_156 = tpu.memref_slice %arg3[%arg0, %arg1, %add3A_148, %dma_start3A_154, %dma_start3A_155] : memref<2x16x128x2x80xi32, #tpu.memory_space<hbm>> -> memref<1x1x1x2x80xi32, #tpu.memory_space<hbm>>
            %dma_start3A_157 = tpu.memref_squeeze %dma_start3A_156 : memref<1x1x1x2x80xi32, #tpu.memory_space<hbm>> -> memref<2x80xi32, #tpu.memory_space<hbm>>
            tpu.enqueue_dma source(%dma_start3A_157 : memref<2x80xi32, #tpu.memory_space<hbm>>) target(%arg7 : memref<2x80xi32, #tpu.memory_space<vmem>>) target_semaphore(%run_scoped3A_149 : memref<!tpu.dma_semaphore, #tpu.memory_space<semaphore_mem>>)
            %dma_wait3A_158 = arith.constant 0 : i32
            %dma_wait3A_159 = arith.constant 0 : i32
            %dma_wait3A_160 = tpu.memref_slice %arg3[%arg0, %arg1, %add3A_148, %dma_wait3A_158, %dma_wait3A_159] : memref<2x16x128x2x80xi32, #tpu.memory_space<hbm>> -> memref<1x1x1x2x80xi32, #tpu.memory_space<hbm>>
            %dma_wait3A_161 = tpu.memref_squeeze %dma_wait3A_160 : memref<1x1x1x2x80xi32, #tpu.memory_space<hbm>> -> memref<2x80xi32, #tpu.memory_space<hbm>>
            %dma_wait3A_162 = arith.constant 0 : i32
            %dma_wait3A_163 = arith.constant 0 : i32
            %dma_wait3A_164 = tpu.memref_slice %arg3[%arg0, %arg1, %add3A_148, %dma_wait3A_162, %dma_wait3A_163] : memref<2x16x128x2x80xi32, #tpu.memory_space<hbm>> -> memref<1x1x1x2x80xi32, #tpu.memory_space<hbm>>
            %dma_wait3A_165 = tpu.memref_squeeze %dma_wait3A_164 : memref<1x1x1x2x80xi32, #tpu.memory_space<hbm>> -> memref<2x80xi32, #tpu.memory_space<hbm>>
            tpu.wait_dma2 semaphore(%run_scoped3A_149 : memref<!tpu.dma_semaphore, #tpu.memory_space<semaphore_mem>>) src(%dma_wait3A_165 : memref<2x80xi32, #tpu.memory_space<hbm>>) dst(%arg7 : memref<2x80xi32, #tpu.memory_space<vmem>>)
            tpu.yield
          }) : () -> ()
        } else {
        }
        %add3A_139 = arith.constant 4 : i32
        %add3A_140 = arith.addi %add3A_49, %add3A_139 : i32
        %sub3A = arith.constant 1 : i32
        %sub3A_141 = arith.subi %add3A_140, %sub3A : i32
        %lt3A_142 = arith.constant 128 : i32
        %lt3A_143 = arith.cmpi slt, %sub3A_141, %lt3A_142 : i32
        %convert_element_type3A_144 = arith.extui %lt3A_143 : i1 to i32
        %cond3A_145 = arith.constant 0 : i32
        %cond3A_146 = arith.cmpi ne, %convert_element_type3A_144, %cond3A_145 : i32
        scf.if %cond3A_146 {
          %dma_start3A_147 = arith.constant 0 : i32
          %dma_start3A_148 = arith.constant 0 : i32
          %dma_start3A_149 = tpu.memref_slice %arg6[%dma_start3A_147, %dma_start3A_148] : memref<2x80xi32, #tpu.memory_space<vmem>> -> memref<1x80xi32, #tpu.memory_space<vmem>>
          %dma_start3A_150 = tpu.memref_squeeze %dma_start3A_149 : memref<1x80xi32, #tpu.memory_space<vmem>> -> memref<80xi32, #tpu.memory_space<vmem>>
          %dma_start3A_151 = arith.constant 0 : i32
          %dma_start3A_152 = arith.constant 0 : i32
          %dma_start3A_153 = tpu.memref_slice %arg2[%dma_start3A_151, %dma_start3A_152] : memref<10000x128xf32, #tpu.memory_space<hbm>> -> memref<10000x128xf32, #tpu.memory_space<hbm>>
          tpu.enqueue_indirect_dma source(%dma_start3A_153 : memref<10000x128xf32, #tpu.memory_space<hbm>>) target(%arg10 : memref<80x128xf32, #tpu.memory_space<vmem>>) offsets(%dma_start3A_150 : memref<80xi32, #tpu.memory_space<vmem>>) semaphore(%arg15 : memref<!tpu.dma_semaphore, #tpu.memory_space<semaphore_mem>>)
        } else {
        }
      } else {
      }
      %jit3A_104 = arith.constant 4 : i32
      %eq3A_105 = arith.constant 0 : i32
      %eq3A_106 = arith.cmpi eq, %jit3A_104, %eq3A_105 : i32
      %jit3A_107 = arith.constant 1 : i32
      %select_n3A_108 = arith.select %eq3A_106, %jit3A_107, %jit3A_104 : i32
      %rem3A_109 = arith.remsi %add3A_49, %select_n3A_108 : i32
      %ne3A_110 = arith.constant 0 : i32
      %ne3A_111 = arith.cmpi ne, %rem3A_109, %ne3A_110 : i32
      %lt3A_112 = arith.constant 0 : i32
      %lt3A_113 = arith.cmpi slt, %rem3A_109, %lt3A_112 : i32
      %lt3A_114 = arith.constant 0 : i32
      %lt3A_115 = arith.cmpi slt, %select_n3A_108, %lt3A_114 : i32
      %ne3A_116 = arith.xori %lt3A_113, %lt3A_115 : i1
      %and3A_117 = arith.andi %ne3A_116, %ne3A_111 : i1
      %add3A_118 = arith.addi %rem3A_109, %select_n3A_108 : i32
      %select_n3A_119 = arith.select %and3A_117, %add3A_118, %rem3A_109 : i32
      %eq3A_120 = arith.constant 3 : i32
      %eq3A_121 = arith.cmpi eq, %select_n3A_119, %eq3A_120 : i32
      %convert_element_type3A_122 = arith.extui %eq3A_121 : i1 to i32
      %cond3A_123 = arith.constant 0 : i32
      %cond3A_124 = arith.cmpi ne, %convert_element_type3A_122, %cond3A_123 : i32
      scf.if %cond3A_124 {
        %dma_wait3A = arith.constant 0 : i32
        %dma_wait3A_125 = arith.constant 0 : i32
        %dma_wait3A_126 = tpu.memref_slice %arg8[%dma_wait3A, %dma_wait3A_125] : memref<2x80xi32, #tpu.memory_space<vmem>> -> memref<1x80xi32, #tpu.memory_space<vmem>>
        %dma_wait3A_127 = tpu.memref_squeeze %dma_wait3A_126 : memref<1x80xi32, #tpu.memory_space<vmem>> -> memref<80xi32, #tpu.memory_space<vmem>>
        %dma_wait3A_128 = arith.constant 0 : i32
        %dma_wait3A_129 = arith.constant 0 : i32
        %dma_wait3A_130 = tpu.memref_slice %arg2[%dma_wait3A_128, %dma_wait3A_129] : memref<10000x128xf32, #tpu.memory_space<hbm>> -> memref<10000x128xf32, #tpu.memory_space<hbm>>
        tpu.wait_indirect_dma semaphore(%arg17 : memref<!tpu.dma_semaphore, #tpu.memory_space<semaphore_mem>>) src(%dma_wait3A_130 : memref<10000x128xf32, #tpu.memory_space<hbm>>) dst(%arg12 : memref<80x128xf32, #tpu.memory_space<vmem>>)
        %run_scoped3A_131 = arith.constant 1 : i32
        "tpu.region"() ({
          %run_scoped3A_147 = tpu.sem_alloc : memref<!tpu.dma_semaphore, #tpu.memory_space<semaphore_mem>>
          %dma_start3A_148 = arith.constant 0 : i32
          %dma_start3A_149 = tpu.memref_slice %arg8[%run_scoped3A_131, %dma_start3A_148] : memref<2x80xi32, #tpu.memory_space<vmem>> -> memref<1x80xi32, #tpu.memory_space<vmem>>
          %dma_start3A_150 = tpu.memref_squeeze %dma_start3A_149 : memref<1x80xi32, #tpu.memory_space<vmem>> -> memref<80xi32, #tpu.memory_space<vmem>>
          %dma_start3A_151 = arith.constant 0 : i32
          %dma_start3A_152 = arith.constant 0 : i32
          %dma_start3A_153 = tpu.memref_slice %arg13[%dma_start3A_151, %dma_start3A_152] : memref<10240x128xf32, #tpu.memory_space<vmem_shared>> -> memref<10240x128xf32, #tpu.memory_space<vmem_shared>>
          tpu.enqueue_indirect_dma source(%arg12 : memref<80x128xf32, #tpu.memory_space<vmem>>) target(%dma_start3A_153 : memref<10240x128xf32, #tpu.memory_space<vmem_shared>>) offsets(%dma_start3A_150 : memref<80xi32, #tpu.memory_space<vmem>>) semaphore(%run_scoped3A_147 : memref<!tpu.dma_semaphore, #tpu.memory_space<semaphore_mem>>) {add = true}
          %dma_wait3A_154 = arith.constant 0 : i32
          %dma_wait3A_155 = tpu.memref_slice %arg8[%run_scoped3A_131, %dma_wait3A_154] : memref<2x80xi32, #tpu.memory_space<vmem>> -> memref<1x80xi32, #tpu.memory_space<vmem>>
          %dma_wait3A_156 = tpu.memref_squeeze %dma_wait3A_155 : memref<1x80xi32, #tpu.memory_space<vmem>> -> memref<80xi32, #tpu.memory_space<vmem>>
          %dma_wait3A_157 = arith.constant 0 : i32
          %dma_wait3A_158 = arith.constant 0 : i32
          %dma_wait3A_159 = tpu.memref_slice %arg13[%dma_wait3A_157, %dma_wait3A_158] : memref<10240x128xf32, #tpu.memory_space<vmem_shared>> -> memref<10240x128xf32, #tpu.memory_space<vmem_shared>>
          tpu.wait_indirect_dma semaphore(%run_scoped3A_147 : memref<!tpu.dma_semaphore, #tpu.memory_space<semaphore_mem>>) src(%arg12 : memref<80x128xf32, #tpu.memory_space<vmem>>) dst(%dma_wait3A_159 : memref<10240x128xf32, #tpu.memory_space<vmem_shared>>)
          tpu.yield
        }) : () -> ()
        %add3A_132 = arith.constant 4 : i32
        %add3A_133 = arith.addi %add3A_49, %add3A_132 : i32
        %lt3A_134 = arith.constant 128 : i32
        %lt3A_135 = arith.cmpi slt, %add3A_133, %lt3A_134 : i32
        %convert_element_type3A_136 = arith.extui %lt3A_135 : i1 to i32
        %cond3A_137 = arith.constant 0 : i32
        %cond3A_138 = arith.cmpi ne, %convert_element_type3A_136, %cond3A_137 : i32
        scf.if %cond3A_138 {
          %add3A_147 = arith.constant 4 : i32
          %add3A_148 = arith.addi %add3A_49, %add3A_147 : i32
          "tpu.region"() ({
            %run_scoped3A_149 = tpu.sem_alloc : memref<!tpu.dma_semaphore, #tpu.memory_space<semaphore_mem>>
            %dma_start3A_150 = arith.constant 0 : i32
            %dma_start3A_151 = arith.constant 0 : i32
            %dma_start3A_152 = tpu.memref_slice %arg3[%arg0, %arg1, %add3A_148, %dma_start3A_150, %dma_start3A_151] : memref<2x16x128x2x80xi32, #tpu.memory_space<hbm>> -> memref<1x1x1x2x80xi32, #tpu.memory_space<hbm>>
            %dma_start3A_153 = tpu.memref_squeeze %dma_start3A_152 : memref<1x1x1x2x80xi32, #tpu.memory_space<hbm>> -> memref<2x80xi32, #tpu.memory_space<hbm>>
            %dma_start3A_154 = arith.constant 0 : i32
            %dma_start3A_155 = arith.constant 0 : i32
            %dma_start3A_156 = tpu.memref_slice %arg3[%arg0, %arg1, %add3A_148, %dma_start3A_154, %dma_start3A_155] : memref<2x16x128x2x80xi32, #tpu.memory_space<hbm>> -> memref<1x1x1x2x80xi32, #tpu.memory_space<hbm>>
            %dma_start3A_157 = tpu.memref_squeeze %dma_start3A_156 : memref<1x1x1x2x80xi32, #tpu.memory_space<hbm>> -> memref<2x80xi32, #tpu.memory_space<hbm>>
            tpu.enqueue_dma source(%dma_start3A_157 : memref<2x80xi32, #tpu.memory_space<hbm>>) target(%arg8 : memref<2x80xi32, #tpu.memory_space<vmem>>) target_semaphore(%run_scoped3A_149 : memref<!tpu.dma_semaphore, #tpu.memory_space<semaphore_mem>>)
            %dma_wait3A_158 = arith.constant 0 : i32
            %dma_wait3A_159 = arith.constant 0 : i32
            %dma_wait3A_160 = tpu.memref_slice %arg3[%arg0, %arg1, %add3A_148, %dma_wait3A_158, %dma_wait3A_159] : memref<2x16x128x2x80xi32, #tpu.memory_space<hbm>> -> memref<1x1x1x2x80xi32, #tpu.memory_space<hbm>>
            %dma_wait3A_161 = tpu.memref_squeeze %dma_wait3A_160 : memref<1x1x1x2x80xi32, #tpu.memory_space<hbm>> -> memref<2x80xi32, #tpu.memory_space<hbm>>
            %dma_wait3A_162 = arith.constant 0 : i32
            %dma_wait3A_163 = arith.constant 0 : i32
            %dma_wait3A_164 = tpu.memref_slice %arg3[%arg0, %arg1, %add3A_148, %dma_wait3A_162, %dma_wait3A_163] : memref<2x16x128x2x80xi32, #tpu.memory_space<hbm>> -> memref<1x1x1x2x80xi32, #tpu.memory_space<hbm>>
            %dma_wait3A_165 = tpu.memref_squeeze %dma_wait3A_164 : memref<1x1x1x2x80xi32, #tpu.memory_space<hbm>> -> memref<2x80xi32, #tpu.memory_space<hbm>>
            tpu.wait_dma2 semaphore(%run_scoped3A_149 : memref<!tpu.dma_semaphore, #tpu.memory_space<semaphore_mem>>) src(%dma_wait3A_165 : memref<2x80xi32, #tpu.memory_space<hbm>>) dst(%arg8 : memref<2x80xi32, #tpu.memory_space<vmem>>)
            tpu.yield
          }) : () -> ()
        } else {
        }
        %add3A_139 = arith.constant 4 : i32
        %add3A_140 = arith.addi %add3A_49, %add3A_139 : i32
        %sub3A = arith.constant 1 : i32
        %sub3A_141 = arith.subi %add3A_140, %sub3A : i32
        %lt3A_142 = arith.constant 128 : i32
        %lt3A_143 = arith.cmpi slt, %sub3A_141, %lt3A_142 : i32
        %convert_element_type3A_144 = arith.extui %lt3A_143 : i1 to i32
        %cond3A_145 = arith.constant 0 : i32
        %cond3A_146 = arith.cmpi ne, %convert_element_type3A_144, %cond3A_145 : i32
        scf.if %cond3A_146 {
          %dma_start3A_147 = arith.constant 0 : i32
          %dma_start3A_148 = arith.constant 0 : i32
          %dma_start3A_149 = tpu.memref_slice %arg7[%dma_start3A_147, %dma_start3A_148] : memref<2x80xi32, #tpu.memory_space<vmem>> -> memref<1x80xi32, #tpu.memory_space<vmem>>
          %dma_start3A_150 = tpu.memref_squeeze %dma_start3A_149 : memref<1x80xi32, #tpu.memory_space<vmem>> -> memref<80xi32, #tpu.memory_space<vmem>>
          %dma_start3A_151 = arith.constant 0 : i32
          %dma_start3A_152 = arith.constant 0 : i32
          %dma_start3A_153 = tpu.memref_slice %arg2[%dma_start3A_151, %dma_start3A_152] : memref<10000x128xf32, #tpu.memory_space<hbm>> -> memref<10000x128xf32, #tpu.memory_space<hbm>>
          tpu.enqueue_indirect_dma source(%dma_start3A_153 : memref<10000x128xf32, #tpu.memory_space<hbm>>) target(%arg11 : memref<80x128xf32, #tpu.memory_space<vmem>>) offsets(%dma_start3A_150 : memref<80xi32, #tpu.memory_space<vmem>>) semaphore(%arg16 : memref<!tpu.dma_semaphore, #tpu.memory_space<semaphore_mem>>)
        } else {
        }
      } else {
      }
    }
    %scan3A_41 = arith.constant 128 : i32
    %barrier3A_42 = arith.constant 0 : index
    tpu.barrier barrier_id(%barrier3A_42)
    %mul3A = arith.constant 640 : i32
    %mul3A_43 = arith.muli %arg1, %mul3A : i32
    %mul3A_44 = arith.constant 640 : i32
    %mul3A_45 = arith.muli %arg1, %mul3A_44 : i32
    "tpu.region"() ({
      %run_scoped3A_46 = tpu.sem_alloc : memref<!tpu.dma_semaphore, #tpu.memory_space<semaphore_mem>>
      %dma_start3A_47 = arith.constant 0 : i32
      %dma_start3A_48 = tpu.memref_slice %arg4[%arg0, %mul3A_45, %dma_start3A_47] : memref<2x10240x128xf32, #tpu.memory_space<hbm>> -> memref<1x640x128xf32, #tpu.memory_space<hbm>>
      %dma_start3A_49 = tpu.memref_squeeze %dma_start3A_48 : memref<1x640x128xf32, #tpu.memory_space<hbm>> -> memref<640x128xf32, #tpu.memory_space<hbm>>
      %dma_start3A_50 = arith.constant 0 : i32
      %dma_start3A_51 = tpu.memref_slice %arg13[%mul3A_43, %dma_start3A_50] : memref<10240x128xf32, #tpu.memory_space<vmem_shared>> -> memref<640x128xf32, #tpu.memory_space<vmem_shared>>
      tpu.enqueue_dma source(%dma_start3A_51 : memref<640x128xf32, #tpu.memory_space<vmem_shared>>) target(%dma_start3A_49 : memref<640x128xf32, #tpu.memory_space<hbm>>) target_semaphore(%run_scoped3A_46 : memref<!tpu.dma_semaphore, #tpu.memory_space<semaphore_mem>>)
      %dma_wait3A = arith.constant 0 : i32
      %dma_wait3A_52 = tpu.memref_slice %arg4[%arg0, %mul3A_45, %dma_wait3A] : memref<2x10240x128xf32, #tpu.memory_space<hbm>> -> memref<1x640x128xf32, #tpu.memory_space<hbm>>
      %dma_wait3A_53 = tpu.memref_squeeze %dma_wait3A_52 : memref<1x640x128xf32, #tpu.memory_space<hbm>> -> memref<640x128xf32, #tpu.memory_space<hbm>>
      %dma_wait3A_54 = arith.constant 0 : i32
      %dma_wait3A_55 = tpu.memref_slice %arg13[%mul3A_43, %dma_wait3A_54] : memref<10240x128xf32, #tpu.memory_space<vmem_shared>> -> memref<640x128xf32, #tpu.memory_space<vmem_shared>>
      tpu.wait_dma2 semaphore(%run_scoped3A_46 : memref<!tpu.dma_semaphore, #tpu.memory_space<semaphore_mem>>) src(%dma_wait3A_55 : memref<640x128xf32, #tpu.memory_space<vmem_shared>>) dst(%dma_wait3A_53 : memref<640x128xf32, #tpu.memory_space<hbm>>)
      tpu.yield
    }) : () -> ()
    return
  }
}

module attributes {stable_mosaic.version = 14 : i64} {
  func.func @body(%arg0: i32, %arg1: memref<1000x128xf32, #tpu.memory_space<vmem>>, %arg2: memref<1000x128xf32, #tpu.memory_space<vmem>>, %arg3: memref<1000x128xf32, #tpu.memory_space<vmem>>, %arg4: memref<128x128xf32, #tpu.memory_space<vmem>>, %arg5: memref<1x128xf32, #tpu.memory_space<vmem>>, %arg6: memref<128x128xf32, #tpu.memory_space<vmem>>, %arg7: memref<1x128xf32, #tpu.memory_space<vmem>>, %arg8: memref<1x128xf32, #tpu.memory_space<vmem>>, %arg9: memref<1x128xf32, #tpu.memory_space<vmem>>, %arg10: memref<1000x128xf32, #tpu.memory_space<vmem>>) attributes {dimension_semantics = [#tpu.dimension_semantics<arbitrary>], iteration_bounds = array<i64: 10>, scalar_prefetch = 0 : i64, scratch_operands = 0 : i64, tpu.core_type = #tpu.core_type<tc>, window_params = [{transform_indices = @transform_0, window_bounds = array<i64: 1000, 128>}, {transform_indices = @transform_1, window_bounds = array<i64: 1000, 128>}, {transform_indices = @transform_2, window_bounds = array<i64: 1000, 128>}, {pipeline_mode = #tpu.pipeline_mode<synchronous>, transform_indices = @transform_3, window_bounds = array<i64: 128, 128>}, {pipeline_mode = #tpu.pipeline_mode<synchronous>, transform_indices = @transform_4, window_bounds = array<i64: 1, 128>}, {pipeline_mode = #tpu.pipeline_mode<synchronous>, transform_indices = @transform_5, window_bounds = array<i64: 128, 128>}, {pipeline_mode = #tpu.pipeline_mode<synchronous>, transform_indices = @transform_6, window_bounds = array<i64: 1, 128>}, {pipeline_mode = #tpu.pipeline_mode<synchronous>, transform_indices = @transform_7, window_bounds = array<i64: 1, 128>}, {pipeline_mode = #tpu.pipeline_mode<synchronous>, transform_indices = @transform_8, window_bounds = array<i64: 1, 128>}, {transform_indices = @transform_9, window_bounds = array<i64: 1000, 128>}]} {
    %get3A = arith.constant 0 : index
    %get3A_0 = arith.constant 0 : index
    %get3A_1 = vector.load %arg1[%get3A, %get3A_0] : memref<1000x128xf32, #tpu.memory_space<vmem>>, vector<1000x128xf32>
    %get3A_2 = arith.constant 0 : index
    %get3A_3 = arith.constant 0 : index
    %get3A_4 = vector.load %arg2[%get3A_2, %get3A_3] : memref<1000x128xf32, #tpu.memory_space<vmem>>, vector<1000x128xf32>
    %add3A = arith.addf %get3A_1, %get3A_4 : vector<1000x128xf32>
    %get3A_5 = arith.constant 0 : index
    %get3A_6 = arith.constant 0 : index
    %get3A_7 = vector.load %arg3[%get3A_5, %get3A_6] : memref<1000x128xf32, #tpu.memory_space<vmem>>, vector<1000x128xf32>
    %add3A_8 = arith.addf %add3A, %get3A_7 : vector<1000x128xf32>
    %get3A_9 = arith.constant 0 : index
    %get3A_10 = arith.constant 0 : index
    %get3A_11 = vector.load %arg4[%get3A_9, %get3A_10] : memref<128x128xf32, #tpu.memory_space<vmem>>, vector<128x128xf32>
    %dot_general3A = arith.constant dense<0.000000e+00> : vector<1000x128xf32>
    %dot_general3A_12 = tpu.matmul %add3A_8, %get3A_11, %dot_general3A {dimension_numbers = #tpu.dot_dimension_numbers<[1], [0], [0], [1], [0, 0, 1, 1], [], []>, transpose_lhs_hint = false} : vector<1000x128xf32>, vector<128x128xf32>, vector<1000x128xf32> -> vector<1000x128xf32>
    %get3A_13 = arith.constant 0 : index
    %get3A_14 = arith.constant 0 : index
    %get3A_15 = vector.load %arg5[%get3A_13, %get3A_14] : memref<1x128xf32, #tpu.memory_space<vmem>>, vector<1x128xf32>
    %add3A_16 = vector.broadcast %get3A_15 : vector<1x128xf32> to vector<1000x128xf32>
    %add3A_17 = arith.addf %dot_general3A_12, %add3A_16 : vector<1000x128xf32>
    %max3A = arith.constant 0.000000e+00 : f32
    %max3A_18 = vector.broadcast %max3A : f32 to vector<1000x128xf32>
    %max3A_19 = arith.maximumf %add3A_17, %max3A_18 : vector<1000x128xf32>
    %get3A_20 = arith.constant 0 : index
    %get3A_21 = arith.constant 0 : index
    %get3A_22 = vector.load %arg6[%get3A_20, %get3A_21] : memref<128x128xf32, #tpu.memory_space<vmem>>, vector<128x128xf32>
    %dot_general3A_23 = arith.constant dense<0.000000e+00> : vector<1000x128xf32>
    %dot_general3A_24 = tpu.matmul %max3A_19, %get3A_22, %dot_general3A_23 {dimension_numbers = #tpu.dot_dimension_numbers<[1], [0], [0], [1], [0, 0, 1, 1], [], []>, transpose_lhs_hint = false} : vector<1000x128xf32>, vector<128x128xf32>, vector<1000x128xf32> -> vector<1000x128xf32>
    %get3A_25 = arith.constant 0 : index
    %get3A_26 = arith.constant 0 : index
    %get3A_27 = vector.load %arg7[%get3A_25, %get3A_26] : memref<1x128xf32, #tpu.memory_space<vmem>>, vector<1x128xf32>
    %add3A_28 = vector.broadcast %get3A_27 : vector<1x128xf32> to vector<1000x128xf32>
    %add3A_29 = arith.addf %dot_general3A_24, %add3A_28 : vector<1000x128xf32>
    %max3A_30 = arith.constant 0.000000e+00 : f32
    %max3A_31 = vector.broadcast %max3A_30 : f32 to vector<1000x128xf32>
    %max3A_32 = arith.maximumf %add3A_29, %max3A_31 : vector<1000x128xf32>
    %reduce_sum3A = arith.constant dense<0.000000e+00> : vector<1000xf32>
    %reduce_sum3A_33 = vector.multi_reduction <add>, %max3A_32, %reduce_sum3A [1] : vector<1000x128xf32> to vector<1000xf32>
    %broadcast_in_dim3A = vector.shape_cast %reduce_sum3A_33 : vector<1000xf32> to vector<1000x1xf32>
    %div3A = arith.constant 1.280000e+02 : f32
    %div3A_34 = vector.broadcast %div3A : f32 to vector<1000x1xf32>
    %div3A_35 = arith.divf %broadcast_in_dim3A, %div3A_34 : vector<1000x1xf32>
    %sub3A = vector.broadcast %div3A_35 : vector<1000x1xf32> to vector<1000x128xf32>
    %sub3A_36 = arith.subf %max3A_32, %sub3A : vector<1000x128xf32>
    %integer_pow3A = arith.mulf %sub3A_36, %sub3A_36 : vector<1000x128xf32>
    %reduce_sum3A_37 = arith.constant dense<0.000000e+00> : vector<1000xf32>
    %reduce_sum3A_38 = vector.multi_reduction <add>, %integer_pow3A, %reduce_sum3A_37 [1] : vector<1000x128xf32> to vector<1000xf32>
    %broadcast_in_dim3A_39 = vector.shape_cast %reduce_sum3A_38 : vector<1000xf32> to vector<1000x1xf32>
    %div3A_40 = arith.constant 1.280000e+02 : f32
    %div3A_41 = vector.broadcast %div3A_40 : f32 to vector<1000x1xf32>
    %div3A_42 = arith.divf %broadcast_in_dim3A_39, %div3A_41 : vector<1000x1xf32>
    %sub3A_43 = vector.broadcast %div3A_35 : vector<1000x1xf32> to vector<1000x128xf32>
    %sub3A_44 = arith.subf %max3A_32, %sub3A_43 : vector<1000x128xf32>
    %add3A_45 = arith.constant 9.99999974E-6 : f32
    %add3A_46 = vector.broadcast %add3A_45 : f32 to vector<1000x1xf32>
    %add3A_47 = arith.addf %div3A_42, %add3A_46 : vector<1000x1xf32>
    %rsqrt3A = math.rsqrt %add3A_47 : vector<1000x1xf32>
    %mul3A = vector.broadcast %rsqrt3A : vector<1000x1xf32> to vector<1000x128xf32>
    %mul3A_48 = arith.mulf %sub3A_44, %mul3A : vector<1000x128xf32>
    %get3A_49 = arith.constant 0 : index
    %get3A_50 = arith.constant 0 : index
    %get3A_51 = vector.load %arg8[%get3A_49, %get3A_50] : memref<1x128xf32, #tpu.memory_space<vmem>>, vector<1x128xf32>
    %mul3A_52 = vector.broadcast %get3A_51 : vector<1x128xf32> to vector<1000x128xf32>
    %mul3A_53 = arith.mulf %mul3A_48, %mul3A_52 : vector<1000x128xf32>
    %get3A_54 = arith.constant 0 : index
    %get3A_55 = arith.constant 0 : index
    %get3A_56 = vector.load %arg9[%get3A_54, %get3A_55] : memref<1x128xf32, #tpu.memory_space<vmem>>, vector<1x128xf32>
    %add3A_57 = vector.broadcast %get3A_56 : vector<1x128xf32> to vector<1000x128xf32>
    %add3A_58 = arith.addf %mul3A_53, %add3A_57 : vector<1000x128xf32>
    %swap3A = arith.constant 0 : index
    %swap3A_59 = arith.constant 0 : index
    %swap3A_60 = vector.load %arg10[%swap3A, %swap3A_59] : memref<1000x128xf32, #tpu.memory_space<vmem>>, vector<1000x128xf32>
    tpu.vector_store %arg10[%swap3A, %swap3A_59], %add3A_58 {strides = array<i32>} : memref<1000x128xf32, #tpu.memory_space<vmem>>, vector<1000x128xf32>,
    return
  }
  func.func @transform_0(%arg0: i32) -> (i32, i32) {
    %c0_i32 = arith.constant 0 : i32
    %c0_i32_0 = arith.constant 0 : i32
    return %arg0, %c0_i32 : i32, i32
  }
  func.func @transform_1(%arg0: i32) -> (i32, i32) {
    %c0_i32 = arith.constant 0 : i32
    %c0_i32_0 = arith.constant 0 : i32
    return %arg0, %c0_i32 : i32, i32
  }
  func.func @transform_2(%arg0: i32) -> (i32, i32) {
    %c0_i32 = arith.constant 0 : i32
    %c0_i32_0 = arith.constant 0 : i32
    return %arg0, %c0_i32 : i32, i32
  }
  func.func @transform_3(%arg0: i32) -> (i32, i32) {
    %c0_i32 = arith.constant 0 : i32
    %c0_i32_0 = arith.constant 0 : i32
    %c0_i32_1 = arith.constant 0 : i32
    return %c0_i32, %c0_i32_0 : i32, i32
  }
  func.func @transform_4(%arg0: i32) -> (i32, i32) {
    %c0_i32 = arith.constant 0 : i32
    %c0_i32_0 = arith.constant 0 : i32
    %c0_i32_1 = arith.constant 0 : i32
    return %c0_i32, %c0_i32_0 : i32, i32
  }
  func.func @transform_5(%arg0: i32) -> (i32, i32) {
    %c0_i32 = arith.constant 0 : i32
    %c0_i32_0 = arith.constant 0 : i32
    %c0_i32_1 = arith.constant 0 : i32
    return %c0_i32, %c0_i32_0 : i32, i32
  }
  func.func @transform_6(%arg0: i32) -> (i32, i32) {
    %c0_i32 = arith.constant 0 : i32
    %c0_i32_0 = arith.constant 0 : i32
    %c0_i32_1 = arith.constant 0 : i32
    return %c0_i32, %c0_i32_0 : i32, i32
  }
  func.func @transform_7(%arg0: i32) -> (i32, i32) {
    %c0_i32 = arith.constant 0 : i32
    %c0_i32_0 = arith.constant 0 : i32
    %c0_i32_1 = arith.constant 0 : i32
    return %c0_i32, %c0_i32_0 : i32, i32
  }
  func.func @transform_8(%arg0: i32) -> (i32, i32) {
    %c0_i32 = arith.constant 0 : i32
    %c0_i32_0 = arith.constant 0 : i32
    %c0_i32_1 = arith.constant 0 : i32
    return %c0_i32, %c0_i32_0 : i32, i32
  }
  func.func @transform_9(%arg0: i32) -> (i32, i32) {
    %c0_i32 = arith.constant 0 : i32
    %c0_i32_0 = arith.constant 0 : i32
    return %arg0, %c0_i32 : i32, i32
  }
}

module attributes {stable_mosaic.version = 14 : i64} {
  func.func @body(%arg0: i32, %arg1: memref<1000x128xf32, #tpu.memory_space<vmem>>, %arg2: memref<1000x128xf32, #tpu.memory_space<vmem>>, %arg3: memref<1000x128xf32, #tpu.memory_space<vmem>>, %arg4: memref<128x128xf32, #tpu.memory_space<vmem>>, %arg5: memref<1x128xf32, #tpu.memory_space<vmem>>, %arg6: memref<128x128xf32, #tpu.memory_space<vmem>>, %arg7: memref<1x128xf32, #tpu.memory_space<vmem>>, %arg8: memref<1000x128xf32, #tpu.memory_space<vmem>>, %arg9: memref<128x128xf32, #tpu.memory_space<vmem>>, %arg10: memref<1x128xf32, #tpu.memory_space<vmem>>, %arg11: memref<128x128xf32, #tpu.memory_space<vmem>>, %arg12: memref<1x128xf32, #tpu.memory_space<vmem>>, %arg13: memref<1000x128xf32, #tpu.memory_space<vmem>>, %arg14: memref<16x128xf32, #tpu.memory_space<vmem>>, %arg15: memref<128x128xf32, #tpu.memory_space<vmem>>, %arg16: memref<128x128xf32, #tpu.memory_space<vmem>>) attributes {dimension_semantics = [#tpu.dimension_semantics<arbitrary>], iteration_bounds = array<i64: 10>, scalar_prefetch = 0 : i64, scratch_operands = 2 : i64, tpu.core_type = #tpu.core_type<tc>, window_params = [{transform_indices = @transform_0, window_bounds = array<i64: 1000, 128>}, {transform_indices = @transform_1, window_bounds = array<i64: 1000, 128>}, {transform_indices = @transform_2, window_bounds = array<i64: 1000, 128>}, {pipeline_mode = #tpu.pipeline_mode<synchronous>, transform_indices = @transform_3, window_bounds = array<i64: 128, 128>}, {pipeline_mode = #tpu.pipeline_mode<synchronous>, transform_indices = @transform_4, window_bounds = array<i64: 1, 128>}, {pipeline_mode = #tpu.pipeline_mode<synchronous>, transform_indices = @transform_5, window_bounds = array<i64: 128, 128>}, {pipeline_mode = #tpu.pipeline_mode<synchronous>, transform_indices = @transform_6, window_bounds = array<i64: 1, 128>}, {transform_indices = @transform_7, window_bounds = array<i64: 1000, 128>}, {pipeline_mode = #tpu.pipeline_mode<synchronous>, transform_indices = @transform_8, window_bounds = array<i64: 128, 128>}, {pipeline_mode = #tpu.pipeline_mode<synchronous>, transform_indices = @transform_9, window_bounds = array<i64: 1, 128>}, {pipeline_mode = #tpu.pipeline_mode<synchronous>, transform_indices = @transform_10, window_bounds = array<i64: 128, 128>}, {pipeline_mode = #tpu.pipeline_mode<synchronous>, transform_indices = @transform_11, window_bounds = array<i64: 1, 128>}, {transform_indices = @transform_12, window_bounds = array<i64: 1000, 128>}, {pipeline_mode = #tpu.pipeline_mode<synchronous>, transform_indices = @transform_13, window_bounds = array<i64: 16, 128>}]} {
    %eq3A = arith.constant 0 : i32
    %eq3A_0 = arith.cmpi eq, %arg0, %eq3A : i32
    %convert_element_type3A = arith.extui %eq3A_0 : i1 to i32
    %cond3A = arith.constant 0 : i32
    %cond3A_1 = arith.cmpi ne, %convert_element_type3A, %cond3A : i32
    scf.if %cond3A_1 {
      %broadcast_in_dim3A_69 = arith.constant 0.000000e+00 : f32
      %broadcast_in_dim3A_70 = vector.broadcast %broadcast_in_dim3A_69 : f32 to vector<128x128xf32>
      %swap3A_71 = arith.constant 0 : index
      %swap3A_72 = arith.constant 0 : index
      %swap3A_73 = vector.load %arg15[%swap3A_71, %swap3A_72] : memref<128x128xf32, #tpu.memory_space<vmem>>, vector<128x128xf32>
      tpu.vector_store %arg15[%swap3A_71, %swap3A_72], %broadcast_in_dim3A_70 {strides = array<i32>} : memref<128x128xf32, #tpu.memory_space<vmem>>, vector<128x128xf32>,
      %broadcast_in_dim3A_74 = arith.constant 0.000000e+00 : f32
      %broadcast_in_dim3A_75 = vector.broadcast %broadcast_in_dim3A_74 : f32 to vector<128x128xf32>
      %swap3A_76 = arith.constant 0 : index
      %swap3A_77 = arith.constant 0 : index
      %swap3A_78 = vector.load %arg16[%swap3A_76, %swap3A_77] : memref<128x128xf32, #tpu.memory_space<vmem>>, vector<128x128xf32>
      tpu.vector_store %arg16[%swap3A_76, %swap3A_77], %broadcast_in_dim3A_75 {strides = array<i32>} : memref<128x128xf32, #tpu.memory_space<vmem>>, vector<128x128xf32>,
    } else {
    }
    %get3A = arith.constant 0 : index
    %get3A_2 = arith.constant 0 : index
    %get3A_3 = vector.load %arg1[%get3A, %get3A_2] : memref<1000x128xf32, #tpu.memory_space<vmem>>, vector<1000x128xf32>
    %get3A_4 = arith.constant 0 : index
    %get3A_5 = arith.constant 0 : index
    %get3A_6 = vector.load %arg2[%get3A_4, %get3A_5] : memref<1000x128xf32, #tpu.memory_space<vmem>>, vector<1000x128xf32>
    %add3A = arith.addf %get3A_3, %get3A_6 : vector<1000x128xf32>
    %get3A_7 = arith.constant 0 : index
    %get3A_8 = arith.constant 0 : index
    %get3A_9 = vector.load %arg3[%get3A_7, %get3A_8] : memref<1000x128xf32, #tpu.memory_space<vmem>>, vector<1000x128xf32>
    %add3A_10 = arith.addf %add3A, %get3A_9 : vector<1000x128xf32>
    %get3A_11 = arith.constant 0 : index
    %get3A_12 = arith.constant 0 : index
    %get3A_13 = vector.load %arg4[%get3A_11, %get3A_12] : memref<128x128xf32, #tpu.memory_space<vmem>>, vector<128x128xf32>
    %dot_general3A = arith.constant dense<0.000000e+00> : vector<1000x128xf32>
    %dot_general3A_14 = tpu.matmul %add3A_10, %get3A_13, %dot_general3A {dimension_numbers = #tpu.dot_dimension_numbers<[1], [0], [0], [1], [0, 0, 1, 1], [], []>, transpose_lhs_hint = false} : vector<1000x128xf32>, vector<128x128xf32>, vector<1000x128xf32> -> vector<1000x128xf32>
    %get3A_15 = arith.constant 0 : index
    %get3A_16 = arith.constant 0 : index
    %get3A_17 = vector.load %arg5[%get3A_15, %get3A_16] : memref<1x128xf32, #tpu.memory_space<vmem>>, vector<1x128xf32>
    %add3A_18 = vector.broadcast %get3A_17 : vector<1x128xf32> to vector<1000x128xf32>
    %add3A_19 = arith.addf %dot_general3A_14, %add3A_18 : vector<1000x128xf32>
    %max3A = arith.constant 0.000000e+00 : f32
    %max3A_20 = vector.broadcast %max3A : f32 to vector<1000x128xf32>
    %max3A_21 = arith.maximumf %add3A_19, %max3A_20 : vector<1000x128xf32>
    %get3A_22 = arith.constant 0 : index
    %get3A_23 = arith.constant 0 : index
    %get3A_24 = vector.load %arg6[%get3A_22, %get3A_23] : memref<128x128xf32, #tpu.memory_space<vmem>>, vector<128x128xf32>
    %dot_general3A_25 = arith.constant dense<0.000000e+00> : vector<1000x128xf32>
    %dot_general3A_26 = tpu.matmul %max3A_21, %get3A_24, %dot_general3A_25 {dimension_numbers = #tpu.dot_dimension_numbers<[1], [0], [0], [1], [0, 0, 1, 1], [], []>, transpose_lhs_hint = false} : vector<1000x128xf32>, vector<128x128xf32>, vector<1000x128xf32> -> vector<1000x128xf32>
    %get3A_27 = arith.constant 0 : index
    %get3A_28 = arith.constant 0 : index
    %get3A_29 = vector.load %arg7[%get3A_27, %get3A_28] : memref<1x128xf32, #tpu.memory_space<vmem>>, vector<1x128xf32>
    %add3A_30 = vector.broadcast %get3A_29 : vector<1x128xf32> to vector<1000x128xf32>
    %add3A_31 = arith.addf %dot_general3A_26, %add3A_30 : vector<1000x128xf32>
    %swap3A = arith.constant 0 : index
    %swap3A_32 = arith.constant 0 : index
    %swap3A_33 = vector.load %arg13[%swap3A, %swap3A_32] : memref<1000x128xf32, #tpu.memory_space<vmem>>, vector<1000x128xf32>
    tpu.vector_store %arg13[%swap3A, %swap3A_32], %add3A_31 {strides = array<i32>} : memref<1000x128xf32, #tpu.memory_space<vmem>>, vector<1000x128xf32>,
    %max3A_34 = arith.constant 0.000000e+00 : f32
    %max3A_35 = vector.broadcast %max3A_34 : f32 to vector<1000x128xf32>
    %max3A_36 = arith.maximumf %add3A_31, %max3A_35 : vector<1000x128xf32>
    %iota3A = tpu.iota {dimensions = array<i32: 1>} : vector<1000x128xi32>
    %convert_element_type3A_37 = arith.sitofp %iota3A : vector<1000x128xi32> to vector<1000x128xf32>
    %get3A_38 = arith.constant 0 : index
    %get3A_39 = arith.constant 0 : index
    %get3A_40 = vector.load %arg8[%get3A_38, %get3A_39] : memref<1000x128xf32, #tpu.memory_space<vmem>>, vector<1000x128xf32>
    %eq3A_41 = arith.cmpf oeq, %get3A_40, %convert_element_type3A_37 : vector<1000x128xf32>
    %jit3A = arith.constant 1.000000e+00 : f32
    %jit3A_42 = arith.constant 0.000000e+00 : f32
    %broadcast_in_dim3A = vector.broadcast %jit3A : f32 to vector<1000x128xf32>
    %broadcast_in_dim3A_43 = vector.broadcast %jit3A_42 : f32 to vector<1000x128xf32>
    %select_n3A = arith.select %eq3A_41, %broadcast_in_dim3A, %broadcast_in_dim3A_43 : vector<1000x128xi1>, vector<1000x128xf32>
    %get3A_44 = arith.constant 0 : index
    %get3A_45 = arith.constant 0 : index
    %get3A_46 = vector.load %arg15[%get3A_44, %get3A_45] : memref<128x128xf32, #tpu.memory_space<vmem>>, vector<128x128xf32>
    %dot_general3A_47 = arith.constant dense<0.000000e+00> : vector<128x128xf32>
    %dot_general3A_48 = tpu.matmul %select_n3A, %max3A_36, %dot_general3A_47 {dimension_numbers = #tpu.dot_dimension_numbers<[0], [0], [1], [1], [0, 1, 1, 1], [], []>, transpose_lhs_hint = false} : vector<1000x128xf32>, vector<1000x128xf32>, vector<128x128xf32> -> vector<128x128xf32>
    %add3A_49 = arith.addf %get3A_46, %dot_general3A_48 : vector<128x128xf32>
    %swap3A_50 = arith.constant 0 : index
    %swap3A_51 = arith.constant 0 : index
    %swap3A_52 = vector.load %arg15[%swap3A_50, %swap3A_51] : memref<128x128xf32, #tpu.memory_space<vmem>>, vector<128x128xf32>
    tpu.vector_store %arg15[%swap3A_50, %swap3A_51], %add3A_49 {strides = array<i32>} : memref<128x128xf32, #tpu.memory_space<vmem>>, vector<128x128xf32>,
    %get3A_53 = arith.constant 0 : index
    %get3A_54 = arith.constant 0 : index
    %get3A_55 = vector.load %arg16[%get3A_53, %get3A_54] : memref<128x128xf32, #tpu.memory_space<vmem>>, vector<128x128xf32>
    %broadcast_in_dim3A_56 = arith.constant 1.000000e+00 : f32
    %broadcast_in_dim3A_57 = vector.broadcast %broadcast_in_dim3A_56 : f32 to vector<1000x128xf32>
    %dot_general3A_58 = arith.constant dense<0.000000e+00> : vector<128x128xf32>
    %dot_general3A_59 = tpu.matmul %select_n3A, %broadcast_in_dim3A_57, %dot_general3A_58 {dimension_numbers = #tpu.dot_dimension_numbers<[0], [0], [1], [1], [0, 1, 1, 1], [], []>, transpose_lhs_hint = false} : vector<1000x128xf32>, vector<1000x128xf32>, vector<128x128xf32> -> vector<128x128xf32>
    %add3A_60 = arith.addf %get3A_55, %dot_general3A_59 : vector<128x128xf32>
    %swap3A_61 = arith.constant 0 : index
    %swap3A_62 = arith.constant 0 : index
    %swap3A_63 = vector.load %arg16[%swap3A_61, %swap3A_62] : memref<128x128xf32, #tpu.memory_space<vmem>>, vector<128x128xf32>
    tpu.vector_store %arg16[%swap3A_61, %swap3A_62], %add3A_60 {strides = array<i32>} : memref<128x128xf32, #tpu.memory_space<vmem>>, vector<128x128xf32>,
    %eq3A_64 = arith.constant 9 : i32
    %eq3A_65 = arith.cmpi eq, %arg0, %eq3A_64 : i32
    %convert_element_type3A_66 = arith.extui %eq3A_65 : i1 to i32
    %cond3A_67 = arith.constant 0 : i32
    %cond3A_68 = arith.cmpi ne, %convert_element_type3A_66, %cond3A_67 : i32
    scf.if %cond3A_68 {
      %get3A_69 = arith.constant 0 : index
      %get3A_70 = arith.constant 0 : index
      %get3A_71 = vector.load %arg15[%get3A_69, %get3A_70] : memref<128x128xf32, #tpu.memory_space<vmem>>, vector<128x128xf32>
      %get3A_72 = arith.constant 0 : index
      %get3A_73 = arith.constant 0 : index
      %get3A_74 = vector.load %arg16[%get3A_72, %get3A_73] : memref<128x128xf32, #tpu.memory_space<vmem>>, vector<128x128xf32>
      %max3A_75 = arith.constant 1.000000e+00 : f32
      %max3A_76 = vector.broadcast %max3A_75 : f32 to vector<128x128xf32>
      %max3A_77 = arith.maximumf %get3A_74, %max3A_76 : vector<128x128xf32>
      %div3A = arith.divf %get3A_71, %max3A_77 : vector<128x128xf32>
      %get3A_78 = arith.constant 0 : index
      %get3A_79 = arith.constant 0 : index
      %get3A_80 = vector.load %arg9[%get3A_78, %get3A_79] : memref<128x128xf32, #tpu.memory_space<vmem>>, vector<128x128xf32>
      %dot_general3A_81 = arith.constant dense<0.000000e+00> : vector<128x128xf32>
      %dot_general3A_82 = tpu.matmul %div3A, %get3A_80, %dot_general3A_81 {dimension_numbers = #tpu.dot_dimension_numbers<[1], [0], [0], [1], [0, 0, 1, 1], [], []>, transpose_lhs_hint = false} : vector<128x128xf32>, vector<128x128xf32>, vector<128x128xf32> -> vector<128x128xf32>
      %get3A_83 = arith.constant 0 : index
      %get3A_84 = arith.constant 0 : index
      %get3A_85 = vector.load %arg10[%get3A_83, %get3A_84] : memref<1x128xf32, #tpu.memory_space<vmem>>, vector<1x128xf32>
      %add3A_86 = vector.broadcast %get3A_85 : vector<1x128xf32> to vector<128x128xf32>
      %add3A_87 = arith.addf %dot_general3A_82, %add3A_86 : vector<128x128xf32>
      %get3A_88 = arith.constant 0 : index
      %get3A_89 = arith.constant 0 : index
      %get3A_90 = vector.load %arg11[%get3A_88, %get3A_89] : memref<128x128xf32, #tpu.memory_space<vmem>>, vector<128x128xf32>
      %dot_general3A_91 = arith.constant dense<0.000000e+00> : vector<128x128xf32>
      %dot_general3A_92 = tpu.matmul %add3A_87, %get3A_90, %dot_general3A_91 {dimension_numbers = #tpu.dot_dimension_numbers<[1], [0], [0], [1], [0, 0, 1, 1], [], []>, transpose_lhs_hint = false} : vector<128x128xf32>, vector<128x128xf32>, vector<128x128xf32> -> vector<128x128xf32>
      %get3A_93 = arith.constant 0 : index
      %get3A_94 = arith.constant 0 : index
      %get3A_95 = vector.load %arg12[%get3A_93, %get3A_94] : memref<1x128xf32, #tpu.memory_space<vmem>>, vector<1x128xf32>
      %add3A_96 = vector.broadcast %get3A_95 : vector<1x128xf32> to vector<128x128xf32>
      %add3A_97 = arith.addf %dot_general3A_92, %add3A_96 : vector<128x128xf32>
      %iota3A_98 = tpu.iota {dimensions = array<i32: 1>} : vector<128x128xi32>
      %lt3A = arith.constant 64 : i32
      %lt3A_99 = vector.broadcast %lt3A : i32 to vector<128x128xi32>
      %lt3A_100 = arith.cmpi slt, %iota3A_98, %lt3A_99 : vector<128x128xi32>
      %jit3A_101 = arith.constant -1.000000e+30 : f32
      %broadcast_in_dim3A_102 = vector.broadcast %jit3A_101 : f32 to vector<128x128xf32>
      %select_n3A_103 = arith.select %lt3A_100, %add3A_97, %broadcast_in_dim3A_102 : vector<128x128xi1>, vector<128x128xf32>
      %reduce_max3A = arith.constant dense<0xFF800000> : vector<128xf32>
      %reduce_max3A_104 = vector.multi_reduction <maximumf>, %select_n3A_103, %reduce_max3A [1] : vector<128x128xf32> to vector<128xf32>
      %broadcast_in_dim3A_105 = vector.shape_cast %reduce_max3A_104 : vector<128xf32> to vector<128x1xf32>
      %sub3A = vector.broadcast %broadcast_in_dim3A_105 : vector<128x1xf32> to vector<128x128xf32>
      %sub3A_106 = arith.subf %add3A_97, %sub3A : vector<128x128xf32>
      %exp3A = math.exp %sub3A_106 : vector<128x128xf32>
      %jit3A_107 = arith.constant 0.000000e+00 : f32
      %broadcast_in_dim3A_108 = vector.broadcast %jit3A_107 : f32 to vector<128x128xf32>
      %select_n3A_109 = arith.select %lt3A_100, %exp3A, %broadcast_in_dim3A_108 : vector<128x128xi1>, vector<128x128xf32>
      %reduce_sum3A = arith.constant dense<0.000000e+00> : vector<128xf32>
      %reduce_sum3A_110 = vector.multi_reduction <add>, %select_n3A_109, %reduce_sum3A [1] : vector<128x128xf32> to vector<128xf32>
      %broadcast_in_dim3A_111 = vector.shape_cast %reduce_sum3A_110 : vector<128xf32> to vector<128x1xf32>
      %log3A = math.log %broadcast_in_dim3A_111 : vector<128x1xf32>
      %sub3A_112 = vector.broadcast %broadcast_in_dim3A_105 : vector<128x1xf32> to vector<128x128xf32>
      %sub3A_113 = arith.subf %add3A_97, %sub3A_112 : vector<128x128xf32>
      %sub3A_114 = vector.broadcast %log3A : vector<128x1xf32> to vector<128x128xf32>
      %sub3A_115 = arith.subf %sub3A_113, %sub3A_114 : vector<128x128xf32>
      %slice3A = vector.extract_strided_slice %sub3A_115 {offsets = [0, 0], sizes = [16, 128], strides = [1, 1]} : vector<128x128xf32> to vector<16x128xf32>
      %swap3A_116 = arith.constant 0 : index
      %swap3A_117 = arith.constant 0 : index
      %swap3A_118 = vector.load %arg14[%swap3A_116, %swap3A_117] : memref<16x128xf32, #tpu.memory_space<vmem>>, vector<16x128xf32>
      tpu.vector_store %arg14[%swap3A_116, %swap3A_117], %slice3A {strides = array<i32>} : memref<16x128xf32, #tpu.memory_space<vmem>>, vector<16x128xf32>,
    } else {
    }
    return
  }
  func.func @transform_0(%arg0: i32) -> (i32, i32) {
    %c0_i32 = arith.constant 0 : i32
    %c0_i32_0 = arith.constant 0 : i32
    return %arg0, %c0_i32 : i32, i32
  }
  func.func @transform_1(%arg0: i32) -> (i32, i32) {
    %c0_i32 = arith.constant 0 : i32
    %c0_i32_0 = arith.constant 0 : i32
    return %arg0, %c0_i32 : i32, i32
  }
  func.func @transform_2(%arg0: i32) -> (i32, i32) {
    %c0_i32 = arith.constant 0 : i32
    %c0_i32_0 = arith.constant 0 : i32
    return %arg0, %c0_i32 : i32, i32
  }
  func.func @transform_3(%arg0: i32) -> (i32, i32) {
    %c0_i32 = arith.constant 0 : i32
    %c0_i32_0 = arith.constant 0 : i32
    %c0_i32_1 = arith.constant 0 : i32
    return %c0_i32, %c0_i32_0 : i32, i32
  }
  func.func @transform_4(%arg0: i32) -> (i32, i32) {
    %c0_i32 = arith.constant 0 : i32
    %c0_i32_0 = arith.constant 0 : i32
    %c0_i32_1 = arith.constant 0 : i32
    return %c0_i32, %c0_i32_0 : i32, i32
  }
  func.func @transform_5(%arg0: i32) -> (i32, i32) {
    %c0_i32 = arith.constant 0 : i32
    %c0_i32_0 = arith.constant 0 : i32
    %c0_i32_1 = arith.constant 0 : i32
    return %c0_i32, %c0_i32_0 : i32, i32
  }
  func.func @transform_6(%arg0: i32) -> (i32, i32) {
    %c0_i32 = arith.constant 0 : i32
    %c0_i32_0 = arith.constant 0 : i32
    %c0_i32_1 = arith.constant 0 : i32
    return %c0_i32, %c0_i32_0 : i32, i32
  }
  func.func @transform_7(%arg0: i32) -> (i32, i32) {
    %c0_i32 = arith.constant 0 : i32
    %c0_i32_0 = arith.constant 0 : i32
    return %arg0, %c0_i32 : i32, i32
  }
  func.func @transform_8(%arg0: i32) -> (i32, i32) {
    %c0_i32 = arith.constant 0 : i32
    %c0_i32_0 = arith.constant 0 : i32
    %c0_i32_1 = arith.constant 0 : i32
    return %c0_i32, %c0_i32_0 : i32, i32
  }
  func.func @transform_9(%arg0: i32) -> (i32, i32) {
    %c0_i32 = arith.constant 0 : i32
    %c0_i32_0 = arith.constant 0 : i32
    %c0_i32_1 = arith.constant 0 : i32
    return %c0_i32, %c0_i32_0 : i32, i32
  }
  func.func @transform_10(%arg0: i32) -> (i32, i32) {
    %c0_i32 = arith.constant 0 : i32
    %c0_i32_0 = arith.constant 0 : i32
    %c0_i32_1 = arith.constant 0 : i32
    return %c0_i32, %c0_i32_0 : i32, i32
  }
  func.func @transform_11(%arg0: i32) -> (i32, i32) {
    %c0_i32 = arith.constant 0 : i32
    %c0_i32_0 = arith.constant 0 : i32
    %c0_i32_1 = arith.constant 0 : i32
    return %c0_i32, %c0_i32_0 : i32, i32
  }
  func.func @transform_12(%arg0: i32) -> (i32, i32) {
    %c0_i32 = arith.constant 0 : i32
    %c0_i32_0 = arith.constant 0 : i32
    return %arg0, %c0_i32 : i32, i32
  }
  func.func @transform_13(%arg0: i32) -> (i32, i32) {
    %c0_i32 = arith.constant 0 : i32
    %c0_i32_0 = arith.constant 0 : i32
    %c0_i32_1 = arith.constant 0 : i32
    return %c0_i32, %c0_i32_0 : i32, i32
  }
}

</mosaic_0001>

<sc_bundles>
// kernel: kernel.11.cloned.1.call-start
scs
__scs_entry_jumppad:
0x0: {  	(pc) =	sbr.rel $0x88, $3  }
0x1: {  	(tag) =	ssettag $0x0;
	lr =	simm.s32 $0x1  }
0x2: {  	[smem:$0x3F8A] =	sst lr;
	_ =	strace $0xD0000000  }
0x3: {  	_ = 	snop  }
0x4: {  	_ = 	snop  }
0x5: {  	_ = 	snop  }
0x6: {  	_ = 	snop  }
0x7: {  	_ = 	snop  }
__scs_overlays_trampoline_lowered:
0x8: {  	[smem:$0x3F99] =	sst s0  }
0x9: {  	[smem:$0x3F9A] =	sst s1  }
0xa: {  	[smem:$0x3F9B] =	sst s2  }
0xb: {  	[smem:$0x3F9C] =	sst s3  }
0xc: {  	[smem:$0x3F9D] =	sst s4  }
0xd: {  	[smem:$0x3F9E] =	sst s5  }
0xe: {  	[smem:$0x3F9F] =	sst s6  }
0xf: {  	[smem:$0x3FA0] =	sst s7  }
0x10: {  	[smem:$0x3FA1] =	sst s8  }
0x11: {  	[smem:$0x3FA2] =	sst s9;
	s0 =	simm.s32 @!p0 $0x0  }
0x12: {  	s1 =	sld [smem:$0x3F88];
	s0 =	simm.s32 @p0 $0x1  }
0x13: {  	[smem:$0x3FA3] =	sst s0;
	s0 =	simm.s32 @!p1 $0x0  }
0x14: {  	s2 =	sld [smem:$0x3F87];
	s0 =	simm.s32 @p1 $0x1  }
0x15: {  	[smem:$0x3FA4] =	sst s0;
	s0 =	simm.s32 @!p2 $0x0  }
0x16: {  	s3 =	sld [smem:$0x3FDB];
	s0 =	simm.s32 @p2 $0x1  }
0x17: {  	s4 =	simm.s32 $0x1BF5;
	[smem:$0x3FA6] =	sst s0  }
0x18: {  	s0 =	sld [smem:$0x3F89];
	_ =	swait.ge [sflag:s4], $0x0  }
0x19: {  	s7 =	sld [smem:$0x3F8A]  }
0x1a: {  	s8 =	sadd.s32 $0xFFFFE003, lr  }
0x1b: {  	s9 =	sadd.s32 $0xFFFFFEF7, lr;
	s5 =	simm.s32 $0xFFFFFFFF;
	p2 =	slt.u32 s8, $0xFFFFF086  }
0x1c: {  	p1 =	slt.u32 s9, $0xF7A;
	s5 =	simm.s32 @!p2 $0x0  }
0x1d: {  	s5 =	simm.s32 @p1 $0x1;
	p0 =	seq.s32 s7, s2  }
0x1e: {  	s7 =	smul.u32 @!p0 $0xF7A, s2;
	p2 =	seq.s32 @!p0 s5, $0x0  }
0x1f: {  	s9 =	smul.u32 $0xF7A, s1;
	s8 =	simm.s32 @!p0 $0x1BF5;
	p2 =	por !p2, p0  }
0x20: {  	[sflag:s8] =	ssyncset.s32 @!p0 $0xFFFFF086;
	s6 =	sadd.s32 @!p0 s3, s7;
	s7 =	simm.s32 @!p0 $0x108  }
0x21: {  	s3 =	sadd.s32 s3, s9;
	s6 =	sadd.s32 @!p0 $0x88, s6;
	s7 =	simm.s32 @p2 $0x1082  }
0x22: {  	[simem:s7], [sflag:s8] =	dma.local @!p0 [hbm:s6], $0xF7A  }
0x23: {  	s9 =	sor.u32 $0xD0000000, s2;
	s6 =	simm.s32 $0x108;
	_ =	swait.ge @!p0 [sflag:s8], $0x0  }
0x24: {  	s3 =	sadd.s32 $0x88, s3;
	s6 =	simm.s32 @!p1 $0x1082;
	[sflag:s4] =	ssyncset.s32 $0xFFFFF086  }
0x25: {  	[simem:s6], [sflag:s4] =	dma.local [hbm:s3], $0xF7A  }
0x26: {  	[smem:$0x3F8A] =	sst s1;
	(tag) =	ssettag s2;
	_ =	strace s9  }
0x27: {  	s1 =	sld [smem:$0x3F9A]  }
0x28: {  	s2 =	sld [smem:$0x3F9B]  }
0x29: {  	s4 =	sld [smem:$0x3F9D]  }
0x2a: {  	p0 =	seq.s32 s5, $0x0;
	s5 =	sld [smem:$0x3F9E]  }
0x2b: {  	s6 =	sld [smem:$0x3F9F]  }
0x2c: {  	s7 =	sld [smem:$0x3FA0]  }
0x2d: {  	s3 =	simm.s32 $0x108;
	s8 =	sld [smem:$0x3FA1]  }
0x2e: {  	s3 =	simm.s32 @!p0 $0x1082;
	s9 =	sld [smem:$0x3FA2]  }
0x2f: {  	lr =	sadd.s32 s0, s3;
	s0 =	sld [smem:$0x3F99]  }
0x30: {  	s3 =	sld [smem:$0x3F9C]  }
0x31: {  	[smem:$0x3FA5] =	sst s10  }
0x32: {  	s10 =	sld [smem:$0x3FA3];
	_ =	sdelay $0x3  }
0x33: {  	p0 =	seq.s32 s10, $0x1;
	s10 =	sld [smem:$0x3FA5];
	_ =	sdelay $0x3  }
0x34: {  	[smem:$0x3FA5] =	sst s10  }
0x35: {  	s10 =	sld [smem:$0x3FA4];
	_ =	sdelay $0x3  }
0x36: {  	p1 =	seq.s32 s10, $0x1;
	s10 =	sld [smem:$0x3FA5];
	_ =	sdelay $0x3  }
0x37: {  	[smem:$0x3FA5] =	sst s10  }
0x38: {  	s10 =	sld [smem:$0x3FA6]  }
0x39: {  	_ = 	snop;
	(pc) =	sbr.ind lr, $3  }
0x3a: {  	_ = 	snop  }
0x3b: {  	_ = 	snop  }
0x3c: {  	p2 =	seq.s32 s10, $0x1;
	s10 =	sld [smem:$0x3FA5]  }
0x3d: {  	_ =	shalt  }
0x3e: {  	_ =	shalt  }
0x3f: {  	_ =	shalt  }
0x40: {  	_ =	shalt  }
0x41: {  	_ =	shalt  }
0x42: {  	_ =	shalt  }
0x43: {  	_ =	shalt  }
0x44: {  	_ =	shalt  }
0x45: {  	_ =	shalt  }
0x46: {  	_ =	shalt  }
0x47: {  	_ =	shalt  }
0x48: {  	_ =	shalt  }
0x49: {  	_ =	shalt  }
0x4a: {  	_ =	shalt  }
0x4b: {  	_ =	shalt  }
0x4c: {  	_ =	shalt  }
0x4d: {  	_ =	shalt  }
0x4e: {  	_ =	shalt  }
0x4f: {  	_ =	shalt  }
0x50: {  	_ =	shalt  }
0x51: {  	_ =	shalt  }
0x52: {  	_ =	shalt  }
0x53: {  	_ =	shalt  }
0x54: {  	_ =	shalt  }
0x55: {  	_ =	shalt  }
0x56: {  	_ =	shalt  }
0x57: {  	_ =	shalt  }
0x58: {  	_ =	shalt  }
0x59: {  	_ =	shalt  }
0x5a: {  	_ =	shalt  }
0x5b: {  	_ =	shalt  }
0x5c: {  	_ =	shalt  }
0x5d: {  	_ =	shalt  }
0x5e: {  	_ =	shalt  }
0x5f: {  	_ =	shalt  }
0x60: {  	_ =	shalt  }
0x61: {  	_ =	shalt  }
0x62: {  	_ =	shalt  }
0x63: {  	_ =	shalt  }
0x64: {  	_ =	shalt  }
0x65: {  	_ =	shalt  }
0x66: {  	_ =	shalt  }
0x67: {  	_ =	shalt  }
0x68: {  	_ =	shalt  }
0x69: {  	_ =	shalt  }
0x6a: {  	_ =	shalt  }
0x6b: {  	_ =	shalt  }
0x6c: {  	_ =	shalt  }
0x6d: {  	_ =	shalt  }
0x6e: {  	_ =	shalt  }
0x6f: {  	_ =	shalt  }
0x70: {  	_ =	shalt  }
0x71: {  	_ =	shalt  }
0x72: {  	_ =	shalt  }
0x73: {  	_ =	shalt  }
0x74: {  	_ =	shalt  }
0x75: {  	_ =	shalt  }
0x76: {  	_ =	shalt  }
0x77: {  	_ =	shalt  }
0x78: {  	_ =	shalt  }
0x79: {  	_ =	shalt  }
0x7a: {  	_ =	shalt  }
0x7b: {  	_ =	shalt  }
0x7c: {  	_ =	shalt  }
0x7d: {  	_ =	shalt  }
0x7e: {  	_ =	shalt  }
0x7f: {  	_ =	shalt  }
0x80: {  	_ =	shalt  }
0x81: {  	_ =	shalt  }
0x82: {  	_ =	shalt  }
0x83: {  	_ =	shalt  }
0x84: {  	_ =	shalt  }
0x85: {  	_ =	shalt  }
0x86: {  	_ =	shalt  }
0x87: {  	_ =	shalt  }
.Lfunc_end0:
.L_simem_size_0:
called_computation.1_lowered:
.L_overlay_start_0:
0x88: {  	s2 =	sld [smem:$0x3FD9]  }
0x89: {  	s3 =	sld [smem:$0x3FFE];
	_ =	sdelay $0x1  }
0x8a: {  	s1 =	srdreg.scid  }
0x8b: {  	s0 =	sand.u32 $0x1, s1  }
0x8c: {  	s14 =	sshll.u32 s0, $0xA;
	s2 =	sadd.s32 s3, s2  }
0x8d: {  	s2 =	sadd.s32 s2, s14  }
0x8e: {  	[smem:$0x3FB1] =	sst s2  }
0x8f: {  	_ = 	snop  }
0x90: {  	s2 =	sld [smem:$0x3FD0];
	_ =	sdelay $0x2  }
0x91: {  	s15 =	simm.s32 $0xA;
	s4 =	simm.s32 $0x10  }
0x92: {  	[smem:s4], [sflag:s15] =	dma.local [hbm:s2], $0x1  }
0x93: {  	_ =	swait.eq [sflag:s15], $0x1  }
0x94: {  	[sflag:s15] =	ssyncset.done $0x0  }
0x95: {  	[sflag:s15] =	ssyncadd.s32 $0xFFFFFFFF  }
0x96: {  	s16 =	sld [smem:$0x10];
	(tm) =	ssettm $0x1  }
0x97: {  	s17 =	sld [smem:$0x3FFB];
	_ =	sdelay $0x3  }
0x98: {  	_ =	strace s17  }
0x99: {  	s3 =	sld [smem:$0x3FFC];
	_ =	sdelay $0x3  }
0x9a: {  	_ =	strace s3  }
0x9b: {  	s3 =	sld [smem:$0x3FFD];
	_ =	sdelay $0x3  }
0x9c: {  	_ =	strace s3  }
0x9d: {  	_ =	strace $0x8FFFFFFF  }
0x9e: {  	s18 =	sld [smem:$0x3FDB];
	_ =	sdelay $0x1  }
0x9f: {  	s19 =	simm.s32 $_scs_section_size  }
0xa0: {  	s5 =	simm.s32 $_size__tile_overlayer_lowered;
	s6 =	simm.s32 $_tile_overlayer_lowered  }
0xa1: {  	s22 =	simm.s32 $0x1BFF;
	s21 =	sshll.u32 s6, $0x1;
	s3 =	sadd.s32 s19, s18  }
0xa2: {  	s7 =	simm.s32 $0x0;
	s20 =	sshll.u32 s5, $0x1;
	s5 =	sadd.s32 s21, s3  }
0xa3: {  	[timem:s7], [sflag:s22] =	dma.local [hbm:s5], s20  }
0xa4: {  	_ =	swait.ge [sflag:s22], s20  }
0xa5: {  	s4 =	ssub.s32 $0x0, s20;
	[sflag:s22] =	ssyncset.done $0x0  }
0xa6: {  	[sflag:s22] =	ssyncadd.s32 s4;
	_ =	sdelay $0x1  }
0xa7: {  	s23 =	simm.s32 $0x1B8B  }
0xa8: {  	_ =	swait.ge [sflag:s23], $0x1  }
0xa9: {  	[sflag:s23] =	ssyncset.done $0x0  }
0xaa: {  	s25 =	simm.s32 $0x1B8E;
	s24 =	sld [smem:$0x3FFE];
	[sflag:s23] =	ssyncadd.s32 $0xFFFFFFFF  }
0xab: {  	s26 =	simm.s32 $execute0_lowered;
	[smem:$0x3FD2] =	sst s25  }
0xac: {  	s5 =	sshll.u32 s26, $0x1;
	_ =	strace $0x80000049;
	[dreg:$0x1] =	wrdreg $0xFFFFFFFF  }
0xad: {  	s28 =	simm.s32 $_size_execute0_lowered;
	s3 =	sadd.s32 s3, s5;
	[dreg:$0x0] =	wrdreg $0x0  }
0xae: {  	s5 =	sshll.u32 s28, $0x1;
	[dreg:$0x2] =	wrdreg s3  }
0xaf: {  	[dreg:$0x3] =	wrdreg s5  }
0xb0: {  	[dreg:$0x4] =	wrdreg $0xC0  }
0xb1: {  	_ =	task [dreg:s7], $0x5FFFF  }
0xb2: {  	[dreg:$0x1] =	wrdreg $0xFFFFFFFF  }
0xb3: {  	[dreg:$0x0] =	wrdreg $0x60  }
0xb4: {  	[dreg:$0x2] =	wrdreg s16  }
0xb5: {  	[dreg:$0x3] =	wrdreg s24  }
0xb6: {  	[dreg:$0x4] =	wrdreg $0xA4000  }
0xb7: {  	[dreg:$0x5] =	wrdreg $0x9  }
0xb8: {  	_ =	task.clear_ibuf [dreg:s7], $0x6FFFF;
	_ =	strace $0x90000049  }
0xb9: {  	s29 =	simm.s32 $0x9;
	_ =	strace $0x8000004B  }
0xba: {  	_ =	swait.ge [sflag:s29], $0x1  }
0xbb: {  	[sflag:s29] =	ssyncadd.s32 $0xFFFFFFFF  }
0xbc: {  	_ =	strace $0x9000004B  }
0xbd: {  	_ =	sfence  }
0xbe: {  	s30 =	sld [smem:$0x0];
	_ =	sdelay $0x2  }
0xbf: {  	s31 =	sshll.u32 s1, $0xD;
	s1 =	sshrl.u32 s1, $0x2  }
0xc0: {  	s3 =	sand.u32 $0x4000, s31;
	s1 =	sadd.s32 s1, s30  }
0xc1: {  	s0 =	sor.u32 s3, s0;
	s1 =	sshll.u32 s1, $0x11  }
0xc2: {  	s0 =	sor.u32 s1, s0  }
0xc3: {  	s0 =	sadd.s32 $0x8F2B, s0  }
0xc4: {  	[sflag:s0] =	ssyncadd.remote.s32 $0x1  }
0xc5: {  	_ =	sfence.sel $0xFFFF  }
0xc6: {  	[dreg:$0x0] =	wrdreg $0xFFFFFFFF;
	(pc) =	sbr.abs _section_cstart, $3  }
0xc7: {  	[dreg:$0x1] =	wrdreg $0xFFFFFFFF  }
0xc8: {  	_ =	task.clear_ibuf [dreg:s7], $0x2FFFF;
	_ =	strace $0x9FFFFFFF  }
0xc9: {  	(tm) =	ssettm $0x7FFFFFFF  }
tec
execute0_lowered:
.L_overlay_start_1:
0x0: {  	(tag) =	ssettag $0x1  }
0x1: {  	s1 =	rddreg [dreg:$0x0]  }
0x2: {  	s0 =	rddreg [dreg:$0x1]  }
0x3: {  	s2 =	rddreg [dreg:$0x2];
	s3 =	srdreg.scid;
	s4 =	simm.s32 $0x0  }
0x4: {  	s9 =	stileid.u32;
	s28 =	simm.s32 $0x5400;
	s29 =	simm.s32 $0x1  }
0x5: {  	s30 =	simm.s32 $0x80;
	s31 =	simm.s32 $0x7C00;
	s11 =	simm.s32 $0x0  }
0x6: {  	s3 =	sand.u32 $0x1, s3;
	[smem:$0x7FF] =	sst s4;
	s6 =	smul.u32 $0x14000, s9  }
0x7: {  	s7 =	sshll.u32 s9, $0xF;
	s8 =	sadd.s32 $0x4600, s0;
	s9 =	smul.u32 $0x50000, s9  }
0x8: {  	s5 =	smul.u32 $0x140000, s3;
	s18 =	sshll.u32 s3, $0x13;
	s3 =	ssub.s32 $0x2, s3  }
0x9: {  	_ =	strace $0x8000004A;
	s10 =	sshrl.u32 s3, $0x1;
	s19 =	sshrl.u32 s9, $0x2  }
0xa: {  	s5 =	sadd.s32 s6, s5;
	s6 =	sor.u32 s7, s18;
	s3 =	ssub.s32 s3, s10  }
0xb: {  	s9 =	sadd.s32 s19, s2;
	s10 =	simm.s32 $0x380;
	s5 =	sshrl.u32 s5, $0x3  }
0xc: {  	s7 =	sshrl.u32 s6, $0x3;
	s22 =	smax.u32 s3, $0x1;
	s23 =	sadd.s32 $0x2800, s9  }
0xd: {  	s24 =	sadd.s32 $0x5000, s9;
	s25 =	sadd.s32 $0x7800, s9;
	s26 =	sor.u32 $0x400, s6  }
0xe: {  	s15 =	sadd.s32 $0xA000, s9;
	s16 =	sadd.s32 $0xC800, s9;
	[dreg:$0x8] =	wrdreg s22  }
0xf: {  	s17 =	sadd.s32 $0xF000, s9;
	s18 =	sadd.s32 $0x11800, s9;
	[dreg:$0x9] =	wrdreg s23  }
0x10: {  	s3 =	simm.s32 $0x180;
	s6 =	simm.s32 $0x3;
	[dreg:$0xa] =	wrdreg s24  }
0x11: {  	s0 =	sadd.s32 s5, s0;
	s5 =	sadd.s32 s8, s7;
	[dreg:$0xb] =	wrdreg s25  }
0x12: {  	s22 =	simm.s32 $0x2C00;
	s23 =	simm.s32 $0x100;
	s7 =	sadd.s32 $0x20, s5  }
0x13: {  	s24 =	simm.s32 $0x200;
	s20 =	sadd.s32 $0x40, s5;
	[dreg:$0x4] =	wrdreg s7  }
.Ltmp0:
0x14: {  	s21 =	sadd.s32 $0x60, s5;
	[dreg:$0x5] =	wrdreg s20;
	(pc) =	sbr.rel .LBB2_1-.Ltmp0, $4  }
0x15: {  	s25 =	simm.s32 $0x300;
	s0 =	sadd.s32 $0x24600, s0;
	[dreg:$0x6] =	wrdreg s21  }
0x16: {  	[dreg:$0x7] =	wrdreg s0;
	s0 =	sshrl.u32 s26, $0x3;
	s20 =	simm.s32 $0x400  }
0x17: {  	s21 =	simm.s32 $0x5;
	s26 =	simm.s32 $0x50;
	s7 =	simm.s32 $0x280  }
0x18: {  	v0 =	vimm.f32 $0.0e+00;
	s13 =	sadd.s32 s0, s8;
	s0 =	simm.s32 $0x2;
	s8 =	simm.s32 $0x4  }
.LBB2_26:
0x19: {  	s12 =	stileid.u32  }
0x1a: {  	[bflag:$0x0] =	sbarrier.arrive $0xFFFF;
	s12 =	sshll.u32 s12, $0x6  }
0x1b: {  	s14 =	sshrl.u32 s9, $0x3;
	s19 =	rddreg [dreg:$0x7];
	s12 =	sor.u32 $0x1C05, s12  }
0x1c: {  	[hbm:s19], [sflag:s12] =	dma.local [spmem:s14], $0x2800  }
0x1d: {  	_ =	swait.ge [sflag:s21], $0x2800  }
0x1e: {  	s11 =	sadd.s32 $0x1, s11;
	s19 =	rddreg [dreg:$0x8]  }
0x1f: {  	p0 =	sne.s32 s11, s19  }
.Ltmp1:
0x20: {  	_ = 	snop;
	(pc) =	sbr.rel @!p0 .LBB2_27-.Ltmp1, $3  }
0x21: {  	_ =	sdelay $0x1  }
0x22: {  	[sflag:s21] =	ssyncset.done $0x0  }
0x23: {  	[sflag:s21] =	ssyncadd.s32 $0xFFFFD800  }
.LBB2_1:
0x24: {  	s12 =	simm.s32 $0x0;
	s19 =	simm.s32 $0x200  }
.LBB2_2:
0x25: {  	p0 =	sne.s32 s19, $0x9E00;
	[tilespmem:s12+$0x470] =	vst v0  }
0x26: {  	[tilespmem:s12+$0x400] =	vst v0  }
0x27: {  	[tilespmem:s12+$0x410] =	vst v0  }
.Ltmp2:
0x28: {  	[tilespmem:s12+$0x420] =	vst v0;
	(pc) =	sbr.rel @p0 .LBB2_2-.Ltmp2, $4  }
0x29: {  	[tilespmem:s12+$0x430] =	vst v0  }
0x2a: {  	[tilespmem:s12+$0x440] =	vst v0  }
0x2b: {  	[tilespmem:s12+$0x450] =	vst v0  }
0x2c: {  	[tilespmem:s12+$0x460] =	vst v0;
	s12 =	sshra.s32 s19, $0x2;
	s19 =	sadd.s32 $0x200, s19  }
0x2d: {  	[tilespmem:s12+$0x470] =	vst v0  }
0x2e: {  	[tilespmem:s12+$0x400] =	vst v0  }
0x2f: {  	[tilespmem:s12+$0x410] =	vst v0  }
0x30: {  	[tilespmem:s12+$0x420] =	vst v0  }
0x31: {  	[tilespmem:s12+$0x430] =	vst v0  }
0x32: {  	[tilespmem:s12+$0x440] =	vst v0  }
0x33: {  	[tilespmem:s12+$0x450] =	vst v0  }
0x34: {  	[tilespmem:s12+$0x460] =	vst v0;
	s12 =	simm.s32 $0x0;
	s19 =	simm.s32 $0x200  }
.LBB2_4:
0x35: {  	p0 =	sne.s32 s19, $0x9E00;
	[tilespmem:s12+$0x2C70] =	vst v0  }
0x36: {  	[tilespmem:s12+$0x2C00] =	vst v0  }
0x37: {  	[tilespmem:s12+$0x2C10] =	vst v0  }
.Ltmp3:
0x38: {  	[tilespmem:s12+$0x2C20] =	vst v0;
	(pc) =	sbr.rel @p0 .LBB2_4-.Ltmp3, $4  }
0x39: {  	[tilespmem:s12+$0x2C30] =	vst v0  }
0x3a: {  	[tilespmem:s12+$0x2C40] =	vst v0  }
0x3b: {  	[tilespmem:s12+$0x2C50] =	vst v0  }
0x3c: {  	[tilespmem:s12+$0x2C60] =	vst v0;
	s12 =	sshra.s32 s19, $0x2;
	s19 =	sadd.s32 $0x200, s19  }
0x3d: {  	[tilespmem:s12+$0x2C70] =	vst v0  }
0x3e: {  	[tilespmem:s12+$0x2C00] =	vst v0  }
0x3f: {  	[tilespmem:s12+$0x2C10] =	vst v0  }
0x40: {  	[tilespmem:s12+$0x2C20] =	vst v0  }
0x41: {  	[tilespmem:s12+$0x2C30] =	vst v0  }
0x42: {  	[tilespmem:s12+$0x2C40] =	vst v0  }
0x43: {  	[tilespmem:s12+$0x2C50] =	vst v0  }
0x44: {  	[tilespmem:s12+$0x2C60] =	vst v0  }
0x45: {  	[spmem:s9] =	stream.linear.scatter [tilespmem:s20], [sflag:$0x5], $0x2800, $0x38;
	[tilespmem:$0x1E400] =	vst v63  }
0x46: {  	_ =	swait.ge [sflag:s21], $0x2800  }
0x47: {  	[sflag:s21] =	ssyncset.done $0x0  }
0x48: {  	s14 =	rddreg [dreg:$0x9];
	[sflag:s21] =	ssyncadd.s32 $0xFFFFD800  }
0x49: {  	[spmem:s14] =	stream.linear.scatter [tilespmem:s22], [sflag:$0x5], $0x2800, $0x38;
	[tilespmem:$0x1E400] =	vst v63  }
0x4a: {  	_ =	swait.ge [sflag:s21], $0x2800  }
0x4b: {  	[sflag:s21] =	ssyncset.done $0x0  }
0x4c: {  	s19 =	rddreg [dreg:$0xa];
	[sflag:s21] =	ssyncadd.s32 $0xFFFFD800  }
0x4d: {  	[spmem:s19] =	stream.linear.scatter [tilespmem:s20], [sflag:$0x5], $0x2800, $0x38;
	[tilespmem:$0x1E400] =	vst v63  }
0x4e: {  	_ =	swait.ge [sflag:s21], $0x2800  }
0x4f: {  	[sflag:s21] =	ssyncset.done $0x0  }
0x50: {  	s14 =	rddreg [dreg:$0xb];
	[sflag:s21] =	ssyncadd.s32 $0xFFFFD800  }
0x51: {  	[spmem:s14] =	stream.linear.scatter [tilespmem:s22], [sflag:$0x5], $0x2800, $0x38;
	[tilespmem:$0x1E400] =	vst v63  }
0x52: {  	_ =	swait.ge [sflag:s21], $0x2800  }
0x53: {  	[sflag:s21] =	ssyncset.done $0x0  }
0x54: {  	[sflag:s21] =	ssyncadd.s32 $0xFFFFD800  }
0x55: {  	[spmem:s15] =	stream.linear.scatter [tilespmem:s20], [sflag:$0x5], $0x2800, $0x38;
	[tilespmem:$0x1E400] =	vst v63  }
0x56: {  	_ =	swait.ge [sflag:s21], $0x2800  }
0x57: {  	[sflag:s21] =	ssyncset.done $0x0  }
0x58: {  	[sflag:s21] =	ssyncadd.s32 $0xFFFFD800  }
0x59: {  	[spmem:s16] =	stream.linear.scatter [tilespmem:s22], [sflag:$0x5], $0x2800, $0x38;
	[tilespmem:$0x1E400] =	vst v63  }
0x5a: {  	_ =	swait.ge [sflag:s21], $0x2800  }
0x5b: {  	[sflag:s21] =	ssyncset.done $0x0  }
0x5c: {  	[sflag:s21] =	ssyncadd.s32 $0xFFFFD800  }
0x5d: {  	[spmem:s17] =	stream.linear.scatter [tilespmem:s20], [sflag:$0x5], $0x2800, $0x38;
	[tilespmem:$0x1E400] =	vst v63  }
0x5e: {  	_ =	swait.ge [sflag:s21], $0x2800  }
0x5f: {  	[sflag:s21] =	ssyncset.done $0x0  }
0x60: {  	[sflag:s21] =	ssyncadd.s32 $0xFFFFD800  }
0x61: {  	[spmem:s18] =	stream.linear.scatter [tilespmem:s22], [sflag:$0x5], $0x2800, $0x38;
	[tilespmem:$0x1E400] =	vst v63  }
0x62: {  	_ =	swait.ge [sflag:s21], $0x2800  }
0x63: {  	[sflag:s21] =	ssyncset.done $0x0  }
0x64: {  	[sflag:s21] =	ssyncadd.s32 $0xFFFFD800  }
0x65: {  	s12 =	simm.s32 $0x0;
	[bflag:$0x0] =	sbarrier.arrive $0xFFFF  }
0x66: {  	[tilespmem:s12], [sflag:$0x5] =	stream.linear.gather [hbm4b:s5+s12], $0x100, $0x38;
	[tilespmem:$0x1E400] =	vst v63  }
0x67: {  	_ =	swait.ge [sflag:s21], $0x100  }
0x68: {  	[sflag:s21] =	ssyncset.done $0x0  }
0x69: {  	s14 =	rddreg [dreg:$0x4];
	[sflag:s21] =	ssyncadd.s32 $0xFFFFFF00  }
0x6a: {  	[tilespmem:s23], [sflag:$0x5] =	stream.linear.gather [hbm4b:s14+s12], $0x100, $0x38;
	[tilespmem:$0x1E400] =	vst v63  }
0x6b: {  	_ =	swait.ge [sflag:s21], $0x100  }
0x6c: {  	[sflag:s21] =	ssyncset.done $0x0  }
0x6d: {  	s19 =	rddreg [dreg:$0x5];
	[sflag:s21] =	ssyncadd.s32 $0xFFFFFF00  }
0x6e: {  	[tilespmem:s24], [sflag:$0x5] =	stream.linear.gather [hbm4b:s19+s12], $0x100, $0x38;
	[tilespmem:$0x1E400] =	vst v63  }
0x6f: {  	_ =	swait.ge [sflag:s21], $0x100  }
0x70: {  	[sflag:s21] =	ssyncset.done $0x0  }
0x71: {  	s19 =	rddreg [dreg:$0x6];
	[sflag:s21] =	ssyncadd.s32 $0xFFFFFF00  }
0x72: {  	[tilespmem:s25], [sflag:$0x5] =	stream.linear.gather [hbm4b:s19+s12], $0x100, $0x38;
	[tilespmem:$0x1E400] =	vst v63  }
0x73: {  	_ =	swait.ge [sflag:s21], $0x100  }
0x74: {  	[sflag:s21] =	ssyncset.done $0x0  }
0x75: {  	[sflag:s21] =	ssyncadd.s32 $0xFFFFFF00  }
0x76: {  	[tilespmem:s20], [sflag:$0x1] =	stream.indirect.gather [hbm4b:s1+s26], $0x80, s12, s26, $0xb8;
	[tilespmem:$0x1E400] =	vst v63  }
.Ltmp4:
0x77: {  	_ = 	snop;
	(pc) =	sbr.rel .LBB2_6-.Ltmp4, $4  }
0x78: {  	_ = 	snop  }
0x79: {  	[tilespmem:s22], [sflag:$0x2] =	stream.indirect.gather [hbm4b:s1+s26], $0x80, s23, s26, $0xb8;
	[tilespmem:$0x1E400] =	vst v63  }
0x7a: {  	s19 =	smov.u32 s13  }
0x7b: {  	[tilespmem:s28], [sflag:$0x3] =	stream.indirect.gather [hbm4b:s1+s26], $0x80, s24, s26, $0xb8;
	[tilespmem:$0x1E400] =	vst v63  }
.LBB2_9:
0x7c: {  	[tilespmem:s4], [sflag:$0x5] =	stream.linear.gather [hbm4b:s19+s4], $0x100, $0x38;
	[tilespmem:$0x1E400] =	vst v63  }
0x7d: {  	_ =	swait.ge [sflag:s21], $0x100  }
0x7e: {  	[sflag:s21] =	ssyncset.done $0x0  }
0x7f: {  	[sflag:s21] =	ssyncadd.s32 $0xFFFFFF00  }
0x80: {  	[tilespmem:s31], [sflag:$0x4] =	stream.indirect.gather [hbm4b:s1+s26], $0x80, s25, s26, $0xb8;
	[tilespmem:$0x1E400] =	vst v63  }
.LBB2_25:
0x81: {  	s12 =	sadd.s32 $0x1, s12  }
0x82: {  	p0 =	sne.s32 s12, $0x80  }
.Ltmp5:
0x83: {  	_ = 	snop;
	(pc) =	sbr.rel @!p0 .LBB2_26-.Ltmp5, $2  }
0x84: {  	_ =	sdelay $0x2  }
0x85: {  	s19 =	sadd.s32 $0x20, s19  }
.LBB2_6:
0x86: {  	s14 =	sand.u32 $0x3, s12  }
0x87: {  	p0 =	sgt.s32 s14, $0x1  }
.Ltmp6:
0x88: {  	_ = 	snop;
	(pc) =	sbr.rel @p0 .LBB2_20-.Ltmp6, $1  }
0x89: {  	_ =	sdelay $0x3  }
0x8a: {  	p0 =	seq.s32 s14, $0x0  }
.Ltmp7:
0x8b: {  	_ = 	snop;
	(pc) =	sbr.rel @!p0 .LBB2_12-.Ltmp7, $1  }
0x8c: {  	_ =	sdelay $0x3  }
0x8d: {  	_ =	swait.ge [sflag:s29], $0x2800  }
0x8e: {  	p0 =	sgt.u32 s12, $0x7B;
	[sflag:s29] =	ssyncset.done $0x0  }
.Ltmp8:
0x8f: {  	[sflag:s29] =	ssyncadd.s32 $0xFFFFD800;
	(pc) =	sbr.rel @!p0 .LBB2_9-.Ltmp8, $4  }
0x90: {  	[spmem:s2] =	stream.indirect.scatter.add.f32 [tilespmem:s20], [sflag:$0x5], $0x80, s30, s26, $0xb8;
	[tilespmem:$0x1E400] =	vst v63  }
0x91: {  	_ =	swait.ge [sflag:s21], $0x2800  }
0x92: {  	[sflag:s21] =	ssyncset.done $0x0  }
0x93: {  	[sflag:s21] =	ssyncadd.s32 $0xFFFFD800  }
0x94: {  	p0 =	sne.s32 s12, $0x7C  }
.Ltmp9:
0x95: {  	_ = 	snop;
	(pc) =	sbr.rel @p0 .LBB2_25-.Ltmp9, $1  }
0x96: {  	_ =	sdelay $0x3  }
.Ltmp10:
0x97: {  	(pc) =	sbr.rel .LBB2_25-.Ltmp10, $2  }
0x98: {  	_ =	sdelay $0x2  }
0x99: {  	[tilespmem:s31], [sflag:$0x4] =	stream.indirect.gather [hbm4b:s1+s26], $0x80, s25, s26, $0xb8;
	[tilespmem:$0x1E400] =	vst v63  }
.LBB2_20:
0x9a: {  	p1 =	seq.s32 s14, $0x2  }
.Ltmp11:
0x9b: {  	_ = 	snop;
	(pc) =	sbr.rel @!p1 .LBB2_21-.Ltmp11, $2  }
0x9c: {  	_ =	sdelay $0x2  }
0x9d: {  	p0 =	sgt.u32 s12, $0x7B  }
0x9e: {  	_ =	swait.ge [sflag:s6], $0x2800  }
0x9f: {  	[sflag:s6] =	ssyncset.done $0x0  }
.Ltmp12:
0xa0: {  	[sflag:s6] =	ssyncadd.s32 $0xFFFFD800;
	(pc) =	sbr.rel @p0 .LBB2_18-.Ltmp12, $4  }
0xa1: {  	[spmem:s2] =	stream.indirect.scatter.add.f32 [tilespmem:s28], [sflag:$0x5], $0x80, s7, s26, $0xb8;
	[tilespmem:$0x1E400] =	vst v63  }
0xa2: {  	_ =	swait.ge [sflag:s21], $0x2800  }
0xa3: {  	[sflag:s21] =	ssyncset.done $0x0  }
0xa4: {  	[sflag:s21] =	ssyncadd.s32 $0xFFFFD800  }
0xa5: {  	[tilespmem:s24], [sflag:$0x5] =	stream.linear.gather [hbm4b:s19+s4], $0x100, $0x38;
	[tilespmem:$0x1E400] =	vst v63  }
.Ltmp13:
0xa6: {  	_ = 	snop;
	(pc) =	sbr.rel .LBB2_25-.Ltmp13, $4  }
0xa7: {  	_ =	swait.ge [sflag:s21], $0x100  }
0xa8: {  	[sflag:s21] =	ssyncset.done $0x0  }
0xa9: {  	[sflag:s21] =	ssyncadd.s32 $0xFFFFFF00  }
0xaa: {  	[tilespmem:s22], [sflag:$0x2] =	stream.indirect.gather [hbm4b:s1+s26], $0x80, s23, s26, $0xb8;
	[tilespmem:$0x1E400] =	vst v63  }
.LBB2_12:
0xab: {  	_ =	swait.ge [sflag:s0], $0x2800  }
0xac: {  	p0 =	sgt.u32 s12, $0x7B;
	[sflag:s0] =	ssyncset.done $0x0  }
.Ltmp14:
0xad: {  	[sflag:s0] =	ssyncadd.s32 $0xFFFFD800;
	(pc) =	sbr.rel @p0 .LBB2_14-.Ltmp14, $4  }
0xae: {  	[spmem:s2] =	stream.indirect.scatter.add.f32 [tilespmem:s22], [sflag:$0x5], $0x80, s3, s26, $0xb8;
	[tilespmem:$0x1E400] =	vst v63  }
0xaf: {  	_ =	swait.ge [sflag:s21], $0x2800  }
0xb0: {  	[sflag:s21] =	ssyncset.done $0x0  }
0xb1: {  	[sflag:s21] =	ssyncadd.s32 $0xFFFFD800  }
0xb2: {  	[tilespmem:s23], [sflag:$0x5] =	stream.linear.gather [hbm4b:s19+s4], $0x100, $0x38;
	[tilespmem:$0x1E400] =	vst v63  }
.Ltmp15:
0xb3: {  	_ = 	snop;
	(pc) =	sbr.rel .LBB2_25-.Ltmp15, $4  }
0xb4: {  	_ =	swait.ge [sflag:s21], $0x100  }
0xb5: {  	[sflag:s21] =	ssyncset.done $0x0  }
0xb6: {  	[sflag:s21] =	ssyncadd.s32 $0xFFFFFF00  }
0xb7: {  	[tilespmem:s20], [sflag:$0x1] =	stream.indirect.gather [hbm4b:s1+s26], $0x80, s4, s26, $0xb8;
	[tilespmem:$0x1E400] =	vst v63  }
.LBB2_21:
0xb8: {  	_ =	swait.ge [sflag:s8], $0x2800  }
0xb9: {  	[sflag:s8] =	ssyncset.done $0x0  }
.Ltmp16:
0xba: {  	[sflag:s8] =	ssyncadd.s32 $0xFFFFD800;
	(pc) =	sbr.rel @p0 .LBB2_23-.Ltmp16, $4  }
0xbb: {  	[spmem:s2] =	stream.indirect.scatter.add.f32 [tilespmem:s31], [sflag:$0x5], $0x80, s10, s26, $0xb8;
	[tilespmem:$0x1E400] =	vst v63  }
0xbc: {  	_ =	swait.ge [sflag:s21], $0x2800  }
0xbd: {  	[sflag:s21] =	ssyncset.done $0x0  }
0xbe: {  	[sflag:s21] =	ssyncadd.s32 $0xFFFFD800  }
.Ltmp17:
0xbf: {  	(pc) =	sbr.rel .LBB2_24-.Ltmp17, $4  }
0xc0: {  	[tilespmem:s25], [sflag:$0x5] =	stream.linear.gather [hbm4b:s19+s4], $0x100, $0x38;
	[tilespmem:$0x1E400] =	vst v63  }
0xc1: {  	_ =	swait.ge [sflag:s21], $0x100  }
0xc2: {  	[sflag:s21] =	ssyncset.done $0x0  }
0xc3: {  	[sflag:s21] =	ssyncadd.s32 $0xFFFFFF00  }
.LBB2_18:
0xc4: {  	p0 =	sne.s32 s12, $0x7C  }
.Ltmp18:
0xc5: {  	_ = 	snop;
	(pc) =	sbr.rel @p0 .LBB2_25-.Ltmp18, $1  }
0xc6: {  	_ =	sdelay $0x3  }
.Ltmp19:
0xc7: {  	(pc) =	sbr.rel .LBB2_25-.Ltmp19, $2  }
0xc8: {  	_ =	sdelay $0x2  }
0xc9: {  	[tilespmem:s22], [sflag:$0x2] =	stream.indirect.gather [hbm4b:s1+s26], $0x80, s23, s26, $0xb8;
	[tilespmem:$0x1E400] =	vst v63  }
.LBB2_14:
0xca: {  	p0 =	sne.s32 s12, $0x7C  }
.Ltmp20:
0xcb: {  	_ = 	snop;
	(pc) =	sbr.rel @p0 .LBB2_25-.Ltmp20, $1  }
0xcc: {  	_ =	sdelay $0x3  }
.Ltmp21:
0xcd: {  	(pc) =	sbr.rel .LBB2_25-.Ltmp21, $2  }
0xce: {  	_ =	sdelay $0x2  }
0xcf: {  	[tilespmem:s20], [sflag:$0x1] =	stream.indirect.gather [hbm4b:s1+s26], $0x80, s4, s26, $0xb8;
	[tilespmem:$0x1E400] =	vst v63  }
.LBB2_23:
0xd0: {  	p0 =	sne.s32 s12, $0x7C  }
.Ltmp22:
0xd1: {  	_ = 	snop;
	(pc) =	sbr.rel @p0 .LBB2_25-.Ltmp22, $1  }
0xd2: {  	_ =	sdelay $0x3  }
.LBB2_24:
.Ltmp23:
0xd3: {  	(pc) =	sbr.rel .LBB2_25-.Ltmp23, $2  }
0xd4: {  	_ =	sdelay $0x2  }
0xd5: {  	[tilespmem:s28], [sflag:$0x3] =	stream.indirect.gather [hbm4b:s1+s26], $0x80, s24, s26, $0xb8;
	[tilespmem:$0x1E400] =	vst v63  }
.LBB2_27:
0xd6: {  	_ =	sfence.sel $0x180000  }
0xd7: {  	[bflag:$0x0] =	sbarrier.arrive $0xFFFF  }
0xd8: {  	_ =	strace $0x9000004A  }
0xd9: {  	s0 =	stileid.u32;
	[bflag:$0x2] =	sbarrier.arrive $0xFFFF  }
0xda: {  	p0 =	sne.s32 s0, $0x0;
	s0 =	rddreg [dreg:$0x3]  }
0xdb: {  	s0 =	sadd.s32 @!p0 $0x100000, s0  }
0xdc: {  	[sflag:s0] =	ssyncadd.tile.s32 @!p0 $0x1;
	_ =	shalt  }
.Lfunc_end2:
_tile_overlayer_lowered:
.L_overlay_start_2:
0xdd: {  	(tag) =	ssettag $0x2  }
0xde: {  	s0 =	rddreg [dreg:$0x0];
	s2 =	stileid.u32  }
0xdf: {  	s1 =	rddreg [dreg:$0x1];
	p0 =	sne.s32 s2, $0x0  }
0xe0: {  	s3 =	rddreg [dreg:$0x2];
	[bflag:$0x3] =	sbarrier.arrive $0xFFFF;
	s2 =	simm.s32 @!p0 $0x1C05  }
0xe1: {  	[timem:s3], [sflag:s2] =	dma.local @!p0 [hbm:s0], s1  }
0xe2: {  	s0 =	simm.s32 @!p0 $0x5  }
0xe3: {  	_ =	swait.ge @!p0 [sflag:s0], s1  }
0xe4: {  	s1 =	ssub.s32 @!p0 $0x0, s1;
	[sflag:s0] =	ssyncset.done @!p0 $0x0  }
0xe5: {  	[sflag:s0] =	ssyncadd.s32 @!p0 s1  }
0xe6: {  	[bflag:$0x3] =	sbarrier.arrive $0xFFFF  }
0xe7: {  	_ =	shalt  }

// kernel: kernel.14.cloned.1.call-start
scs
__scs_entry_jumppad:
0x0: {  	(pc) =	sbr.rel $0x88, $3  }
0x1: {  	(tag) =	ssettag $0x0;
	lr =	simm.s32 $0x1  }
0x2: {  	[smem:$0x3F8A] =	sst lr;
	_ =	strace $0xD0000000  }
0x3: {  	_ = 	snop  }
0x4: {  	_ = 	snop  }
0x5: {  	_ = 	snop  }
0x6: {  	_ = 	snop  }
0x7: {  	_ = 	snop  }
__scs_overlays_trampoline_lowered:
0x8: {  	[smem:$0x3F99] =	sst s0  }
0x9: {  	[smem:$0x3F9A] =	sst s1  }
0xa: {  	[smem:$0x3F9B] =	sst s2  }
0xb: {  	[smem:$0x3F9C] =	sst s3  }
0xc: {  	[smem:$0x3F9D] =	sst s4  }
0xd: {  	[smem:$0x3F9E] =	sst s5  }
0xe: {  	[smem:$0x3F9F] =	sst s6  }
0xf: {  	[smem:$0x3FA0] =	sst s7  }
0x10: {  	[smem:$0x3FA1] =	sst s8  }
0x11: {  	[smem:$0x3FA2] =	sst s9;
	s0 =	simm.s32 @!p0 $0x0  }
0x12: {  	s1 =	sld [smem:$0x3F88];
	s0 =	simm.s32 @p0 $0x1  }
0x13: {  	[smem:$0x3FA3] =	sst s0;
	s0 =	simm.s32 @!p1 $0x0  }
0x14: {  	s2 =	sld [smem:$0x3F87];
	s0 =	simm.s32 @p1 $0x1  }
0x15: {  	[smem:$0x3FA4] =	sst s0;
	s0 =	simm.s32 @!p2 $0x0  }
0x16: {  	s3 =	sld [smem:$0x3FDB];
	s0 =	simm.s32 @p2 $0x1  }
0x17: {  	s4 =	simm.s32 $0x1BF5;
	[smem:$0x3FA6] =	sst s0  }
0x18: {  	s0 =	sld [smem:$0x3F89];
	_ =	swait.ge [sflag:s4], $0x0  }
0x19: {  	s7 =	sld [smem:$0x3F8A]  }
0x1a: {  	s8 =	sadd.s32 $0xFFFFE003, lr  }
0x1b: {  	s9 =	sadd.s32 $0xFFFFFEF7, lr;
	s5 =	simm.s32 $0xFFFFFFFF;
	p2 =	slt.u32 s8, $0xFFFFF086  }
0x1c: {  	p1 =	slt.u32 s9, $0xF7A;
	s5 =	simm.s32 @!p2 $0x0  }
0x1d: {  	s5 =	simm.s32 @p1 $0x1;
	p0 =	seq.s32 s7, s2  }
0x1e: {  	s7 =	smul.u32 @!p0 $0xF7A, s2;
	p2 =	seq.s32 @!p0 s5, $0x0  }
0x1f: {  	s9 =	smul.u32 $0xF7A, s1;
	s8 =	simm.s32 @!p0 $0x1BF5;
	p2 =	por !p2, p0  }
0x20: {  	[sflag:s8] =	ssyncset.s32 @!p0 $0xFFFFF086;
	s6 =	sadd.s32 @!p0 s3, s7;
	s7 =	simm.s32 @!p0 $0x108  }
0x21: {  	s3 =	sadd.s32 s3, s9;
	s6 =	sadd.s32 @!p0 $0x88, s6;
	s7 =	simm.s32 @p2 $0x1082  }
0x22: {  	[simem:s7], [sflag:s8] =	dma.local @!p0 [hbm:s6], $0xF7A  }
0x23: {  	s9 =	sor.u32 $0xD0000000, s2;
	s6 =	simm.s32 $0x108;
	_ =	swait.ge @!p0 [sflag:s8], $0x0  }
0x24: {  	s3 =	sadd.s32 $0x88, s3;
	s6 =	simm.s32 @!p1 $0x1082;
	[sflag:s4] =	ssyncset.s32 $0xFFFFF086  }
0x25: {  	[simem:s6], [sflag:s4] =	dma.local [hbm:s3], $0xF7A  }
0x26: {  	[smem:$0x3F8A] =	sst s1;
	(tag) =	ssettag s2;
	_ =	strace s9  }
0x27: {  	s1 =	sld [smem:$0x3F9A]  }
0x28: {  	s2 =	sld [smem:$0x3F9B]  }
0x29: {  	s4 =	sld [smem:$0x3F9D]  }
0x2a: {  	p0 =	seq.s32 s5, $0x0;
	s5 =	sld [smem:$0x3F9E]  }
0x2b: {  	s6 =	sld [smem:$0x3F9F]  }
0x2c: {  	s7 =	sld [smem:$0x3FA0]  }
0x2d: {  	s3 =	simm.s32 $0x108;
	s8 =	sld [smem:$0x3FA1]  }
0x2e: {  	s3 =	simm.s32 @!p0 $0x1082;
	s9 =	sld [smem:$0x3FA2]  }
0x2f: {  	lr =	sadd.s32 s0, s3;
	s0 =	sld [smem:$0x3F99]  }
0x30: {  	s3 =	sld [smem:$0x3F9C]  }
0x31: {  	[smem:$0x3FA5] =	sst s10  }
0x32: {  	s10 =	sld [smem:$0x3FA3];
	_ =	sdelay $0x3  }
0x33: {  	p0 =	seq.s32 s10, $0x1;
	s10 =	sld [smem:$0x3FA5];
	_ =	sdelay $0x3  }
0x34: {  	[smem:$0x3FA5] =	sst s10  }
0x35: {  	s10 =	sld [smem:$0x3FA4];
	_ =	sdelay $0x3  }
0x36: {  	p1 =	seq.s32 s10, $0x1;
	s10 =	sld [smem:$0x3FA5];
	_ =	sdelay $0x3  }
0x37: {  	[smem:$0x3FA5] =	sst s10  }
0x38: {  	s10 =	sld [smem:$0x3FA6]  }
0x39: {  	_ = 	snop;
	(pc) =	sbr.ind lr, $3  }
0x3a: {  	_ = 	snop  }
0x3b: {  	_ = 	snop  }
0x3c: {  	p2 =	seq.s32 s10, $0x1;
	s10 =	sld [smem:$0x3FA5]  }
0x3d: {  	_ =	shalt  }
0x3e: {  	_ =	shalt  }
0x3f: {  	_ =	shalt  }
0x40: {  	_ =	shalt  }
0x41: {  	_ =	shalt  }
0x42: {  	_ =	shalt  }
0x43: {  	_ =	shalt  }
0x44: {  	_ =	shalt  }
0x45: {  	_ =	shalt  }
0x46: {  	_ =	shalt  }
0x47: {  	_ =	shalt  }
0x48: {  	_ =	shalt  }
0x49: {  	_ =	shalt  }
0x4a: {  	_ =	shalt  }
0x4b: {  	_ =	shalt  }
0x4c: {  	_ =	shalt  }
0x4d: {  	_ =	shalt  }
0x4e: {  	_ =	shalt  }
0x4f: {  	_ =	shalt  }
0x50: {  	_ =	shalt  }
0x51: {  	_ =	shalt  }
0x52: {  	_ =	shalt  }
0x53: {  	_ =	shalt  }
0x54: {  	_ =	shalt  }
0x55: {  	_ =	shalt  }
0x56: {  	_ =	shalt  }
0x57: {  	_ =	shalt  }
0x58: {  	_ =	shalt  }
0x59: {  	_ =	shalt  }
0x5a: {  	_ =	shalt  }
0x5b: {  	_ =	shalt  }
0x5c: {  	_ =	shalt  }
0x5d: {  	_ =	shalt  }
0x5e: {  	_ =	shalt  }
0x5f: {  	_ =	shalt  }
0x60: {  	_ =	shalt  }
0x61: {  	_ =	shalt  }
0x62: {  	_ =	shalt  }
0x63: {  	_ =	shalt  }
0x64: {  	_ =	shalt  }
0x65: {  	_ =	shalt  }
0x66: {  	_ =	shalt  }
0x67: {  	_ =	shalt  }
0x68: {  	_ =	shalt  }
0x69: {  	_ =	shalt  }
0x6a: {  	_ =	shalt  }
0x6b: {  	_ =	shalt  }
0x6c: {  	_ =	shalt  }
0x6d: {  	_ =	shalt  }
0x6e: {  	_ =	shalt  }
0x6f: {  	_ =	shalt  }
0x70: {  	_ =	shalt  }
0x71: {  	_ =	shalt  }
0x72: {  	_ =	shalt  }
0x73: {  	_ =	shalt  }
0x74: {  	_ =	shalt  }
0x75: {  	_ =	shalt  }
0x76: {  	_ =	shalt  }
0x77: {  	_ =	shalt  }
0x78: {  	_ =	shalt  }
0x79: {  	_ =	shalt  }
0x7a: {  	_ =	shalt  }
0x7b: {  	_ =	shalt  }
0x7c: {  	_ =	shalt  }
0x7d: {  	_ =	shalt  }
0x7e: {  	_ =	shalt  }
0x7f: {  	_ =	shalt  }
0x80: {  	_ =	shalt  }
0x81: {  	_ =	shalt  }
0x82: {  	_ =	shalt  }
0x83: {  	_ =	shalt  }
0x84: {  	_ =	shalt  }
0x85: {  	_ =	shalt  }
0x86: {  	_ =	shalt  }
0x87: {  	_ =	shalt  }
.Lfunc_end0:
.L_simem_size_0:
called_computation.2_lowered:
.L_overlay_start_0:
0x88: {  	s2 =	sld [smem:$0x3FD9]  }
0x89: {  	s3 =	sld [smem:$0x3FFE];
	_ =	sdelay $0x1  }
0x8a: {  	s1 =	srdreg.scid  }
0x8b: {  	s0 =	sand.u32 $0x1, s1  }
0x8c: {  	s14 =	sshll.u32 s0, $0xA;
	s2 =	sadd.s32 s3, s2  }
0x8d: {  	s2 =	sadd.s32 s2, s14  }
0x8e: {  	[smem:$0x3FB1] =	sst s2  }
0x8f: {  	_ = 	snop  }
0x90: {  	s2 =	sld [smem:$0x3FD0];
	_ =	sdelay $0x2  }
0x91: {  	s15 =	simm.s32 $0xA;
	s4 =	simm.s32 $0x10  }
0x92: {  	[smem:s4], [sflag:s15] =	dma.local [hbm:s2], $0x1  }
0x93: {  	_ =	swait.eq [sflag:s15], $0x1  }
0x94: {  	[sflag:s15] =	ssyncset.done $0x0  }
0x95: {  	[sflag:s15] =	ssyncadd.s32 $0xFFFFFFFF  }
0x96: {  	s16 =	sld [smem:$0x10];
	(tm) =	ssettm $0x1  }
0x97: {  	s17 =	sld [smem:$0x3FFB];
	_ =	sdelay $0x3  }
0x98: {  	_ =	strace s17  }
0x99: {  	s3 =	sld [smem:$0x3FFC];
	_ =	sdelay $0x3  }
0x9a: {  	_ =	strace s3  }
0x9b: {  	s3 =	sld [smem:$0x3FFD];
	_ =	sdelay $0x3  }
0x9c: {  	_ =	strace s3  }
0x9d: {  	_ =	strace $0x8FFFFFFF  }
0x9e: {  	s18 =	sld [smem:$0x3FDB];
	_ =	sdelay $0x1  }
0x9f: {  	s19 =	simm.s32 $_scs_section_size  }
0xa0: {  	s5 =	simm.s32 $_size__tile_overlayer_lowered;
	s6 =	simm.s32 $_tile_overlayer_lowered  }
0xa1: {  	s22 =	simm.s32 $0x1BFF;
	s21 =	sshll.u32 s6, $0x1;
	s3 =	sadd.s32 s19, s18  }
0xa2: {  	s7 =	simm.s32 $0x0;
	s20 =	sshll.u32 s5, $0x1;
	s5 =	sadd.s32 s21, s3  }
0xa3: {  	[timem:s7], [sflag:s22] =	dma.local [hbm:s5], s20  }
0xa4: {  	_ =	swait.ge [sflag:s22], s20  }
0xa5: {  	s4 =	ssub.s32 $0x0, s20;
	[sflag:s22] =	ssyncset.done $0x0  }
0xa6: {  	[sflag:s22] =	ssyncadd.s32 s4;
	_ =	sdelay $0x1  }
0xa7: {  	s23 =	simm.s32 $0x1B8B  }
0xa8: {  	_ =	swait.ge [sflag:s23], $0x1  }
0xa9: {  	[sflag:s23] =	ssyncset.done $0x0  }
0xaa: {  	s25 =	simm.s32 $0x1B8E;
	s24 =	sld [smem:$0x3FFE];
	[sflag:s23] =	ssyncadd.s32 $0xFFFFFFFF  }
0xab: {  	s26 =	simm.s32 $execute0_lowered;
	[smem:$0x3FD2] =	sst s25  }
0xac: {  	s5 =	sshll.u32 s26, $0x1;
	_ =	strace $0x8000004C;
	[dreg:$0x1] =	wrdreg $0xFFFFFFFF  }
0xad: {  	s28 =	simm.s32 $_size_execute0_lowered;
	s3 =	sadd.s32 s3, s5;
	[dreg:$0x0] =	wrdreg $0x0  }
0xae: {  	s5 =	sshll.u32 s28, $0x1;
	[dreg:$0x2] =	wrdreg s3  }
0xaf: {  	[dreg:$0x3] =	wrdreg s5  }
0xb0: {  	[dreg:$0x4] =	wrdreg $0xC0  }
0xb1: {  	_ =	task [dreg:s7], $0x5FFFF  }
0xb2: {  	[dreg:$0x1] =	wrdreg $0xFFFFFFFF  }
0xb3: {  	[dreg:$0x0] =	wrdreg $0x60  }
0xb4: {  	[dreg:$0x2] =	wrdreg s16  }
0xb5: {  	[dreg:$0x3] =	wrdreg s24  }
0xb6: {  	[dreg:$0x4] =	wrdreg $0xA4000  }
0xb7: {  	[dreg:$0x5] =	wrdreg $0x9  }
0xb8: {  	_ =	task.clear_ibuf [dreg:s7], $0x6FFFF;
	_ =	strace $0x9000004C  }
0xb9: {  	s29 =	simm.s32 $0x9;
	_ =	strace $0x8000004E  }
0xba: {  	_ =	swait.ge [sflag:s29], $0x1  }
0xbb: {  	[sflag:s29] =	ssyncadd.s32 $0xFFFFFFFF  }
0xbc: {  	_ =	strace $0x9000004E  }
0xbd: {  	_ =	sfence  }
0xbe: {  	s30 =	sld [smem:$0x0];
	_ =	sdelay $0x2  }
0xbf: {  	s31 =	sshll.u32 s1, $0xD;
	s1 =	sshrl.u32 s1, $0x2  }
0xc0: {  	s3 =	sand.u32 $0x4000, s31;
	s1 =	sadd.s32 s1, s30  }
0xc1: {  	s0 =	sor.u32 s3, s0;
	s1 =	sshll.u32 s1, $0x11  }
0xc2: {  	s0 =	sor.u32 s1, s0  }
0xc3: {  	s0 =	sadd.s32 $0x8F2B, s0  }
0xc4: {  	[sflag:s0] =	ssyncadd.remote.s32 $0x1  }
0xc5: {  	_ =	sfence.sel $0xFFFF  }
0xc6: {  	[dreg:$0x0] =	wrdreg $0xFFFFFFFF;
	(pc) =	sbr.abs _section_cstart, $3  }
0xc7: {  	[dreg:$0x1] =	wrdreg $0xFFFFFFFF  }
0xc8: {  	_ =	task.clear_ibuf [dreg:s7], $0x2FFFF;
	_ =	strace $0x9FFFFFFF  }
0xc9: {  	(tm) =	ssettm $0x7FFFFFFF  }
tec
execute0_lowered:
.L_overlay_start_1:
0x0: {  	(tag) =	ssettag $0x1  }
0x1: {  	s1 =	rddreg [dreg:$0x0]  }
0x2: {  	s0 =	rddreg [dreg:$0x1]  }
0x3: {  	s2 =	rddreg [dreg:$0x2];
	s3 =	srdreg.scid;
	s4 =	simm.s32 $0x0  }
0x4: {  	s9 =	stileid.u32;
	s28 =	simm.s32 $0x5400;
	s29 =	simm.s32 $0x1  }
0x5: {  	s30 =	simm.s32 $0x80;
	s31 =	simm.s32 $0x7C00;
	s11 =	simm.s32 $0x0  }
0x6: {  	s3 =	sand.u32 $0x1, s3;
	[smem:$0x7FF] =	sst s4;
	s6 =	smul.u32 $0x14000, s9  }
0x7: {  	s7 =	sshll.u32 s9, $0xF;
	s8 =	sadd.s32 $0x4600, s0;
	s9 =	smul.u32 $0x50000, s9  }
0x8: {  	s5 =	smul.u32 $0x140000, s3;
	s18 =	sshll.u32 s3, $0x13;
	s3 =	ssub.s32 $0x2, s3  }
0x9: {  	_ =	strace $0x8000004D;
	s10 =	sshrl.u32 s3, $0x1;
	s19 =	sshrl.u32 s9, $0x2  }
0xa: {  	s5 =	sadd.s32 s6, s5;
	s6 =	sor.u32 s7, s18;
	s3 =	ssub.s32 s3, s10  }
0xb: {  	s9 =	sadd.s32 s19, s2;
	s10 =	simm.s32 $0x380;
	s5 =	sshrl.u32 s5, $0x3  }
0xc: {  	s7 =	sshrl.u32 s6, $0x3;
	s22 =	smax.u32 s3, $0x1;
	s23 =	sadd.s32 $0x2800, s9  }
0xd: {  	s24 =	sadd.s32 $0x5000, s9;
	s25 =	sadd.s32 $0x7800, s9;
	s26 =	sor.u32 $0x400, s6  }
0xe: {  	s15 =	sadd.s32 $0xA000, s9;
	s16 =	sadd.s32 $0xC800, s9;
	[dreg:$0x8] =	wrdreg s22  }
0xf: {  	s17 =	sadd.s32 $0xF000, s9;
	s18 =	sadd.s32 $0x11800, s9;
	[dreg:$0x9] =	wrdreg s23  }
0x10: {  	s3 =	simm.s32 $0x180;
	s6 =	simm.s32 $0x3;
	[dreg:$0xa] =	wrdreg s24  }
0x11: {  	s0 =	sadd.s32 s5, s0;
	s5 =	sadd.s32 s8, s7;
	[dreg:$0xb] =	wrdreg s25  }
0x12: {  	s22 =	simm.s32 $0x2C00;
	s23 =	simm.s32 $0x100;
	s7 =	sadd.s32 $0x20, s5  }
0x13: {  	s24 =	simm.s32 $0x200;
	s20 =	sadd.s32 $0x40, s5;
	[dreg:$0x4] =	wrdreg s7  }
.Ltmp0:
0x14: {  	s21 =	sadd.s32 $0x60, s5;
	[dreg:$0x5] =	wrdreg s20;
	(pc) =	sbr.rel .LBB2_1-.Ltmp0, $4  }
0x15: {  	s25 =	simm.s32 $0x300;
	s0 =	sadd.s32 $0x24600, s0;
	[dreg:$0x6] =	wrdreg s21  }
0x16: {  	[dreg:$0x7] =	wrdreg s0;
	s0 =	sshrl.u32 s26, $0x3;
	s20 =	simm.s32 $0x400  }
0x17: {  	s21 =	simm.s32 $0x5;
	s26 =	simm.s32 $0x50;
	s7 =	simm.s32 $0x280  }
0x18: {  	v0 =	vimm.f32 $0.0e+00;
	s13 =	sadd.s32 s0, s8;
	s0 =	simm.s32 $0x2;
	s8 =	simm.s32 $0x4  }
.LBB2_26:
0x19: {  	s12 =	stileid.u32  }
0x1a: {  	[bflag:$0x0] =	sbarrier.arrive $0xFFFF;
	s12 =	sshll.u32 s12, $0x6  }
0x1b: {  	s14 =	sshrl.u32 s9, $0x3;
	s19 =	rddreg [dreg:$0x7];
	s12 =	sor.u32 $0x1C05, s12  }
0x1c: {  	[hbm:s19], [sflag:s12] =	dma.local [spmem:s14], $0x2800  }
0x1d: {  	_ =	swait.ge [sflag:s21], $0x2800  }
0x1e: {  	s11 =	sadd.s32 $0x1, s11;
	s19 =	rddreg [dreg:$0x8]  }
0x1f: {  	p0 =	sne.s32 s11, s19  }
.Ltmp1:
0x20: {  	_ = 	snop;
	(pc) =	sbr.rel @!p0 .LBB2_27-.Ltmp1, $3  }
0x21: {  	_ =	sdelay $0x1  }
0x22: {  	[sflag:s21] =	ssyncset.done $0x0  }
0x23: {  	[sflag:s21] =	ssyncadd.s32 $0xFFFFD800  }
.LBB2_1:
0x24: {  	s12 =	simm.s32 $0x0;
	s19 =	simm.s32 $0x200  }
.LBB2_2:
0x25: {  	p0 =	sne.s32 s19, $0x9E00;
	[tilespmem:s12+$0x470] =	vst v0  }
0x26: {  	[tilespmem:s12+$0x400] =	vst v0  }
0x27: {  	[tilespmem:s12+$0x410] =	vst v0  }
.Ltmp2:
0x28: {  	[tilespmem:s12+$0x420] =	vst v0;
	(pc) =	sbr.rel @p0 .LBB2_2-.Ltmp2, $4  }
0x29: {  	[tilespmem:s12+$0x430] =	vst v0  }
0x2a: {  	[tilespmem:s12+$0x440] =	vst v0  }
0x2b: {  	[tilespmem:s12+$0x450] =	vst v0  }
0x2c: {  	[tilespmem:s12+$0x460] =	vst v0;
	s12 =	sshra.s32 s19, $0x2;
	s19 =	sadd.s32 $0x200, s19  }
0x2d: {  	[tilespmem:s12+$0x470] =	vst v0  }
0x2e: {  	[tilespmem:s12+$0x400] =	vst v0  }
0x2f: {  	[tilespmem:s12+$0x410] =	vst v0  }
0x30: {  	[tilespmem:s12+$0x420] =	vst v0  }
0x31: {  	[tilespmem:s12+$0x430] =	vst v0  }
0x32: {  	[tilespmem:s12+$0x440] =	vst v0  }
0x33: {  	[tilespmem:s12+$0x450] =	vst v0  }
0x34: {  	[tilespmem:s12+$0x460] =	vst v0;
	s12 =	simm.s32 $0x0;
	s19 =	simm.s32 $0x200  }
.LBB2_4:
0x35: {  	p0 =	sne.s32 s19, $0x9E00;
	[tilespmem:s12+$0x2C70] =	vst v0  }
0x36: {  	[tilespmem:s12+$0x2C00] =	vst v0  }
0x37: {  	[tilespmem:s12+$0x2C10] =	vst v0  }
.Ltmp3:
0x38: {  	[tilespmem:s12+$0x2C20] =	vst v0;
	(pc) =	sbr.rel @p0 .LBB2_4-.Ltmp3, $4  }
0x39: {  	[tilespmem:s12+$0x2C30] =	vst v0  }
0x3a: {  	[tilespmem:s12+$0x2C40] =	vst v0  }
0x3b: {  	[tilespmem:s12+$0x2C50] =	vst v0  }
0x3c: {  	[tilespmem:s12+$0x2C60] =	vst v0;
	s12 =	sshra.s32 s19, $0x2;
	s19 =	sadd.s32 $0x200, s19  }
0x3d: {  	[tilespmem:s12+$0x2C70] =	vst v0  }
0x3e: {  	[tilespmem:s12+$0x2C00] =	vst v0  }
0x3f: {  	[tilespmem:s12+$0x2C10] =	vst v0  }
0x40: {  	[tilespmem:s12+$0x2C20] =	vst v0  }
0x41: {  	[tilespmem:s12+$0x2C30] =	vst v0  }
0x42: {  	[tilespmem:s12+$0x2C40] =	vst v0  }
0x43: {  	[tilespmem:s12+$0x2C50] =	vst v0  }
0x44: {  	[tilespmem:s12+$0x2C60] =	vst v0  }
0x45: {  	[spmem:s9] =	stream.linear.scatter [tilespmem:s20], [sflag:$0x5], $0x2800, $0x38;
	[tilespmem:$0x1E400] =	vst v63  }
0x46: {  	_ =	swait.ge [sflag:s21], $0x2800  }
0x47: {  	[sflag:s21] =	ssyncset.done $0x0  }
0x48: {  	s14 =	rddreg [dreg:$0x9];
	[sflag:s21] =	ssyncadd.s32 $0xFFFFD800  }
0x49: {  	[spmem:s14] =	stream.linear.scatter [tilespmem:s22], [sflag:$0x5], $0x2800, $0x38;
	[tilespmem:$0x1E400] =	vst v63  }
0x4a: {  	_ =	swait.ge [sflag:s21], $0x2800  }
0x4b: {  	[sflag:s21] =	ssyncset.done $0x0  }
0x4c: {  	s19 =	rddreg [dreg:$0xa];
	[sflag:s21] =	ssyncadd.s32 $0xFFFFD800  }
0x4d: {  	[spmem:s19] =	stream.linear.scatter [tilespmem:s20], [sflag:$0x5], $0x2800, $0x38;
	[tilespmem:$0x1E400] =	vst v63  }
0x4e: {  	_ =	swait.ge [sflag:s21], $0x2800  }
0x4f: {  	[sflag:s21] =	ssyncset.done $0x0  }
0x50: {  	s14 =	rddreg [dreg:$0xb];
	[sflag:s21] =	ssyncadd.s32 $0xFFFFD800  }
0x51: {  	[spmem:s14] =	stream.linear.scatter [tilespmem:s22], [sflag:$0x5], $0x2800, $0x38;
	[tilespmem:$0x1E400] =	vst v63  }
0x52: {  	_ =	swait.ge [sflag:s21], $0x2800  }
0x53: {  	[sflag:s21] =	ssyncset.done $0x0  }
0x54: {  	[sflag:s21] =	ssyncadd.s32 $0xFFFFD800  }
0x55: {  	[spmem:s15] =	stream.linear.scatter [tilespmem:s20], [sflag:$0x5], $0x2800, $0x38;
	[tilespmem:$0x1E400] =	vst v63  }
0x56: {  	_ =	swait.ge [sflag:s21], $0x2800  }
0x57: {  	[sflag:s21] =	ssyncset.done $0x0  }
0x58: {  	[sflag:s21] =	ssyncadd.s32 $0xFFFFD800  }
0x59: {  	[spmem:s16] =	stream.linear.scatter [tilespmem:s22], [sflag:$0x5], $0x2800, $0x38;
	[tilespmem:$0x1E400] =	vst v63  }
0x5a: {  	_ =	swait.ge [sflag:s21], $0x2800  }
0x5b: {  	[sflag:s21] =	ssyncset.done $0x0  }
0x5c: {  	[sflag:s21] =	ssyncadd.s32 $0xFFFFD800  }
0x5d: {  	[spmem:s17] =	stream.linear.scatter [tilespmem:s20], [sflag:$0x5], $0x2800, $0x38;
	[tilespmem:$0x1E400] =	vst v63  }
0x5e: {  	_ =	swait.ge [sflag:s21], $0x2800  }
0x5f: {  	[sflag:s21] =	ssyncset.done $0x0  }
0x60: {  	[sflag:s21] =	ssyncadd.s32 $0xFFFFD800  }
0x61: {  	[spmem:s18] =	stream.linear.scatter [tilespmem:s22], [sflag:$0x5], $0x2800, $0x38;
	[tilespmem:$0x1E400] =	vst v63  }
0x62: {  	_ =	swait.ge [sflag:s21], $0x2800  }
0x63: {  	[sflag:s21] =	ssyncset.done $0x0  }
0x64: {  	[sflag:s21] =	ssyncadd.s32 $0xFFFFD800  }
0x65: {  	s12 =	simm.s32 $0x0;
	[bflag:$0x0] =	sbarrier.arrive $0xFFFF  }
0x66: {  	[tilespmem:s12], [sflag:$0x5] =	stream.linear.gather [hbm4b:s5+s12], $0x100, $0x38;
	[tilespmem:$0x1E400] =	vst v63  }
0x67: {  	_ =	swait.ge [sflag:s21], $0x100  }
0x68: {  	[sflag:s21] =	ssyncset.done $0x0  }
0x69: {  	s14 =	rddreg [dreg:$0x4];
	[sflag:s21] =	ssyncadd.s32 $0xFFFFFF00  }
0x6a: {  	[tilespmem:s23], [sflag:$0x5] =	stream.linear.gather [hbm4b:s14+s12], $0x100, $0x38;
	[tilespmem:$0x1E400] =	vst v63  }
0x6b: {  	_ =	swait.ge [sflag:s21], $0x100  }
0x6c: {  	[sflag:s21] =	ssyncset.done $0x0  }
0x6d: {  	s19 =	rddreg [dreg:$0x5];
	[sflag:s21] =	ssyncadd.s32 $0xFFFFFF00  }
0x6e: {  	[tilespmem:s24], [sflag:$0x5] =	stream.linear.gather [hbm4b:s19+s12], $0x100, $0x38;
	[tilespmem:$0x1E400] =	vst v63  }
0x6f: {  	_ =	swait.ge [sflag:s21], $0x100  }
0x70: {  	[sflag:s21] =	ssyncset.done $0x0  }
0x71: {  	s19 =	rddreg [dreg:$0x6];
	[sflag:s21] =	ssyncadd.s32 $0xFFFFFF00  }
0x72: {  	[tilespmem:s25], [sflag:$0x5] =	stream.linear.gather [hbm4b:s19+s12], $0x100, $0x38;
	[tilespmem:$0x1E400] =	vst v63  }
0x73: {  	_ =	swait.ge [sflag:s21], $0x100  }
0x74: {  	[sflag:s21] =	ssyncset.done $0x0  }
0x75: {  	[sflag:s21] =	ssyncadd.s32 $0xFFFFFF00  }
0x76: {  	[tilespmem:s20], [sflag:$0x1] =	stream.indirect.gather [hbm4b:s1+s26], $0x80, s12, s26, $0xb8;
	[tilespmem:$0x1E400] =	vst v63  }
.Ltmp4:
0x77: {  	_ = 	snop;
	(pc) =	sbr.rel .LBB2_6-.Ltmp4, $4  }
0x78: {  	_ = 	snop  }
0x79: {  	[tilespmem:s22], [sflag:$0x2] =	stream.indirect.gather [hbm4b:s1+s26], $0x80, s23, s26, $0xb8;
	[tilespmem:$0x1E400] =	vst v63  }
0x7a: {  	s19 =	smov.u32 s13  }
0x7b: {  	[tilespmem:s28], [sflag:$0x3] =	stream.indirect.gather [hbm4b:s1+s26], $0x80, s24, s26, $0xb8;
	[tilespmem:$0x1E400] =	vst v63  }
.LBB2_9:
0x7c: {  	[tilespmem:s4], [sflag:$0x5] =	stream.linear.gather [hbm4b:s19+s4], $0x100, $0x38;
	[tilespmem:$0x1E400] =	vst v63  }
0x7d: {  	_ =	swait.ge [sflag:s21], $0x100  }
0x7e: {  	[sflag:s21] =	ssyncset.done $0x0  }
0x7f: {  	[sflag:s21] =	ssyncadd.s32 $0xFFFFFF00  }
0x80: {  	[tilespmem:s31], [sflag:$0x4] =	stream.indirect.gather [hbm4b:s1+s26], $0x80, s25, s26, $0xb8;
	[tilespmem:$0x1E400] =	vst v63  }
.LBB2_25:
0x81: {  	s12 =	sadd.s32 $0x1, s12  }
0x82: {  	p0 =	sne.s32 s12, $0x80  }
.Ltmp5:
0x83: {  	_ = 	snop;
	(pc) =	sbr.rel @!p0 .LBB2_26-.Ltmp5, $2  }
0x84: {  	_ =	sdelay $0x2  }
0x85: {  	s19 =	sadd.s32 $0x20, s19  }
.LBB2_6:
0x86: {  	s14 =	sand.u32 $0x3, s12  }
0x87: {  	p0 =	sgt.s32 s14, $0x1  }
.Ltmp6:
0x88: {  	_ = 	snop;
	(pc) =	sbr.rel @p0 .LBB2_20-.Ltmp6, $1  }
0x89: {  	_ =	sdelay $0x3  }
0x8a: {  	p0 =	seq.s32 s14, $0x0  }
.Ltmp7:
0x8b: {  	_ = 	snop;
	(pc) =	sbr.rel @!p0 .LBB2_12-.Ltmp7, $1  }
0x8c: {  	_ =	sdelay $0x3  }
0x8d: {  	_ =	swait.ge [sflag:s29], $0x2800  }
0x8e: {  	p0 =	sgt.u32 s12, $0x7B;
	[sflag:s29] =	ssyncset.done $0x0  }
.Ltmp8:
0x8f: {  	[sflag:s29] =	ssyncadd.s32 $0xFFFFD800;
	(pc) =	sbr.rel @!p0 .LBB2_9-.Ltmp8, $4  }
0x90: {  	[spmem:s2] =	stream.indirect.scatter.add.f32 [tilespmem:s20], [sflag:$0x5], $0x80, s30, s26, $0xb8;
	[tilespmem:$0x1E400] =	vst v63  }
0x91: {  	_ =	swait.ge [sflag:s21], $0x2800  }
0x92: {  	[sflag:s21] =	ssyncset.done $0x0  }
0x93: {  	[sflag:s21] =	ssyncadd.s32 $0xFFFFD800  }
0x94: {  	p0 =	sne.s32 s12, $0x7C  }
.Ltmp9:
0x95: {  	_ = 	snop;
	(pc) =	sbr.rel @p0 .LBB2_25-.Ltmp9, $1  }
0x96: {  	_ =	sdelay $0x3  }
.Ltmp10:
0x97: {  	(pc) =	sbr.rel .LBB2_25-.Ltmp10, $2  }
0x98: {  	_ =	sdelay $0x2  }
0x99: {  	[tilespmem:s31], [sflag:$0x4] =	stream.indirect.gather [hbm4b:s1+s26], $0x80, s25, s26, $0xb8;
	[tilespmem:$0x1E400] =	vst v63  }
.LBB2_20:
0x9a: {  	p1 =	seq.s32 s14, $0x2  }
.Ltmp11:
0x9b: {  	_ = 	snop;
	(pc) =	sbr.rel @!p1 .LBB2_21-.Ltmp11, $2  }
0x9c: {  	_ =	sdelay $0x2  }
0x9d: {  	p0 =	sgt.u32 s12, $0x7B  }
0x9e: {  	_ =	swait.ge [sflag:s6], $0x2800  }
0x9f: {  	[sflag:s6] =	ssyncset.done $0x0  }
.Ltmp12:
0xa0: {  	[sflag:s6] =	ssyncadd.s32 $0xFFFFD800;
	(pc) =	sbr.rel @p0 .LBB2_18-.Ltmp12, $4  }
0xa1: {  	[spmem:s2] =	stream.indirect.scatter.add.f32 [tilespmem:s28], [sflag:$0x5], $0x80, s7, s26, $0xb8;
	[tilespmem:$0x1E400] =	vst v63  }
0xa2: {  	_ =	swait.ge [sflag:s21], $0x2800  }
0xa3: {  	[sflag:s21] =	ssyncset.done $0x0  }
0xa4: {  	[sflag:s21] =	ssyncadd.s32 $0xFFFFD800  }
0xa5: {  	[tilespmem:s24], [sflag:$0x5] =	stream.linear.gather [hbm4b:s19+s4], $0x100, $0x38;
	[tilespmem:$0x1E400] =	vst v63  }
.Ltmp13:
0xa6: {  	_ = 	snop;
	(pc) =	sbr.rel .LBB2_25-.Ltmp13, $4  }
0xa7: {  	_ =	swait.ge [sflag:s21], $0x100  }
0xa8: {  	[sflag:s21] =	ssyncset.done $0x0  }
0xa9: {  	[sflag:s21] =	ssyncadd.s32 $0xFFFFFF00  }
0xaa: {  	[tilespmem:s22], [sflag:$0x2] =	stream.indirect.gather [hbm4b:s1+s26], $0x80, s23, s26, $0xb8;
	[tilespmem:$0x1E400] =	vst v63  }
.LBB2_12:
0xab: {  	_ =	swait.ge [sflag:s0], $0x2800  }
0xac: {  	p0 =	sgt.u32 s12, $0x7B;
	[sflag:s0] =	ssyncset.done $0x0  }
.Ltmp14:
0xad: {  	[sflag:s0] =	ssyncadd.s32 $0xFFFFD800;
	(pc) =	sbr.rel @p0 .LBB2_14-.Ltmp14, $4  }
0xae: {  	[spmem:s2] =	stream.indirect.scatter.add.f32 [tilespmem:s22], [sflag:$0x5], $0x80, s3, s26, $0xb8;
	[tilespmem:$0x1E400] =	vst v63  }
0xaf: {  	_ =	swait.ge [sflag:s21], $0x2800  }
0xb0: {  	[sflag:s21] =	ssyncset.done $0x0  }
0xb1: {  	[sflag:s21] =	ssyncadd.s32 $0xFFFFD800  }
0xb2: {  	[tilespmem:s23], [sflag:$0x5] =	stream.linear.gather [hbm4b:s19+s4], $0x100, $0x38;
	[tilespmem:$0x1E400] =	vst v63  }
.Ltmp15:
0xb3: {  	_ = 	snop;
	(pc) =	sbr.rel .LBB2_25-.Ltmp15, $4  }
0xb4: {  	_ =	swait.ge [sflag:s21], $0x100  }
0xb5: {  	[sflag:s21] =	ssyncset.done $0x0  }
0xb6: {  	[sflag:s21] =	ssyncadd.s32 $0xFFFFFF00  }
0xb7: {  	[tilespmem:s20], [sflag:$0x1] =	stream.indirect.gather [hbm4b:s1+s26], $0x80, s4, s26, $0xb8;
	[tilespmem:$0x1E400] =	vst v63  }
.LBB2_21:
0xb8: {  	_ =	swait.ge [sflag:s8], $0x2800  }
0xb9: {  	[sflag:s8] =	ssyncset.done $0x0  }
.Ltmp16:
0xba: {  	[sflag:s8] =	ssyncadd.s32 $0xFFFFD800;
	(pc) =	sbr.rel @p0 .LBB2_23-.Ltmp16, $4  }
0xbb: {  	[spmem:s2] =	stream.indirect.scatter.add.f32 [tilespmem:s31], [sflag:$0x5], $0x80, s10, s26, $0xb8;
	[tilespmem:$0x1E400] =	vst v63  }
0xbc: {  	_ =	swait.ge [sflag:s21], $0x2800  }
0xbd: {  	[sflag:s21] =	ssyncset.done $0x0  }
0xbe: {  	[sflag:s21] =	ssyncadd.s32 $0xFFFFD800  }
.Ltmp17:
0xbf: {  	(pc) =	sbr.rel .LBB2_24-.Ltmp17, $4  }
0xc0: {  	[tilespmem:s25], [sflag:$0x5] =	stream.linear.gather [hbm4b:s19+s4], $0x100, $0x38;
	[tilespmem:$0x1E400] =	vst v63  }
0xc1: {  	_ =	swait.ge [sflag:s21], $0x100  }
0xc2: {  	[sflag:s21] =	ssyncset.done $0x0  }
0xc3: {  	[sflag:s21] =	ssyncadd.s32 $0xFFFFFF00  }
.LBB2_18:
0xc4: {  	p0 =	sne.s32 s12, $0x7C  }
.Ltmp18:
0xc5: {  	_ = 	snop;
	(pc) =	sbr.rel @p0 .LBB2_25-.Ltmp18, $1  }
0xc6: {  	_ =	sdelay $0x3  }
.Ltmp19:
0xc7: {  	(pc) =	sbr.rel .LBB2_25-.Ltmp19, $2  }
0xc8: {  	_ =	sdelay $0x2  }
0xc9: {  	[tilespmem:s22], [sflag:$0x2] =	stream.indirect.gather [hbm4b:s1+s26], $0x80, s23, s26, $0xb8;
	[tilespmem:$0x1E400] =	vst v63  }
.LBB2_14:
0xca: {  	p0 =	sne.s32 s12, $0x7C  }
.Ltmp20:
0xcb: {  	_ = 	snop;
	(pc) =	sbr.rel @p0 .LBB2_25-.Ltmp20, $1  }
0xcc: {  	_ =	sdelay $0x3  }
.Ltmp21:
0xcd: {  	(pc) =	sbr.rel .LBB2_25-.Ltmp21, $2  }
0xce: {  	_ =	sdelay $0x2  }
0xcf: {  	[tilespmem:s20], [sflag:$0x1] =	stream.indirect.gather [hbm4b:s1+s26], $0x80, s4, s26, $0xb8;
	[tilespmem:$0x1E400] =	vst v63  }
.LBB2_23:
0xd0: {  	p0 =	sne.s32 s12, $0x7C  }
.Ltmp22:
0xd1: {  	_ = 	snop;
	(pc) =	sbr.rel @p0 .LBB2_25-.Ltmp22, $1  }
0xd2: {  	_ =	sdelay $0x3  }
.LBB2_24:
.Ltmp23:
0xd3: {  	(pc) =	sbr.rel .LBB2_25-.Ltmp23, $2  }
0xd4: {  	_ =	sdelay $0x2  }
0xd5: {  	[tilespmem:s28], [sflag:$0x3] =	stream.indirect.gather [hbm4b:s1+s26], $0x80, s24, s26, $0xb8;
	[tilespmem:$0x1E400] =	vst v63  }
.LBB2_27:
0xd6: {  	_ =	sfence.sel $0x180000  }
0xd7: {  	[bflag:$0x0] =	sbarrier.arrive $0xFFFF  }
0xd8: {  	_ =	strace $0x9000004D  }
0xd9: {  	s0 =	stileid.u32;
	[bflag:$0x2] =	sbarrier.arrive $0xFFFF  }
0xda: {  	p0 =	sne.s32 s0, $0x0;
	s0 =	rddreg [dreg:$0x3]  }
0xdb: {  	s0 =	sadd.s32 @!p0 $0x100000, s0  }
0xdc: {  	[sflag:s0] =	ssyncadd.tile.s32 @!p0 $0x1;
	_ =	shalt  }
.Lfunc_end2:
_tile_overlayer_lowered:
.L_overlay_start_2:
0xdd: {  	(tag) =	ssettag $0x2  }
0xde: {  	s0 =	rddreg [dreg:$0x0];
	s2 =	stileid.u32  }
0xdf: {  	s1 =	rddreg [dreg:$0x1];
	p0 =	sne.s32 s2, $0x0  }
0xe0: {  	s3 =	rddreg [dreg:$0x2];
	[bflag:$0x3] =	sbarrier.arrive $0xFFFF;
	s2 =	simm.s32 @!p0 $0x1C05  }
0xe1: {  	[timem:s3], [sflag:s2] =	dma.local @!p0 [hbm:s0], s1  }
0xe2: {  	s0 =	simm.s32 @!p0 $0x5  }
0xe3: {  	_ =	swait.ge @!p0 [sflag:s0], s1  }
0xe4: {  	s1 =	ssub.s32 @!p0 $0x0, s1;
	[sflag:s0] =	ssyncset.done @!p0 $0x0  }
0xe5: {  	[sflag:s0] =	ssyncadd.s32 @!p0 s1  }
0xe6: {  	[bflag:$0x3] =	sbarrier.arrive $0xFFFF  }
0xe7: {  	_ =	shalt  }

// kernel: kernel.8.cloned.1.call-start
scs
__scs_entry_jumppad:
0x0: {  	(pc) =	sbr.rel $0x88, $3  }
0x1: {  	(tag) =	ssettag $0x0;
	lr =	simm.s32 $0x1  }
0x2: {  	[smem:$0x3F8A] =	sst lr;
	_ =	strace $0xD0000000  }
0x3: {  	_ = 	snop  }
0x4: {  	_ = 	snop  }
0x5: {  	_ = 	snop  }
0x6: {  	_ = 	snop  }
0x7: {  	_ = 	snop  }
__scs_overlays_trampoline_lowered:
0x8: {  	[smem:$0x3F99] =	sst s0  }
0x9: {  	[smem:$0x3F9A] =	sst s1  }
0xa: {  	[smem:$0x3F9B] =	sst s2  }
0xb: {  	[smem:$0x3F9C] =	sst s3  }
0xc: {  	[smem:$0x3F9D] =	sst s4  }
0xd: {  	[smem:$0x3F9E] =	sst s5  }
0xe: {  	[smem:$0x3F9F] =	sst s6  }
0xf: {  	[smem:$0x3FA0] =	sst s7  }
0x10: {  	[smem:$0x3FA1] =	sst s8  }
0x11: {  	[smem:$0x3FA2] =	sst s9;
	s0 =	simm.s32 @!p0 $0x0  }
0x12: {  	s1 =	sld [smem:$0x3F88];
	s0 =	simm.s32 @p0 $0x1  }
0x13: {  	[smem:$0x3FA3] =	sst s0;
	s0 =	simm.s32 @!p1 $0x0  }
0x14: {  	s2 =	sld [smem:$0x3F87];
	s0 =	simm.s32 @p1 $0x1  }
0x15: {  	[smem:$0x3FA4] =	sst s0;
	s0 =	simm.s32 @!p2 $0x0  }
0x16: {  	s3 =	sld [smem:$0x3FDB];
	s0 =	simm.s32 @p2 $0x1  }
0x17: {  	s4 =	simm.s32 $0x1BF5;
	[smem:$0x3FA6] =	sst s0  }
0x18: {  	s0 =	sld [smem:$0x3F89];
	_ =	swait.ge [sflag:s4], $0x0  }
0x19: {  	s7 =	sld [smem:$0x3F8A]  }
0x1a: {  	s8 =	sadd.s32 $0xFFFFE003, lr  }
0x1b: {  	s9 =	sadd.s32 $0xFFFFFEF7, lr;
	s5 =	simm.s32 $0xFFFFFFFF;
	p2 =	slt.u32 s8, $0xFFFFF086  }
0x1c: {  	p1 =	slt.u32 s9, $0xF7A;
	s5 =	simm.s32 @!p2 $0x0  }
0x1d: {  	s5 =	simm.s32 @p1 $0x1;
	p0 =	seq.s32 s7, s2  }
0x1e: {  	s7 =	smul.u32 @!p0 $0xF7A, s2;
	p2 =	seq.s32 @!p0 s5, $0x0  }
0x1f: {  	s9 =	smul.u32 $0xF7A, s1;
	s8 =	simm.s32 @!p0 $0x1BF5;
	p2 =	por !p2, p0  }
0x20: {  	[sflag:s8] =	ssyncset.s32 @!p0 $0xFFFFF086;
	s6 =	sadd.s32 @!p0 s3, s7;
	s7 =	simm.s32 @!p0 $0x108  }
0x21: {  	s3 =	sadd.s32 s3, s9;
	s6 =	sadd.s32 @!p0 $0x88, s6;
	s7 =	simm.s32 @p2 $0x1082  }
0x22: {  	[simem:s7], [sflag:s8] =	dma.local @!p0 [hbm:s6], $0xF7A  }
0x23: {  	s9 =	sor.u32 $0xD0000000, s2;
	s6 =	simm.s32 $0x108;
	_ =	swait.ge @!p0 [sflag:s8], $0x0  }
0x24: {  	s3 =	sadd.s32 $0x88, s3;
	s6 =	simm.s32 @!p1 $0x1082;
	[sflag:s4] =	ssyncset.s32 $0xFFFFF086  }
0x25: {  	[simem:s6], [sflag:s4] =	dma.local [hbm:s3], $0xF7A  }
0x26: {  	[smem:$0x3F8A] =	sst s1;
	(tag) =	ssettag s2;
	_ =	strace s9  }
0x27: {  	s1 =	sld [smem:$0x3F9A]  }
0x28: {  	s2 =	sld [smem:$0x3F9B]  }
0x29: {  	s4 =	sld [smem:$0x3F9D]  }
0x2a: {  	p0 =	seq.s32 s5, $0x0;
	s5 =	sld [smem:$0x3F9E]  }
0x2b: {  	s6 =	sld [smem:$0x3F9F]  }
0x2c: {  	s7 =	sld [smem:$0x3FA0]  }
0x2d: {  	s3 =	simm.s32 $0x108;
	s8 =	sld [smem:$0x3FA1]  }
0x2e: {  	s3 =	simm.s32 @!p0 $0x1082;
	s9 =	sld [smem:$0x3FA2]  }
0x2f: {  	lr =	sadd.s32 s0, s3;
	s0 =	sld [smem:$0x3F99]  }
0x30: {  	s3 =	sld [smem:$0x3F9C]  }
0x31: {  	[smem:$0x3FA5] =	sst s10  }
0x32: {  	s10 =	sld [smem:$0x3FA3];
	_ =	sdelay $0x3  }
0x33: {  	p0 =	seq.s32 s10, $0x1;
	s10 =	sld [smem:$0x3FA5];
	_ =	sdelay $0x3  }
0x34: {  	[smem:$0x3FA5] =	sst s10  }
0x35: {  	s10 =	sld [smem:$0x3FA4];
	_ =	sdelay $0x3  }
0x36: {  	p1 =	seq.s32 s10, $0x1;
	s10 =	sld [smem:$0x3FA5];
	_ =	sdelay $0x3  }
0x37: {  	[smem:$0x3FA5] =	sst s10  }
0x38: {  	s10 =	sld [smem:$0x3FA6]  }
0x39: {  	_ = 	snop;
	(pc) =	sbr.ind lr, $3  }
0x3a: {  	_ = 	snop  }
0x3b: {  	_ = 	snop  }
0x3c: {  	p2 =	seq.s32 s10, $0x1;
	s10 =	sld [smem:$0x3FA5]  }
0x3d: {  	_ =	shalt  }
0x3e: {  	_ =	shalt  }
0x3f: {  	_ =	shalt  }
0x40: {  	_ =	shalt  }
0x41: {  	_ =	shalt  }
0x42: {  	_ =	shalt  }
0x43: {  	_ =	shalt  }
0x44: {  	_ =	shalt  }
0x45: {  	_ =	shalt  }
0x46: {  	_ =	shalt  }
0x47: {  	_ =	shalt  }
0x48: {  	_ =	shalt  }
0x49: {  	_ =	shalt  }
0x4a: {  	_ =	shalt  }
0x4b: {  	_ =	shalt  }
0x4c: {  	_ =	shalt  }
0x4d: {  	_ =	shalt  }
0x4e: {  	_ =	shalt  }
0x4f: {  	_ =	shalt  }
0x50: {  	_ =	shalt  }
0x51: {  	_ =	shalt  }
0x52: {  	_ =	shalt  }
0x53: {  	_ =	shalt  }
0x54: {  	_ =	shalt  }
0x55: {  	_ =	shalt  }
0x56: {  	_ =	shalt  }
0x57: {  	_ =	shalt  }
0x58: {  	_ =	shalt  }
0x59: {  	_ =	shalt  }
0x5a: {  	_ =	shalt  }
0x5b: {  	_ =	shalt  }
0x5c: {  	_ =	shalt  }
0x5d: {  	_ =	shalt  }
0x5e: {  	_ =	shalt  }
0x5f: {  	_ =	shalt  }
0x60: {  	_ =	shalt  }
0x61: {  	_ =	shalt  }
0x62: {  	_ =	shalt  }
0x63: {  	_ =	shalt  }
0x64: {  	_ =	shalt  }
0x65: {  	_ =	shalt  }
0x66: {  	_ =	shalt  }
0x67: {  	_ =	shalt  }
0x68: {  	_ =	shalt  }
0x69: {  	_ =	shalt  }
0x6a: {  	_ =	shalt  }
0x6b: {  	_ =	shalt  }
0x6c: {  	_ =	shalt  }
0x6d: {  	_ =	shalt  }
0x6e: {  	_ =	shalt  }
0x6f: {  	_ =	shalt  }
0x70: {  	_ =	shalt  }
0x71: {  	_ =	shalt  }
0x72: {  	_ =	shalt  }
0x73: {  	_ =	shalt  }
0x74: {  	_ =	shalt  }
0x75: {  	_ =	shalt  }
0x76: {  	_ =	shalt  }
0x77: {  	_ =	shalt  }
0x78: {  	_ =	shalt  }
0x79: {  	_ =	shalt  }
0x7a: {  	_ =	shalt  }
0x7b: {  	_ =	shalt  }
0x7c: {  	_ =	shalt  }
0x7d: {  	_ =	shalt  }
0x7e: {  	_ =	shalt  }
0x7f: {  	_ =	shalt  }
0x80: {  	_ =	shalt  }
0x81: {  	_ =	shalt  }
0x82: {  	_ =	shalt  }
0x83: {  	_ =	shalt  }
0x84: {  	_ =	shalt  }
0x85: {  	_ =	shalt  }
0x86: {  	_ =	shalt  }
0x87: {  	_ =	shalt  }
.Lfunc_end0:
.L_simem_size_0:
called_computation_lowered:
.L_overlay_start_0:
0x88: {  	s2 =	sld [smem:$0x3FD9]  }
0x89: {  	s3 =	sld [smem:$0x3FFE];
	_ =	sdelay $0x1  }
0x8a: {  	s1 =	srdreg.scid  }
0x8b: {  	s0 =	sand.u32 $0x1, s1  }
0x8c: {  	s17 =	sshll.u32 s0, $0xA;
	s2 =	sadd.s32 s3, s2  }
0x8d: {  	s2 =	sadd.s32 s2, s17  }
0x8e: {  	[smem:$0x3FB1] =	sst s2  }
0x8f: {  	_ = 	snop  }
0x90: {  	s2 =	sld [smem:$0x3FC9];
	(tm) =	ssettm $0x1  }
0x91: {  	s18 =	sld [smem:$0x3FFB];
	_ =	sdelay $0x3  }
0x92: {  	_ =	strace s18  }
0x93: {  	s3 =	sld [smem:$0x3FFC];
	_ =	sdelay $0x3  }
0x94: {  	_ =	strace s3  }
0x95: {  	s3 =	sld [smem:$0x3FFD];
	_ =	sdelay $0x3  }
0x96: {  	_ =	strace s3  }
0x97: {  	_ =	strace $0x8FFFFFFF  }
0x98: {  	s19 =	sld [smem:$0x3FDB];
	_ =	sdelay $0x1  }
0x99: {  	s4 =	simm.s32 $_scs_section_size  }
0x9a: {  	s5 =	simm.s32 $_size__tile_overlayer_lowered;
	s6 =	simm.s32 $_tile_overlayer_lowered  }
0x9b: {  	s22 =	simm.s32 $0x1BFF;
	s21 =	sshll.u32 s6, $0x1;
	s3 =	sadd.s32 s4, s19  }
0x9c: {  	s7 =	simm.s32 $0x0;
	s20 =	sshll.u32 s5, $0x1;
	s5 =	sadd.s32 s21, s3  }
0x9d: {  	[timem:s7], [sflag:s22] =	dma.local [hbm:s5], s20  }
0x9e: {  	_ =	swait.ge [sflag:s22], s20  }
0x9f: {  	s4 =	ssub.s32 $0x0, s20;
	[sflag:s22] =	ssyncset.done $0x0  }
0xa0: {  	[sflag:s22] =	ssyncadd.s32 s4;
	_ =	sdelay $0x1  }
0xa1: {  	s23 =	simm.s32 $0x1B8B  }
0xa2: {  	_ =	swait.ge [sflag:s23], $0x1  }
0xa3: {  	[sflag:s23] =	ssyncset.done $0x0  }
0xa4: {  	s25 =	simm.s32 $0x1B8E;
	s24 =	sld [smem:$0x3FFE];
	[sflag:s23] =	ssyncadd.s32 $0xFFFFFFFF  }
0xa5: {  	s26 =	simm.s32 $execute0_lowered;
	[smem:$0x3FD2] =	sst s25  }
0xa6: {  	s5 =	sshll.u32 s26, $0x1;
	_ =	strace $0x80000046;
	[dreg:$0x1] =	wrdreg $0xFFFFFFFF  }
0xa7: {  	s28 =	simm.s32 $_size_execute0_lowered;
	s3 =	sadd.s32 s3, s5;
	[dreg:$0x0] =	wrdreg $0x0  }
0xa8: {  	s5 =	sshll.u32 s28, $0x1;
	[dreg:$0x2] =	wrdreg s3  }
0xa9: {  	[dreg:$0x3] =	wrdreg s5  }
0xaa: {  	[dreg:$0x4] =	wrdreg $0xC0  }
0xab: {  	_ =	task [dreg:s7], $0x5FFFF  }
0xac: {  	[dreg:$0x1] =	wrdreg $0xFFFFFFFF  }
0xad: {  	[dreg:$0x0] =	wrdreg $0x60  }
0xae: {  	[dreg:$0x2] =	wrdreg s2  }
0xaf: {  	[dreg:$0x3] =	wrdreg s24  }
0xb0: {  	[dreg:$0x4] =	wrdreg $0xA4000  }
0xb1: {  	[dreg:$0x5] =	wrdreg $0x9  }
0xb2: {  	_ =	task.clear_ibuf [dreg:s7], $0x6FFFF;
	_ =	strace $0x90000046  }
0xb3: {  	s29 =	simm.s32 $0x9;
	_ =	strace $0x80000048  }
0xb4: {  	_ =	swait.ge [sflag:s29], $0x1  }
0xb5: {  	[sflag:s29] =	ssyncadd.s32 $0xFFFFFFFF  }
0xb6: {  	_ =	strace $0x90000048  }
0xb7: {  	_ =	sfence  }
0xb8: {  	s30 =	sld [smem:$0x0];
	_ =	sdelay $0x2  }
0xb9: {  	s31 =	sshll.u32 s1, $0xD;
	s1 =	sshrl.u32 s1, $0x2  }
0xba: {  	s3 =	sand.u32 $0x4000, s31;
	s1 =	sadd.s32 s1, s30  }
0xbb: {  	s0 =	sor.u32 s3, s0;
	s1 =	sshll.u32 s1, $0x11  }
0xbc: {  	s0 =	sor.u32 s1, s0  }
0xbd: {  	s0 =	sadd.s32 $0x8F2B, s0  }
0xbe: {  	[sflag:s0] =	ssyncadd.remote.s32 $0x1  }
0xbf: {  	_ =	sfence.sel $0xFFFF  }
0xc0: {  	[dreg:$0x0] =	wrdreg $0xFFFFFFFF;
	(pc) =	sbr.abs _section_cstart, $3  }
0xc1: {  	[dreg:$0x1] =	wrdreg $0xFFFFFFFF  }
0xc2: {  	_ =	task.clear_ibuf [dreg:s7], $0x2FFFF;
	_ =	strace $0x9FFFFFFF  }
0xc3: {  	(tm) =	ssettm $0x7FFFFFFF  }
tec
execute0_lowered:
.L_overlay_start_1:
0x0: {  	(tag) =	ssettag $0x1  }
0x1: {  	s1 =	rddreg [dreg:$0x0]  }
0x2: {  	s0 =	rddreg [dreg:$0x1]  }
0x3: {  	s2 =	rddreg [dreg:$0x2];
	s3 =	srdreg.scid;
	s4 =	simm.s32 $0x0  }
0x4: {  	s9 =	stileid.u32;
	s28 =	simm.s32 $0x5400;
	s29 =	simm.s32 $0x1  }
0x5: {  	s30 =	simm.s32 $0x80;
	s31 =	simm.s32 $0x7C00;
	s11 =	simm.s32 $0x0  }
0x6: {  	s3 =	sand.u32 $0x1, s3;
	[smem:$0x7FF] =	sst s4;
	s6 =	smul.u32 $0x14000, s9  }
0x7: {  	s7 =	sshll.u32 s9, $0xF;
	s8 =	sadd.s32 $0x4600, s0;
	s9 =	smul.u32 $0x50000, s9  }
0x8: {  	s5 =	smul.u32 $0x140000, s3;
	s18 =	sshll.u32 s3, $0x13;
	s3 =	ssub.s32 $0x2, s3  }
0x9: {  	_ =	strace $0x80000047;
	s10 =	sshrl.u32 s3, $0x1;
	s19 =	sshrl.u32 s9, $0x2  }
0xa: {  	s5 =	sadd.s32 s6, s5;
	s6 =	sor.u32 s7, s18;
	s3 =	ssub.s32 s3, s10  }
0xb: {  	s9 =	sadd.s32 s19, s2;
	s10 =	simm.s32 $0x380;
	s5 =	sshrl.u32 s5, $0x3  }
0xc: {  	s7 =	sshrl.u32 s6, $0x3;
	s22 =	smax.u32 s3, $0x1;
	s23 =	sadd.s32 $0x2800, s9  }
0xd: {  	s24 =	sadd.s32 $0x5000, s9;
	s25 =	sadd.s32 $0x7800, s9;
	s26 =	sor.u32 $0x400, s6  }
0xe: {  	s15 =	sadd.s32 $0xA000, s9;
	s16 =	sadd.s32 $0xC800, s9;
	[dreg:$0x8] =	wrdreg s22  }
0xf: {  	s17 =	sadd.s32 $0xF000, s9;
	s18 =	sadd.s32 $0x11800, s9;
	[dreg:$0x9] =	wrdreg s23  }
0x10: {  	s3 =	simm.s32 $0x180;
	s6 =	simm.s32 $0x3;
	[dreg:$0xa] =	wrdreg s24  }
0x11: {  	s0 =	sadd.s32 s5, s0;
	s5 =	sadd.s32 s8, s7;
	[dreg:$0xb] =	wrdreg s25  }
0x12: {  	s22 =	simm.s32 $0x2C00;
	s23 =	simm.s32 $0x100;
	s7 =	sadd.s32 $0x20, s5  }
0x13: {  	s24 =	simm.s32 $0x200;
	s20 =	sadd.s32 $0x40, s5;
	[dreg:$0x4] =	wrdreg s7  }
.Ltmp0:
0x14: {  	s21 =	sadd.s32 $0x60, s5;
	[dreg:$0x5] =	wrdreg s20;
	(pc) =	sbr.rel .LBB2_1-.Ltmp0, $4  }
0x15: {  	s25 =	simm.s32 $0x300;
	s0 =	sadd.s32 $0x24600, s0;
	[dreg:$0x6] =	wrdreg s21  }
0x16: {  	[dreg:$0x7] =	wrdreg s0;
	s0 =	sshrl.u32 s26, $0x3;
	s20 =	simm.s32 $0x400  }
0x17: {  	s21 =	simm.s32 $0x5;
	s26 =	simm.s32 $0x50;
	s7 =	simm.s32 $0x280  }
0x18: {  	v0 =	vimm.f32 $0.0e+00;
	s13 =	sadd.s32 s0, s8;
	s0 =	simm.s32 $0x2;
	s8 =	simm.s32 $0x4  }
.LBB2_26:
0x19: {  	s12 =	stileid.u32  }
0x1a: {  	[bflag:$0x0] =	sbarrier.arrive $0xFFFF;
	s12 =	sshll.u32 s12, $0x6  }
0x1b: {  	s14 =	sshrl.u32 s9, $0x3;
	s19 =	rddreg [dreg:$0x7];
	s12 =	sor.u32 $0x1C05, s12  }
0x1c: {  	[hbm:s19], [sflag:s12] =	dma.local [spmem:s14], $0x2800  }
0x1d: {  	_ =	swait.ge [sflag:s21], $0x2800  }
0x1e: {  	s11 =	sadd.s32 $0x1, s11;
	s19 =	rddreg [dreg:$0x8]  }
0x1f: {  	p0 =	sne.s32 s11, s19  }
.Ltmp1:
0x20: {  	_ = 	snop;
	(pc) =	sbr.rel @!p0 .LBB2_27-.Ltmp1, $3  }
0x21: {  	_ =	sdelay $0x1  }
0x22: {  	[sflag:s21] =	ssyncset.done $0x0  }
0x23: {  	[sflag:s21] =	ssyncadd.s32 $0xFFFFD800  }
.LBB2_1:
0x24: {  	s12 =	simm.s32 $0x0;
	s19 =	simm.s32 $0x200  }
.LBB2_2:
0x25: {  	p0 =	sne.s32 s19, $0x9E00;
	[tilespmem:s12+$0x470] =	vst v0  }
0x26: {  	[tilespmem:s12+$0x400] =	vst v0  }
0x27: {  	[tilespmem:s12+$0x410] =	vst v0  }
.Ltmp2:
0x28: {  	[tilespmem:s12+$0x420] =	vst v0;
	(pc) =	sbr.rel @p0 .LBB2_2-.Ltmp2, $4  }
0x29: {  	[tilespmem:s12+$0x430] =	vst v0  }
0x2a: {  	[tilespmem:s12+$0x440] =	vst v0  }
0x2b: {  	[tilespmem:s12+$0x450] =	vst v0  }
0x2c: {  	[tilespmem:s12+$0x460] =	vst v0;
	s12 =	sshra.s32 s19, $0x2;
	s19 =	sadd.s32 $0x200, s19  }
0x2d: {  	[tilespmem:s12+$0x470] =	vst v0  }
0x2e: {  	[tilespmem:s12+$0x400] =	vst v0  }
0x2f: {  	[tilespmem:s12+$0x410] =	vst v0  }
0x30: {  	[tilespmem:s12+$0x420] =	vst v0  }
0x31: {  	[tilespmem:s12+$0x430] =	vst v0  }
0x32: {  	[tilespmem:s12+$0x440] =	vst v0  }
0x33: {  	[tilespmem:s12+$0x450] =	vst v0  }
0x34: {  	[tilespmem:s12+$0x460] =	vst v0;
	s12 =	simm.s32 $0x0;
	s19 =	simm.s32 $0x200  }
.LBB2_4:
0x35: {  	p0 =	sne.s32 s19, $0x9E00;
	[tilespmem:s12+$0x2C70] =	vst v0  }
0x36: {  	[tilespmem:s12+$0x2C00] =	vst v0  }
0x37: {  	[tilespmem:s12+$0x2C10] =	vst v0  }
.Ltmp3:
0x38: {  	[tilespmem:s12+$0x2C20] =	vst v0;
	(pc) =	sbr.rel @p0 .LBB2_4-.Ltmp3, $4  }
0x39: {  	[tilespmem:s12+$0x2C30] =	vst v0  }
0x3a: {  	[tilespmem:s12+$0x2C40] =	vst v0  }
0x3b: {  	[tilespmem:s12+$0x2C50] =	vst v0  }
0x3c: {  	[tilespmem:s12+$0x2C60] =	vst v0;
	s12 =	sshra.s32 s19, $0x2;
	s19 =	sadd.s32 $0x200, s19  }
0x3d: {  	[tilespmem:s12+$0x2C70] =	vst v0  }
0x3e: {  	[tilespmem:s12+$0x2C00] =	vst v0  }
0x3f: {  	[tilespmem:s12+$0x2C10] =	vst v0  }
0x40: {  	[tilespmem:s12+$0x2C20] =	vst v0  }
0x41: {  	[tilespmem:s12+$0x2C30] =	vst v0  }
0x42: {  	[tilespmem:s12+$0x2C40] =	vst v0  }
0x43: {  	[tilespmem:s12+$0x2C50] =	vst v0  }
0x44: {  	[tilespmem:s12+$0x2C60] =	vst v0  }
0x45: {  	[spmem:s9] =	stream.linear.scatter [tilespmem:s20], [sflag:$0x5], $0x2800, $0x38;
	[tilespmem:$0x1E400] =	vst v63  }
0x46: {  	_ =	swait.ge [sflag:s21], $0x2800  }
0x47: {  	[sflag:s21] =	ssyncset.done $0x0  }
0x48: {  	s14 =	rddreg [dreg:$0x9];
	[sflag:s21] =	ssyncadd.s32 $0xFFFFD800  }
0x49: {  	[spmem:s14] =	stream.linear.scatter [tilespmem:s22], [sflag:$0x5], $0x2800, $0x38;
	[tilespmem:$0x1E400] =	vst v63  }
0x4a: {  	_ =	swait.ge [sflag:s21], $0x2800  }
0x4b: {  	[sflag:s21] =	ssyncset.done $0x0  }
0x4c: {  	s19 =	rddreg [dreg:$0xa];
	[sflag:s21] =	ssyncadd.s32 $0xFFFFD800  }
0x4d: {  	[spmem:s19] =	stream.linear.scatter [tilespmem:s20], [sflag:$0x5], $0x2800, $0x38;
	[tilespmem:$0x1E400] =	vst v63  }
0x4e: {  	_ =	swait.ge [sflag:s21], $0x2800  }
0x4f: {  	[sflag:s21] =	ssyncset.done $0x0  }
0x50: {  	s14 =	rddreg [dreg:$0xb];
	[sflag:s21] =	ssyncadd.s32 $0xFFFFD800  }
0x51: {  	[spmem:s14] =	stream.linear.scatter [tilespmem:s22], [sflag:$0x5], $0x2800, $0x38;
	[tilespmem:$0x1E400] =	vst v63  }
0x52: {  	_ =	swait.ge [sflag:s21], $0x2800  }
0x53: {  	[sflag:s21] =	ssyncset.done $0x0  }
0x54: {  	[sflag:s21] =	ssyncadd.s32 $0xFFFFD800  }
0x55: {  	[spmem:s15] =	stream.linear.scatter [tilespmem:s20], [sflag:$0x5], $0x2800, $0x38;
	[tilespmem:$0x1E400] =	vst v63  }
0x56: {  	_ =	swait.ge [sflag:s21], $0x2800  }
0x57: {  	[sflag:s21] =	ssyncset.done $0x0  }
0x58: {  	[sflag:s21] =	ssyncadd.s32 $0xFFFFD800  }
0x59: {  	[spmem:s16] =	stream.linear.scatter [tilespmem:s22], [sflag:$0x5], $0x2800, $0x38;
	[tilespmem:$0x1E400] =	vst v63  }
0x5a: {  	_ =	swait.ge [sflag:s21], $0x2800  }
0x5b: {  	[sflag:s21] =	ssyncset.done $0x0  }
0x5c: {  	[sflag:s21] =	ssyncadd.s32 $0xFFFFD800  }
0x5d: {  	[spmem:s17] =	stream.linear.scatter [tilespmem:s20], [sflag:$0x5], $0x2800, $0x38;
	[tilespmem:$0x1E400] =	vst v63  }
0x5e: {  	_ =	swait.ge [sflag:s21], $0x2800  }
0x5f: {  	[sflag:s21] =	ssyncset.done $0x0  }
0x60: {  	[sflag:s21] =	ssyncadd.s32 $0xFFFFD800  }
0x61: {  	[spmem:s18] =	stream.linear.scatter [tilespmem:s22], [sflag:$0x5], $0x2800, $0x38;
	[tilespmem:$0x1E400] =	vst v63  }
0x62: {  	_ =	swait.ge [sflag:s21], $0x2800  }
0x63: {  	[sflag:s21] =	ssyncset.done $0x0  }
0x64: {  	[sflag:s21] =	ssyncadd.s32 $0xFFFFD800  }
0x65: {  	s12 =	simm.s32 $0x0;
	[bflag:$0x0] =	sbarrier.arrive $0xFFFF  }
0x66: {  	[tilespmem:s12], [sflag:$0x5] =	stream.linear.gather [hbm4b:s5+s12], $0x100, $0x38;
	[tilespmem:$0x1E400] =	vst v63  }
0x67: {  	_ =	swait.ge [sflag:s21], $0x100  }
0x68: {  	[sflag:s21] =	ssyncset.done $0x0  }
0x69: {  	s14 =	rddreg [dreg:$0x4];
	[sflag:s21] =	ssyncadd.s32 $0xFFFFFF00  }
0x6a: {  	[tilespmem:s23], [sflag:$0x5] =	stream.linear.gather [hbm4b:s14+s12], $0x100, $0x38;
	[tilespmem:$0x1E400] =	vst v63  }
0x6b: {  	_ =	swait.ge [sflag:s21], $0x100  }
0x6c: {  	[sflag:s21] =	ssyncset.done $0x0  }
0x6d: {  	s19 =	rddreg [dreg:$0x5];
	[sflag:s21] =	ssyncadd.s32 $0xFFFFFF00  }
0x6e: {  	[tilespmem:s24], [sflag:$0x5] =	stream.linear.gather [hbm4b:s19+s12], $0x100, $0x38;
	[tilespmem:$0x1E400] =	vst v63  }
0x6f: {  	_ =	swait.ge [sflag:s21], $0x100  }
0x70: {  	[sflag:s21] =	ssyncset.done $0x0  }
0x71: {  	s19 =	rddreg [dreg:$0x6];
	[sflag:s21] =	ssyncadd.s32 $0xFFFFFF00  }
0x72: {  	[tilespmem:s25], [sflag:$0x5] =	stream.linear.gather [hbm4b:s19+s12], $0x100, $0x38;
	[tilespmem:$0x1E400] =	vst v63  }
0x73: {  	_ =	swait.ge [sflag:s21], $0x100  }
0x74: {  	[sflag:s21] =	ssyncset.done $0x0  }
0x75: {  	[sflag:s21] =	ssyncadd.s32 $0xFFFFFF00  }
0x76: {  	[tilespmem:s20], [sflag:$0x1] =	stream.indirect.gather [hbm4b:s1+s26], $0x80, s12, s26, $0xb8;
	[tilespmem:$0x1E400] =	vst v63  }
.Ltmp4:
0x77: {  	_ = 	snop;
	(pc) =	sbr.rel .LBB2_6-.Ltmp4, $4  }
0x78: {  	_ = 	snop  }
0x79: {  	[tilespmem:s22], [sflag:$0x2] =	stream.indirect.gather [hbm4b:s1+s26], $0x80, s23, s26, $0xb8;
	[tilespmem:$0x1E400] =	vst v63  }
0x7a: {  	s19 =	smov.u32 s13  }
0x7b: {  	[tilespmem:s28], [sflag:$0x3] =	stream.indirect.gather [hbm4b:s1+s26], $0x80, s24, s26, $0xb8;
	[tilespmem:$0x1E400] =	vst v63  }
.LBB2_9:
0x7c: {  	[tilespmem:s4], [sflag:$0x5] =	stream.linear.gather [hbm4b:s19+s4], $0x100, $0x38;
	[tilespmem:$0x1E400] =	vst v63  }
0x7d: {  	_ =	swait.ge [sflag:s21], $0x100  }
0x7e: {  	[sflag:s21] =	ssyncset.done $0x0  }
0x7f: {  	[sflag:s21] =	ssyncadd.s32 $0xFFFFFF00  }
0x80: {  	[tilespmem:s31], [sflag:$0x4] =	stream.indirect.gather [hbm4b:s1+s26], $0x80, s25, s26, $0xb8;
	[tilespmem:$0x1E400] =	vst v63  }
.LBB2_25:
0x81: {  	s12 =	sadd.s32 $0x1, s12  }
0x82: {  	p0 =	sne.s32 s12, $0x80  }
.Ltmp5:
0x83: {  	_ = 	snop;
	(pc) =	sbr.rel @!p0 .LBB2_26-.Ltmp5, $2  }
0x84: {  	_ =	sdelay $0x2  }
0x85: {  	s19 =	sadd.s32 $0x20, s19  }
.LBB2_6:
0x86: {  	s14 =	sand.u32 $0x3, s12  }
0x87: {  	p0 =	sgt.s32 s14, $0x1  }
.Ltmp6:
0x88: {  	_ = 	snop;
	(pc) =	sbr.rel @p0 .LBB2_20-.Ltmp6, $1  }
0x89: {  	_ =	sdelay $0x3  }
0x8a: {  	p0 =	seq.s32 s14, $0x0  }
.Ltmp7:
0x8b: {  	_ = 	snop;
	(pc) =	sbr.rel @!p0 .LBB2_12-.Ltmp7, $1  }
0x8c: {  	_ =	sdelay $0x3  }
0x8d: {  	_ =	swait.ge [sflag:s29], $0x2800  }
0x8e: {  	p0 =	sgt.u32 s12, $0x7B;
	[sflag:s29] =	ssyncset.done $0x0  }
.Ltmp8:
0x8f: {  	[sflag:s29] =	ssyncadd.s32 $0xFFFFD800;
	(pc) =	sbr.rel @!p0 .LBB2_9-.Ltmp8, $4  }
0x90: {  	[spmem:s2] =	stream.indirect.scatter.add.f32 [tilespmem:s20], [sflag:$0x5], $0x80, s30, s26, $0xb8;
	[tilespmem:$0x1E400] =	vst v63  }
0x91: {  	_ =	swait.ge [sflag:s21], $0x2800  }
0x92: {  	[sflag:s21] =	ssyncset.done $0x0  }
0x93: {  	[sflag:s21] =	ssyncadd.s32 $0xFFFFD800  }
0x94: {  	p0 =	sne.s32 s12, $0x7C  }
.Ltmp9:
0x95: {  	_ = 	snop;
	(pc) =	sbr.rel @p0 .LBB2_25-.Ltmp9, $1  }
0x96: {  	_ =	sdelay $0x3  }
.Ltmp10:
0x97: {  	(pc) =	sbr.rel .LBB2_25-.Ltmp10, $2  }
0x98: {  	_ =	sdelay $0x2  }
0x99: {  	[tilespmem:s31], [sflag:$0x4] =	stream.indirect.gather [hbm4b:s1+s26], $0x80, s25, s26, $0xb8;
	[tilespmem:$0x1E400] =	vst v63  }
.LBB2_20:
0x9a: {  	p1 =	seq.s32 s14, $0x2  }
.Ltmp11:
0x9b: {  	_ = 	snop;
	(pc) =	sbr.rel @!p1 .LBB2_21-.Ltmp11, $2  }
0x9c: {  	_ =	sdelay $0x2  }
0x9d: {  	p0 =	sgt.u32 s12, $0x7B  }
0x9e: {  	_ =	swait.ge [sflag:s6], $0x2800  }
0x9f: {  	[sflag:s6] =	ssyncset.done $0x0  }
.Ltmp12:
0xa0: {  	[sflag:s6] =	ssyncadd.s32 $0xFFFFD800;
	(pc) =	sbr.rel @p0 .LBB2_18-.Ltmp12, $4  }
0xa1: {  	[spmem:s2] =	stream.indirect.scatter.add.f32 [tilespmem:s28], [sflag:$0x5], $0x80, s7, s26, $0xb8;
	[tilespmem:$0x1E400] =	vst v63  }
0xa2: {  	_ =	swait.ge [sflag:s21], $0x2800  }
0xa3: {  	[sflag:s21] =	ssyncset.done $0x0  }
0xa4: {  	[sflag:s21] =	ssyncadd.s32 $0xFFFFD800  }
0xa5: {  	[tilespmem:s24], [sflag:$0x5] =	stream.linear.gather [hbm4b:s19+s4], $0x100, $0x38;
	[tilespmem:$0x1E400] =	vst v63  }
.Ltmp13:
0xa6: {  	_ = 	snop;
	(pc) =	sbr.rel .LBB2_25-.Ltmp13, $4  }
0xa7: {  	_ =	swait.ge [sflag:s21], $0x100  }
0xa8: {  	[sflag:s21] =	ssyncset.done $0x0  }
0xa9: {  	[sflag:s21] =	ssyncadd.s32 $0xFFFFFF00  }
0xaa: {  	[tilespmem:s22], [sflag:$0x2] =	stream.indirect.gather [hbm4b:s1+s26], $0x80, s23, s26, $0xb8;
	[tilespmem:$0x1E400] =	vst v63  }
.LBB2_12:
0xab: {  	_ =	swait.ge [sflag:s0], $0x2800  }
0xac: {  	p0 =	sgt.u32 s12, $0x7B;
	[sflag:s0] =	ssyncset.done $0x0  }
.Ltmp14:
0xad: {  	[sflag:s0] =	ssyncadd.s32 $0xFFFFD800;
	(pc) =	sbr.rel @p0 .LBB2_14-.Ltmp14, $4  }
0xae: {  	[spmem:s2] =	stream.indirect.scatter.add.f32 [tilespmem:s22], [sflag:$0x5], $0x80, s3, s26, $0xb8;
	[tilespmem:$0x1E400] =	vst v63  }
0xaf: {  	_ =	swait.ge [sflag:s21], $0x2800  }
0xb0: {  	[sflag:s21] =	ssyncset.done $0x0  }
0xb1: {  	[sflag:s21] =	ssyncadd.s32 $0xFFFFD800  }
0xb2: {  	[tilespmem:s23], [sflag:$0x5] =	stream.linear.gather [hbm4b:s19+s4], $0x100, $0x38;
	[tilespmem:$0x1E400] =	vst v63  }
.Ltmp15:
0xb3: {  	_ = 	snop;
	(pc) =	sbr.rel .LBB2_25-.Ltmp15, $4  }
0xb4: {  	_ =	swait.ge [sflag:s21], $0x100  }
0xb5: {  	[sflag:s21] =	ssyncset.done $0x0  }
0xb6: {  	[sflag:s21] =	ssyncadd.s32 $0xFFFFFF00  }
0xb7: {  	[tilespmem:s20], [sflag:$0x1] =	stream.indirect.gather [hbm4b:s1+s26], $0x80, s4, s26, $0xb8;
	[tilespmem:$0x1E400] =	vst v63  }
.LBB2_21:
0xb8: {  	_ =	swait.ge [sflag:s8], $0x2800  }
0xb9: {  	[sflag:s8] =	ssyncset.done $0x0  }
.Ltmp16:
0xba: {  	[sflag:s8] =	ssyncadd.s32 $0xFFFFD800;
	(pc) =	sbr.rel @p0 .LBB2_23-.Ltmp16, $4  }
0xbb: {  	[spmem:s2] =	stream.indirect.scatter.add.f32 [tilespmem:s31], [sflag:$0x5], $0x80, s10, s26, $0xb8;
	[tilespmem:$0x1E400] =	vst v63  }
0xbc: {  	_ =	swait.ge [sflag:s21], $0x2800  }
0xbd: {  	[sflag:s21] =	ssyncset.done $0x0  }
0xbe: {  	[sflag:s21] =	ssyncadd.s32 $0xFFFFD800  }
.Ltmp17:
0xbf: {  	(pc) =	sbr.rel .LBB2_24-.Ltmp17, $4  }
0xc0: {  	[tilespmem:s25], [sflag:$0x5] =	stream.linear.gather [hbm4b:s19+s4], $0x100, $0x38;
	[tilespmem:$0x1E400] =	vst v63  }
0xc1: {  	_ =	swait.ge [sflag:s21], $0x100  }
0xc2: {  	[sflag:s21] =	ssyncset.done $0x0  }
0xc3: {  	[sflag:s21] =	ssyncadd.s32 $0xFFFFFF00  }
.LBB2_18:
0xc4: {  	p0 =	sne.s32 s12, $0x7C  }
.Ltmp18:
0xc5: {  	_ = 	snop;
	(pc) =	sbr.rel @p0 .LBB2_25-.Ltmp18, $1  }
0xc6: {  	_ =	sdelay $0x3  }
.Ltmp19:
0xc7: {  	(pc) =	sbr.rel .LBB2_25-.Ltmp19, $2  }
0xc8: {  	_ =	sdelay $0x2  }
0xc9: {  	[tilespmem:s22], [sflag:$0x2] =	stream.indirect.gather [hbm4b:s1+s26], $0x80, s23, s26, $0xb8;
	[tilespmem:$0x1E400] =	vst v63  }
.LBB2_14:
0xca: {  	p0 =	sne.s32 s12, $0x7C  }
.Ltmp20:
0xcb: {  	_ = 	snop;
	(pc) =	sbr.rel @p0 .LBB2_25-.Ltmp20, $1  }
0xcc: {  	_ =	sdelay $0x3  }
.Ltmp21:
0xcd: {  	(pc) =	sbr.rel .LBB2_25-.Ltmp21, $2  }
0xce: {  	_ =	sdelay $0x2  }
0xcf: {  	[tilespmem:s20], [sflag:$0x1] =	stream.indirect.gather [hbm4b:s1+s26], $0x80, s4, s26, $0xb8;
	[tilespmem:$0x1E400] =	vst v63  }
.LBB2_23:
0xd0: {  	p0 =	sne.s32 s12, $0x7C  }
.Ltmp22:
0xd1: {  	_ = 	snop;
	(pc) =	sbr.rel @p0 .LBB2_25-.Ltmp22, $1  }
0xd2: {  	_ =	sdelay $0x3  }
.LBB2_24:
.Ltmp23:
0xd3: {  	(pc) =	sbr.rel .LBB2_25-.Ltmp23, $2  }
0xd4: {  	_ =	sdelay $0x2  }
0xd5: {  	[tilespmem:s28], [sflag:$0x3] =	stream.indirect.gather [hbm4b:s1+s26], $0x80, s24, s26, $0xb8;
	[tilespmem:$0x1E400] =	vst v63  }
.LBB2_27:
0xd6: {  	_ =	sfence.sel $0x180000  }
0xd7: {  	[bflag:$0x0] =	sbarrier.arrive $0xFFFF  }
0xd8: {  	_ =	strace $0x90000047  }
0xd9: {  	s0 =	stileid.u32;
	[bflag:$0x2] =	sbarrier.arrive $0xFFFF  }
0xda: {  	p0 =	sne.s32 s0, $0x0;
	s0 =	rddreg [dreg:$0x3]  }
0xdb: {  	s0 =	sadd.s32 @!p0 $0x100000, s0  }
0xdc: {  	[sflag:s0] =	ssyncadd.tile.s32 @!p0 $0x1;
	_ =	shalt  }
.Lfunc_end2:
_tile_overlayer_lowered:
.L_overlay_start_2:
0xdd: {  	(tag) =	ssettag $0x2  }
0xde: {  	s0 =	rddreg [dreg:$0x0];
	s2 =	stileid.u32  }
0xdf: {  	s1 =	rddreg [dreg:$0x1];
	p0 =	sne.s32 s2, $0x0  }
0xe0: {  	s3 =	rddreg [dreg:$0x2];
	[bflag:$0x3] =	sbarrier.arrive $0xFFFF;
	s2 =	simm.s32 @!p0 $0x1C05  }
0xe1: {  	[timem:s3], [sflag:s2] =	dma.local @!p0 [hbm:s0], s1  }
0xe2: {  	s0 =	simm.s32 @!p0 $0x5  }
0xe3: {  	_ =	swait.ge @!p0 [sflag:s0], s1  }
0xe4: {  	s1 =	ssub.s32 @!p0 $0x0, s1;
	[sflag:s0] =	ssyncset.done @!p0 $0x0  }
0xe5: {  	[sflag:s0] =	ssyncadd.s32 @!p0 s1  }
0xe6: {  	[bflag:$0x3] =	sbarrier.arrive $0xFFFF  }
0xe7: {  	_ =	shalt  }

</sc_bundles>
